<compile_context>
chip_gen: v7x
topology: tpu7x:2x2x1
jax: 0.10.2.dev20260603
libtpu: 0.0.44.dev20260713+nightly
codegen_flags: <defaults>
</compile_context>

<pallas_src>
import jax
import jax.numpy as jnp
from jax import lax
from jax.experimental import pallas as pl
from jax.experimental.pallas import tpu as pltpu
from jax.experimental.pallas import tpu_sc as plsc

N = 10000
D = 128
NPAD = 10240
ET = 330000
EP = 344064
E32 = EP // 32
KB = 128
SCH = 64
NBLK = E32 // KB
NCH = E32 // SCH
BLK = 512
ROWS_T = NPAD // 16



def _proj_common(h, avec_ref, h_ref, al_ref, m1_ref, m2_ref):
    i = pl.program_id(0)
    h_ref[...] = h
    a_s = jnp.sum(h * avec_ref[0, :][None, :], axis=-1, keepdims=True)
    a_d = jnp.sum(h * avec_ref[1, :][None, :], axis=-1, keepdims=True)
    al_ref[...] = jnp.concatenate([a_s, a_d], axis=1)

    @pl.when(i == 0)
    def _():
        m1_ref[...] = jnp.full((8, 128), -jnp.inf, jnp.float32)
        m2_ref[...] = jnp.full((8, 128), -jnp.inf, jnp.float32)

    m1_ref[...] = jnp.maximum(m1_ref[...], jnp.max(a_s))
    m2_ref[...] = jnp.maximum(m2_ref[...], jnp.max(a_d))


def _proj_body(x_ref, w_ref, avec_ref, h_ref, al_ref, m1_ref, m2_ref):
    h = jnp.dot(x_ref[...], w_ref[...], preferred_element_type=jnp.float32)
    _proj_common(h, avec_ref, h_ref, al_ref, m1_ref, m2_ref)


def _proj2_body(p_ref, den_ref, b_ref, w_ref, avec_ref,
                h_ref, al_ref, m1_ref, m2_ref):
    dsum = den_ref[0] + den_ref[1] + 1e-16
    z = (p_ref[0] + p_ref[1]) / dsum[:, None] + b_ref[...]
    h = jnp.dot(z, w_ref[...], preferred_element_type=jnp.float32)
    _proj_common(h, avec_ref, h_ref, al_ref, m1_ref, m2_ref)


_PROJ_OUTS = [
    jax.ShapeDtypeStruct((NPAD, D), jnp.float32),
    jax.ShapeDtypeStruct((NPAD, 2), jnp.float32),
    jax.ShapeDtypeStruct((8, 128), jnp.float32),
    jax.ShapeDtypeStruct((8, 128), jnp.float32),
]
_PROJ_OUT_SPECS = [
    pl.BlockSpec((BLK, D), lambda i: (i, 0)),
    pl.BlockSpec((BLK, 2), lambda i: (i, 0)),
    pl.BlockSpec((8, 128), lambda i: (0, 0)),
    pl.BlockSpec((8, 128), lambda i: (0, 0)),
]


def _proj(xp, W, a_s, a_d):
    avec = jnp.stack([a_s, a_d], axis=0)
    return pl.pallas_call(
        _proj_body,
        grid=(NPAD // BLK,),
        in_specs=[
            pl.BlockSpec((BLK, D), lambda i: (i, 0)),
            pl.BlockSpec((D, D), lambda i: (0, 0)),
            pl.BlockSpec((2, D), lambda i: (0, 0)),
        ],
        out_specs=_PROJ_OUT_SPECS,
        out_shape=_PROJ_OUTS,
    )(xp, W, avec)


def _proj2(partials, den, b, W, a_s, a_d):
    avec = jnp.stack([a_s, a_d], axis=0)
    return pl.pallas_call(
        _proj2_body,
        grid=(NPAD // BLK,),
        in_specs=[
            pl.BlockSpec((2, BLK, D), lambda i: (0, i, 0)),
            pl.BlockSpec((2, BLK), lambda i: (0, i)),
            pl.BlockSpec((1, D), lambda i: (0, 0)),
            pl.BlockSpec((D, D), lambda i: (0, 0)),
            pl.BlockSpec((2, D), lambda i: (0, 0)),
        ],
        out_specs=_PROJ_OUT_SPECS,
        out_shape=_PROJ_OUTS,
    )(partials, den, b.reshape(1, D), W, avec)


def _final_body(p_ref, den_ref, b_ref, o_ref):
    dsum = den_ref[0] + den_ref[1] + 1e-16
    o_ref[...] = (p_ref[0] + p_ref[1]) / dsum[:, None] + b_ref[...]


def _final(partials, den, b):
    return pl.pallas_call(
        _final_body,
        grid=(NPAD // BLK,),
        in_specs=[
            pl.BlockSpec((2, BLK, D), lambda i: (0, i, 0)),
            pl.BlockSpec((2, BLK), lambda i: (0, i)),
            pl.BlockSpec((1, D), lambda i: (0, 0)),
        ],
        out_specs=pl.BlockSpec((BLK, D), lambda i: (i, 0)),
        out_shape=jax.ShapeDtypeStruct((NPAD, D), jnp.float32),
    )(partials, den, b.reshape(1, D))



ESB = 3584
NSB = E32 // ESB
KBR = 64
NBR = ESB // KBR


def _sc_den_body(as_hbm, ad_hbm, src1_hbm, dst1_hbm, m1_hbm, m2_hbm,
                 den_hbm, ex_hbm,
                 as_v, ad_v, m1_v, m2_v, srcF, dstF, dstE, exE,
                 sh_den):
    c = lax.axis_index("c")
    s = lax.axis_index("s")
    wid = c * 16 + s
    zero16 = jnp.zeros((16,), jnp.float32)

    row0 = s * ROWS_T

    def _zden(i, _):
        exE[pl.ds(i * 16, 16)] = zero16
        return 0
    lax.fori_loop(0, 32, _zden, 0)

    def _zcp(j, _):
        pltpu.sync_copy(exE, sh_den.at[pl.ds(row0 + j * 512, 512)])
        return 0
    lax.fori_loop(0, ROWS_T // 512, _zcp, 0)
    pltpu.sync_copy(exE.at[pl.ds(0, ROWS_T % 512)],
                    sh_den.at[pl.ds(row0 + (ROWS_T // 512) * 512,
                                    ROWS_T % 512)])

    pltpu.sync_copy(as_hbm, as_v)
    pltpu.sync_copy(ad_hbm, ad_v)
    pltpu.sync_copy(m1_hbm, m1_v)
    pltpu.sync_copy(m2_hbm, m2_v)
    pltpu.sync_copy(src1_hbm.at[wid], srcF)
    pltpu.sync_copy(dst1_hbm.at[wid], dstF)
    m_vec = jnp.maximum(m1_v[...] + m2_v[...], 0.0)

    plsc.subcore_barrier()

    def _chunk(q, _):
        def _grp(g, _):
            sl = pl.ds(g * 16, 16)
            si = srcF[q, sl]
            di = dstF[q, sl]
            t = plsc.load_gather(as_v, [si]) + plsc.load_gather(ad_v, [di])
            e = jnp.where(t >= 0.0, t, 0.2 * t)
            exE[sl] = jnp.exp(e - m_vec)
            dstE[sl] = di
            return 0
        lax.fori_loop(0, 32, _grp, 0)
        pltpu.sync_copy(exE, sh_den.at[dstE], add=True)
        pltpu.sync_copy(exE, ex_hbm.at[wid].at[q])
        return 0
    lax.fori_loop(0, E32 // 512, _chunk, 0)

    plsc.subcore_barrier()
    pltpu.sync_copy(sh_den.at[pl.ds(row0, ROWS_T)],
                    den_hbm.at[c].at[pl.ds(row0, ROWS_T)])


_sc_den = pl.kernel(
    _sc_den_body,
    out_type=(
        jax.ShapeDtypeStruct((2, NPAD), jnp.float32),
        jax.ShapeDtypeStruct((32, E32 // 512, 512), jnp.float32),
    ),
    mesh=plsc.VectorSubcoreMesh(core_axis_name="c", subcore_axis_name="s"),
    compiler_params=pltpu.CompilerParams(needs_layout_passes=False),
    scratch_types=[
        pltpu.VMEM((NPAD,), jnp.float32),
        pltpu.VMEM((NPAD,), jnp.float32),
        pltpu.VMEM((16,), jnp.float32),
        pltpu.VMEM((16,), jnp.float32),
        pltpu.VMEM((E32 // 512, 512), jnp.int32),
        pltpu.VMEM((E32 // 512, 512), jnp.int32),
        pltpu.VMEM((512,), jnp.int32),
        pltpu.VMEM((512,), jnp.float32),
        pltpu.VMEM_SHARED((NPAD,), jnp.float32),
    ],
)


def _sc_rows_body(h_hbm, src6_hbm, dst6_hbm, ex6_hbm,
                  out_hbm,
                  srcB, dstB, exB, rows, rows_o,
                  sem_g0, sem_g1,
                  sh_out):
    c = lax.axis_index("c")
    s = lax.axis_index("s")
    wid = c * 16 + s
    zero16 = jnp.zeros((16,), jnp.float32)
    iota16 = lax.iota(jnp.int32, 16)

    def _zrow(i, _):
        r = i // 8
        cc = (i % 8) * 16
        rows[0, r, pl.ds(cc, 16)] = zero16
        return 0
    lax.fori_loop(0, KBR * 8, _zrow, 0)

    row0 = s * ROWS_T
    for j in range(ROWS_T // KBR):
        pltpu.sync_copy(rows.at[0], sh_out.at[pl.ds(row0 + j * KBR, KBR)])

    plsc.subcore_barrier()

    def _sb(sb, _):
        pltpu.sync_copy(src6_hbm.at[wid, sb], srcB)
        pltpu.sync_copy(dst6_hbm.at[wid, sb], dstB)
        pltpu.sync_copy(ex6_hbm.at[wid, sb], exB)

        pltpu.async_copy(h_hbm.at[srcB.at[0]], rows.at[0], sem_g0)
        pltpu.async_copy(h_hbm.at[srcB.at[1]], rows.at[1], sem_g1)

        def _body(jj, _):
            for b, sem in ((0, sem_g0), (1, sem_g1)):
                blk = jj * 2 + b
                pltpu.make_async_copy(h_hbm.at[srcB.at[blk]], rows.at[b],
                                      sem).wait()
                cfs = [exB[blk, pl.ds(g * 16, 16)] for g in range(KBR // 16)]
                r16s = [g * 16 + iota16 for g in range(KBR // 16)]

                def _col(f, _):
                    for fo in range(4):
                        c16 = jnp.bitwise_and(iota16 + (f * 4 + fo), D - 1)
                        for g in range(KBR // 16):
                            v = plsc.load_gather(rows.at[b], [r16s[g], c16])
                            plsc.store_scatter(rows_o, [r16s[g], c16],
                                               v * cfs[g])
                    return 0
                lax.fori_loop(0, D // 4, _col, 0)

                pltpu.sync_copy(rows_o, sh_out.at[dstB.at[blk]],
                                add=True)

                @pl.when(blk + 2 < NBR)
                def _():
                    pltpu.async_copy(h_hbm.at[srcB.at[blk + 2]], rows.at[b],
                                     sem)
            return 0
        lax.fori_loop(0, NBR // 2, _body, 0)
        return 0
    lax.fori_loop(0, NSB, _sb, 0)

    plsc.subcore_barrier()

    pltpu.sync_copy(sh_out.at[pl.ds(row0, ROWS_T)],
                    out_hbm.at[c].at[pl.ds(row0, ROWS_T)])


_sc_rows = pl.kernel(
    _sc_rows_body,
    out_type=jax.ShapeDtypeStruct((2, NPAD, D), jnp.float32),
    mesh=plsc.VectorSubcoreMesh(core_axis_name="c", subcore_axis_name="s"),
    compiler_params=pltpu.CompilerParams(needs_layout_passes=False),
    scratch_types=[
        pltpu.VMEM((NBR, KBR), jnp.int32),
        pltpu.VMEM((NBR, KBR), jnp.int32),
        pltpu.VMEM((NBR, KBR), jnp.float32),
        pltpu.VMEM((2, KBR, D), jnp.float32),
        pltpu.VMEM((KBR, D), jnp.float32),
        pltpu.SemaphoreType.DMA,
        pltpu.SemaphoreType.DMA,
        pltpu.VMEM_SHARED((NPAD, D), jnp.float32),
    ],
)



def kernel(x, pos_edge_index, neg_edge_index, W0, a_src0, a_dst0, b0,
           W1, a_src1, a_dst1, b1):
    loops = jnp.arange(N, dtype=jnp.int32)
    padi = jnp.arange(EP - ET, dtype=jnp.int32)
    pad_idx = N + (padi % (NPAD - N))
    src = jnp.concatenate([pos_edge_index[0], neg_edge_index[0], loops, pad_idx])
    dst = jnp.concatenate([pos_edge_index[1], neg_edge_index[1], loops, pad_idx])
    src5 = src.reshape(32, E32 // 512, 512)
    dst5 = dst.reshape(32, E32 // 512, 512)
    src6 = src.reshape(32, NSB, NBR, KBR)
    dst6 = dst.reshape(32, NSB, NBR, KBR)

    xp = jnp.pad(x, ((0, NPAD - N), (0, 0)))
    h0, al0, m1_0, m2_0 = _proj(xp, W0, a_src0, a_dst0)
    den0, ex0 = _sc_den(al0[:, 0], al0[:, 1], src5, dst5,
                        m1_0[0, :16], m2_0[0, :16])
    p0 = _sc_rows(h0, src6, dst6, ex0.reshape(32, NSB, NBR, KBR))

    h1, al1, m1_1, m2_1 = _proj2(p0, den0, b0, W1, a_src1, a_dst1)
    den1, ex1 = _sc_den(al1[:, 0], al1[:, 1], src5, dst5,
                        m1_1[0, :16], m2_1[0, :16])
    p1 = _sc_rows(h1, src6, dst6, ex1.reshape(32, NSB, NBR, KBR))

    return _final(p1, den1, b1)[:N]

# --- scband reference (transcript-rebuilt; emitter-appended) ---
"""Pipeline reference for scband-gatsign-70995809403007 (READ-ONLY COPY).

The authoritative reference and input builder live on the scoring server;
editing this copy changes nothing except your own understanding.
"""

import jax, jax.numpy as jnp
import numpy as np

N = 10000
D = 128
E = 160000


def setup_inputs(seed: int = 0) -> dict:
    key = jax.random.key(seed)
    ks = jax.random.split(key, 12)
    x = jax.random.normal(ks[0], (N, D), dtype=jnp.float32)
    pos_edge_index = jax.random.randint(ks[1], (2, E), 0, N, dtype=jnp.int32)
    neg_edge_index = jax.random.randint(ks[2], (2, E), 0, N, dtype=jnp.int32)
    # GATConv parameters for 2 layers (single head, in=out=128)
    s = 1.0 / np.sqrt(D)
    W0 = jax.random.uniform(ks[3], (D, D), dtype=jnp.float32, minval=-s, maxval=s)
    a_src0 = jax.random.uniform(ks[4], (D,), dtype=jnp.float32, minval=-s, maxval=s)
    a_dst0 = jax.random.uniform(ks[5], (D,), dtype=jnp.float32, minval=-s, maxval=s)
    b0 = jnp.zeros((D,), dtype=jnp.float32)
    W1 = jax.random.uniform(ks[6], (D, D), dtype=jnp.float32, minval=-s, maxval=s)
    a_src1 = jax.random.uniform(ks[7], (D,), dtype=jnp.float32, minval=-s, maxval=s)
    a_dst1 = jax.random.uniform(ks[8], (D,), dtype=jnp.float32, minval=-s, maxval=s)
    b1 = jnp.zeros((D,), dtype=jnp.float32)
    return {"x": x, "pos_edge_index": pos_edge_index, "neg_edge_index": neg_edge_index,
            "W0": W0, "a_src0": a_src0, "a_dst0": a_dst0, "b0": b0,
            "W1": W1, "a_src1": a_src1, "a_dst1": a_dst1, "b1": b1}


def _gat_layer(h_in, src, dst, W, a_s, a_d, b):
    n = h_in.shape[0]
    h = h_in @ W
    alpha_s = (h * a_s).sum(axis=-1)
    alpha_d = (h * a_d).sum(axis=-1)
    e = jax.nn.leaky_relu(alpha_s[src] + alpha_d[dst], negative_slope=0.2)
    m = jax.ops.segment_max(e, dst, num_segments=n)
    ex = jnp.exp(e - m[dst])
    den = jax.ops.segment_sum(ex, dst, num_segments=n)
    coef = ex / (den[dst] + 1e-16)
    msg = h[src] * coef[:, None]
    out = jax.ops.segment_sum(msg, dst, num_segments=n)
    return out + b


def reference(x, pos_edge_index, neg_edge_index, W0, a_src0, a_dst0, b0, W1, a_src1, a_dst1, b1):
    edge_index = jnp.concatenate([pos_edge_index, neg_edge_index], axis=1)
    loops = jnp.arange(N, dtype=edge_index.dtype)
    src = jnp.concatenate([edge_index[0], loops])
    dst = jnp.concatenate([edge_index[1], loops])
    z = _gat_layer(x, src, dst, W0, a_src0, a_dst0, b0)
    z = _gat_layer(z, src, dst, W1, a_src1, a_dst1, b1)
    return z

if __name__ == "__main__":
    import jax
    _d = setup_inputs()
    print(jax.jit(kernel)(*tuple(_d.values())))

</pallas_src>

<mosaic_0001>
#map = affine_map<(d0, d1) -> (0, 0)>
#map1 = affine_map<(d0, d1) -> (0, 0, 0, 0)>
#map2 = affine_map<(d0, d1) -> (0, 0, 0)>
module attributes {stable_mosaic.version = 14 : i64} {
  func.func @_sc_rows_body(%arg0: i32, %arg1: i32, %arg2: memref<10240x128xf32, #tpu.memory_space<hbm>>, %arg3: memref<32x3x56x64xi32, #tpu.memory_space<hbm>>, %arg4: memref<32x3x56x64xi32, #tpu.memory_space<hbm>>, %arg5: memref<32x3x56x64xf32, #tpu.memory_space<hbm>>, %arg6: memref<2x10240x128xf32, #tpu.memory_space<hbm>>, %arg7: memref<56x64xi32, #tpu.memory_space<vmem>>, %arg8: memref<56x64xi32, #tpu.memory_space<vmem>>, %arg9: memref<56x64xf32, #tpu.memory_space<vmem>>, %arg10: memref<2x64x128xf32, #tpu.memory_space<vmem>>, %arg11: memref<64x128xf32, #tpu.memory_space<vmem>>, %arg12: memref<!tpu.dma_semaphore, #tpu.memory_space<semaphore_mem>>, %arg13: memref<!tpu.dma_semaphore, #tpu.memory_space<semaphore_mem>>, %arg14: memref<10240x128xf32, #tpu.memory_space<vmem_shared>>) attributes {dimension_semantics = [#tpu.dimension_semantics<core_parallel>, #tpu.dimension_semantics<subcore_parallel>], iteration_bounds = array<i64: 2, 16>, scalar_prefetch = 0 : i64, scratch_operands = 8 : i64, tpu.core_type = #tpu.core_type<sc_vector_subcore>, window_params = [{transform_indices = #map}, {transform_indices = #map1}, {transform_indices = #map1}, {transform_indices = #map1}, {transform_indices = #map2}]} {
    %mul3A = arith.constant 16 : i32
    %mul3A_0 = arith.muli %arg0, %mul3A : i32
    %add3A = arith.addi %mul3A_0, %arg1 : i32
    %broadcast_in_dim3A = arith.constant 0.000000e+00 : f32
    %broadcast_in_dim3A_1 = vector.broadcast %broadcast_in_dim3A : f32 to vector<16xf32>
    %iota3A = tpu.iota {dimensions = array<i32: 0>} : vector<16xi32>
    %scan3A = arith.constant 0 : i32
    %scan3A_2 = arith.constant 0 : i32
    %scan3A_3 = arith.constant 512 : i32
    %scan3A_4 = arith.addi %scan3A_2, %scan3A_3 : i32
    %scan3A_5 = arith.constant 1 : i32
    %scan3A_6 = scf.for %scan3A_47 = %scan3A_2 to %scan3A_4 step %scan3A_5 iter_args(%scan3A_48 = %scan3A) -> (i32)  : i32 {
      %jit3A = arith.constant 8 : i32
      %div3A = arith.divsi %scan3A_47, %jit3A : i32
      %sign3A = arith.constant 0 : i32
      %sign3A_49 = arith.cmpi sgt, %scan3A_47, %sign3A : i32
      %sign3A_50 = arith.extui %sign3A_49 : i1 to i32
      %sign3A_51 = arith.constant 0 : i32
      %sign3A_52 = arith.cmpi slt, %scan3A_47, %sign3A_51 : i32
      %sign3A_53 = arith.extui %sign3A_52 : i1 to i32
      %sign3A_54 = arith.subi %sign3A_50, %sign3A_53 : i32
      %sign3A_55 = arith.constant 0 : i32
      %sign3A_56 = arith.cmpi sgt, %jit3A, %sign3A_55 : i32
      %sign3A_57 = arith.extui %sign3A_56 : i1 to i32
      %sign3A_58 = arith.constant 0 : i32
      %sign3A_59 = arith.cmpi slt, %jit3A, %sign3A_58 : i32
      %sign3A_60 = arith.extui %sign3A_59 : i1 to i32
      %sign3A_61 = arith.subi %sign3A_57, %sign3A_60 : i32
      %ne3A = arith.cmpi ne, %sign3A_54, %sign3A_61 : i32
      %rem3A = arith.remsi %scan3A_47, %jit3A : i32
      %ne3A_62 = arith.constant 0 : i32
      %ne3A_63 = arith.cmpi ne, %rem3A, %ne3A_62 : i32
      %and3A = arith.andi %ne3A, %ne3A_63 : i1
      %sub3A = arith.constant 1 : i32
      %sub3A_64 = arith.subi %div3A, %sub3A : i32
      %select_n3A = arith.select %and3A, %sub3A_64, %div3A : i32
      %jit3A_65 = arith.constant 8 : i32
      %eq3A = arith.constant 0 : i32
      %eq3A_66 = arith.cmpi eq, %jit3A_65, %eq3A : i32
      %jit3A_67 = arith.constant 1 : i32
      %select_n3A_68 = arith.select %eq3A_66, %jit3A_67, %jit3A_65 : i32
      %rem3A_69 = arith.remsi %scan3A_47, %select_n3A_68 : i32
      %ne3A_70 = arith.constant 0 : i32
      %ne3A_71 = arith.cmpi ne, %rem3A_69, %ne3A_70 : i32
      %lt3A = arith.constant 0 : i32
      %lt3A_72 = arith.cmpi slt, %rem3A_69, %lt3A : i32
      %lt3A_73 = arith.constant 0 : i32
      %lt3A_74 = arith.cmpi slt, %select_n3A_68, %lt3A_73 : i32
      %ne3A_75 = arith.xori %lt3A_72, %lt3A_74 : i1
      %and3A_76 = arith.andi %ne3A_75, %ne3A_71 : i1
      %add3A_77 = arith.addi %rem3A_69, %select_n3A_68 : i32
      %select_n3A_78 = arith.select %and3A_76, %add3A_77, %rem3A_69 : i32
      %mul3A_79 = arith.constant 16 : i32
      %mul3A_80 = arith.muli %select_n3A_78, %mul3A_79 : i32
      %swap3A = arith.constant 0 : i32
      %swap3A_81 = arith.index_cast %swap3A : i32 to index
      %swap3A_82 = arith.index_cast %select_n3A : i32 to index
      %swap3A_83 = arith.index_cast %mul3A_80 : i32 to index
      %swap3A_84 = tpu.vector_load %arg10[%swap3A_81, %swap3A_82, %swap3A_83] {strides = array<i32>} : memref<2x64x128xf32, #tpu.memory_space<vmem>>, vector<16xf32>,
      tpu.vector_store %arg10[%swap3A_81, %swap3A_82, %swap3A_83], %broadcast_in_dim3A_1 {strides = array<i32>} : memref<2x64x128xf32, #tpu.memory_space<vmem>>, vector<16xf32>,
      %scan3A_85 = arith.constant 0 : i32
      scf.yield %scan3A_85 : i32
    }
    %scan3A_7 = arith.constant 512 : i32
    %mul3A_8 = arith.constant 640 : i32
    %mul3A_9 = arith.muli %arg1, %mul3A_8 : i32
    %add3A_10 = arith.constant 0 : i32
    %add3A_11 = arith.addi %mul3A_9, %add3A_10 : i32
    %run_scoped3A = arith.constant 0 : i32
    "tpu.region"() ({
      %run_scoped3A_47 = tpu.sem_alloc : memref<!tpu.dma_semaphore, #tpu.memory_space<semaphore_mem>>
      %dma_start3A = arith.constant 0 : i32
      %dma_start3A_48 = arith.constant 0 : i32
      %dma_start3A_49 = tpu.memref_slice %arg10[%run_scoped3A, %dma_start3A, %dma_start3A_48] : memref<2x64x128xf32, #tpu.memory_space<vmem>> -> memref<1x64x128xf32, #tpu.memory_space<vmem>>
      %dma_start3A_50 = tpu.memref_squeeze %dma_start3A_49 : memref<1x64x128xf32, #tpu.memory_space<vmem>> -> memref<64x128xf32, #tpu.memory_space<vmem>>
      %dma_start3A_51 = arith.constant 0 : i32
      %dma_start3A_52 = tpu.memref_slice %arg14[%add3A_11, %dma_start3A_51] : memref<10240x128xf32, #tpu.memory_space<vmem_shared>> -> memref<64x128xf32, #tpu.memory_space<vmem_shared>>
      %dma_start3A_53 = arith.constant 0 : i32
      %dma_start3A_54 = tpu.memref_slice %arg14[%add3A_11, %dma_start3A_53] : memref<10240x128xf32, #tpu.memory_space<vmem_shared>> -> memref<64x128xf32, #tpu.memory_space<vmem_shared>>
      %dma_start3A_55 = arith.constant 0 : i32
      %dma_start3A_56 = arith.constant 0 : i32
      %dma_start3A_57 = tpu.memref_slice %arg10[%run_scoped3A, %dma_start3A_55, %dma_start3A_56] : memref<2x64x128xf32, #tpu.memory_space<vmem>> -> memref<1x64x128xf32, #tpu.memory_space<vmem>>
      %dma_start3A_58 = tpu.memref_squeeze %dma_start3A_57 : memref<1x64x128xf32, #tpu.memory_space<vmem>> -> memref<64x128xf32, #tpu.memory_space<vmem>>
      tpu.enqueue_dma source(%dma_start3A_58 : memref<64x128xf32, #tpu.memory_space<vmem>>) target(%dma_start3A_54 : memref<64x128xf32, #tpu.memory_space<vmem_shared>>) target_semaphore(%run_scoped3A_47 : memref<!tpu.dma_semaphore, #tpu.memory_space<semaphore_mem>>)
      %dma_wait3A = arith.constant 0 : i32
      %dma_wait3A_59 = arith.constant 0 : i32
      %dma_wait3A_60 = tpu.memref_slice %arg10[%run_scoped3A, %dma_wait3A, %dma_wait3A_59] : memref<2x64x128xf32, #tpu.memory_space<vmem>> -> memref<1x64x128xf32, #tpu.memory_space<vmem>>
      %dma_wait3A_61 = tpu.memref_squeeze %dma_wait3A_60 : memref<1x64x128xf32, #tpu.memory_space<vmem>> -> memref<64x128xf32, #tpu.memory_space<vmem>>
      %dma_wait3A_62 = arith.constant 0 : i32
      %dma_wait3A_63 = tpu.memref_slice %arg14[%add3A_11, %dma_wait3A_62] : memref<10240x128xf32, #tpu.memory_space<vmem_shared>> -> memref<64x128xf32, #tpu.memory_space<vmem_shared>>
      %dma_wait3A_64 = arith.constant 0 : i32
      %dma_wait3A_65 = tpu.memref_slice %arg14[%add3A_11, %dma_wait3A_64] : memref<10240x128xf32, #tpu.memory_space<vmem_shared>> -> memref<64x128xf32, #tpu.memory_space<vmem_shared>>
      %dma_wait3A_66 = arith.constant 0 : i32
      %dma_wait3A_67 = arith.constant 0 : i32
      %dma_wait3A_68 = tpu.memref_slice %arg10[%run_scoped3A, %dma_wait3A_66, %dma_wait3A_67] : memref<2x64x128xf32, #tpu.memory_space<vmem>> -> memref<1x64x128xf32, #tpu.memory_space<vmem>>
      %dma_wait3A_69 = tpu.memref_squeeze %dma_wait3A_68 : memref<1x64x128xf32, #tpu.memory_space<vmem>> -> memref<64x128xf32, #tpu.memory_space<vmem>>
      tpu.wait_dma2 semaphore(%run_scoped3A_47 : memref<!tpu.dma_semaphore, #tpu.memory_space<semaphore_mem>>) src(%dma_wait3A_69 : memref<64x128xf32, #tpu.memory_space<vmem>>) dst(%dma_wait3A_65 : memref<64x128xf32, #tpu.memory_space<vmem_shared>>)
      tpu.yield
    }) : () -> ()
    %add3A_12 = arith.constant 64 : i32
    %add3A_13 = arith.addi %mul3A_9, %add3A_12 : i32
    %run_scoped3A_14 = arith.constant 0 : i32
    "tpu.region"() ({
      %run_scoped3A_47 = tpu.sem_alloc : memref<!tpu.dma_semaphore, #tpu.memory_space<semaphore_mem>>
      %dma_start3A = arith.constant 0 : i32
      %dma_start3A_48 = arith.constant 0 : i32
      %dma_start3A_49 = tpu.memref_slice %arg10[%run_scoped3A_14, %dma_start3A, %dma_start3A_48] : memref<2x64x128xf32, #tpu.memory_space<vmem>> -> memref<1x64x128xf32, #tpu.memory_space<vmem>>
      %dma_start3A_50 = tpu.memref_squeeze %dma_start3A_49 : memref<1x64x128xf32, #tpu.memory_space<vmem>> -> memref<64x128xf32, #tpu.memory_space<vmem>>
      %dma_start3A_51 = arith.constant 0 : i32
      %dma_start3A_52 = tpu.memref_slice %arg14[%add3A_13, %dma_start3A_51] : memref<10240x128xf32, #tpu.memory_space<vmem_shared>> -> memref<64x128xf32, #tpu.memory_space<vmem_shared>>
      %dma_start3A_53 = arith.constant 0 : i32
      %dma_start3A_54 = tpu.memref_slice %arg14[%add3A_13, %dma_start3A_53] : memref<10240x128xf32, #tpu.memory_space<vmem_shared>> -> memref<64x128xf32, #tpu.memory_space<vmem_shared>>
      %dma_start3A_55 = arith.constant 0 : i32
      %dma_start3A_56 = arith.constant 0 : i32
      %dma_start3A_57 = tpu.memref_slice %arg10[%run_scoped3A_14, %dma_start3A_55, %dma_start3A_56] : memref<2x64x128xf32, #tpu.memory_space<vmem>> -> memref<1x64x128xf32, #tpu.memory_space<vmem>>
      %dma_start3A_58 = tpu.memref_squeeze %dma_start3A_57 : memref<1x64x128xf32, #tpu.memory_space<vmem>> -> memref<64x128xf32, #tpu.memory_space<vmem>>
      tpu.enqueue_dma source(%dma_start3A_58 : memref<64x128xf32, #tpu.memory_space<vmem>>) target(%dma_start3A_54 : memref<64x128xf32, #tpu.memory_space<vmem_shared>>) target_semaphore(%run_scoped3A_47 : memref<!tpu.dma_semaphore, #tpu.memory_space<semaphore_mem>>)
      %dma_wait3A = arith.constant 0 : i32
      %dma_wait3A_59 = arith.constant 0 : i32
      %dma_wait3A_60 = tpu.memref_slice %arg10[%run_scoped3A_14, %dma_wait3A, %dma_wait3A_59] : memref<2x64x128xf32, #tpu.memory_space<vmem>> -> memref<1x64x128xf32, #tpu.memory_space<vmem>>
      %dma_wait3A_61 = tpu.memref_squeeze %dma_wait3A_60 : memref<1x64x128xf32, #tpu.memory_space<vmem>> -> memref<64x128xf32, #tpu.memory_space<vmem>>
      %dma_wait3A_62 = arith.constant 0 : i32
      %dma_wait3A_63 = tpu.memref_slice %arg14[%add3A_13, %dma_wait3A_62] : memref<10240x128xf32, #tpu.memory_space<vmem_shared>> -> memref<64x128xf32, #tpu.memory_space<vmem_shared>>
      %dma_wait3A_64 = arith.constant 0 : i32
      %dma_wait3A_65 = tpu.memref_slice %arg14[%add3A_13, %dma_wait3A_64] : memref<10240x128xf32, #tpu.memory_space<vmem_shared>> -> memref<64x128xf32, #tpu.memory_space<vmem_shared>>
      %dma_wait3A_66 = arith.constant 0 : i32
      %dma_wait3A_67 = arith.constant 0 : i32
      %dma_wait3A_68 = tpu.memref_slice %arg10[%run_scoped3A_14, %dma_wait3A_66, %dma_wait3A_67] : memref<2x64x128xf32, #tpu.memory_space<vmem>> -> memref<1x64x128xf32, #tpu.memory_space<vmem>>
      %dma_wait3A_69 = tpu.memref_squeeze %dma_wait3A_68 : memref<1x64x128xf32, #tpu.memory_space<vmem>> -> memref<64x128xf32, #tpu.memory_space<vmem>>
      tpu.wait_dma2 semaphore(%run_scoped3A_47 : memref<!tpu.dma_semaphore, #tpu.memory_space<semaphore_mem>>) src(%dma_wait3A_69 : memref<64x128xf32, #tpu.memory_space<vmem>>) dst(%dma_wait3A_65 : memref<64x128xf32, #tpu.memory_space<vmem_shared>>)
      tpu.yield
    }) : () -> ()
    %add3A_15 = arith.constant 128 : i32
    %add3A_16 = arith.addi %mul3A_9, %add3A_15 : i32
    %run_scoped3A_17 = arith.constant 0 : i32
    "tpu.region"() ({
      %run_scoped3A_47 = tpu.sem_alloc : memref<!tpu.dma_semaphore, #tpu.memory_space<semaphore_mem>>
      %dma_start3A = arith.constant 0 : i32
      %dma_start3A_48 = arith.constant 0 : i32
      %dma_start3A_49 = tpu.memref_slice %arg10[%run_scoped3A_17, %dma_start3A, %dma_start3A_48] : memref<2x64x128xf32, #tpu.memory_space<vmem>> -> memref<1x64x128xf32, #tpu.memory_space<vmem>>
      %dma_start3A_50 = tpu.memref_squeeze %dma_start3A_49 : memref<1x64x128xf32, #tpu.memory_space<vmem>> -> memref<64x128xf32, #tpu.memory_space<vmem>>
      %dma_start3A_51 = arith.constant 0 : i32
      %dma_start3A_52 = tpu.memref_slice %arg14[%add3A_16, %dma_start3A_51] : memref<10240x128xf32, #tpu.memory_space<vmem_shared>> -> memref<64x128xf32, #tpu.memory_space<vmem_shared>>
      %dma_start3A_53 = arith.constant 0 : i32
      %dma_start3A_54 = tpu.memref_slice %arg14[%add3A_16, %dma_start3A_53] : memref<10240x128xf32, #tpu.memory_space<vmem_shared>> -> memref<64x128xf32, #tpu.memory_space<vmem_shared>>
      %dma_start3A_55 = arith.constant 0 : i32
      %dma_start3A_56 = arith.constant 0 : i32
      %dma_start3A_57 = tpu.memref_slice %arg10[%run_scoped3A_17, %dma_start3A_55, %dma_start3A_56] : memref<2x64x128xf32, #tpu.memory_space<vmem>> -> memref<1x64x128xf32, #tpu.memory_space<vmem>>
      %dma_start3A_58 = tpu.memref_squeeze %dma_start3A_57 : memref<1x64x128xf32, #tpu.memory_space<vmem>> -> memref<64x128xf32, #tpu.memory_space<vmem>>
      tpu.enqueue_dma source(%dma_start3A_58 : memref<64x128xf32, #tpu.memory_space<vmem>>) target(%dma_start3A_54 : memref<64x128xf32, #tpu.memory_space<vmem_shared>>) target_semaphore(%run_scoped3A_47 : memref<!tpu.dma_semaphore, #tpu.memory_space<semaphore_mem>>)
      %dma_wait3A = arith.constant 0 : i32
      %dma_wait3A_59 = arith.constant 0 : i32
      %dma_wait3A_60 = tpu.memref_slice %arg10[%run_scoped3A_17, %dma_wait3A, %dma_wait3A_59] : memref<2x64x128xf32, #tpu.memory_space<vmem>> -> memref<1x64x128xf32, #tpu.memory_space<vmem>>
      %dma_wait3A_61 = tpu.memref_squeeze %dma_wait3A_60 : memref<1x64x128xf32, #tpu.memory_space<vmem>> -> memref<64x128xf32, #tpu.memory_space<vmem>>
      %dma_wait3A_62 = arith.constant 0 : i32
      %dma_wait3A_63 = tpu.memref_slice %arg14[%add3A_16, %dma_wait3A_62] : memref<10240x128xf32, #tpu.memory_space<vmem_shared>> -> memref<64x128xf32, #tpu.memory_space<vmem_shared>>
      %dma_wait3A_64 = arith.constant 0 : i32
      %dma_wait3A_65 = tpu.memref_slice %arg14[%add3A_16, %dma_wait3A_64] : memref<10240x128xf32, #tpu.memory_space<vmem_shared>> -> memref<64x128xf32, #tpu.memory_space<vmem_shared>>
      %dma_wait3A_66 = arith.constant 0 : i32
      %dma_wait3A_67 = arith.constant 0 : i32
      %dma_wait3A_68 = tpu.memref_slice %arg10[%run_scoped3A_17, %dma_wait3A_66, %dma_wait3A_67] : memref<2x64x128xf32, #tpu.memory_space<vmem>> -> memref<1x64x128xf32, #tpu.memory_space<vmem>>
      %dma_wait3A_69 = tpu.memref_squeeze %dma_wait3A_68 : memref<1x64x128xf32, #tpu.memory_space<vmem>> -> memref<64x128xf32, #tpu.memory_space<vmem>>
      tpu.wait_dma2 semaphore(%run_scoped3A_47 : memref<!tpu.dma_semaphore, #tpu.memory_space<semaphore_mem>>) src(%dma_wait3A_69 : memref<64x128xf32, #tpu.memory_space<vmem>>) dst(%dma_wait3A_65 : memref<64x128xf32, #tpu.memory_space<vmem_shared>>)
      tpu.yield
    }) : () -> ()
    %add3A_18 = arith.constant 192 : i32
    %add3A_19 = arith.addi %mul3A_9, %add3A_18 : i32
    %run_scoped3A_20 = arith.constant 0 : i32
    "tpu.region"() ({
      %run_scoped3A_47 = tpu.sem_alloc : memref<!tpu.dma_semaphore, #tpu.memory_space<semaphore_mem>>
      %dma_start3A = arith.constant 0 : i32
      %dma_start3A_48 = arith.constant 0 : i32
      %dma_start3A_49 = tpu.memref_slice %arg10[%run_scoped3A_20, %dma_start3A, %dma_start3A_48] : memref<2x64x128xf32, #tpu.memory_space<vmem>> -> memref<1x64x128xf32, #tpu.memory_space<vmem>>
      %dma_start3A_50 = tpu.memref_squeeze %dma_start3A_49 : memref<1x64x128xf32, #tpu.memory_space<vmem>> -> memref<64x128xf32, #tpu.memory_space<vmem>>
      %dma_start3A_51 = arith.constant 0 : i32
      %dma_start3A_52 = tpu.memref_slice %arg14[%add3A_19, %dma_start3A_51] : memref<10240x128xf32, #tpu.memory_space<vmem_shared>> -> memref<64x128xf32, #tpu.memory_space<vmem_shared>>
      %dma_start3A_53 = arith.constant 0 : i32
      %dma_start3A_54 = tpu.memref_slice %arg14[%add3A_19, %dma_start3A_53] : memref<10240x128xf32, #tpu.memory_space<vmem_shared>> -> memref<64x128xf32, #tpu.memory_space<vmem_shared>>
      %dma_start3A_55 = arith.constant 0 : i32
      %dma_start3A_56 = arith.constant 0 : i32
      %dma_start3A_57 = tpu.memref_slice %arg10[%run_scoped3A_20, %dma_start3A_55, %dma_start3A_56] : memref<2x64x128xf32, #tpu.memory_space<vmem>> -> memref<1x64x128xf32, #tpu.memory_space<vmem>>
      %dma_start3A_58 = tpu.memref_squeeze %dma_start3A_57 : memref<1x64x128xf32, #tpu.memory_space<vmem>> -> memref<64x128xf32, #tpu.memory_space<vmem>>
      tpu.enqueue_dma source(%dma_start3A_58 : memref<64x128xf32, #tpu.memory_space<vmem>>) target(%dma_start3A_54 : memref<64x128xf32, #tpu.memory_space<vmem_shared>>) target_semaphore(%run_scoped3A_47 : memref<!tpu.dma_semaphore, #tpu.memory_space<semaphore_mem>>)
      %dma_wait3A = arith.constant 0 : i32
      %dma_wait3A_59 = arith.constant 0 : i32
      %dma_wait3A_60 = tpu.memref_slice %arg10[%run_scoped3A_20, %dma_wait3A, %dma_wait3A_59] : memref<2x64x128xf32, #tpu.memory_space<vmem>> -> memref<1x64x128xf32, #tpu.memory_space<vmem>>
      %dma_wait3A_61 = tpu.memref_squeeze %dma_wait3A_60 : memref<1x64x128xf32, #tpu.memory_space<vmem>> -> memref<64x128xf32, #tpu.memory_space<vmem>>
      %dma_wait3A_62 = arith.constant 0 : i32
      %dma_wait3A_63 = tpu.memref_slice %arg14[%add3A_19, %dma_wait3A_62] : memref<10240x128xf32, #tpu.memory_space<vmem_shared>> -> memref<64x128xf32, #tpu.memory_space<vmem_shared>>
      %dma_wait3A_64 = arith.constant 0 : i32
      %dma_wait3A_65 = tpu.memref_slice %arg14[%add3A_19, %dma_wait3A_64] : memref<10240x128xf32, #tpu.memory_space<vmem_shared>> -> memref<64x128xf32, #tpu.memory_space<vmem_shared>>
      %dma_wait3A_66 = arith.constant 0 : i32
      %dma_wait3A_67 = arith.constant 0 : i32
      %dma_wait3A_68 = tpu.memref_slice %arg10[%run_scoped3A_20, %dma_wait3A_66, %dma_wait3A_67] : memref<2x64x128xf32, #tpu.memory_space<vmem>> -> memref<1x64x128xf32, #tpu.memory_space<vmem>>
      %dma_wait3A_69 = tpu.memref_squeeze %dma_wait3A_68 : memref<1x64x128xf32, #tpu.memory_space<vmem>> -> memref<64x128xf32, #tpu.memory_space<vmem>>
      tpu.wait_dma2 semaphore(%run_scoped3A_47 : memref<!tpu.dma_semaphore, #tpu.memory_space<semaphore_mem>>) src(%dma_wait3A_69 : memref<64x128xf32, #tpu.memory_space<vmem>>) dst(%dma_wait3A_65 : memref<64x128xf32, #tpu.memory_space<vmem_shared>>)
      tpu.yield
    }) : () -> ()
    %add3A_21 = arith.constant 256 : i32
    %add3A_22 = arith.addi %mul3A_9, %add3A_21 : i32
    %run_scoped3A_23 = arith.constant 0 : i32
    "tpu.region"() ({
      %run_scoped3A_47 = tpu.sem_alloc : memref<!tpu.dma_semaphore, #tpu.memory_space<semaphore_mem>>
      %dma_start3A = arith.constant 0 : i32
      %dma_start3A_48 = arith.constant 0 : i32
      %dma_start3A_49 = tpu.memref_slice %arg10[%run_scoped3A_23, %dma_start3A, %dma_start3A_48] : memref<2x64x128xf32, #tpu.memory_space<vmem>> -> memref<1x64x128xf32, #tpu.memory_space<vmem>>
      %dma_start3A_50 = tpu.memref_squeeze %dma_start3A_49 : memref<1x64x128xf32, #tpu.memory_space<vmem>> -> memref<64x128xf32, #tpu.memory_space<vmem>>
      %dma_start3A_51 = arith.constant 0 : i32
      %dma_start3A_52 = tpu.memref_slice %arg14[%add3A_22, %dma_start3A_51] : memref<10240x128xf32, #tpu.memory_space<vmem_shared>> -> memref<64x128xf32, #tpu.memory_space<vmem_shared>>
      %dma_start3A_53 = arith.constant 0 : i32
      %dma_start3A_54 = tpu.memref_slice %arg14[%add3A_22, %dma_start3A_53] : memref<10240x128xf32, #tpu.memory_space<vmem_shared>> -> memref<64x128xf32, #tpu.memory_space<vmem_shared>>
      %dma_start3A_55 = arith.constant 0 : i32
      %dma_start3A_56 = arith.constant 0 : i32
      %dma_start3A_57 = tpu.memref_slice %arg10[%run_scoped3A_23, %dma_start3A_55, %dma_start3A_56] : memref<2x64x128xf32, #tpu.memory_space<vmem>> -> memref<1x64x128xf32, #tpu.memory_space<vmem>>
      %dma_start3A_58 = tpu.memref_squeeze %dma_start3A_57 : memref<1x64x128xf32, #tpu.memory_space<vmem>> -> memref<64x128xf32, #tpu.memory_space<vmem>>
      tpu.enqueue_dma source(%dma_start3A_58 : memref<64x128xf32, #tpu.memory_space<vmem>>) target(%dma_start3A_54 : memref<64x128xf32, #tpu.memory_space<vmem_shared>>) target_semaphore(%run_scoped3A_47 : memref<!tpu.dma_semaphore, #tpu.memory_space<semaphore_mem>>)
      %dma_wait3A = arith.constant 0 : i32
      %dma_wait3A_59 = arith.constant 0 : i32
      %dma_wait3A_60 = tpu.memref_slice %arg10[%run_scoped3A_23, %dma_wait3A, %dma_wait3A_59] : memref<2x64x128xf32, #tpu.memory_space<vmem>> -> memref<1x64x128xf32, #tpu.memory_space<vmem>>
      %dma_wait3A_61 = tpu.memref_squeeze %dma_wait3A_60 : memref<1x64x128xf32, #tpu.memory_space<vmem>> -> memref<64x128xf32, #tpu.memory_space<vmem>>
      %dma_wait3A_62 = arith.constant 0 : i32
      %dma_wait3A_63 = tpu.memref_slice %arg14[%add3A_22, %dma_wait3A_62] : memref<10240x128xf32, #tpu.memory_space<vmem_shared>> -> memref<64x128xf32, #tpu.memory_space<vmem_shared>>
      %dma_wait3A_64 = arith.constant 0 : i32
      %dma_wait3A_65 = tpu.memref_slice %arg14[%add3A_22, %dma_wait3A_64] : memref<10240x128xf32, #tpu.memory_space<vmem_shared>> -> memref<64x128xf32, #tpu.memory_space<vmem_shared>>
      %dma_wait3A_66 = arith.constant 0 : i32
      %dma_wait3A_67 = arith.constant 0 : i32
      %dma_wait3A_68 = tpu.memref_slice %arg10[%run_scoped3A_23, %dma_wait3A_66, %dma_wait3A_67] : memref<2x64x128xf32, #tpu.memory_space<vmem>> -> memref<1x64x128xf32, #tpu.memory_space<vmem>>
      %dma_wait3A_69 = tpu.memref_squeeze %dma_wait3A_68 : memref<1x64x128xf32, #tpu.memory_space<vmem>> -> memref<64x128xf32, #tpu.memory_space<vmem>>
      tpu.wait_dma2 semaphore(%run_scoped3A_47 : memref<!tpu.dma_semaphore, #tpu.memory_space<semaphore_mem>>) src(%dma_wait3A_69 : memref<64x128xf32, #tpu.memory_space<vmem>>) dst(%dma_wait3A_65 : memref<64x128xf32, #tpu.memory_space<vmem_shared>>)
      tpu.yield
    }) : () -> ()
    %add3A_24 = arith.constant 320 : i32
    %add3A_25 = arith.addi %mul3A_9, %add3A_24 : i32
    %run_scoped3A_26 = arith.constant 0 : i32
    "tpu.region"() ({
      %run_scoped3A_47 = tpu.sem_alloc : memref<!tpu.dma_semaphore, #tpu.memory_space<semaphore_mem>>
      %dma_start3A = arith.constant 0 : i32
      %dma_start3A_48 = arith.constant 0 : i32
      %dma_start3A_49 = tpu.memref_slice %arg10[%run_scoped3A_26, %dma_start3A, %dma_start3A_48] : memref<2x64x128xf32, #tpu.memory_space<vmem>> -> memref<1x64x128xf32, #tpu.memory_space<vmem>>
      %dma_start3A_50 = tpu.memref_squeeze %dma_start3A_49 : memref<1x64x128xf32, #tpu.memory_space<vmem>> -> memref<64x128xf32, #tpu.memory_space<vmem>>
      %dma_start3A_51 = arith.constant 0 : i32
      %dma_start3A_52 = tpu.memref_slice %arg14[%add3A_25, %dma_start3A_51] : memref<10240x128xf32, #tpu.memory_space<vmem_shared>> -> memref<64x128xf32, #tpu.memory_space<vmem_shared>>
      %dma_start3A_53 = arith.constant 0 : i32
      %dma_start3A_54 = tpu.memref_slice %arg14[%add3A_25, %dma_start3A_53] : memref<10240x128xf32, #tpu.memory_space<vmem_shared>> -> memref<64x128xf32, #tpu.memory_space<vmem_shared>>
      %dma_start3A_55 = arith.constant 0 : i32
      %dma_start3A_56 = arith.constant 0 : i32
      %dma_start3A_57 = tpu.memref_slice %arg10[%run_scoped3A_26, %dma_start3A_55, %dma_start3A_56] : memref<2x64x128xf32, #tpu.memory_space<vmem>> -> memref<1x64x128xf32, #tpu.memory_space<vmem>>
      %dma_start3A_58 = tpu.memref_squeeze %dma_start3A_57 : memref<1x64x128xf32, #tpu.memory_space<vmem>> -> memref<64x128xf32, #tpu.memory_space<vmem>>
      tpu.enqueue_dma source(%dma_start3A_58 : memref<64x128xf32, #tpu.memory_space<vmem>>) target(%dma_start3A_54 : memref<64x128xf32, #tpu.memory_space<vmem_shared>>) target_semaphore(%run_scoped3A_47 : memref<!tpu.dma_semaphore, #tpu.memory_space<semaphore_mem>>)
      %dma_wait3A = arith.constant 0 : i32
      %dma_wait3A_59 = arith.constant 0 : i32
      %dma_wait3A_60 = tpu.memref_slice %arg10[%run_scoped3A_26, %dma_wait3A, %dma_wait3A_59] : memref<2x64x128xf32, #tpu.memory_space<vmem>> -> memref<1x64x128xf32, #tpu.memory_space<vmem>>
      %dma_wait3A_61 = tpu.memref_squeeze %dma_wait3A_60 : memref<1x64x128xf32, #tpu.memory_space<vmem>> -> memref<64x128xf32, #tpu.memory_space<vmem>>
      %dma_wait3A_62 = arith.constant 0 : i32
      %dma_wait3A_63 = tpu.memref_slice %arg14[%add3A_25, %dma_wait3A_62] : memref<10240x128xf32, #tpu.memory_space<vmem_shared>> -> memref<64x128xf32, #tpu.memory_space<vmem_shared>>
      %dma_wait3A_64 = arith.constant 0 : i32
      %dma_wait3A_65 = tpu.memref_slice %arg14[%add3A_25, %dma_wait3A_64] : memref<10240x128xf32, #tpu.memory_space<vmem_shared>> -> memref<64x128xf32, #tpu.memory_space<vmem_shared>>
      %dma_wait3A_66 = arith.constant 0 : i32
      %dma_wait3A_67 = arith.constant 0 : i32
      %dma_wait3A_68 = tpu.memref_slice %arg10[%run_scoped3A_26, %dma_wait3A_66, %dma_wait3A_67] : memref<2x64x128xf32, #tpu.memory_space<vmem>> -> memref<1x64x128xf32, #tpu.memory_space<vmem>>
      %dma_wait3A_69 = tpu.memref_squeeze %dma_wait3A_68 : memref<1x64x128xf32, #tpu.memory_space<vmem>> -> memref<64x128xf32, #tpu.memory_space<vmem>>
      tpu.wait_dma2 semaphore(%run_scoped3A_47 : memref<!tpu.dma_semaphore, #tpu.memory_space<semaphore_mem>>) src(%dma_wait3A_69 : memref<64x128xf32, #tpu.memory_space<vmem>>) dst(%dma_wait3A_65 : memref<64x128xf32, #tpu.memory_space<vmem_shared>>)
      tpu.yield
    }) : () -> ()
    %add3A_27 = arith.constant 384 : i32
    %add3A_28 = arith.addi %mul3A_9, %add3A_27 : i32
    %run_scoped3A_29 = arith.constant 0 : i32
    "tpu.region"() ({
      %run_scoped3A_47 = tpu.sem_alloc : memref<!tpu.dma_semaphore, #tpu.memory_space<semaphore_mem>>
      %dma_start3A = arith.constant 0 : i32
      %dma_start3A_48 = arith.constant 0 : i32
      %dma_start3A_49 = tpu.memref_slice %arg10[%run_scoped3A_29, %dma_start3A, %dma_start3A_48] : memref<2x64x128xf32, #tpu.memory_space<vmem>> -> memref<1x64x128xf32, #tpu.memory_space<vmem>>
      %dma_start3A_50 = tpu.memref_squeeze %dma_start3A_49 : memref<1x64x128xf32, #tpu.memory_space<vmem>> -> memref<64x128xf32, #tpu.memory_space<vmem>>
      %dma_start3A_51 = arith.constant 0 : i32
      %dma_start3A_52 = tpu.memref_slice %arg14[%add3A_28, %dma_start3A_51] : memref<10240x128xf32, #tpu.memory_space<vmem_shared>> -> memref<64x128xf32, #tpu.memory_space<vmem_shared>>
      %dma_start3A_53 = arith.constant 0 : i32
      %dma_start3A_54 = tpu.memref_slice %arg14[%add3A_28, %dma_start3A_53] : memref<10240x128xf32, #tpu.memory_space<vmem_shared>> -> memref<64x128xf32, #tpu.memory_space<vmem_shared>>
      %dma_start3A_55 = arith.constant 0 : i32
      %dma_start3A_56 = arith.constant 0 : i32
      %dma_start3A_57 = tpu.memref_slice %arg10[%run_scoped3A_29, %dma_start3A_55, %dma_start3A_56] : memref<2x64x128xf32, #tpu.memory_space<vmem>> -> memref<1x64x128xf32, #tpu.memory_space<vmem>>
      %dma_start3A_58 = tpu.memref_squeeze %dma_start3A_57 : memref<1x64x128xf32, #tpu.memory_space<vmem>> -> memref<64x128xf32, #tpu.memory_space<vmem>>
      tpu.enqueue_dma source(%dma_start3A_58 : memref<64x128xf32, #tpu.memory_space<vmem>>) target(%dma_start3A_54 : memref<64x128xf32, #tpu.memory_space<vmem_shared>>) target_semaphore(%run_scoped3A_47 : memref<!tpu.dma_semaphore, #tpu.memory_space<semaphore_mem>>)
      %dma_wait3A = arith.constant 0 : i32
      %dma_wait3A_59 = arith.constant 0 : i32
      %dma_wait3A_60 = tpu.memref_slice %arg10[%run_scoped3A_29, %dma_wait3A, %dma_wait3A_59] : memref<2x64x128xf32, #tpu.memory_space<vmem>> -> memref<1x64x128xf32, #tpu.memory_space<vmem>>
      %dma_wait3A_61 = tpu.memref_squeeze %dma_wait3A_60 : memref<1x64x128xf32, #tpu.memory_space<vmem>> -> memref<64x128xf32, #tpu.memory_space<vmem>>
      %dma_wait3A_62 = arith.constant 0 : i32
      %dma_wait3A_63 = tpu.memref_slice %arg14[%add3A_28, %dma_wait3A_62] : memref<10240x128xf32, #tpu.memory_space<vmem_shared>> -> memref<64x128xf32, #tpu.memory_space<vmem_shared>>
      %dma_wait3A_64 = arith.constant 0 : i32
      %dma_wait3A_65 = tpu.memref_slice %arg14[%add3A_28, %dma_wait3A_64] : memref<10240x128xf32, #tpu.memory_space<vmem_shared>> -> memref<64x128xf32, #tpu.memory_space<vmem_shared>>
      %dma_wait3A_66 = arith.constant 0 : i32
      %dma_wait3A_67 = arith.constant 0 : i32
      %dma_wait3A_68 = tpu.memref_slice %arg10[%run_scoped3A_29, %dma_wait3A_66, %dma_wait3A_67] : memref<2x64x128xf32, #tpu.memory_space<vmem>> -> memref<1x64x128xf32, #tpu.memory_space<vmem>>
      %dma_wait3A_69 = tpu.memref_squeeze %dma_wait3A_68 : memref<1x64x128xf32, #tpu.memory_space<vmem>> -> memref<64x128xf32, #tpu.memory_space<vmem>>
      tpu.wait_dma2 semaphore(%run_scoped3A_47 : memref<!tpu.dma_semaphore, #tpu.memory_space<semaphore_mem>>) src(%dma_wait3A_69 : memref<64x128xf32, #tpu.memory_space<vmem>>) dst(%dma_wait3A_65 : memref<64x128xf32, #tpu.memory_space<vmem_shared>>)
      tpu.yield
    }) : () -> ()
    %add3A_30 = arith.constant 448 : i32
    %add3A_31 = arith.addi %mul3A_9, %add3A_30 : i32
    %run_scoped3A_32 = arith.constant 0 : i32
    "tpu.region"() ({
      %run_scoped3A_47 = tpu.sem_alloc : memref<!tpu.dma_semaphore, #tpu.memory_space<semaphore_mem>>
      %dma_start3A = arith.constant 0 : i32
      %dma_start3A_48 = arith.constant 0 : i32
      %dma_start3A_49 = tpu.memref_slice %arg10[%run_scoped3A_32, %dma_start3A, %dma_start3A_48] : memref<2x64x128xf32, #tpu.memory_space<vmem>> -> memref<1x64x128xf32, #tpu.memory_space<vmem>>
      %dma_start3A_50 = tpu.memref_squeeze %dma_start3A_49 : memref<1x64x128xf32, #tpu.memory_space<vmem>> -> memref<64x128xf32, #tpu.memory_space<vmem>>
      %dma_start3A_51 = arith.constant 0 : i32
      %dma_start3A_52 = tpu.memref_slice %arg14[%add3A_31, %dma_start3A_51] : memref<10240x128xf32, #tpu.memory_space<vmem_shared>> -> memref<64x128xf32, #tpu.memory_space<vmem_shared>>
      %dma_start3A_53 = arith.constant 0 : i32
      %dma_start3A_54 = tpu.memref_slice %arg14[%add3A_31, %dma_start3A_53] : memref<10240x128xf32, #tpu.memory_space<vmem_shared>> -> memref<64x128xf32, #tpu.memory_space<vmem_shared>>
      %dma_start3A_55 = arith.constant 0 : i32
      %dma_start3A_56 = arith.constant 0 : i32
      %dma_start3A_57 = tpu.memref_slice %arg10[%run_scoped3A_32, %dma_start3A_55, %dma_start3A_56] : memref<2x64x128xf32, #tpu.memory_space<vmem>> -> memref<1x64x128xf32, #tpu.memory_space<vmem>>
      %dma_start3A_58 = tpu.memref_squeeze %dma_start3A_57 : memref<1x64x128xf32, #tpu.memory_space<vmem>> -> memref<64x128xf32, #tpu.memory_space<vmem>>
      tpu.enqueue_dma source(%dma_start3A_58 : memref<64x128xf32, #tpu.memory_space<vmem>>) target(%dma_start3A_54 : memref<64x128xf32, #tpu.memory_space<vmem_shared>>) target_semaphore(%run_scoped3A_47 : memref<!tpu.dma_semaphore, #tpu.memory_space<semaphore_mem>>)
      %dma_wait3A = arith.constant 0 : i32
      %dma_wait3A_59 = arith.constant 0 : i32
      %dma_wait3A_60 = tpu.memref_slice %arg10[%run_scoped3A_32, %dma_wait3A, %dma_wait3A_59] : memref<2x64x128xf32, #tpu.memory_space<vmem>> -> memref<1x64x128xf32, #tpu.memory_space<vmem>>
      %dma_wait3A_61 = tpu.memref_squeeze %dma_wait3A_60 : memref<1x64x128xf32, #tpu.memory_space<vmem>> -> memref<64x128xf32, #tpu.memory_space<vmem>>
      %dma_wait3A_62 = arith.constant 0 : i32
      %dma_wait3A_63 = tpu.memref_slice %arg14[%add3A_31, %dma_wait3A_62] : memref<10240x128xf32, #tpu.memory_space<vmem_shared>> -> memref<64x128xf32, #tpu.memory_space<vmem_shared>>
      %dma_wait3A_64 = arith.constant 0 : i32
      %dma_wait3A_65 = tpu.memref_slice %arg14[%add3A_31, %dma_wait3A_64] : memref<10240x128xf32, #tpu.memory_space<vmem_shared>> -> memref<64x128xf32, #tpu.memory_space<vmem_shared>>
      %dma_wait3A_66 = arith.constant 0 : i32
      %dma_wait3A_67 = arith.constant 0 : i32
      %dma_wait3A_68 = tpu.memref_slice %arg10[%run_scoped3A_32, %dma_wait3A_66, %dma_wait3A_67] : memref<2x64x128xf32, #tpu.memory_space<vmem>> -> memref<1x64x128xf32, #tpu.memory_space<vmem>>
      %dma_wait3A_69 = tpu.memref_squeeze %dma_wait3A_68 : memref<1x64x128xf32, #tpu.memory_space<vmem>> -> memref<64x128xf32, #tpu.memory_space<vmem>>
      tpu.wait_dma2 semaphore(%run_scoped3A_47 : memref<!tpu.dma_semaphore, #tpu.memory_space<semaphore_mem>>) src(%dma_wait3A_69 : memref<64x128xf32, #tpu.memory_space<vmem>>) dst(%dma_wait3A_65 : memref<64x128xf32, #tpu.memory_space<vmem_shared>>)
      tpu.yield
    }) : () -> ()
    %add3A_33 = arith.constant 512 : i32
    %add3A_34 = arith.addi %mul3A_9, %add3A_33 : i32
    %run_scoped3A_35 = arith.constant 0 : i32
    "tpu.region"() ({
      %run_scoped3A_47 = tpu.sem_alloc : memref<!tpu.dma_semaphore, #tpu.memory_space<semaphore_mem>>
      %dma_start3A = arith.constant 0 : i32
      %dma_start3A_48 = arith.constant 0 : i32
      %dma_start3A_49 = tpu.memref_slice %arg10[%run_scoped3A_35, %dma_start3A, %dma_start3A_48] : memref<2x64x128xf32, #tpu.memory_space<vmem>> -> memref<1x64x128xf32, #tpu.memory_space<vmem>>
      %dma_start3A_50 = tpu.memref_squeeze %dma_start3A_49 : memref<1x64x128xf32, #tpu.memory_space<vmem>> -> memref<64x128xf32, #tpu.memory_space<vmem>>
      %dma_start3A_51 = arith.constant 0 : i32
      %dma_start3A_52 = tpu.memref_slice %arg14[%add3A_34, %dma_start3A_51] : memref<10240x128xf32, #tpu.memory_space<vmem_shared>> -> memref<64x128xf32, #tpu.memory_space<vmem_shared>>
      %dma_start3A_53 = arith.constant 0 : i32
      %dma_start3A_54 = tpu.memref_slice %arg14[%add3A_34, %dma_start3A_53] : memref<10240x128xf32, #tpu.memory_space<vmem_shared>> -> memref<64x128xf32, #tpu.memory_space<vmem_shared>>
      %dma_start3A_55 = arith.constant 0 : i32
      %dma_start3A_56 = arith.constant 0 : i32
      %dma_start3A_57 = tpu.memref_slice %arg10[%run_scoped3A_35, %dma_start3A_55, %dma_start3A_56] : memref<2x64x128xf32, #tpu.memory_space<vmem>> -> memref<1x64x128xf32, #tpu.memory_space<vmem>>
      %dma_start3A_58 = tpu.memref_squeeze %dma_start3A_57 : memref<1x64x128xf32, #tpu.memory_space<vmem>> -> memref<64x128xf32, #tpu.memory_space<vmem>>
      tpu.enqueue_dma source(%dma_start3A_58 : memref<64x128xf32, #tpu.memory_space<vmem>>) target(%dma_start3A_54 : memref<64x128xf32, #tpu.memory_space<vmem_shared>>) target_semaphore(%run_scoped3A_47 : memref<!tpu.dma_semaphore, #tpu.memory_space<semaphore_mem>>)
      %dma_wait3A = arith.constant 0 : i32
      %dma_wait3A_59 = arith.constant 0 : i32
      %dma_wait3A_60 = tpu.memref_slice %arg10[%run_scoped3A_35, %dma_wait3A, %dma_wait3A_59] : memref<2x64x128xf32, #tpu.memory_space<vmem>> -> memref<1x64x128xf32, #tpu.memory_space<vmem>>
      %dma_wait3A_61 = tpu.memref_squeeze %dma_wait3A_60 : memref<1x64x128xf32, #tpu.memory_space<vmem>> -> memref<64x128xf32, #tpu.memory_space<vmem>>
      %dma_wait3A_62 = arith.constant 0 : i32
      %dma_wait3A_63 = tpu.memref_slice %arg14[%add3A_34, %dma_wait3A_62] : memref<10240x128xf32, #tpu.memory_space<vmem_shared>> -> memref<64x128xf32, #tpu.memory_space<vmem_shared>>
      %dma_wait3A_64 = arith.constant 0 : i32
      %dma_wait3A_65 = tpu.memref_slice %arg14[%add3A_34, %dma_wait3A_64] : memref<10240x128xf32, #tpu.memory_space<vmem_shared>> -> memref<64x128xf32, #tpu.memory_space<vmem_shared>>
      %dma_wait3A_66 = arith.constant 0 : i32
      %dma_wait3A_67 = arith.constant 0 : i32
      %dma_wait3A_68 = tpu.memref_slice %arg10[%run_scoped3A_35, %dma_wait3A_66, %dma_wait3A_67] : memref<2x64x128xf32, #tpu.memory_space<vmem>> -> memref<1x64x128xf32, #tpu.memory_space<vmem>>
      %dma_wait3A_69 = tpu.memref_squeeze %dma_wait3A_68 : memref<1x64x128xf32, #tpu.memory_space<vmem>> -> memref<64x128xf32, #tpu.memory_space<vmem>>
      tpu.wait_dma2 semaphore(%run_scoped3A_47 : memref<!tpu.dma_semaphore, #tpu.memory_space<semaphore_mem>>) src(%dma_wait3A_69 : memref<64x128xf32, #tpu.memory_space<vmem>>) dst(%dma_wait3A_65 : memref<64x128xf32, #tpu.memory_space<vmem_shared>>)
      tpu.yield
    }) : () -> ()
    %add3A_36 = arith.constant 576 : i32
    %add3A_37 = arith.addi %mul3A_9, %add3A_36 : i32
    %run_scoped3A_38 = arith.constant 0 : i32
    "tpu.region"() ({
      %run_scoped3A_47 = tpu.sem_alloc : memref<!tpu.dma_semaphore, #tpu.memory_space<semaphore_mem>>
      %dma_start3A = arith.constant 0 : i32
      %dma_start3A_48 = arith.constant 0 : i32
      %dma_start3A_49 = tpu.memref_slice %arg10[%run_scoped3A_38, %dma_start3A, %dma_start3A_48] : memref<2x64x128xf32, #tpu.memory_space<vmem>> -> memref<1x64x128xf32, #tpu.memory_space<vmem>>
      %dma_start3A_50 = tpu.memref_squeeze %dma_start3A_49 : memref<1x64x128xf32, #tpu.memory_space<vmem>> -> memref<64x128xf32, #tpu.memory_space<vmem>>
      %dma_start3A_51 = arith.constant 0 : i32
      %dma_start3A_52 = tpu.memref_slice %arg14[%add3A_37, %dma_start3A_51] : memref<10240x128xf32, #tpu.memory_space<vmem_shared>> -> memref<64x128xf32, #tpu.memory_space<vmem_shared>>
      %dma_start3A_53 = arith.constant 0 : i32
      %dma_start3A_54 = tpu.memref_slice %arg14[%add3A_37, %dma_start3A_53] : memref<10240x128xf32, #tpu.memory_space<vmem_shared>> -> memref<64x128xf32, #tpu.memory_space<vmem_shared>>
      %dma_start3A_55 = arith.constant 0 : i32
      %dma_start3A_56 = arith.constant 0 : i32
      %dma_start3A_57 = tpu.memref_slice %arg10[%run_scoped3A_38, %dma_start3A_55, %dma_start3A_56] : memref<2x64x128xf32, #tpu.memory_space<vmem>> -> memref<1x64x128xf32, #tpu.memory_space<vmem>>
      %dma_start3A_58 = tpu.memref_squeeze %dma_start3A_57 : memref<1x64x128xf32, #tpu.memory_space<vmem>> -> memref<64x128xf32, #tpu.memory_space<vmem>>
      tpu.enqueue_dma source(%dma_start3A_58 : memref<64x128xf32, #tpu.memory_space<vmem>>) target(%dma_start3A_54 : memref<64x128xf32, #tpu.memory_space<vmem_shared>>) target_semaphore(%run_scoped3A_47 : memref<!tpu.dma_semaphore, #tpu.memory_space<semaphore_mem>>)
      %dma_wait3A = arith.constant 0 : i32
      %dma_wait3A_59 = arith.constant 0 : i32
      %dma_wait3A_60 = tpu.memref_slice %arg10[%run_scoped3A_38, %dma_wait3A, %dma_wait3A_59] : memref<2x64x128xf32, #tpu.memory_space<vmem>> -> memref<1x64x128xf32, #tpu.memory_space<vmem>>
      %dma_wait3A_61 = tpu.memref_squeeze %dma_wait3A_60 : memref<1x64x128xf32, #tpu.memory_space<vmem>> -> memref<64x128xf32, #tpu.memory_space<vmem>>
      %dma_wait3A_62 = arith.constant 0 : i32
      %dma_wait3A_63 = tpu.memref_slice %arg14[%add3A_37, %dma_wait3A_62] : memref<10240x128xf32, #tpu.memory_space<vmem_shared>> -> memref<64x128xf32, #tpu.memory_space<vmem_shared>>
      %dma_wait3A_64 = arith.constant 0 : i32
      %dma_wait3A_65 = tpu.memref_slice %arg14[%add3A_37, %dma_wait3A_64] : memref<10240x128xf32, #tpu.memory_space<vmem_shared>> -> memref<64x128xf32, #tpu.memory_space<vmem_shared>>
      %dma_wait3A_66 = arith.constant 0 : i32
      %dma_wait3A_67 = arith.constant 0 : i32
      %dma_wait3A_68 = tpu.memref_slice %arg10[%run_scoped3A_38, %dma_wait3A_66, %dma_wait3A_67] : memref<2x64x128xf32, #tpu.memory_space<vmem>> -> memref<1x64x128xf32, #tpu.memory_space<vmem>>
      %dma_wait3A_69 = tpu.memref_squeeze %dma_wait3A_68 : memref<1x64x128xf32, #tpu.memory_space<vmem>> -> memref<64x128xf32, #tpu.memory_space<vmem>>
      tpu.wait_dma2 semaphore(%run_scoped3A_47 : memref<!tpu.dma_semaphore, #tpu.memory_space<semaphore_mem>>) src(%dma_wait3A_69 : memref<64x128xf32, #tpu.memory_space<vmem>>) dst(%dma_wait3A_65 : memref<64x128xf32, #tpu.memory_space<vmem_shared>>)
      tpu.yield
    }) : () -> ()
    %barrier3A = arith.constant 0 : index
    tpu.barrier barrier_id(%barrier3A)
    %scan3A_39 = arith.constant 0 : i32
    %scan3A_40 = arith.constant 0 : i32
    %scan3A_41 = arith.constant 3 : i32
    %scan3A_42 = arith.addi %scan3A_40, %scan3A_41 : i32
    %scan3A_43 = arith.constant 1 : i32
    %scan3A_44 = scf.for %scan3A_47 = %scan3A_40 to %scan3A_42 step %scan3A_43 iter_args(%scan3A_48 = %scan3A_39) -> (i32)  : i32 {
      "tpu.region"() ({
        %run_scoped3A_80 = tpu.sem_alloc : memref<!tpu.dma_semaphore, #tpu.memory_space<semaphore_mem>>
        %dma_start3A_81 = arith.constant 0 : i32
        %dma_start3A_82 = arith.constant 0 : i32
        %dma_start3A_83 = tpu.memref_slice %arg3[%add3A, %scan3A_47, %dma_start3A_81, %dma_start3A_82] : memref<32x3x56x64xi32, #tpu.memory_space<hbm>> -> memref<1x1x56x64xi32, #tpu.memory_space<hbm>>
        %dma_start3A_84 = tpu.memref_squeeze %dma_start3A_83 : memref<1x1x56x64xi32, #tpu.memory_space<hbm>> -> memref<56x64xi32, #tpu.memory_space<hbm>>
        %dma_start3A_85 = arith.constant 0 : i32
        %dma_start3A_86 = arith.constant 0 : i32
        %dma_start3A_87 = tpu.memref_slice %arg3[%add3A, %scan3A_47, %dma_start3A_85, %dma_start3A_86] : memref<32x3x56x64xi32, #tpu.memory_space<hbm>> -> memref<1x1x56x64xi32, #tpu.memory_space<hbm>>
        %dma_start3A_88 = tpu.memref_squeeze %dma_start3A_87 : memref<1x1x56x64xi32, #tpu.memory_space<hbm>> -> memref<56x64xi32, #tpu.memory_space<hbm>>
        tpu.enqueue_dma source(%dma_start3A_88 : memref<56x64xi32, #tpu.memory_space<hbm>>) target(%arg7 : memref<56x64xi32, #tpu.memory_space<vmem>>) target_semaphore(%run_scoped3A_80 : memref<!tpu.dma_semaphore, #tpu.memory_space<semaphore_mem>>)
        %dma_wait3A = arith.constant 0 : i32
        %dma_wait3A_89 = arith.constant 0 : i32
        %dma_wait3A_90 = tpu.memref_slice %arg3[%add3A, %scan3A_47, %dma_wait3A, %dma_wait3A_89] : memref<32x3x56x64xi32, #tpu.memory_space<hbm>> -> memref<1x1x56x64xi32, #tpu.memory_space<hbm>>
        %dma_wait3A_91 = tpu.memref_squeeze %dma_wait3A_90 : memref<1x1x56x64xi32, #tpu.memory_space<hbm>> -> memref<56x64xi32, #tpu.memory_space<hbm>>
        %dma_wait3A_92 = arith.constant 0 : i32
        %dma_wait3A_93 = arith.constant 0 : i32
        %dma_wait3A_94 = tpu.memref_slice %arg3[%add3A, %scan3A_47, %dma_wait3A_92, %dma_wait3A_93] : memref<32x3x56x64xi32, #tpu.memory_space<hbm>> -> memref<1x1x56x64xi32, #tpu.memory_space<hbm>>
        %dma_wait3A_95 = tpu.memref_squeeze %dma_wait3A_94 : memref<1x1x56x64xi32, #tpu.memory_space<hbm>> -> memref<56x64xi32, #tpu.memory_space<hbm>>
        tpu.wait_dma2 semaphore(%run_scoped3A_80 : memref<!tpu.dma_semaphore, #tpu.memory_space<semaphore_mem>>) src(%dma_wait3A_95 : memref<56x64xi32, #tpu.memory_space<hbm>>) dst(%arg7 : memref<56x64xi32, #tpu.memory_space<vmem>>)
        tpu.yield
      }) : () -> ()
      "tpu.region"() ({
        %run_scoped3A_80 = tpu.sem_alloc : memref<!tpu.dma_semaphore, #tpu.memory_space<semaphore_mem>>
        %dma_start3A_81 = arith.constant 0 : i32
        %dma_start3A_82 = arith.constant 0 : i32
        %dma_start3A_83 = tpu.memref_slice %arg4[%add3A, %scan3A_47, %dma_start3A_81, %dma_start3A_82] : memref<32x3x56x64xi32, #tpu.memory_space<hbm>> -> memref<1x1x56x64xi32, #tpu.memory_space<hbm>>
        %dma_start3A_84 = tpu.memref_squeeze %dma_start3A_83 : memref<1x1x56x64xi32, #tpu.memory_space<hbm>> -> memref<56x64xi32, #tpu.memory_space<hbm>>
        %dma_start3A_85 = arith.constant 0 : i32
        %dma_start3A_86 = arith.constant 0 : i32
        %dma_start3A_87 = tpu.memref_slice %arg4[%add3A, %scan3A_47, %dma_start3A_85, %dma_start3A_86] : memref<32x3x56x64xi32, #tpu.memory_space<hbm>> -> memref<1x1x56x64xi32, #tpu.memory_space<hbm>>
        %dma_start3A_88 = tpu.memref_squeeze %dma_start3A_87 : memref<1x1x56x64xi32, #tpu.memory_space<hbm>> -> memref<56x64xi32, #tpu.memory_space<hbm>>
        tpu.enqueue_dma source(%dma_start3A_88 : memref<56x64xi32, #tpu.memory_space<hbm>>) target(%arg8 : memref<56x64xi32, #tpu.memory_space<vmem>>) target_semaphore(%run_scoped3A_80 : memref<!tpu.dma_semaphore, #tpu.memory_space<semaphore_mem>>)
        %dma_wait3A = arith.constant 0 : i32
        %dma_wait3A_89 = arith.constant 0 : i32
        %dma_wait3A_90 = tpu.memref_slice %arg4[%add3A, %scan3A_47, %dma_wait3A, %dma_wait3A_89] : memref<32x3x56x64xi32, #tpu.memory_space<hbm>> -> memref<1x1x56x64xi32, #tpu.memory_space<hbm>>
        %dma_wait3A_91 = tpu.memref_squeeze %dma_wait3A_90 : memref<1x1x56x64xi32, #tpu.memory_space<hbm>> -> memref<56x64xi32, #tpu.memory_space<hbm>>
        %dma_wait3A_92 = arith.constant 0 : i32
        %dma_wait3A_93 = arith.constant 0 : i32
        %dma_wait3A_94 = tpu.memref_slice %arg4[%add3A, %scan3A_47, %dma_wait3A_92, %dma_wait3A_93] : memref<32x3x56x64xi32, #tpu.memory_space<hbm>> -> memref<1x1x56x64xi32, #tpu.memory_space<hbm>>
        %dma_wait3A_95 = tpu.memref_squeeze %dma_wait3A_94 : memref<1x1x56x64xi32, #tpu.memory_space<hbm>> -> memref<56x64xi32, #tpu.memory_space<hbm>>
        tpu.wait_dma2 semaphore(%run_scoped3A_80 : memref<!tpu.dma_semaphore, #tpu.memory_space<semaphore_mem>>) src(%dma_wait3A_95 : memref<56x64xi32, #tpu.memory_space<hbm>>) dst(%arg8 : memref<56x64xi32, #tpu.memory_space<vmem>>)
        tpu.yield
      }) : () -> ()
      "tpu.region"() ({
        %run_scoped3A_80 = tpu.sem_alloc : memref<!tpu.dma_semaphore, #tpu.memory_space<semaphore_mem>>
        %dma_start3A_81 = arith.constant 0 : i32
        %dma_start3A_82 = arith.constant 0 : i32
        %dma_start3A_83 = tpu.memref_slice %arg5[%add3A, %scan3A_47, %dma_start3A_81, %dma_start3A_82] : memref<32x3x56x64xf32, #tpu.memory_space<hbm>> -> memref<1x1x56x64xf32, #tpu.memory_space<hbm>>
        %dma_start3A_84 = tpu.memref_squeeze %dma_start3A_83 : memref<1x1x56x64xf32, #tpu.memory_space<hbm>> -> memref<56x64xf32, #tpu.memory_space<hbm>>
        %dma_start3A_85 = arith.constant 0 : i32
        %dma_start3A_86 = arith.constant 0 : i32
        %dma_start3A_87 = tpu.memref_slice %arg5[%add3A, %scan3A_47, %dma_start3A_85, %dma_start3A_86] : memref<32x3x56x64xf32, #tpu.memory_space<hbm>> -> memref<1x1x56x64xf32, #tpu.memory_space<hbm>>
        %dma_start3A_88 = tpu.memref_squeeze %dma_start3A_87 : memref<1x1x56x64xf32, #tpu.memory_space<hbm>> -> memref<56x64xf32, #tpu.memory_space<hbm>>
        tpu.enqueue_dma source(%dma_start3A_88 : memref<56x64xf32, #tpu.memory_space<hbm>>) target(%arg9 : memref<56x64xf32, #tpu.memory_space<vmem>>) target_semaphore(%run_scoped3A_80 : memref<!tpu.dma_semaphore, #tpu.memory_space<semaphore_mem>>)
        %dma_wait3A = arith.constant 0 : i32
        %dma_wait3A_89 = arith.constant 0 : i32
        %dma_wait3A_90 = tpu.memref_slice %arg5[%add3A, %scan3A_47, %dma_wait3A, %dma_wait3A_89] : memref<32x3x56x64xf32, #tpu.memory_space<hbm>> -> memref<1x1x56x64xf32, #tpu.memory_space<hbm>>
        %dma_wait3A_91 = tpu.memref_squeeze %dma_wait3A_90 : memref<1x1x56x64xf32, #tpu.memory_space<hbm>> -> memref<56x64xf32, #tpu.memory_space<hbm>>
        %dma_wait3A_92 = arith.constant 0 : i32
        %dma_wait3A_93 = arith.constant 0 : i32
        %dma_wait3A_94 = tpu.memref_slice %arg5[%add3A, %scan3A_47, %dma_wait3A_92, %dma_wait3A_93] : memref<32x3x56x64xf32, #tpu.memory_space<hbm>> -> memref<1x1x56x64xf32, #tpu.memory_space<hbm>>
        %dma_wait3A_95 = tpu.memref_squeeze %dma_wait3A_94 : memref<1x1x56x64xf32, #tpu.memory_space<hbm>> -> memref<56x64xf32, #tpu.memory_space<hbm>>
        tpu.wait_dma2 semaphore(%run_scoped3A_80 : memref<!tpu.dma_semaphore, #tpu.memory_space<semaphore_mem>>) src(%dma_wait3A_95 : memref<56x64xf32, #tpu.memory_space<hbm>>) dst(%arg9 : memref<56x64xf32, #tpu.memory_space<vmem>>)
        tpu.yield
      }) : () -> ()
      %dma_start3A = arith.constant 0 : i32
      %dma_start3A_49 = arith.constant 0 : i32
      %dma_start3A_50 = arith.constant 0 : i32
      %dma_start3A_51 = arith.constant 0 : i32
      %dma_start3A_52 = tpu.memref_slice %arg10[%dma_start3A_49, %dma_start3A_50, %dma_start3A_51] : memref<2x64x128xf32, #tpu.memory_space<vmem>> -> memref<1x64x128xf32, #tpu.memory_space<vmem>>
      %dma_start3A_53 = tpu.memref_squeeze %dma_start3A_52 : memref<1x64x128xf32, #tpu.memory_space<vmem>> -> memref<64x128xf32, #tpu.memory_space<vmem>>
      %dma_start3A_54 = arith.constant 0 : i32
      %dma_start3A_55 = tpu.memref_slice %arg7[%dma_start3A, %dma_start3A_54] : memref<56x64xi32, #tpu.memory_space<vmem>> -> memref<1x64xi32, #tpu.memory_space<vmem>>
      %dma_start3A_56 = tpu.memref_squeeze %dma_start3A_55 : memref<1x64xi32, #tpu.memory_space<vmem>> -> memref<64xi32, #tpu.memory_space<vmem>>
      %dma_start3A_57 = arith.constant 0 : i32
      %dma_start3A_58 = arith.constant 0 : i32
      %dma_start3A_59 = tpu.memref_slice %arg2[%dma_start3A_57, %dma_start3A_58] : memref<10240x128xf32, #tpu.memory_space<hbm>> -> memref<10240x128xf32, #tpu.memory_space<hbm>>
      tpu.enqueue_indirect_dma source(%dma_start3A_59 : memref<10240x128xf32, #tpu.memory_space<hbm>>) target(%dma_start3A_53 : memref<64x128xf32, #tpu.memory_space<vmem>>) offsets(%dma_start3A_56 : memref<64xi32, #tpu.memory_space<vmem>>) semaphore(%arg12 : memref<!tpu.dma_semaphore, #tpu.memory_space<semaphore_mem>>)
      %dma_start3A_60 = arith.constant 1 : i32
      %dma_start3A_61 = arith.constant 1 : i32
      %dma_start3A_62 = arith.constant 0 : i32
      %dma_start3A_63 = arith.constant 0 : i32
      %dma_start3A_64 = tpu.memref_slice %arg10[%dma_start3A_61, %dma_start3A_62, %dma_start3A_63] : memref<2x64x128xf32, #tpu.memory_space<vmem>> -> memref<1x64x128xf32, #tpu.memory_space<vmem>>
      %dma_start3A_65 = tpu.memref_squeeze %dma_start3A_64 : memref<1x64x128xf32, #tpu.memory_space<vmem>> -> memref<64x128xf32, #tpu.memory_space<vmem>>
      %dma_start3A_66 = arith.constant 0 : i32
      %dma_start3A_67 = tpu.memref_slice %arg7[%dma_start3A_60, %dma_start3A_66] : memref<56x64xi32, #tpu.memory_space<vmem>> -> memref<1x64xi32, #tpu.memory_space<vmem>>
      %dma_start3A_68 = tpu.memref_squeeze %dma_start3A_67 : memref<1x64xi32, #tpu.memory_space<vmem>> -> memref<64xi32, #tpu.memory_space<vmem>>
      %dma_start3A_69 = arith.constant 0 : i32
      %dma_start3A_70 = arith.constant 0 : i32
      %dma_start3A_71 = tpu.memref_slice %arg2[%dma_start3A_69, %dma_start3A_70] : memref<10240x128xf32, #tpu.memory_space<hbm>> -> memref<10240x128xf32, #tpu.memory_space<hbm>>
      tpu.enqueue_indirect_dma source(%dma_start3A_71 : memref<10240x128xf32, #tpu.memory_space<hbm>>) target(%dma_start3A_65 : memref<64x128xf32, #tpu.memory_space<vmem>>) offsets(%dma_start3A_68 : memref<64xi32, #tpu.memory_space<vmem>>) semaphore(%arg13 : memref<!tpu.dma_semaphore, #tpu.memory_space<semaphore_mem>>)
      %scan3A_72 = arith.constant 0 : i32
      %scan3A_73 = arith.constant 0 : i32
      %scan3A_74 = arith.constant 28 : i32
      %scan3A_75 = arith.addi %scan3A_73, %scan3A_74 : i32
      %scan3A_76 = arith.constant 1 : i32
      %scan3A_77 = scf.for %scan3A_80 = %scan3A_73 to %scan3A_75 step %scan3A_76 iter_args(%scan3A_81 = %scan3A_72) -> (i32)  : i32 {
        %mul3A_82 = arith.constant 2 : i32
        %mul3A_83 = arith.muli %scan3A_80, %mul3A_82 : i32
        %add3A_84 = arith.constant 0 : i32
        %add3A_85 = arith.addi %mul3A_83, %add3A_84 : i32
        %dma_wait3A = arith.constant 0 : i32
        %dma_wait3A_86 = arith.constant 0 : i32
        %dma_wait3A_87 = arith.constant 0 : i32
        %dma_wait3A_88 = tpu.memref_slice %arg10[%dma_wait3A, %dma_wait3A_86, %dma_wait3A_87] : memref<2x64x128xf32, #tpu.memory_space<vmem>> -> memref<1x64x128xf32, #tpu.memory_space<vmem>>
        %dma_wait3A_89 = tpu.memref_squeeze %dma_wait3A_88 : memref<1x64x128xf32, #tpu.memory_space<vmem>> -> memref<64x128xf32, #tpu.memory_space<vmem>>
        %dma_wait3A_90 = arith.constant 0 : i32
        %dma_wait3A_91 = tpu.memref_slice %arg7[%add3A_85, %dma_wait3A_90] : memref<56x64xi32, #tpu.memory_space<vmem>> -> memref<1x64xi32, #tpu.memory_space<vmem>>
        %dma_wait3A_92 = tpu.memref_squeeze %dma_wait3A_91 : memref<1x64xi32, #tpu.memory_space<vmem>> -> memref<64xi32, #tpu.memory_space<vmem>>
        %dma_wait3A_93 = arith.constant 0 : i32
        %dma_wait3A_94 = arith.constant 0 : i32
        %dma_wait3A_95 = tpu.memref_slice %arg2[%dma_wait3A_93, %dma_wait3A_94] : memref<10240x128xf32, #tpu.memory_space<hbm>> -> memref<10240x128xf32, #tpu.memory_space<hbm>>
        tpu.wait_indirect_dma semaphore(%arg12 : memref<!tpu.dma_semaphore, #tpu.memory_space<semaphore_mem>>) src(%dma_wait3A_95 : memref<10240x128xf32, #tpu.memory_space<hbm>>) dst(%dma_wait3A_89 : memref<64x128xf32, #tpu.memory_space<vmem>>)
        %get3A = arith.index_cast %add3A_85 : i32 to index
        %get3A_96 = arith.constant 0 : index
        %get3A_97 = tpu.vector_load %arg9[%get3A, %get3A_96] {strides = array<i32>} : memref<56x64xf32, #tpu.memory_space<vmem>>, vector<16xf32>,
        %get3A_98 = arith.index_cast %add3A_85 : i32 to index
        %get3A_99 = arith.constant 16 : index
        %get3A_100 = tpu.vector_load %arg9[%get3A_98, %get3A_99] {strides = array<i32>} : memref<56x64xf32, #tpu.memory_space<vmem>>, vector<16xf32>,
        %get3A_101 = arith.index_cast %add3A_85 : i32 to index
        %get3A_102 = arith.constant 32 : index
        %get3A_103 = tpu.vector_load %arg9[%get3A_101, %get3A_102] {strides = array<i32>} : memref<56x64xf32, #tpu.memory_space<vmem>>, vector<16xf32>,
        %get3A_104 = arith.index_cast %add3A_85 : i32 to index
        %get3A_105 = arith.constant 48 : index
        %get3A_106 = tpu.vector_load %arg9[%get3A_104, %get3A_105] {strides = array<i32>} : memref<56x64xf32, #tpu.memory_space<vmem>>, vector<16xf32>,
        %add3A_107 = arith.constant 0 : i32
        %add3A_108 = vector.broadcast %add3A_107 : i32 to vector<16xi32>
        %add3A_109 = arith.addi %add3A_108, %iota3A : vector<16xi32>
        %add3A_110 = arith.constant 16 : i32
        %add3A_111 = vector.broadcast %add3A_110 : i32 to vector<16xi32>
        %add3A_112 = arith.addi %add3A_111, %iota3A : vector<16xi32>
        %add3A_113 = arith.constant 32 : i32
        %add3A_114 = vector.broadcast %add3A_113 : i32 to vector<16xi32>
        %add3A_115 = arith.addi %add3A_114, %iota3A : vector<16xi32>
        %add3A_116 = arith.constant 48 : i32
        %add3A_117 = vector.broadcast %add3A_116 : i32 to vector<16xi32>
        %add3A_118 = arith.addi %add3A_117, %iota3A : vector<16xi32>
        %scan3A_119 = arith.constant 0 : i32
        %scan3A_120 = arith.constant 0 : i32
        %scan3A_121 = arith.constant 32 : i32
        %scan3A_122 = arith.addi %scan3A_120, %scan3A_121 : i32
        %scan3A_123 = arith.constant 1 : i32
        %scan3A_124 = scf.for %scan3A_184 = %scan3A_120 to %scan3A_122 step %scan3A_123 iter_args(%scan3A_185 = %scan3A_119) -> (i32)  : i32 {
          %mul3A_186 = arith.constant 4 : i32
          %mul3A_187 = arith.muli %scan3A_184, %mul3A_186 : i32
          %add3A_188 = arith.constant 0 : i32
          %add3A_189 = arith.addi %mul3A_187, %add3A_188 : i32
          %add3A_190 = vector.broadcast %add3A_189 : i32 to vector<16xi32>
          %add3A_191 = arith.addi %iota3A, %add3A_190 : vector<16xi32>
          %and3A = arith.constant 127 : i32
          %and3A_192 = vector.broadcast %and3A : i32 to vector<16xi32>
          %and3A_193 = arith.andi %add3A_191, %and3A_192 : vector<16xi32>
          %gather3A = arith.constant 0 : i32
          %gather3A_194 = arith.constant 0 : i32
          %gather3A_195 = arith.constant 0 : i32
          %gather3A_196 = tpu.memref_slice %arg10[%gather3A, %gather3A_194, %gather3A_195] : memref<2x64x128xf32, #tpu.memory_space<vmem>> -> memref<1x64x128xf32, #tpu.memory_space<vmem>>
          %gather3A_197 = tpu.memref_squeeze %gather3A_196 : memref<1x64x128xf32, #tpu.memory_space<vmem>> -> memref<64x128xf32, #tpu.memory_space<vmem>>
          %gather3A_198 = tpu.vector_load_idx %gather3A_197[%add3A_109, %and3A_193] : memref<64x128xf32, #tpu.memory_space<vmem>>[vector<16xi32>, vector<16xi32>], vector<16xf32>,
          %mul3A_199 = arith.mulf %gather3A_198, %get3A_97 : vector<16xf32>
          tpu.vector_store_idx %arg11[%add3A_109, %and3A_193], %mul3A_199 : memref<64x128xf32, #tpu.memory_space<vmem>>[vector<16xi32>, vector<16xi32>], vector<16xf32>,
          %gather3A_200 = arith.constant 0 : i32
          %gather3A_201 = arith.constant 0 : i32
          %gather3A_202 = arith.constant 0 : i32
          %gather3A_203 = tpu.memref_slice %arg10[%gather3A_200, %gather3A_201, %gather3A_202] : memref<2x64x128xf32, #tpu.memory_space<vmem>> -> memref<1x64x128xf32, #tpu.memory_space<vmem>>
          %gather3A_204 = tpu.memref_squeeze %gather3A_203 : memref<1x64x128xf32, #tpu.memory_space<vmem>> -> memref<64x128xf32, #tpu.memory_space<vmem>>
          %gather3A_205 = tpu.vector_load_idx %gather3A_204[%add3A_112, %and3A_193] : memref<64x128xf32, #tpu.memory_space<vmem>>[vector<16xi32>, vector<16xi32>], vector<16xf32>,
          %mul3A_206 = arith.mulf %gather3A_205, %get3A_100 : vector<16xf32>
          tpu.vector_store_idx %arg11[%add3A_112, %and3A_193], %mul3A_206 : memref<64x128xf32, #tpu.memory_space<vmem>>[vector<16xi32>, vector<16xi32>], vector<16xf32>,
          %gather3A_207 = arith.constant 0 : i32
          %gather3A_208 = arith.constant 0 : i32
          %gather3A_209 = arith.constant 0 : i32
          %gather3A_210 = tpu.memref_slice %arg10[%gather3A_207, %gather3A_208, %gather3A_209] : memref<2x64x128xf32, #tpu.memory_space<vmem>> -> memref<1x64x128xf32, #tpu.memory_space<vmem>>
          %gather3A_211 = tpu.memref_squeeze %gather3A_210 : memref<1x64x128xf32, #tpu.memory_space<vmem>> -> memref<64x128xf32, #tpu.memory_space<vmem>>
          %gather3A_212 = tpu.vector_load_idx %gather3A_211[%add3A_115, %and3A_193] : memref<64x128xf32, #tpu.memory_space<vmem>>[vector<16xi32>, vector<16xi32>], vector<16xf32>,
          %mul3A_213 = arith.mulf %gather3A_212, %get3A_103 : vector<16xf32>
          tpu.vector_store_idx %arg11[%add3A_115, %and3A_193], %mul3A_213 : memref<64x128xf32, #tpu.memory_space<vmem>>[vector<16xi32>, vector<16xi32>], vector<16xf32>,
          %gather3A_214 = arith.constant 0 : i32
          %gather3A_215 = arith.constant 0 : i32
          %gather3A_216 = arith.constant 0 : i32
          %gather3A_217 = tpu.memref_slice %arg10[%gather3A_214, %gather3A_215, %gather3A_216] : memref<2x64x128xf32, #tpu.memory_space<vmem>> -> memref<1x64x128xf32, #tpu.memory_space<vmem>>
          %gather3A_218 = tpu.memref_squeeze %gather3A_217 : memref<1x64x128xf32, #tpu.memory_space<vmem>> -> memref<64x128xf32, #tpu.memory_space<vmem>>
          %gather3A_219 = tpu.vector_load_idx %gather3A_218[%add3A_118, %and3A_193] : memref<64x128xf32, #tpu.memory_space<vmem>>[vector<16xi32>, vector<16xi32>], vector<16xf32>,
          %mul3A_220 = arith.mulf %gather3A_219, %get3A_106 : vector<16xf32>
          tpu.vector_store_idx %arg11[%add3A_118, %and3A_193], %mul3A_220 : memref<64x128xf32, #tpu.memory_space<vmem>>[vector<16xi32>, vector<16xi32>], vector<16xf32>,
          %mul3A_221 = arith.constant 4 : i32
          %mul3A_222 = arith.muli %scan3A_184, %mul3A_221 : i32
          %add3A_223 = arith.constant 1 : i32
          %add3A_224 = arith.addi %mul3A_222, %add3A_223 : i32
          %add3A_225 = vector.broadcast %add3A_224 : i32 to vector<16xi32>
          %add3A_226 = arith.addi %iota3A, %add3A_225 : vector<16xi32>
          %and3A_227 = arith.constant 127 : i32
          %and3A_228 = vector.broadcast %and3A_227 : i32 to vector<16xi32>
          %and3A_229 = arith.andi %add3A_226, %and3A_228 : vector<16xi32>
          %gather3A_230 = arith.constant 0 : i32
          %gather3A_231 = arith.constant 0 : i32
          %gather3A_232 = arith.constant 0 : i32
          %gather3A_233 = tpu.memref_slice %arg10[%gather3A_230, %gather3A_231, %gather3A_232] : memref<2x64x128xf32, #tpu.memory_space<vmem>> -> memref<1x64x128xf32, #tpu.memory_space<vmem>>
          %gather3A_234 = tpu.memref_squeeze %gather3A_233 : memref<1x64x128xf32, #tpu.memory_space<vmem>> -> memref<64x128xf32, #tpu.memory_space<vmem>>
          %gather3A_235 = tpu.vector_load_idx %gather3A_234[%add3A_109, %and3A_229] : memref<64x128xf32, #tpu.memory_space<vmem>>[vector<16xi32>, vector<16xi32>], vector<16xf32>,
          %mul3A_236 = arith.mulf %gather3A_235, %get3A_97 : vector<16xf32>
          tpu.vector_store_idx %arg11[%add3A_109, %and3A_229], %mul3A_236 : memref<64x128xf32, #tpu.memory_space<vmem>>[vector<16xi32>, vector<16xi32>], vector<16xf32>,
          %gather3A_237 = arith.constant 0 : i32
          %gather3A_238 = arith.constant 0 : i32
          %gather3A_239 = arith.constant 0 : i32
          %gather3A_240 = tpu.memref_slice %arg10[%gather3A_237, %gather3A_238, %gather3A_239] : memref<2x64x128xf32, #tpu.memory_space<vmem>> -> memref<1x64x128xf32, #tpu.memory_space<vmem>>
          %gather3A_241 = tpu.memref_squeeze %gather3A_240 : memref<1x64x128xf32, #tpu.memory_space<vmem>> -> memref<64x128xf32, #tpu.memory_space<vmem>>
          %gather3A_242 = tpu.vector_load_idx %gather3A_241[%add3A_112, %and3A_229] : memref<64x128xf32, #tpu.memory_space<vmem>>[vector<16xi32>, vector<16xi32>], vector<16xf32>,
          %mul3A_243 = arith.mulf %gather3A_242, %get3A_100 : vector<16xf32>
          tpu.vector_store_idx %arg11[%add3A_112, %and3A_229], %mul3A_243 : memref<64x128xf32, #tpu.memory_space<vmem>>[vector<16xi32>, vector<16xi32>], vector<16xf32>,
          %gather3A_244 = arith.constant 0 : i32
          %gather3A_245 = arith.constant 0 : i32
          %gather3A_246 = arith.constant 0 : i32
          %gather3A_247 = tpu.memref_slice %arg10[%gather3A_244, %gather3A_245, %gather3A_246] : memref<2x64x128xf32, #tpu.memory_space<vmem>> -> memref<1x64x128xf32, #tpu.memory_space<vmem>>
          %gather3A_248 = tpu.memref_squeeze %gather3A_247 : memref<1x64x128xf32, #tpu.memory_space<vmem>> -> memref<64x128xf32, #tpu.memory_space<vmem>>
          %gather3A_249 = tpu.vector_load_idx %gather3A_248[%add3A_115, %and3A_229] : memref<64x128xf32, #tpu.memory_space<vmem>>[vector<16xi32>, vector<16xi32>], vector<16xf32>,
          %mul3A_250 = arith.mulf %gather3A_249, %get3A_103 : vector<16xf32>
          tpu.vector_store_idx %arg11[%add3A_115, %and3A_229], %mul3A_250 : memref<64x128xf32, #tpu.memory_space<vmem>>[vector<16xi32>, vector<16xi32>], vector<16xf32>,
          %gather3A_251 = arith.constant 0 : i32
          %gather3A_252 = arith.constant 0 : i32
          %gather3A_253 = arith.constant 0 : i32
          %gather3A_254 = tpu.memref_slice %arg10[%gather3A_251, %gather3A_252, %gather3A_253] : memref<2x64x128xf32, #tpu.memory_space<vmem>> -> memref<1x64x128xf32, #tpu.memory_space<vmem>>
          %gather3A_255 = tpu.memref_squeeze %gather3A_254 : memref<1x64x128xf32, #tpu.memory_space<vmem>> -> memref<64x128xf32, #tpu.memory_space<vmem>>
          %gather3A_256 = tpu.vector_load_idx %gather3A_255[%add3A_118, %and3A_229] : memref<64x128xf32, #tpu.memory_space<vmem>>[vector<16xi32>, vector<16xi32>], vector<16xf32>,
          %mul3A_257 = arith.mulf %gather3A_256, %get3A_106 : vector<16xf32>
          tpu.vector_store_idx %arg11[%add3A_118, %and3A_229], %mul3A_257 : memref<64x128xf32, #tpu.memory_space<vmem>>[vector<16xi32>, vector<16xi32>], vector<16xf32>,
          %mul3A_258 = arith.constant 4 : i32
          %mul3A_259 = arith.muli %scan3A_184, %mul3A_258 : i32
          %add3A_260 = arith.constant 2 : i32
          %add3A_261 = arith.addi %mul3A_259, %add3A_260 : i32
          %add3A_262 = vector.broadcast %add3A_261 : i32 to vector<16xi32>
          %add3A_263 = arith.addi %iota3A, %add3A_262 : vector<16xi32>
          %and3A_264 = arith.constant 127 : i32
          %and3A_265 = vector.broadcast %and3A_264 : i32 to vector<16xi32>
          %and3A_266 = arith.andi %add3A_263, %and3A_265 : vector<16xi32>
          %gather3A_267 = arith.constant 0 : i32
          %gather3A_268 = arith.constant 0 : i32
          %gather3A_269 = arith.constant 0 : i32
          %gather3A_270 = tpu.memref_slice %arg10[%gather3A_267, %gather3A_268, %gather3A_269] : memref<2x64x128xf32, #tpu.memory_space<vmem>> -> memref<1x64x128xf32, #tpu.memory_space<vmem>>
          %gather3A_271 = tpu.memref_squeeze %gather3A_270 : memref<1x64x128xf32, #tpu.memory_space<vmem>> -> memref<64x128xf32, #tpu.memory_space<vmem>>
          %gather3A_272 = tpu.vector_load_idx %gather3A_271[%add3A_109, %and3A_266] : memref<64x128xf32, #tpu.memory_space<vmem>>[vector<16xi32>, vector<16xi32>], vector<16xf32>,
          %mul3A_273 = arith.mulf %gather3A_272, %get3A_97 : vector<16xf32>
          tpu.vector_store_idx %arg11[%add3A_109, %and3A_266], %mul3A_273 : memref<64x128xf32, #tpu.memory_space<vmem>>[vector<16xi32>, vector<16xi32>], vector<16xf32>,
          %gather3A_274 = arith.constant 0 : i32
          %gather3A_275 = arith.constant 0 : i32
          %gather3A_276 = arith.constant 0 : i32
          %gather3A_277 = tpu.memref_slice %arg10[%gather3A_274, %gather3A_275, %gather3A_276] : memref<2x64x128xf32, #tpu.memory_space<vmem>> -> memref<1x64x128xf32, #tpu.memory_space<vmem>>
          %gather3A_278 = tpu.memref_squeeze %gather3A_277 : memref<1x64x128xf32, #tpu.memory_space<vmem>> -> memref<64x128xf32, #tpu.memory_space<vmem>>
          %gather3A_279 = tpu.vector_load_idx %gather3A_278[%add3A_112, %and3A_266] : memref<64x128xf32, #tpu.memory_space<vmem>>[vector<16xi32>, vector<16xi32>], vector<16xf32>,
          %mul3A_280 = arith.mulf %gather3A_279, %get3A_100 : vector<16xf32>
          tpu.vector_store_idx %arg11[%add3A_112, %and3A_266], %mul3A_280 : memref<64x128xf32, #tpu.memory_space<vmem>>[vector<16xi32>, vector<16xi32>], vector<16xf32>,
          %gather3A_281 = arith.constant 0 : i32
          %gather3A_282 = arith.constant 0 : i32
          %gather3A_283 = arith.constant 0 : i32
          %gather3A_284 = tpu.memref_slice %arg10[%gather3A_281, %gather3A_282, %gather3A_283] : memref<2x64x128xf32, #tpu.memory_space<vmem>> -> memref<1x64x128xf32, #tpu.memory_space<vmem>>
          %gather3A_285 = tpu.memref_squeeze %gather3A_284 : memref<1x64x128xf32, #tpu.memory_space<vmem>> -> memref<64x128xf32, #tpu.memory_space<vmem>>
          %gather3A_286 = tpu.vector_load_idx %gather3A_285[%add3A_115, %and3A_266] : memref<64x128xf32, #tpu.memory_space<vmem>>[vector<16xi32>, vector<16xi32>], vector<16xf32>,
          %mul3A_287 = arith.mulf %gather3A_286, %get3A_103 : vector<16xf32>
          tpu.vector_store_idx %arg11[%add3A_115, %and3A_266], %mul3A_287 : memref<64x128xf32, #tpu.memory_space<vmem>>[vector<16xi32>, vector<16xi32>], vector<16xf32>,
          %gather3A_288 = arith.constant 0 : i32
          %gather3A_289 = arith.constant 0 : i32
          %gather3A_290 = arith.constant 0 : i32
          %gather3A_291 = tpu.memref_slice %arg10[%gather3A_288, %gather3A_289, %gather3A_290] : memref<2x64x128xf32, #tpu.memory_space<vmem>> -> memref<1x64x128xf32, #tpu.memory_space<vmem>>
          %gather3A_292 = tpu.memref_squeeze %gather3A_291 : memref<1x64x128xf32, #tpu.memory_space<vmem>> -> memref<64x128xf32, #tpu.memory_space<vmem>>
          %gather3A_293 = tpu.vector_load_idx %gather3A_292[%add3A_118, %and3A_266] : memref<64x128xf32, #tpu.memory_space<vmem>>[vector<16xi32>, vector<16xi32>], vector<16xf32>,
          %mul3A_294 = arith.mulf %gather3A_293, %get3A_106 : vector<16xf32>
          tpu.vector_store_idx %arg11[%add3A_118, %and3A_266], %mul3A_294 : memref<64x128xf32, #tpu.memory_space<vmem>>[vector<16xi32>, vector<16xi32>], vector<16xf32>,
          %mul3A_295 = arith.constant 4 : i32
          %mul3A_296 = arith.muli %scan3A_184, %mul3A_295 : i32
          %add3A_297 = arith.constant 3 : i32
          %add3A_298 = arith.addi %mul3A_296, %add3A_297 : i32
          %add3A_299 = vector.broadcast %add3A_298 : i32 to vector<16xi32>
          %add3A_300 = arith.addi %iota3A, %add3A_299 : vector<16xi32>
          %and3A_301 = arith.constant 127 : i32
          %and3A_302 = vector.broadcast %and3A_301 : i32 to vector<16xi32>
          %and3A_303 = arith.andi %add3A_300, %and3A_302 : vector<16xi32>
          %gather3A_304 = arith.constant 0 : i32
          %gather3A_305 = arith.constant 0 : i32
          %gather3A_306 = arith.constant 0 : i32
          %gather3A_307 = tpu.memref_slice %arg10[%gather3A_304, %gather3A_305, %gather3A_306] : memref<2x64x128xf32, #tpu.memory_space<vmem>> -> memref<1x64x128xf32, #tpu.memory_space<vmem>>
          %gather3A_308 = tpu.memref_squeeze %gather3A_307 : memref<1x64x128xf32, #tpu.memory_space<vmem>> -> memref<64x128xf32, #tpu.memory_space<vmem>>
          %gather3A_309 = tpu.vector_load_idx %gather3A_308[%add3A_109, %and3A_303] : memref<64x128xf32, #tpu.memory_space<vmem>>[vector<16xi32>, vector<16xi32>], vector<16xf32>,
          %mul3A_310 = arith.mulf %gather3A_309, %get3A_97 : vector<16xf32>
          tpu.vector_store_idx %arg11[%add3A_109, %and3A_303], %mul3A_310 : memref<64x128xf32, #tpu.memory_space<vmem>>[vector<16xi32>, vector<16xi32>], vector<16xf32>,
          %gather3A_311 = arith.constant 0 : i32
          %gather3A_312 = arith.constant 0 : i32
          %gather3A_313 = arith.constant 0 : i32
          %gather3A_314 = tpu.memref_slice %arg10[%gather3A_311, %gather3A_312, %gather3A_313] : memref<2x64x128xf32, #tpu.memory_space<vmem>> -> memref<1x64x128xf32, #tpu.memory_space<vmem>>
          %gather3A_315 = tpu.memref_squeeze %gather3A_314 : memref<1x64x128xf32, #tpu.memory_space<vmem>> -> memref<64x128xf32, #tpu.memory_space<vmem>>
          %gather3A_316 = tpu.vector_load_idx %gather3A_315[%add3A_112, %and3A_303] : memref<64x128xf32, #tpu.memory_space<vmem>>[vector<16xi32>, vector<16xi32>], vector<16xf32>,
          %mul3A_317 = arith.mulf %gather3A_316, %get3A_100 : vector<16xf32>
          tpu.vector_store_idx %arg11[%add3A_112, %and3A_303], %mul3A_317 : memref<64x128xf32, #tpu.memory_space<vmem>>[vector<16xi32>, vector<16xi32>], vector<16xf32>,
          %gather3A_318 = arith.constant 0 : i32
          %gather3A_319 = arith.constant 0 : i32
          %gather3A_320 = arith.constant 0 : i32
          %gather3A_321 = tpu.memref_slice %arg10[%gather3A_318, %gather3A_319, %gather3A_320] : memref<2x64x128xf32, #tpu.memory_space<vmem>> -> memref<1x64x128xf32, #tpu.memory_space<vmem>>
          %gather3A_322 = tpu.memref_squeeze %gather3A_321 : memref<1x64x128xf32, #tpu.memory_space<vmem>> -> memref<64x128xf32, #tpu.memory_space<vmem>>
          %gather3A_323 = tpu.vector_load_idx %gather3A_322[%add3A_115, %and3A_303] : memref<64x128xf32, #tpu.memory_space<vmem>>[vector<16xi32>, vector<16xi32>], vector<16xf32>,
          %mul3A_324 = arith.mulf %gather3A_323, %get3A_103 : vector<16xf32>
          tpu.vector_store_idx %arg11[%add3A_115, %and3A_303], %mul3A_324 : memref<64x128xf32, #tpu.memory_space<vmem>>[vector<16xi32>, vector<16xi32>], vector<16xf32>,
          %gather3A_325 = arith.constant 0 : i32
          %gather3A_326 = arith.constant 0 : i32
          %gather3A_327 = arith.constant 0 : i32
          %gather3A_328 = tpu.memref_slice %arg10[%gather3A_325, %gather3A_326, %gather3A_327] : memref<2x64x128xf32, #tpu.memory_space<vmem>> -> memref<1x64x128xf32, #tpu.memory_space<vmem>>
          %gather3A_329 = tpu.memref_squeeze %gather3A_328 : memref<1x64x128xf32, #tpu.memory_space<vmem>> -> memref<64x128xf32, #tpu.memory_space<vmem>>
          %gather3A_330 = tpu.vector_load_idx %gather3A_329[%add3A_118, %and3A_303] : memref<64x128xf32, #tpu.memory_space<vmem>>[vector<16xi32>, vector<16xi32>], vector<16xf32>,
          %mul3A_331 = arith.mulf %gather3A_330, %get3A_106 : vector<16xf32>
          tpu.vector_store_idx %arg11[%add3A_118, %and3A_303], %mul3A_331 : memref<64x128xf32, #tpu.memory_space<vmem>>[vector<16xi32>, vector<16xi32>], vector<16xf32>,
          %scan3A_332 = arith.constant 0 : i32
          scf.yield %scan3A_332 : i32
        }
        %scan3A_125 = arith.constant 32 : i32
        "tpu.region"() ({
          %run_scoped3A_184 = tpu.sem_alloc : memref<!tpu.dma_semaphore, #tpu.memory_space<semaphore_mem>>
          %dma_start3A_185 = arith.constant 0 : i32
          %dma_start3A_186 = tpu.memref_slice %arg8[%add3A_85, %dma_start3A_185] : memref<56x64xi32, #tpu.memory_space<vmem>> -> memref<1x64xi32, #tpu.memory_space<vmem>>
          %dma_start3A_187 = tpu.memref_squeeze %dma_start3A_186 : memref<1x64xi32, #tpu.memory_space<vmem>> -> memref<64xi32, #tpu.memory_space<vmem>>
          %dma_start3A_188 = arith.constant 0 : i32
          %dma_start3A_189 = arith.constant 0 : i32
          %dma_start3A_190 = tpu.memref_slice %arg14[%dma_start3A_188, %dma_start3A_189] : memref<10240x128xf32, #tpu.memory_space<vmem_shared>> -> memref<10240x128xf32, #tpu.memory_space<vmem_shared>>
          tpu.enqueue_indirect_dma source(%arg11 : memref<64x128xf32, #tpu.memory_space<vmem>>) target(%dma_start3A_190 : memref<10240x128xf32, #tpu.memory_space<vmem_shared>>) offsets(%dma_start3A_187 : memref<64xi32, #tpu.memory_space<vmem>>) semaphore(%run_scoped3A_184 : memref<!tpu.dma_semaphore, #tpu.memory_space<semaphore_mem>>) {add = true}
          %dma_wait3A_191 = arith.constant 0 : i32
          %dma_wait3A_192 = tpu.memref_slice %arg8[%add3A_85, %dma_wait3A_191] : memref<56x64xi32, #tpu.memory_space<vmem>> -> memref<1x64xi32, #tpu.memory_space<vmem>>
          %dma_wait3A_193 = tpu.memref_squeeze %dma_wait3A_192 : memref<1x64xi32, #tpu.memory_space<vmem>> -> memref<64xi32, #tpu.memory_space<vmem>>
          %dma_wait3A_194 = arith.constant 0 : i32
          %dma_wait3A_195 = arith.constant 0 : i32
          %dma_wait3A_196 = tpu.memref_slice %arg14[%dma_wait3A_194, %dma_wait3A_195] : memref<10240x128xf32, #tpu.memory_space<vmem_shared>> -> memref<10240x128xf32, #tpu.memory_space<vmem_shared>>
          tpu.wait_indirect_dma semaphore(%run_scoped3A_184 : memref<!tpu.dma_semaphore, #tpu.memory_space<semaphore_mem>>) src(%arg11 : memref<64x128xf32, #tpu.memory_space<vmem>>) dst(%dma_wait3A_196 : memref<10240x128xf32, #tpu.memory_space<vmem_shared>>)
          tpu.yield
        }) : () -> ()
        %add3A_126 = arith.constant 2 : i32
        %add3A_127 = arith.addi %add3A_85, %add3A_126 : i32
        %lt3A = arith.constant 56 : i32
        %lt3A_128 = arith.cmpi slt, %add3A_127, %lt3A : i32
        %convert_element_type3A = arith.extui %lt3A_128 : i1 to i32
        %cond3A = arith.constant 0 : i32
        %cond3A_129 = arith.cmpi ne, %convert_element_type3A, %cond3A : i32
        scf.if %cond3A_129 {
          %add3A_184 = arith.constant 2 : i32
          %add3A_185 = arith.addi %add3A_85, %add3A_184 : i32
          %dma_start3A_186 = arith.constant 0 : i32
          %dma_start3A_187 = arith.constant 0 : i32
          %dma_start3A_188 = arith.constant 0 : i32
          %dma_start3A_189 = tpu.memref_slice %arg10[%dma_start3A_186, %dma_start3A_187, %dma_start3A_188] : memref<2x64x128xf32, #tpu.memory_space<vmem>> -> memref<1x64x128xf32, #tpu.memory_space<vmem>>
          %dma_start3A_190 = tpu.memref_squeeze %dma_start3A_189 : memref<1x64x128xf32, #tpu.memory_space<vmem>> -> memref<64x128xf32, #tpu.memory_space<vmem>>
          %dma_start3A_191 = arith.constant 0 : i32
          %dma_start3A_192 = tpu.memref_slice %arg7[%add3A_185, %dma_start3A_191] : memref<56x64xi32, #tpu.memory_space<vmem>> -> memref<1x64xi32, #tpu.memory_space<vmem>>
          %dma_start3A_193 = tpu.memref_squeeze %dma_start3A_192 : memref<1x64xi32, #tpu.memory_space<vmem>> -> memref<64xi32, #tpu.memory_space<vmem>>
          %dma_start3A_194 = arith.constant 0 : i32
          %dma_start3A_195 = arith.constant 0 : i32
          %dma_start3A_196 = tpu.memref_slice %arg2[%dma_start3A_194, %dma_start3A_195] : memref<10240x128xf32, #tpu.memory_space<hbm>> -> memref<10240x128xf32, #tpu.memory_space<hbm>>
          tpu.enqueue_indirect_dma source(%dma_start3A_196 : memref<10240x128xf32, #tpu.memory_space<hbm>>) target(%dma_start3A_190 : memref<64x128xf32, #tpu.memory_space<vmem>>) offsets(%dma_start3A_193 : memref<64xi32, #tpu.memory_space<vmem>>) semaphore(%arg12 : memref<!tpu.dma_semaphore, #tpu.memory_space<semaphore_mem>>)
        } else {
        }
        %mul3A_130 = arith.constant 2 : i32
        %mul3A_131 = arith.muli %scan3A_80, %mul3A_130 : i32
        %add3A_132 = arith.constant 1 : i32
        %add3A_133 = arith.addi %mul3A_131, %add3A_132 : i32
        %dma_wait3A_134 = arith.constant 1 : i32
        %dma_wait3A_135 = arith.constant 0 : i32
        %dma_wait3A_136 = arith.constant 0 : i32
        %dma_wait3A_137 = tpu.memref_slice %arg10[%dma_wait3A_134, %dma_wait3A_135, %dma_wait3A_136] : memref<2x64x128xf32, #tpu.memory_space<vmem>> -> memref<1x64x128xf32, #tpu.memory_space<vmem>>
        %dma_wait3A_138 = tpu.memref_squeeze %dma_wait3A_137 : memref<1x64x128xf32, #tpu.memory_space<vmem>> -> memref<64x128xf32, #tpu.memory_space<vmem>>
        %dma_wait3A_139 = arith.constant 0 : i32
        %dma_wait3A_140 = tpu.memref_slice %arg7[%add3A_133, %dma_wait3A_139] : memref<56x64xi32, #tpu.memory_space<vmem>> -> memref<1x64xi32, #tpu.memory_space<vmem>>
        %dma_wait3A_141 = tpu.memref_squeeze %dma_wait3A_140 : memref<1x64xi32, #tpu.memory_space<vmem>> -> memref<64xi32, #tpu.memory_space<vmem>>
        %dma_wait3A_142 = arith.constant 0 : i32
        %dma_wait3A_143 = arith.constant 0 : i32
        %dma_wait3A_144 = tpu.memref_slice %arg2[%dma_wait3A_142, %dma_wait3A_143] : memref<10240x128xf32, #tpu.memory_space<hbm>> -> memref<10240x128xf32, #tpu.memory_space<hbm>>
        tpu.wait_indirect_dma semaphore(%arg13 : memref<!tpu.dma_semaphore, #tpu.memory_space<semaphore_mem>>) src(%dma_wait3A_144 : memref<10240x128xf32, #tpu.memory_space<hbm>>) dst(%dma_wait3A_138 : memref<64x128xf32, #tpu.memory_space<vmem>>)
        %get3A_145 = arith.index_cast %add3A_133 : i32 to index
        %get3A_146 = arith.constant 0 : index
        %get3A_147 = tpu.vector_load %arg9[%get3A_145, %get3A_146] {strides = array<i32>} : memref<56x64xf32, #tpu.memory_space<vmem>>, vector<16xf32>,
        %get3A_148 = arith.index_cast %add3A_133 : i32 to index
        %get3A_149 = arith.constant 16 : index
        %get3A_150 = tpu.vector_load %arg9[%get3A_148, %get3A_149] {strides = array<i32>} : memref<56x64xf32, #tpu.memory_space<vmem>>, vector<16xf32>,
        %get3A_151 = arith.index_cast %add3A_133 : i32 to index
        %get3A_152 = arith.constant 32 : index
        %get3A_153 = tpu.vector_load %arg9[%get3A_151, %get3A_152] {strides = array<i32>} : memref<56x64xf32, #tpu.memory_space<vmem>>, vector<16xf32>,
        %get3A_154 = arith.index_cast %add3A_133 : i32 to index
        %get3A_155 = arith.constant 48 : index
        %get3A_156 = tpu.vector_load %arg9[%get3A_154, %get3A_155] {strides = array<i32>} : memref<56x64xf32, #tpu.memory_space<vmem>>, vector<16xf32>,
        %add3A_157 = arith.constant 0 : i32
        %add3A_158 = vector.broadcast %add3A_157 : i32 to vector<16xi32>
        %add3A_159 = arith.addi %add3A_158, %iota3A : vector<16xi32>
        %add3A_160 = arith.constant 16 : i32
        %add3A_161 = vector.broadcast %add3A_160 : i32 to vector<16xi32>
        %add3A_162 = arith.addi %add3A_161, %iota3A : vector<16xi32>
        %add3A_163 = arith.constant 32 : i32
        %add3A_164 = vector.broadcast %add3A_163 : i32 to vector<16xi32>
        %add3A_165 = arith.addi %add3A_164, %iota3A : vector<16xi32>
        %add3A_166 = arith.constant 48 : i32
        %add3A_167 = vector.broadcast %add3A_166 : i32 to vector<16xi32>
        %add3A_168 = arith.addi %add3A_167, %iota3A : vector<16xi32>
        %scan3A_169 = arith.constant 0 : i32
        %scan3A_170 = arith.constant 0 : i32
        %scan3A_171 = arith.constant 32 : i32
        %scan3A_172 = arith.addi %scan3A_170, %scan3A_171 : i32
        %scan3A_173 = arith.constant 1 : i32
        %scan3A_174 = scf.for %scan3A_184 = %scan3A_170 to %scan3A_172 step %scan3A_173 iter_args(%scan3A_185 = %scan3A_169) -> (i32)  : i32 {
          %mul3A_186 = arith.constant 4 : i32
          %mul3A_187 = arith.muli %scan3A_184, %mul3A_186 : i32
          %add3A_188 = arith.constant 0 : i32
          %add3A_189 = arith.addi %mul3A_187, %add3A_188 : i32
          %add3A_190 = vector.broadcast %add3A_189 : i32 to vector<16xi32>
          %add3A_191 = arith.addi %iota3A, %add3A_190 : vector<16xi32>
          %and3A = arith.constant 127 : i32
          %and3A_192 = vector.broadcast %and3A : i32 to vector<16xi32>
          %and3A_193 = arith.andi %add3A_191, %and3A_192 : vector<16xi32>
          %gather3A = arith.constant 1 : i32
          %gather3A_194 = arith.constant 0 : i32
          %gather3A_195 = arith.constant 0 : i32
          %gather3A_196 = tpu.memref_slice %arg10[%gather3A, %gather3A_194, %gather3A_195] : memref<2x64x128xf32, #tpu.memory_space<vmem>> -> memref<1x64x128xf32, #tpu.memory_space<vmem>>
          %gather3A_197 = tpu.memref_squeeze %gather3A_196 : memref<1x64x128xf32, #tpu.memory_space<vmem>> -> memref<64x128xf32, #tpu.memory_space<vmem>>
          %gather3A_198 = tpu.vector_load_idx %gather3A_197[%add3A_159, %and3A_193] : memref<64x128xf32, #tpu.memory_space<vmem>>[vector<16xi32>, vector<16xi32>], vector<16xf32>,
          %mul3A_199 = arith.mulf %gather3A_198, %get3A_147 : vector<16xf32>
          tpu.vector_store_idx %arg11[%add3A_159, %and3A_193], %mul3A_199 : memref<64x128xf32, #tpu.memory_space<vmem>>[vector<16xi32>, vector<16xi32>], vector<16xf32>,
          %gather3A_200 = arith.constant 1 : i32
          %gather3A_201 = arith.constant 0 : i32
          %gather3A_202 = arith.constant 0 : i32
          %gather3A_203 = tpu.memref_slice %arg10[%gather3A_200, %gather3A_201, %gather3A_202] : memref<2x64x128xf32, #tpu.memory_space<vmem>> -> memref<1x64x128xf32, #tpu.memory_space<vmem>>
          %gather3A_204 = tpu.memref_squeeze %gather3A_203 : memref<1x64x128xf32, #tpu.memory_space<vmem>> -> memref<64x128xf32, #tpu.memory_space<vmem>>
          %gather3A_205 = tpu.vector_load_idx %gather3A_204[%add3A_162, %and3A_193] : memref<64x128xf32, #tpu.memory_space<vmem>>[vector<16xi32>, vector<16xi32>], vector<16xf32>,
          %mul3A_206 = arith.mulf %gather3A_205, %get3A_150 : vector<16xf32>
          tpu.vector_store_idx %arg11[%add3A_162, %and3A_193], %mul3A_206 : memref<64x128xf32, #tpu.memory_space<vmem>>[vector<16xi32>, vector<16xi32>], vector<16xf32>,
          %gather3A_207 = arith.constant 1 : i32
          %gather3A_208 = arith.constant 0 : i32
          %gather3A_209 = arith.constant 0 : i32
          %gather3A_210 = tpu.memref_slice %arg10[%gather3A_207, %gather3A_208, %gather3A_209] : memref<2x64x128xf32, #tpu.memory_space<vmem>> -> memref<1x64x128xf32, #tpu.memory_space<vmem>>
          %gather3A_211 = tpu.memref_squeeze %gather3A_210 : memref<1x64x128xf32, #tpu.memory_space<vmem>> -> memref<64x128xf32, #tpu.memory_space<vmem>>
          %gather3A_212 = tpu.vector_load_idx %gather3A_211[%add3A_165, %and3A_193] : memref<64x128xf32, #tpu.memory_space<vmem>>[vector<16xi32>, vector<16xi32>], vector<16xf32>,
          %mul3A_213 = arith.mulf %gather3A_212, %get3A_153 : vector<16xf32>
          tpu.vector_store_idx %arg11[%add3A_165, %and3A_193], %mul3A_213 : memref<64x128xf32, #tpu.memory_space<vmem>>[vector<16xi32>, vector<16xi32>], vector<16xf32>,
          %gather3A_214 = arith.constant 1 : i32
          %gather3A_215 = arith.constant 0 : i32
          %gather3A_216 = arith.constant 0 : i32
          %gather3A_217 = tpu.memref_slice %arg10[%gather3A_214, %gather3A_215, %gather3A_216] : memref<2x64x128xf32, #tpu.memory_space<vmem>> -> memref<1x64x128xf32, #tpu.memory_space<vmem>>
          %gather3A_218 = tpu.memref_squeeze %gather3A_217 : memref<1x64x128xf32, #tpu.memory_space<vmem>> -> memref<64x128xf32, #tpu.memory_space<vmem>>
          %gather3A_219 = tpu.vector_load_idx %gather3A_218[%add3A_168, %and3A_193] : memref<64x128xf32, #tpu.memory_space<vmem>>[vector<16xi32>, vector<16xi32>], vector<16xf32>,
          %mul3A_220 = arith.mulf %gather3A_219, %get3A_156 : vector<16xf32>
          tpu.vector_store_idx %arg11[%add3A_168, %and3A_193], %mul3A_220 : memref<64x128xf32, #tpu.memory_space<vmem>>[vector<16xi32>, vector<16xi32>], vector<16xf32>,
          %mul3A_221 = arith.constant 4 : i32
          %mul3A_222 = arith.muli %scan3A_184, %mul3A_221 : i32
          %add3A_223 = arith.constant 1 : i32
          %add3A_224 = arith.addi %mul3A_222, %add3A_223 : i32
          %add3A_225 = vector.broadcast %add3A_224 : i32 to vector<16xi32>
          %add3A_226 = arith.addi %iota3A, %add3A_225 : vector<16xi32>
          %and3A_227 = arith.constant 127 : i32
          %and3A_228 = vector.broadcast %and3A_227 : i32 to vector<16xi32>
          %and3A_229 = arith.andi %add3A_226, %and3A_228 : vector<16xi32>
          %gather3A_230 = arith.constant 1 : i32
          %gather3A_231 = arith.constant 0 : i32
          %gather3A_232 = arith.constant 0 : i32
          %gather3A_233 = tpu.memref_slice %arg10[%gather3A_230, %gather3A_231, %gather3A_232] : memref<2x64x128xf32, #tpu.memory_space<vmem>> -> memref<1x64x128xf32, #tpu.memory_space<vmem>>
          %gather3A_234 = tpu.memref_squeeze %gather3A_233 : memref<1x64x128xf32, #tpu.memory_space<vmem>> -> memref<64x128xf32, #tpu.memory_space<vmem>>
          %gather3A_235 = tpu.vector_load_idx %gather3A_234[%add3A_159, %and3A_229] : memref<64x128xf32, #tpu.memory_space<vmem>>[vector<16xi32>, vector<16xi32>], vector<16xf32>,
          %mul3A_236 = arith.mulf %gather3A_235, %get3A_147 : vector<16xf32>
          tpu.vector_store_idx %arg11[%add3A_159, %and3A_229], %mul3A_236 : memref<64x128xf32, #tpu.memory_space<vmem>>[vector<16xi32>, vector<16xi32>], vector<16xf32>,
          %gather3A_237 = arith.constant 1 : i32
          %gather3A_238 = arith.constant 0 : i32
          %gather3A_239 = arith.constant 0 : i32
          %gather3A_240 = tpu.memref_slice %arg10[%gather3A_237, %gather3A_238, %gather3A_239] : memref<2x64x128xf32, #tpu.memory_space<vmem>> -> memref<1x64x128xf32, #tpu.memory_space<vmem>>
          %gather3A_241 = tpu.memref_squeeze %gather3A_240 : memref<1x64x128xf32, #tpu.memory_space<vmem>> -> memref<64x128xf32, #tpu.memory_space<vmem>>
          %gather3A_242 = tpu.vector_load_idx %gather3A_241[%add3A_162, %and3A_229] : memref<64x128xf32, #tpu.memory_space<vmem>>[vector<16xi32>, vector<16xi32>], vector<16xf32>,
          %mul3A_243 = arith.mulf %gather3A_242, %get3A_150 : vector<16xf32>
          tpu.vector_store_idx %arg11[%add3A_162, %and3A_229], %mul3A_243 : memref<64x128xf32, #tpu.memory_space<vmem>>[vector<16xi32>, vector<16xi32>], vector<16xf32>,
          %gather3A_244 = arith.constant 1 : i32
          %gather3A_245 = arith.constant 0 : i32
          %gather3A_246 = arith.constant 0 : i32
          %gather3A_247 = tpu.memref_slice %arg10[%gather3A_244, %gather3A_245, %gather3A_246] : memref<2x64x128xf32, #tpu.memory_space<vmem>> -> memref<1x64x128xf32, #tpu.memory_space<vmem>>
          %gather3A_248 = tpu.memref_squeeze %gather3A_247 : memref<1x64x128xf32, #tpu.memory_space<vmem>> -> memref<64x128xf32, #tpu.memory_space<vmem>>
          %gather3A_249 = tpu.vector_load_idx %gather3A_248[%add3A_165, %and3A_229] : memref<64x128xf32, #tpu.memory_space<vmem>>[vector<16xi32>, vector<16xi32>], vector<16xf32>,
          %mul3A_250 = arith.mulf %gather3A_249, %get3A_153 : vector<16xf32>
          tpu.vector_store_idx %arg11[%add3A_165, %and3A_229], %mul3A_250 : memref<64x128xf32, #tpu.memory_space<vmem>>[vector<16xi32>, vector<16xi32>], vector<16xf32>,
          %gather3A_251 = arith.constant 1 : i32
          %gather3A_252 = arith.constant 0 : i32
          %gather3A_253 = arith.constant 0 : i32
          %gather3A_254 = tpu.memref_slice %arg10[%gather3A_251, %gather3A_252, %gather3A_253] : memref<2x64x128xf32, #tpu.memory_space<vmem>> -> memref<1x64x128xf32, #tpu.memory_space<vmem>>
          %gather3A_255 = tpu.memref_squeeze %gather3A_254 : memref<1x64x128xf32, #tpu.memory_space<vmem>> -> memref<64x128xf32, #tpu.memory_space<vmem>>
          %gather3A_256 = tpu.vector_load_idx %gather3A_255[%add3A_168, %and3A_229] : memref<64x128xf32, #tpu.memory_space<vmem>>[vector<16xi32>, vector<16xi32>], vector<16xf32>,
          %mul3A_257 = arith.mulf %gather3A_256, %get3A_156 : vector<16xf32>
          tpu.vector_store_idx %arg11[%add3A_168, %and3A_229], %mul3A_257 : memref<64x128xf32, #tpu.memory_space<vmem>>[vector<16xi32>, vector<16xi32>], vector<16xf32>,
          %mul3A_258 = arith.constant 4 : i32
          %mul3A_259 = arith.muli %scan3A_184, %mul3A_258 : i32
          %add3A_260 = arith.constant 2 : i32
          %add3A_261 = arith.addi %mul3A_259, %add3A_260 : i32
          %add3A_262 = vector.broadcast %add3A_261 : i32 to vector<16xi32>
          %add3A_263 = arith.addi %iota3A, %add3A_262 : vector<16xi32>
          %and3A_264 = arith.constant 127 : i32
          %and3A_265 = vector.broadcast %and3A_264 : i32 to vector<16xi32>
          %and3A_266 = arith.andi %add3A_263, %and3A_265 : vector<16xi32>
          %gather3A_267 = arith.constant 1 : i32
          %gather3A_268 = arith.constant 0 : i32
          %gather3A_269 = arith.constant 0 : i32
          %gather3A_270 = tpu.memref_slice %arg10[%gather3A_267, %gather3A_268, %gather3A_269] : memref<2x64x128xf32, #tpu.memory_space<vmem>> -> memref<1x64x128xf32, #tpu.memory_space<vmem>>
          %gather3A_271 = tpu.memref_squeeze %gather3A_270 : memref<1x64x128xf32, #tpu.memory_space<vmem>> -> memref<64x128xf32, #tpu.memory_space<vmem>>
          %gather3A_272 = tpu.vector_load_idx %gather3A_271[%add3A_159, %and3A_266] : memref<64x128xf32, #tpu.memory_space<vmem>>[vector<16xi32>, vector<16xi32>], vector<16xf32>,
          %mul3A_273 = arith.mulf %gather3A_272, %get3A_147 : vector<16xf32>
          tpu.vector_store_idx %arg11[%add3A_159, %and3A_266], %mul3A_273 : memref<64x128xf32, #tpu.memory_space<vmem>>[vector<16xi32>, vector<16xi32>], vector<16xf32>,
          %gather3A_274 = arith.constant 1 : i32
          %gather3A_275 = arith.constant 0 : i32
          %gather3A_276 = arith.constant 0 : i32
          %gather3A_277 = tpu.memref_slice %arg10[%gather3A_274, %gather3A_275, %gather3A_276] : memref<2x64x128xf32, #tpu.memory_space<vmem>> -> memref<1x64x128xf32, #tpu.memory_space<vmem>>
          %gather3A_278 = tpu.memref_squeeze %gather3A_277 : memref<1x64x128xf32, #tpu.memory_space<vmem>> -> memref<64x128xf32, #tpu.memory_space<vmem>>
          %gather3A_279 = tpu.vector_load_idx %gather3A_278[%add3A_162, %and3A_266] : memref<64x128xf32, #tpu.memory_space<vmem>>[vector<16xi32>, vector<16xi32>], vector<16xf32>,
          %mul3A_280 = arith.mulf %gather3A_279, %get3A_150 : vector<16xf32>
          tpu.vector_store_idx %arg11[%add3A_162, %and3A_266], %mul3A_280 : memref<64x128xf32, #tpu.memory_space<vmem>>[vector<16xi32>, vector<16xi32>], vector<16xf32>,
          %gather3A_281 = arith.constant 1 : i32
          %gather3A_282 = arith.constant 0 : i32
          %gather3A_283 = arith.constant 0 : i32
          %gather3A_284 = tpu.memref_slice %arg10[%gather3A_281, %gather3A_282, %gather3A_283] : memref<2x64x128xf32, #tpu.memory_space<vmem>> -> memref<1x64x128xf32, #tpu.memory_space<vmem>>
          %gather3A_285 = tpu.memref_squeeze %gather3A_284 : memref<1x64x128xf32, #tpu.memory_space<vmem>> -> memref<64x128xf32, #tpu.memory_space<vmem>>
          %gather3A_286 = tpu.vector_load_idx %gather3A_285[%add3A_165, %and3A_266] : memref<64x128xf32, #tpu.memory_space<vmem>>[vector<16xi32>, vector<16xi32>], vector<16xf32>,
          %mul3A_287 = arith.mulf %gather3A_286, %get3A_153 : vector<16xf32>
          tpu.vector_store_idx %arg11[%add3A_165, %and3A_266], %mul3A_287 : memref<64x128xf32, #tpu.memory_space<vmem>>[vector<16xi32>, vector<16xi32>], vector<16xf32>,
          %gather3A_288 = arith.constant 1 : i32
          %gather3A_289 = arith.constant 0 : i32
          %gather3A_290 = arith.constant 0 : i32
          %gather3A_291 = tpu.memref_slice %arg10[%gather3A_288, %gather3A_289, %gather3A_290] : memref<2x64x128xf32, #tpu.memory_space<vmem>> -> memref<1x64x128xf32, #tpu.memory_space<vmem>>
          %gather3A_292 = tpu.memref_squeeze %gather3A_291 : memref<1x64x128xf32, #tpu.memory_space<vmem>> -> memref<64x128xf32, #tpu.memory_space<vmem>>
          %gather3A_293 = tpu.vector_load_idx %gather3A_292[%add3A_168, %and3A_266] : memref<64x128xf32, #tpu.memory_space<vmem>>[vector<16xi32>, vector<16xi32>], vector<16xf32>,
          %mul3A_294 = arith.mulf %gather3A_293, %get3A_156 : vector<16xf32>
          tpu.vector_store_idx %arg11[%add3A_168, %and3A_266], %mul3A_294 : memref<64x128xf32, #tpu.memory_space<vmem>>[vector<16xi32>, vector<16xi32>], vector<16xf32>,
          %mul3A_295 = arith.constant 4 : i32
          %mul3A_296 = arith.muli %scan3A_184, %mul3A_295 : i32
          %add3A_297 = arith.constant 3 : i32
          %add3A_298 = arith.addi %mul3A_296, %add3A_297 : i32
          %add3A_299 = vector.broadcast %add3A_298 : i32 to vector<16xi32>
          %add3A_300 = arith.addi %iota3A, %add3A_299 : vector<16xi32>
          %and3A_301 = arith.constant 127 : i32
          %and3A_302 = vector.broadcast %and3A_301 : i32 to vector<16xi32>
          %and3A_303 = arith.andi %add3A_300, %and3A_302 : vector<16xi32>
          %gather3A_304 = arith.constant 1 : i32
          %gather3A_305 = arith.constant 0 : i32
          %gather3A_306 = arith.constant 0 : i32
          %gather3A_307 = tpu.memref_slice %arg10[%gather3A_304, %gather3A_305, %gather3A_306] : memref<2x64x128xf32, #tpu.memory_space<vmem>> -> memref<1x64x128xf32, #tpu.memory_space<vmem>>
          %gather3A_308 = tpu.memref_squeeze %gather3A_307 : memref<1x64x128xf32, #tpu.memory_space<vmem>> -> memref<64x128xf32, #tpu.memory_space<vmem>>
          %gather3A_309 = tpu.vector_load_idx %gather3A_308[%add3A_159, %and3A_303] : memref<64x128xf32, #tpu.memory_space<vmem>>[vector<16xi32>, vector<16xi32>], vector<16xf32>,
          %mul3A_310 = arith.mulf %gather3A_309, %get3A_147 : vector<16xf32>
          tpu.vector_store_idx %arg11[%add3A_159, %and3A_303], %mul3A_310 : memref<64x128xf32, #tpu.memory_space<vmem>>[vector<16xi32>, vector<16xi32>], vector<16xf32>,
          %gather3A_311 = arith.constant 1 : i32
          %gather3A_312 = arith.constant 0 : i32
          %gather3A_313 = arith.constant 0 : i32
          %gather3A_314 = tpu.memref_slice %arg10[%gather3A_311, %gather3A_312, %gather3A_313] : memref<2x64x128xf32, #tpu.memory_space<vmem>> -> memref<1x64x128xf32, #tpu.memory_space<vmem>>
          %gather3A_315 = tpu.memref_squeeze %gather3A_314 : memref<1x64x128xf32, #tpu.memory_space<vmem>> -> memref<64x128xf32, #tpu.memory_space<vmem>>
          %gather3A_316 = tpu.vector_load_idx %gather3A_315[%add3A_162, %and3A_303] : memref<64x128xf32, #tpu.memory_space<vmem>>[vector<16xi32>, vector<16xi32>], vector<16xf32>,
          %mul3A_317 = arith.mulf %gather3A_316, %get3A_150 : vector<16xf32>
          tpu.vector_store_idx %arg11[%add3A_162, %and3A_303], %mul3A_317 : memref<64x128xf32, #tpu.memory_space<vmem>>[vector<16xi32>, vector<16xi32>], vector<16xf32>,
          %gather3A_318 = arith.constant 1 : i32
          %gather3A_319 = arith.constant 0 : i32
          %gather3A_320 = arith.constant 0 : i32
          %gather3A_321 = tpu.memref_slice %arg10[%gather3A_318, %gather3A_319, %gather3A_320] : memref<2x64x128xf32, #tpu.memory_space<vmem>> -> memref<1x64x128xf32, #tpu.memory_space<vmem>>
          %gather3A_322 = tpu.memref_squeeze %gather3A_321 : memref<1x64x128xf32, #tpu.memory_space<vmem>> -> memref<64x128xf32, #tpu.memory_space<vmem>>
          %gather3A_323 = tpu.vector_load_idx %gather3A_322[%add3A_165, %and3A_303] : memref<64x128xf32, #tpu.memory_space<vmem>>[vector<16xi32>, vector<16xi32>], vector<16xf32>,
          %mul3A_324 = arith.mulf %gather3A_323, %get3A_153 : vector<16xf32>
          tpu.vector_store_idx %arg11[%add3A_165, %and3A_303], %mul3A_324 : memref<64x128xf32, #tpu.memory_space<vmem>>[vector<16xi32>, vector<16xi32>], vector<16xf32>,
          %gather3A_325 = arith.constant 1 : i32
          %gather3A_326 = arith.constant 0 : i32
          %gather3A_327 = arith.constant 0 : i32
          %gather3A_328 = tpu.memref_slice %arg10[%gather3A_325, %gather3A_326, %gather3A_327] : memref<2x64x128xf32, #tpu.memory_space<vmem>> -> memref<1x64x128xf32, #tpu.memory_space<vmem>>
          %gather3A_329 = tpu.memref_squeeze %gather3A_328 : memref<1x64x128xf32, #tpu.memory_space<vmem>> -> memref<64x128xf32, #tpu.memory_space<vmem>>
          %gather3A_330 = tpu.vector_load_idx %gather3A_329[%add3A_168, %and3A_303] : memref<64x128xf32, #tpu.memory_space<vmem>>[vector<16xi32>, vector<16xi32>], vector<16xf32>,
          %mul3A_331 = arith.mulf %gather3A_330, %get3A_156 : vector<16xf32>
          tpu.vector_store_idx %arg11[%add3A_168, %and3A_303], %mul3A_331 : memref<64x128xf32, #tpu.memory_space<vmem>>[vector<16xi32>, vector<16xi32>], vector<16xf32>,
          %scan3A_332 = arith.constant 0 : i32
          scf.yield %scan3A_332 : i32
        }
        %scan3A_175 = arith.constant 32 : i32
        "tpu.region"() ({
          %run_scoped3A_184 = tpu.sem_alloc : memref<!tpu.dma_semaphore, #tpu.memory_space<semaphore_mem>>
          %dma_start3A_185 = arith.constant 0 : i32
          %dma_start3A_186 = tpu.memref_slice %arg8[%add3A_133, %dma_start3A_185] : memref<56x64xi32, #tpu.memory_space<vmem>> -> memref<1x64xi32, #tpu.memory_space<vmem>>
          %dma_start3A_187 = tpu.memref_squeeze %dma_start3A_186 : memref<1x64xi32, #tpu.memory_space<vmem>> -> memref<64xi32, #tpu.memory_space<vmem>>
          %dma_start3A_188 = arith.constant 0 : i32
          %dma_start3A_189 = arith.constant 0 : i32
          %dma_start3A_190 = tpu.memref_slice %arg14[%dma_start3A_188, %dma_start3A_189] : memref<10240x128xf32, #tpu.memory_space<vmem_shared>> -> memref<10240x128xf32, #tpu.memory_space<vmem_shared>>
          tpu.enqueue_indirect_dma source(%arg11 : memref<64x128xf32, #tpu.memory_space<vmem>>) target(%dma_start3A_190 : memref<10240x128xf32, #tpu.memory_space<vmem_shared>>) offsets(%dma_start3A_187 : memref<64xi32, #tpu.memory_space<vmem>>) semaphore(%run_scoped3A_184 : memref<!tpu.dma_semaphore, #tpu.memory_space<semaphore_mem>>) {add = true}
          %dma_wait3A_191 = arith.constant 0 : i32
          %dma_wait3A_192 = tpu.memref_slice %arg8[%add3A_133, %dma_wait3A_191] : memref<56x64xi32, #tpu.memory_space<vmem>> -> memref<1x64xi32, #tpu.memory_space<vmem>>
          %dma_wait3A_193 = tpu.memref_squeeze %dma_wait3A_192 : memref<1x64xi32, #tpu.memory_space<vmem>> -> memref<64xi32, #tpu.memory_space<vmem>>
          %dma_wait3A_194 = arith.constant 0 : i32
          %dma_wait3A_195 = arith.constant 0 : i32
          %dma_wait3A_196 = tpu.memref_slice %arg14[%dma_wait3A_194, %dma_wait3A_195] : memref<10240x128xf32, #tpu.memory_space<vmem_shared>> -> memref<10240x128xf32, #tpu.memory_space<vmem_shared>>
          tpu.wait_indirect_dma semaphore(%run_scoped3A_184 : memref<!tpu.dma_semaphore, #tpu.memory_space<semaphore_mem>>) src(%arg11 : memref<64x128xf32, #tpu.memory_space<vmem>>) dst(%dma_wait3A_196 : memref<10240x128xf32, #tpu.memory_space<vmem_shared>>)
          tpu.yield
        }) : () -> ()
        %add3A_176 = arith.constant 2 : i32
        %add3A_177 = arith.addi %add3A_133, %add3A_176 : i32
        %lt3A_178 = arith.constant 56 : i32
        %lt3A_179 = arith.cmpi slt, %add3A_177, %lt3A_178 : i32
        %convert_element_type3A_180 = arith.extui %lt3A_179 : i1 to i32
        %cond3A_181 = arith.constant 0 : i32
        %cond3A_182 = arith.cmpi ne, %convert_element_type3A_180, %cond3A_181 : i32
        scf.if %cond3A_182 {
          %add3A_184 = arith.constant 2 : i32
          %add3A_185 = arith.addi %add3A_133, %add3A_184 : i32
          %dma_start3A_186 = arith.constant 1 : i32
          %dma_start3A_187 = arith.constant 0 : i32
          %dma_start3A_188 = arith.constant 0 : i32
          %dma_start3A_189 = tpu.memref_slice %arg10[%dma_start3A_186, %dma_start3A_187, %dma_start3A_188] : memref<2x64x128xf32, #tpu.memory_space<vmem>> -> memref<1x64x128xf32, #tpu.memory_space<vmem>>
          %dma_start3A_190 = tpu.memref_squeeze %dma_start3A_189 : memref<1x64x128xf32, #tpu.memory_space<vmem>> -> memref<64x128xf32, #tpu.memory_space<vmem>>
          %dma_start3A_191 = arith.constant 0 : i32
          %dma_start3A_192 = tpu.memref_slice %arg7[%add3A_185, %dma_start3A_191] : memref<56x64xi32, #tpu.memory_space<vmem>> -> memref<1x64xi32, #tpu.memory_space<vmem>>
          %dma_start3A_193 = tpu.memref_squeeze %dma_start3A_192 : memref<1x64xi32, #tpu.memory_space<vmem>> -> memref<64xi32, #tpu.memory_space<vmem>>
          %dma_start3A_194 = arith.constant 0 : i32
          %dma_start3A_195 = arith.constant 0 : i32
          %dma_start3A_196 = tpu.memref_slice %arg2[%dma_start3A_194, %dma_start3A_195] : memref<10240x128xf32, #tpu.memory_space<hbm>> -> memref<10240x128xf32, #tpu.memory_space<hbm>>
          tpu.enqueue_indirect_dma source(%dma_start3A_196 : memref<10240x128xf32, #tpu.memory_space<hbm>>) target(%dma_start3A_190 : memref<64x128xf32, #tpu.memory_space<vmem>>) offsets(%dma_start3A_193 : memref<64xi32, #tpu.memory_space<vmem>>) semaphore(%arg13 : memref<!tpu.dma_semaphore, #tpu.memory_space<semaphore_mem>>)
        } else {
        }
        %scan3A_183 = arith.constant 0 : i32
        scf.yield %scan3A_183 : i32
      }
      %scan3A_78 = arith.constant 28 : i32
      %scan3A_79 = arith.constant 0 : i32
      scf.yield %scan3A_79 : i32
    }
    %scan3A_45 = arith.constant 3 : i32
    %barrier3A_46 = arith.constant 0 : index
    tpu.barrier barrier_id(%barrier3A_46)
    "tpu.region"() ({
      %run_scoped3A_47 = tpu.sem_alloc : memref<!tpu.dma_semaphore, #tpu.memory_space<semaphore_mem>>
      %dma_start3A = arith.constant 0 : i32
      %dma_start3A_48 = arith.constant 0 : i32
      %dma_start3A_49 = tpu.memref_slice %arg6[%arg0, %dma_start3A, %dma_start3A_48] : memref<2x10240x128xf32, #tpu.memory_space<hbm>> -> memref<1x10240x128xf32, #tpu.memory_space<hbm>>
      %dma_start3A_50 = tpu.memref_squeeze %dma_start3A_49 : memref<1x10240x128xf32, #tpu.memory_space<hbm>> -> memref<10240x128xf32, #tpu.memory_space<hbm>>
      %dma_start3A_51 = arith.constant 0 : i32
      %dma_start3A_52 = tpu.memref_slice %dma_start3A_50[%mul3A_9, %dma_start3A_51] : memref<10240x128xf32, #tpu.memory_space<hbm>> -> memref<640x128xf32, #tpu.memory_space<hbm>>
      %dma_start3A_53 = arith.constant 0 : i32
      %dma_start3A_54 = tpu.memref_slice %arg14[%mul3A_9, %dma_start3A_53] : memref<10240x128xf32, #tpu.memory_space<vmem_shared>> -> memref<640x128xf32, #tpu.memory_space<vmem_shared>>
      tpu.enqueue_dma source(%dma_start3A_54 : memref<640x128xf32, #tpu.memory_space<vmem_shared>>) target(%dma_start3A_52 : memref<640x128xf32, #tpu.memory_space<hbm>>) target_semaphore(%run_scoped3A_47 : memref<!tpu.dma_semaphore, #tpu.memory_space<semaphore_mem>>)
      %dma_wait3A = arith.constant 0 : i32
      %dma_wait3A_55 = arith.constant 0 : i32
      %dma_wait3A_56 = tpu.memref_slice %arg6[%arg0, %dma_wait3A, %dma_wait3A_55] : memref<2x10240x128xf32, #tpu.memory_space<hbm>> -> memref<1x10240x128xf32, #tpu.memory_space<hbm>>
      %dma_wait3A_57 = tpu.memref_squeeze %dma_wait3A_56 : memref<1x10240x128xf32, #tpu.memory_space<hbm>> -> memref<10240x128xf32, #tpu.memory_space<hbm>>
      %dma_wait3A_58 = arith.constant 0 : i32
      %dma_wait3A_59 = tpu.memref_slice %dma_wait3A_57[%mul3A_9, %dma_wait3A_58] : memref<10240x128xf32, #tpu.memory_space<hbm>> -> memref<640x128xf32, #tpu.memory_space<hbm>>
      %dma_wait3A_60 = arith.constant 0 : i32
      %dma_wait3A_61 = tpu.memref_slice %arg14[%mul3A_9, %dma_wait3A_60] : memref<10240x128xf32, #tpu.memory_space<vmem_shared>> -> memref<640x128xf32, #tpu.memory_space<vmem_shared>>
      tpu.wait_dma2 semaphore(%run_scoped3A_47 : memref<!tpu.dma_semaphore, #tpu.memory_space<semaphore_mem>>) src(%dma_wait3A_61 : memref<640x128xf32, #tpu.memory_space<vmem_shared>>) dst(%dma_wait3A_59 : memref<640x128xf32, #tpu.memory_space<hbm>>)
      tpu.yield
    }) : () -> ()
    return
  }
}

#map = affine_map<(d0, d1) -> (0)>
#map1 = affine_map<(d0, d1) -> (0, 0, 0)>
#map2 = affine_map<(d0, d1) -> (0, 0)>
module attributes {stable_mosaic.version = 14 : i64} {
  func.func @_sc_den_body(%arg0: i32, %arg1: i32, %arg2: memref<10240xf32, #tpu.memory_space<hbm>>, %arg3: memref<10240xf32, #tpu.memory_space<hbm>>, %arg4: memref<32x21x512xi32, #tpu.memory_space<hbm>>, %arg5: memref<32x21x512xi32, #tpu.memory_space<hbm>>, %arg6: memref<16xf32, #tpu.memory_space<hbm>>, %arg7: memref<16xf32, #tpu.memory_space<hbm>>, %arg8: memref<2x10240xf32, #tpu.memory_space<hbm>>, %arg9: memref<32x21x512xf32, #tpu.memory_space<hbm>>, %arg10: memref<10240xf32, #tpu.memory_space<vmem>>, %arg11: memref<10240xf32, #tpu.memory_space<vmem>>, %arg12: memref<16xf32, #tpu.memory_space<vmem>>, %arg13: memref<16xf32, #tpu.memory_space<vmem>>, %arg14: memref<21x512xi32, #tpu.memory_space<vmem>>, %arg15: memref<21x512xi32, #tpu.memory_space<vmem>>, %arg16: memref<512xi32, #tpu.memory_space<vmem>>, %arg17: memref<512xf32, #tpu.memory_space<vmem>>, %arg18: memref<10240xf32, #tpu.memory_space<vmem_shared>>) attributes {dimension_semantics = [#tpu.dimension_semantics<core_parallel>, #tpu.dimension_semantics<subcore_parallel>], iteration_bounds = array<i64: 2, 16>, scalar_prefetch = 0 : i64, scratch_operands = 9 : i64, tpu.core_type = #tpu.core_type<sc_vector_subcore>, window_params = [{transform_indices = #map}, {transform_indices = #map}, {transform_indices = #map1}, {transform_indices = #map1}, {transform_indices = #map}, {transform_indices = #map}, {transform_indices = #map2}, {transform_indices = #map1}]} {
    %mul3A = arith.constant 16 : i32
    %mul3A_0 = arith.muli %arg0, %mul3A : i32
    %add3A = arith.addi %mul3A_0, %arg1 : i32
    %broadcast_in_dim3A = arith.constant 0.000000e+00 : f32
    %broadcast_in_dim3A_1 = vector.broadcast %broadcast_in_dim3A : f32 to vector<16xf32>
    %mul3A_2 = arith.constant 640 : i32
    %mul3A_3 = arith.muli %arg1, %mul3A_2 : i32
    %scan3A = arith.constant 0 : i32
    %scan3A_4 = arith.constant 0 : i32
    %scan3A_5 = arith.constant 32 : i32
    %scan3A_6 = arith.addi %scan3A_4, %scan3A_5 : i32
    %scan3A_7 = arith.constant 1 : i32
    %scan3A_8 = scf.for %scan3A_33 = %scan3A_4 to %scan3A_6 step %scan3A_7 iter_args(%scan3A_34 = %scan3A) -> (i32)  : i32 {
      %mul3A_35 = arith.constant 16 : i32
      %mul3A_36 = arith.muli %scan3A_33, %mul3A_35 : i32
      %swap3A = arith.index_cast %mul3A_36 : i32 to index
      %swap3A_37 = tpu.vector_load %arg17[%swap3A] {strides = array<i32>} : memref<512xf32, #tpu.memory_space<vmem>>, vector<16xf32>,
      tpu.vector_store %arg17[%swap3A], %broadcast_in_dim3A_1 {strides = array<i32>} : memref<512xf32, #tpu.memory_space<vmem>>, vector<16xf32>,
      %scan3A_38 = arith.constant 0 : i32
      scf.yield %scan3A_38 : i32
    }
    %scan3A_9 = arith.constant 32 : i32
    %scan3A_10 = arith.constant 0 : i32
    %scan3A_11 = arith.constant 0 : i32
    %mul3A_12 = arith.constant 512 : i32
    %mul3A_13 = arith.muli %scan3A_11, %mul3A_12 : i32
    %add3A_14 = arith.addi %mul3A_3, %mul3A_13 : i32
    "tpu.region"() ({
      %run_scoped3A = tpu.sem_alloc : memref<!tpu.dma_semaphore, #tpu.memory_space<semaphore_mem>>
      %dma_start3A = tpu.memref_slice %arg18[%add3A_14] : memref<10240xf32, #tpu.memory_space<vmem_shared>> -> memref<512xf32, #tpu.memory_space<vmem_shared>>
      %dma_start3A_33 = tpu.memref_slice %arg18[%add3A_14] : memref<10240xf32, #tpu.memory_space<vmem_shared>> -> memref<512xf32, #tpu.memory_space<vmem_shared>>
      tpu.enqueue_dma source(%arg17 : memref<512xf32, #tpu.memory_space<vmem>>) target(%dma_start3A_33 : memref<512xf32, #tpu.memory_space<vmem_shared>>) target_semaphore(%run_scoped3A : memref<!tpu.dma_semaphore, #tpu.memory_space<semaphore_mem>>)
      %dma_wait3A = tpu.memref_slice %arg18[%add3A_14] : memref<10240xf32, #tpu.memory_space<vmem_shared>> -> memref<512xf32, #tpu.memory_space<vmem_shared>>
      %dma_wait3A_34 = tpu.memref_slice %arg18[%add3A_14] : memref<10240xf32, #tpu.memory_space<vmem_shared>> -> memref<512xf32, #tpu.memory_space<vmem_shared>>
      tpu.wait_dma2 semaphore(%run_scoped3A : memref<!tpu.dma_semaphore, #tpu.memory_space<semaphore_mem>>) src(%arg17 : memref<512xf32, #tpu.memory_space<vmem>>) dst(%dma_wait3A_34 : memref<512xf32, #tpu.memory_space<vmem_shared>>)
      tpu.yield
    }) : () -> ()
    %scan3A_15 = arith.constant 0 : i32
    %scan3A_16 = arith.constant 1 : i32
    %add3A_17 = arith.constant 512 : i32
    %add3A_18 = arith.addi %mul3A_3, %add3A_17 : i32
    "tpu.region"() ({
      %run_scoped3A = tpu.sem_alloc : memref<!tpu.dma_semaphore, #tpu.memory_space<semaphore_mem>>
      %dma_start3A = arith.constant 0 : i32
      %dma_start3A_33 = tpu.memref_slice %arg17[%dma_start3A] : memref<512xf32, #tpu.memory_space<vmem>> -> memref<128xf32, #tpu.memory_space<vmem>>
      %dma_start3A_34 = tpu.memref_slice %arg18[%add3A_18] : memref<10240xf32, #tpu.memory_space<vmem_shared>> -> memref<128xf32, #tpu.memory_space<vmem_shared>>
      %dma_start3A_35 = tpu.memref_slice %arg18[%add3A_18] : memref<10240xf32, #tpu.memory_space<vmem_shared>> -> memref<128xf32, #tpu.memory_space<vmem_shared>>
      %dma_start3A_36 = arith.constant 0 : i32
      %dma_start3A_37 = tpu.memref_slice %arg17[%dma_start3A_36] : memref<512xf32, #tpu.memory_space<vmem>> -> memref<128xf32, #tpu.memory_space<vmem>>
      tpu.enqueue_dma source(%dma_start3A_37 : memref<128xf32, #tpu.memory_space<vmem>>) target(%dma_start3A_35 : memref<128xf32, #tpu.memory_space<vmem_shared>>) target_semaphore(%run_scoped3A : memref<!tpu.dma_semaphore, #tpu.memory_space<semaphore_mem>>)
      %dma_wait3A = arith.constant 0 : i32
      %dma_wait3A_38 = tpu.memref_slice %arg17[%dma_wait3A] : memref<512xf32, #tpu.memory_space<vmem>> -> memref<128xf32, #tpu.memory_space<vmem>>
      %dma_wait3A_39 = tpu.memref_slice %arg18[%add3A_18] : memref<10240xf32, #tpu.memory_space<vmem_shared>> -> memref<128xf32, #tpu.memory_space<vmem_shared>>
      %dma_wait3A_40 = tpu.memref_slice %arg18[%add3A_18] : memref<10240xf32, #tpu.memory_space<vmem_shared>> -> memref<128xf32, #tpu.memory_space<vmem_shared>>
      %dma_wait3A_41 = arith.constant 0 : i32
      %dma_wait3A_42 = tpu.memref_slice %arg17[%dma_wait3A_41] : memref<512xf32, #tpu.memory_space<vmem>> -> memref<128xf32, #tpu.memory_space<vmem>>
      tpu.wait_dma2 semaphore(%run_scoped3A : memref<!tpu.dma_semaphore, #tpu.memory_space<semaphore_mem>>) src(%dma_wait3A_42 : memref<128xf32, #tpu.memory_space<vmem>>) dst(%dma_wait3A_40 : memref<128xf32, #tpu.memory_space<vmem_shared>>)
      tpu.yield
    }) : () -> ()
    "tpu.region"() ({
      %run_scoped3A = tpu.sem_alloc : memref<!tpu.dma_semaphore, #tpu.memory_space<semaphore_mem>>
      tpu.enqueue_dma source(%arg2 : memref<10240xf32, #tpu.memory_space<hbm>>) target(%arg10 : memref<10240xf32, #tpu.memory_space<vmem>>) target_semaphore(%run_scoped3A : memref<!tpu.dma_semaphore, #tpu.memory_space<semaphore_mem>>)
      tpu.wait_dma2 semaphore(%run_scoped3A : memref<!tpu.dma_semaphore, #tpu.memory_space<semaphore_mem>>) src(%arg2 : memref<10240xf32, #tpu.memory_space<hbm>>) dst(%arg10 : memref<10240xf32, #tpu.memory_space<vmem>>)
      tpu.yield
    }) : () -> ()
    "tpu.region"() ({
      %run_scoped3A = tpu.sem_alloc : memref<!tpu.dma_semaphore, #tpu.memory_space<semaphore_mem>>
      tpu.enqueue_dma source(%arg3 : memref<10240xf32, #tpu.memory_space<hbm>>) target(%arg11 : memref<10240xf32, #tpu.memory_space<vmem>>) target_semaphore(%run_scoped3A : memref<!tpu.dma_semaphore, #tpu.memory_space<semaphore_mem>>)
      tpu.wait_dma2 semaphore(%run_scoped3A : memref<!tpu.dma_semaphore, #tpu.memory_space<semaphore_mem>>) src(%arg3 : memref<10240xf32, #tpu.memory_space<hbm>>) dst(%arg11 : memref<10240xf32, #tpu.memory_space<vmem>>)
      tpu.yield
    }) : () -> ()
    "tpu.region"() ({
      %run_scoped3A = tpu.sem_alloc : memref<!tpu.dma_semaphore, #tpu.memory_space<semaphore_mem>>
      tpu.enqueue_dma source(%arg6 : memref<16xf32, #tpu.memory_space<hbm>>) target(%arg12 : memref<16xf32, #tpu.memory_space<vmem>>) target_semaphore(%run_scoped3A : memref<!tpu.dma_semaphore, #tpu.memory_space<semaphore_mem>>)
      tpu.wait_dma2 semaphore(%run_scoped3A : memref<!tpu.dma_semaphore, #tpu.memory_space<semaphore_mem>>) src(%arg6 : memref<16xf32, #tpu.memory_space<hbm>>) dst(%arg12 : memref<16xf32, #tpu.memory_space<vmem>>)
      tpu.yield
    }) : () -> ()
    "tpu.region"() ({
      %run_scoped3A = tpu.sem_alloc : memref<!tpu.dma_semaphore, #tpu.memory_space<semaphore_mem>>
      tpu.enqueue_dma source(%arg7 : memref<16xf32, #tpu.memory_space<hbm>>) target(%arg13 : memref<16xf32, #tpu.memory_space<vmem>>) target_semaphore(%run_scoped3A : memref<!tpu.dma_semaphore, #tpu.memory_space<semaphore_mem>>)
      tpu.wait_dma2 semaphore(%run_scoped3A : memref<!tpu.dma_semaphore, #tpu.memory_space<semaphore_mem>>) src(%arg7 : memref<16xf32, #tpu.memory_space<hbm>>) dst(%arg13 : memref<16xf32, #tpu.memory_space<vmem>>)
      tpu.yield
    }) : () -> ()
    "tpu.region"() ({
      %run_scoped3A = tpu.sem_alloc : memref<!tpu.dma_semaphore, #tpu.memory_space<semaphore_mem>>
      %dma_start3A = arith.constant 0 : i32
      %dma_start3A_33 = arith.constant 0 : i32
      %dma_start3A_34 = tpu.memref_slice %arg4[%add3A, %dma_start3A, %dma_start3A_33] : memref<32x21x512xi32, #tpu.memory_space<hbm>> -> memref<1x21x512xi32, #tpu.memory_space<hbm>>
      %dma_start3A_35 = tpu.memref_squeeze %dma_start3A_34 : memref<1x21x512xi32, #tpu.memory_space<hbm>> -> memref<21x512xi32, #tpu.memory_space<hbm>>
      %dma_start3A_36 = arith.constant 0 : i32
      %dma_start3A_37 = arith.constant 0 : i32
      %dma_start3A_38 = tpu.memref_slice %arg4[%add3A, %dma_start3A_36, %dma_start3A_37] : memref<32x21x512xi32, #tpu.memory_space<hbm>> -> memref<1x21x512xi32, #tpu.memory_space<hbm>>
      %dma_start3A_39 = tpu.memref_squeeze %dma_start3A_38 : memref<1x21x512xi32, #tpu.memory_space<hbm>> -> memref<21x512xi32, #tpu.memory_space<hbm>>
      tpu.enqueue_dma source(%dma_start3A_39 : memref<21x512xi32, #tpu.memory_space<hbm>>) target(%arg14 : memref<21x512xi32, #tpu.memory_space<vmem>>) target_semaphore(%run_scoped3A : memref<!tpu.dma_semaphore, #tpu.memory_space<semaphore_mem>>)
      %dma_wait3A = arith.constant 0 : i32
      %dma_wait3A_40 = arith.constant 0 : i32
      %dma_wait3A_41 = tpu.memref_slice %arg4[%add3A, %dma_wait3A, %dma_wait3A_40] : memref<32x21x512xi32, #tpu.memory_space<hbm>> -> memref<1x21x512xi32, #tpu.memory_space<hbm>>
      %dma_wait3A_42 = tpu.memref_squeeze %dma_wait3A_41 : memref<1x21x512xi32, #tpu.memory_space<hbm>> -> memref<21x512xi32, #tpu.memory_space<hbm>>
      %dma_wait3A_43 = arith.constant 0 : i32
      %dma_wait3A_44 = arith.constant 0 : i32
      %dma_wait3A_45 = tpu.memref_slice %arg4[%add3A, %dma_wait3A_43, %dma_wait3A_44] : memref<32x21x512xi32, #tpu.memory_space<hbm>> -> memref<1x21x512xi32, #tpu.memory_space<hbm>>
      %dma_wait3A_46 = tpu.memref_squeeze %dma_wait3A_45 : memref<1x21x512xi32, #tpu.memory_space<hbm>> -> memref<21x512xi32, #tpu.memory_space<hbm>>
      tpu.wait_dma2 semaphore(%run_scoped3A : memref<!tpu.dma_semaphore, #tpu.memory_space<semaphore_mem>>) src(%dma_wait3A_46 : memref<21x512xi32, #tpu.memory_space<hbm>>) dst(%arg14 : memref<21x512xi32, #tpu.memory_space<vmem>>)
      tpu.yield
    }) : () -> ()
    "tpu.region"() ({
      %run_scoped3A = tpu.sem_alloc : memref<!tpu.dma_semaphore, #tpu.memory_space<semaphore_mem>>
      %dma_start3A = arith.constant 0 : i32
      %dma_start3A_33 = arith.constant 0 : i32
      %dma_start3A_34 = tpu.memref_slice %arg5[%add3A, %dma_start3A, %dma_start3A_33] : memref<32x21x512xi32, #tpu.memory_space<hbm>> -> memref<1x21x512xi32, #tpu.memory_space<hbm>>
      %dma_start3A_35 = tpu.memref_squeeze %dma_start3A_34 : memref<1x21x512xi32, #tpu.memory_space<hbm>> -> memref<21x512xi32, #tpu.memory_space<hbm>>
      %dma_start3A_36 = arith.constant 0 : i32
      %dma_start3A_37 = arith.constant 0 : i32
      %dma_start3A_38 = tpu.memref_slice %arg5[%add3A, %dma_start3A_36, %dma_start3A_37] : memref<32x21x512xi32, #tpu.memory_space<hbm>> -> memref<1x21x512xi32, #tpu.memory_space<hbm>>
      %dma_start3A_39 = tpu.memref_squeeze %dma_start3A_38 : memref<1x21x512xi32, #tpu.memory_space<hbm>> -> memref<21x512xi32, #tpu.memory_space<hbm>>
      tpu.enqueue_dma source(%dma_start3A_39 : memref<21x512xi32, #tpu.memory_space<hbm>>) target(%arg15 : memref<21x512xi32, #tpu.memory_space<vmem>>) target_semaphore(%run_scoped3A : memref<!tpu.dma_semaphore, #tpu.memory_space<semaphore_mem>>)
      %dma_wait3A = arith.constant 0 : i32
      %dma_wait3A_40 = arith.constant 0 : i32
      %dma_wait3A_41 = tpu.memref_slice %arg5[%add3A, %dma_wait3A, %dma_wait3A_40] : memref<32x21x512xi32, #tpu.memory_space<hbm>> -> memref<1x21x512xi32, #tpu.memory_space<hbm>>
      %dma_wait3A_42 = tpu.memref_squeeze %dma_wait3A_41 : memref<1x21x512xi32, #tpu.memory_space<hbm>> -> memref<21x512xi32, #tpu.memory_space<hbm>>
      %dma_wait3A_43 = arith.constant 0 : i32
      %dma_wait3A_44 = arith.constant 0 : i32
      %dma_wait3A_45 = tpu.memref_slice %arg5[%add3A, %dma_wait3A_43, %dma_wait3A_44] : memref<32x21x512xi32, #tpu.memory_space<hbm>> -> memref<1x21x512xi32, #tpu.memory_space<hbm>>
      %dma_wait3A_46 = tpu.memref_squeeze %dma_wait3A_45 : memref<1x21x512xi32, #tpu.memory_space<hbm>> -> memref<21x512xi32, #tpu.memory_space<hbm>>
      tpu.wait_dma2 semaphore(%run_scoped3A : memref<!tpu.dma_semaphore, #tpu.memory_space<semaphore_mem>>) src(%dma_wait3A_46 : memref<21x512xi32, #tpu.memory_space<hbm>>) dst(%arg15 : memref<21x512xi32, #tpu.memory_space<vmem>>)
      tpu.yield
    }) : () -> ()
    %get3A = arith.constant 0 : index
    %get3A_19 = tpu.vector_load %arg12[%get3A] {strides = array<i32>} : memref<16xf32, #tpu.memory_space<vmem>>, vector<16xf32>,
    %get3A_20 = arith.constant 0 : index
    %get3A_21 = tpu.vector_load %arg13[%get3A_20] {strides = array<i32>} : memref<16xf32, #tpu.memory_space<vmem>>, vector<16xf32>,
    %add3A_22 = arith.addf %get3A_19, %get3A_21 : vector<16xf32>
    %max3A = arith.constant 0.000000e+00 : f32
    %max3A_23 = vector.broadcast %max3A : f32 to vector<16xf32>
    %max3A_24 = arith.maximumf %add3A_22, %max3A_23 : vector<16xf32>
    %barrier3A = arith.constant 0 : index
    tpu.barrier barrier_id(%barrier3A)
    %scan3A_25 = arith.constant 0 : i32
    %scan3A_26 = arith.constant 0 : i32
    %scan3A_27 = arith.constant 21 : i32
    %scan3A_28 = arith.addi %scan3A_26, %scan3A_27 : i32
    %scan3A_29 = arith.constant 1 : i32
    %scan3A_30 = scf.for %scan3A_33 = %scan3A_26 to %scan3A_28 step %scan3A_29 iter_args(%scan3A_34 = %scan3A_25) -> (i32)  : i32 {
      %scan3A_35 = arith.constant 0 : i32
      %scan3A_36 = arith.constant 0 : i32
      %scan3A_37 = arith.constant 32 : i32
      %scan3A_38 = arith.addi %scan3A_36, %scan3A_37 : i32
      %scan3A_39 = arith.constant 1 : i32
      %scan3A_40 = scf.for %scan3A_43 = %scan3A_36 to %scan3A_38 step %scan3A_39 iter_args(%scan3A_44 = %scan3A_35) -> (i32)  : i32 {
        %mul3A_45 = arith.constant 16 : i32
        %mul3A_46 = arith.muli %scan3A_43, %mul3A_45 : i32
        %get3A_47 = arith.index_cast %scan3A_33 : i32 to index
        %get3A_48 = arith.index_cast %mul3A_46 : i32 to index
        %get3A_49 = tpu.vector_load %arg14[%get3A_47, %get3A_48] {strides = array<i32>} : memref<21x512xi32, #tpu.memory_space<vmem>>, vector<16xi32>,
        %get3A_50 = arith.index_cast %scan3A_33 : i32 to index
        %get3A_51 = arith.index_cast %mul3A_46 : i32 to index
        %get3A_52 = tpu.vector_load %arg15[%get3A_50, %get3A_51] {strides = array<i32>} : memref<21x512xi32, #tpu.memory_space<vmem>>, vector<16xi32>,
        %gather3A = tpu.vector_load_idx %arg10[%get3A_49] : memref<10240xf32, #tpu.memory_space<vmem>>[vector<16xi32>], vector<16xf32>,
        %gather3A_53 = tpu.vector_load_idx %arg11[%get3A_52] : memref<10240xf32, #tpu.memory_space<vmem>>[vector<16xi32>], vector<16xf32>,
        %add3A_54 = arith.addf %gather3A, %gather3A_53 : vector<16xf32>
        %ge3A = arith.constant 0.000000e+00 : f32
        %ge3A_55 = vector.broadcast %ge3A : f32 to vector<16xf32>
        %ge3A_56 = arith.cmpf oge, %add3A_54, %ge3A_55 : vector<16xf32>
        %mul3A_57 = arith.constant 2.000000e-01 : f32
        %mul3A_58 = vector.broadcast %mul3A_57 : f32 to vector<16xf32>
        %mul3A_59 = arith.mulf %mul3A_58, %add3A_54 : vector<16xf32>
        %select_n3A = arith.select %ge3A_56, %add3A_54, %mul3A_59 : vector<16xi1>, vector<16xf32>
        %sub3A = arith.subf %select_n3A, %max3A_24 : vector<16xf32>
        %exp3A = math.exp %sub3A : vector<16xf32>
        %swap3A = arith.index_cast %mul3A_46 : i32 to index
        %swap3A_60 = tpu.vector_load %arg17[%swap3A] {strides = array<i32>} : memref<512xf32, #tpu.memory_space<vmem>>, vector<16xf32>,
        tpu.vector_store %arg17[%swap3A], %exp3A {strides = array<i32>} : memref<512xf32, #tpu.memory_space<vmem>>, vector<16xf32>,
        %swap3A_61 = arith.index_cast %mul3A_46 : i32 to index
        %swap3A_62 = tpu.vector_load %arg16[%swap3A_61] {strides = array<i32>} : memref<512xi32, #tpu.memory_space<vmem>>, vector<16xi32>,
        tpu.vector_store %arg16[%swap3A_61], %get3A_52 {strides = array<i32>} : memref<512xi32, #tpu.memory_space<vmem>>, vector<16xi32>,
        %scan3A_63 = arith.constant 0 : i32
        scf.yield %scan3A_63 : i32
      }
      %scan3A_41 = arith.constant 32 : i32
      "tpu.region"() ({
        %run_scoped3A = tpu.sem_alloc : memref<!tpu.dma_semaphore, #tpu.memory_space<semaphore_mem>>
        %dma_start3A = arith.constant 0 : i32
        %dma_start3A_43 = tpu.memref_slice %arg18[%dma_start3A] : memref<10240xf32, #tpu.memory_space<vmem_shared>> -> memref<10240xf32, #tpu.memory_space<vmem_shared>>
        tpu.enqueue_indirect_dma source(%arg17 : memref<512xf32, #tpu.memory_space<vmem>>) target(%dma_start3A_43 : memref<10240xf32, #tpu.memory_space<vmem_shared>>) offsets(%arg16 : memref<512xi32, #tpu.memory_space<vmem>>) semaphore(%run_scoped3A : memref<!tpu.dma_semaphore, #tpu.memory_space<semaphore_mem>>) {add = true}
        %dma_wait3A = arith.constant 0 : i32
        %dma_wait3A_44 = tpu.memref_slice %arg18[%dma_wait3A] : memref<10240xf32, #tpu.memory_space<vmem_shared>> -> memref<10240xf32, #tpu.memory_space<vmem_shared>>
        tpu.wait_indirect_dma semaphore(%run_scoped3A : memref<!tpu.dma_semaphore, #tpu.memory_space<semaphore_mem>>) src(%arg17 : memref<512xf32, #tpu.memory_space<vmem>>) dst(%dma_wait3A_44 : memref<10240xf32, #tpu.memory_space<vmem_shared>>)
        tpu.yield
      }) : () -> ()
      "tpu.region"() ({
        %run_scoped3A = tpu.sem_alloc : memref<!tpu.dma_semaphore, #tpu.memory_space<semaphore_mem>>
        %dma_start3A = arith.constant 0 : i32
        %dma_start3A_43 = arith.constant 0 : i32
        %dma_start3A_44 = tpu.memref_slice %arg9[%add3A, %dma_start3A, %dma_start3A_43] : memref<32x21x512xf32, #tpu.memory_space<hbm>> -> memref<1x21x512xf32, #tpu.memory_space<hbm>>
        %dma_start3A_45 = tpu.memref_squeeze %dma_start3A_44 : memref<1x21x512xf32, #tpu.memory_space<hbm>> -> memref<21x512xf32, #tpu.memory_space<hbm>>
        %dma_start3A_46 = arith.constant 0 : i32
        %dma_start3A_47 = tpu.memref_slice %dma_start3A_45[%scan3A_33, %dma_start3A_46] : memref<21x512xf32, #tpu.memory_space<hbm>> -> memref<1x512xf32, #tpu.memory_space<hbm>>
        %dma_start3A_48 = tpu.memref_squeeze %dma_start3A_47 : memref<1x512xf32, #tpu.memory_space<hbm>> -> memref<512xf32, #tpu.memory_space<hbm>>
        %dma_start3A_49 = arith.constant 0 : i32
        %dma_start3A_50 = arith.constant 0 : i32
        %dma_start3A_51 = tpu.memref_slice %arg9[%add3A, %dma_start3A_49, %dma_start3A_50] : memref<32x21x512xf32, #tpu.memory_space<hbm>> -> memref<1x21x512xf32, #tpu.memory_space<hbm>>
        %dma_start3A_52 = tpu.memref_squeeze %dma_start3A_51 : memref<1x21x512xf32, #tpu.memory_space<hbm>> -> memref<21x512xf32, #tpu.memory_space<hbm>>
        %dma_start3A_53 = arith.constant 0 : i32
        %dma_start3A_54 = tpu.memref_slice %dma_start3A_52[%scan3A_33, %dma_start3A_53] : memref<21x512xf32, #tpu.memory_space<hbm>> -> memref<1x512xf32, #tpu.memory_space<hbm>>
        %dma_start3A_55 = tpu.memref_squeeze %dma_start3A_54 : memref<1x512xf32, #tpu.memory_space<hbm>> -> memref<512xf32, #tpu.memory_space<hbm>>
        tpu.enqueue_dma source(%arg17 : memref<512xf32, #tpu.memory_space<vmem>>) target(%dma_start3A_55 : memref<512xf32, #tpu.memory_space<hbm>>) target_semaphore(%run_scoped3A : memref<!tpu.dma_semaphore, #tpu.memory_space<semaphore_mem>>)
        %dma_wait3A = arith.constant 0 : i32
        %dma_wait3A_56 = arith.constant 0 : i32
        %dma_wait3A_57 = tpu.memref_slice %arg9[%add3A, %dma_wait3A, %dma_wait3A_56] : memref<32x21x512xf32, #tpu.memory_space<hbm>> -> memref<1x21x512xf32, #tpu.memory_space<hbm>>
        %dma_wait3A_58 = tpu.memref_squeeze %dma_wait3A_57 : memref<1x21x512xf32, #tpu.memory_space<hbm>> -> memref<21x512xf32, #tpu.memory_space<hbm>>
        %dma_wait3A_59 = arith.constant 0 : i32
        %dma_wait3A_60 = tpu.memref_slice %dma_wait3A_58[%scan3A_33, %dma_wait3A_59] : memref<21x512xf32, #tpu.memory_space<hbm>> -> memref<1x512xf32, #tpu.memory_space<hbm>>
        %dma_wait3A_61 = tpu.memref_squeeze %dma_wait3A_60 : memref<1x512xf32, #tpu.memory_space<hbm>> -> memref<512xf32, #tpu.memory_space<hbm>>
        %dma_wait3A_62 = arith.constant 0 : i32
        %dma_wait3A_63 = arith.constant 0 : i32
        %dma_wait3A_64 = tpu.memref_slice %arg9[%add3A, %dma_wait3A_62, %dma_wait3A_63] : memref<32x21x512xf32, #tpu.memory_space<hbm>> -> memref<1x21x512xf32, #tpu.memory_space<hbm>>
        %dma_wait3A_65 = tpu.memref_squeeze %dma_wait3A_64 : memref<1x21x512xf32, #tpu.memory_space<hbm>> -> memref<21x512xf32, #tpu.memory_space<hbm>>
        %dma_wait3A_66 = arith.constant 0 : i32
        %dma_wait3A_67 = tpu.memref_slice %dma_wait3A_65[%scan3A_33, %dma_wait3A_66] : memref<21x512xf32, #tpu.memory_space<hbm>> -> memref<1x512xf32, #tpu.memory_space<hbm>>
        %dma_wait3A_68 = tpu.memref_squeeze %dma_wait3A_67 : memref<1x512xf32, #tpu.memory_space<hbm>> -> memref<512xf32, #tpu.memory_space<hbm>>
        tpu.wait_dma2 semaphore(%run_scoped3A : memref<!tpu.dma_semaphore, #tpu.memory_space<semaphore_mem>>) src(%arg17 : memref<512xf32, #tpu.memory_space<vmem>>) dst(%dma_wait3A_68 : memref<512xf32, #tpu.memory_space<hbm>>)
        tpu.yield
      }) : () -> ()
      %scan3A_42 = arith.constant 0 : i32
      scf.yield %scan3A_42 : i32
    }
    %scan3A_31 = arith.constant 21 : i32
    %barrier3A_32 = arith.constant 0 : index
    tpu.barrier barrier_id(%barrier3A_32)
    "tpu.region"() ({
      %run_scoped3A = tpu.sem_alloc : memref<!tpu.dma_semaphore, #tpu.memory_space<semaphore_mem>>
      %dma_start3A = arith.constant 0 : i32
      %dma_start3A_33 = tpu.memref_slice %arg8[%arg0, %dma_start3A] : memref<2x10240xf32, #tpu.memory_space<hbm>> -> memref<1x10240xf32, #tpu.memory_space<hbm>>
      %dma_start3A_34 = tpu.memref_squeeze %dma_start3A_33 : memref<1x10240xf32, #tpu.memory_space<hbm>> -> memref<10240xf32, #tpu.memory_space<hbm>>
      %dma_start3A_35 = tpu.memref_slice %dma_start3A_34[%mul3A_3] : memref<10240xf32, #tpu.memory_space<hbm>> -> memref<640xf32, #tpu.memory_space<hbm>>
      %dma_start3A_36 = tpu.memref_slice %arg18[%mul3A_3] : memref<10240xf32, #tpu.memory_space<vmem_shared>> -> memref<640xf32, #tpu.memory_space<vmem_shared>>
      tpu.enqueue_dma source(%dma_start3A_36 : memref<640xf32, #tpu.memory_space<vmem_shared>>) target(%dma_start3A_35 : memref<640xf32, #tpu.memory_space<hbm>>) target_semaphore(%run_scoped3A : memref<!tpu.dma_semaphore, #tpu.memory_space<semaphore_mem>>)
      %dma_wait3A = arith.constant 0 : i32
      %dma_wait3A_37 = tpu.memref_slice %arg8[%arg0, %dma_wait3A] : memref<2x10240xf32, #tpu.memory_space<hbm>> -> memref<1x10240xf32, #tpu.memory_space<hbm>>
      %dma_wait3A_38 = tpu.memref_squeeze %dma_wait3A_37 : memref<1x10240xf32, #tpu.memory_space<hbm>> -> memref<10240xf32, #tpu.memory_space<hbm>>
      %dma_wait3A_39 = tpu.memref_slice %dma_wait3A_38[%mul3A_3] : memref<10240xf32, #tpu.memory_space<hbm>> -> memref<640xf32, #tpu.memory_space<hbm>>
      %dma_wait3A_40 = tpu.memref_slice %arg18[%mul3A_3] : memref<10240xf32, #tpu.memory_space<vmem_shared>> -> memref<640xf32, #tpu.memory_space<vmem_shared>>
      tpu.wait_dma2 semaphore(%run_scoped3A : memref<!tpu.dma_semaphore, #tpu.memory_space<semaphore_mem>>) src(%dma_wait3A_40 : memref<640xf32, #tpu.memory_space<vmem_shared>>) dst(%dma_wait3A_39 : memref<640xf32, #tpu.memory_space<hbm>>)
      tpu.yield
    }) : () -> ()
    return
  }
}

#map = affine_map<(d0, d1) -> (0, 0)>
#map1 = affine_map<(d0, d1) -> (0, 0, 0, 0)>
#map2 = affine_map<(d0, d1) -> (0, 0, 0)>
module attributes {stable_mosaic.version = 14 : i64} {
  func.func @_sc_rows_body(%arg0: i32, %arg1: i32, %arg2: memref<10240x128xf32, #tpu.memory_space<hbm>>, %arg3: memref<32x3x56x64xi32, #tpu.memory_space<hbm>>, %arg4: memref<32x3x56x64xi32, #tpu.memory_space<hbm>>, %arg5: memref<32x3x56x64xf32, #tpu.memory_space<hbm>>, %arg6: memref<2x10240x128xf32, #tpu.memory_space<hbm>>, %arg7: memref<56x64xi32, #tpu.memory_space<vmem>>, %arg8: memref<56x64xi32, #tpu.memory_space<vmem>>, %arg9: memref<56x64xf32, #tpu.memory_space<vmem>>, %arg10: memref<2x64x128xf32, #tpu.memory_space<vmem>>, %arg11: memref<64x128xf32, #tpu.memory_space<vmem>>, %arg12: memref<!tpu.dma_semaphore, #tpu.memory_space<semaphore_mem>>, %arg13: memref<!tpu.dma_semaphore, #tpu.memory_space<semaphore_mem>>, %arg14: memref<10240x128xf32, #tpu.memory_space<vmem_shared>>) attributes {dimension_semantics = [#tpu.dimension_semantics<core_parallel>, #tpu.dimension_semantics<subcore_parallel>], iteration_bounds = array<i64: 2, 16>, scalar_prefetch = 0 : i64, scratch_operands = 8 : i64, tpu.core_type = #tpu.core_type<sc_vector_subcore>, window_params = [{transform_indices = #map}, {transform_indices = #map1}, {transform_indices = #map1}, {transform_indices = #map1}, {transform_indices = #map2}]} {
    %mul3A = arith.constant 16 : i32
    %mul3A_0 = arith.muli %arg0, %mul3A : i32
    %add3A = arith.addi %mul3A_0, %arg1 : i32
    %broadcast_in_dim3A = arith.constant 0.000000e+00 : f32
    %broadcast_in_dim3A_1 = vector.broadcast %broadcast_in_dim3A : f32 to vector<16xf32>
    %iota3A = tpu.iota {dimensions = array<i32: 0>} : vector<16xi32>
    %scan3A = arith.constant 0 : i32
    %scan3A_2 = arith.constant 0 : i32
    %scan3A_3 = arith.constant 512 : i32
    %scan3A_4 = arith.addi %scan3A_2, %scan3A_3 : i32
    %scan3A_5 = arith.constant 1 : i32
    %scan3A_6 = scf.for %scan3A_47 = %scan3A_2 to %scan3A_4 step %scan3A_5 iter_args(%scan3A_48 = %scan3A) -> (i32)  : i32 {
      %jit3A = arith.constant 8 : i32
      %div3A = arith.divsi %scan3A_47, %jit3A : i32
      %sign3A = arith.constant 0 : i32
      %sign3A_49 = arith.cmpi sgt, %scan3A_47, %sign3A : i32
      %sign3A_50 = arith.extui %sign3A_49 : i1 to i32
      %sign3A_51 = arith.constant 0 : i32
      %sign3A_52 = arith.cmpi slt, %scan3A_47, %sign3A_51 : i32
      %sign3A_53 = arith.extui %sign3A_52 : i1 to i32
      %sign3A_54 = arith.subi %sign3A_50, %sign3A_53 : i32
      %sign3A_55 = arith.constant 0 : i32
      %sign3A_56 = arith.cmpi sgt, %jit3A, %sign3A_55 : i32
      %sign3A_57 = arith.extui %sign3A_56 : i1 to i32
      %sign3A_58 = arith.constant 0 : i32
      %sign3A_59 = arith.cmpi slt, %jit3A, %sign3A_58 : i32
      %sign3A_60 = arith.extui %sign3A_59 : i1 to i32
      %sign3A_61 = arith.subi %sign3A_57, %sign3A_60 : i32
      %ne3A = arith.cmpi ne, %sign3A_54, %sign3A_61 : i32
      %rem3A = arith.remsi %scan3A_47, %jit3A : i32
      %ne3A_62 = arith.constant 0 : i32
      %ne3A_63 = arith.cmpi ne, %rem3A, %ne3A_62 : i32
      %and3A = arith.andi %ne3A, %ne3A_63 : i1
      %sub3A = arith.constant 1 : i32
      %sub3A_64 = arith.subi %div3A, %sub3A : i32
      %select_n3A = arith.select %and3A, %sub3A_64, %div3A : i32
      %jit3A_65 = arith.constant 8 : i32
      %eq3A = arith.constant 0 : i32
      %eq3A_66 = arith.cmpi eq, %jit3A_65, %eq3A : i32
      %jit3A_67 = arith.constant 1 : i32
      %select_n3A_68 = arith.select %eq3A_66, %jit3A_67, %jit3A_65 : i32
      %rem3A_69 = arith.remsi %scan3A_47, %select_n3A_68 : i32
      %ne3A_70 = arith.constant 0 : i32
      %ne3A_71 = arith.cmpi ne, %rem3A_69, %ne3A_70 : i32
      %lt3A = arith.constant 0 : i32
      %lt3A_72 = arith.cmpi slt, %rem3A_69, %lt3A : i32
      %lt3A_73 = arith.constant 0 : i32
      %lt3A_74 = arith.cmpi slt, %select_n3A_68, %lt3A_73 : i32
      %ne3A_75 = arith.xori %lt3A_72, %lt3A_74 : i1
      %and3A_76 = arith.andi %ne3A_75, %ne3A_71 : i1
      %add3A_77 = arith.addi %rem3A_69, %select_n3A_68 : i32
      %select_n3A_78 = arith.select %and3A_76, %add3A_77, %rem3A_69 : i32
      %mul3A_79 = arith.constant 16 : i32
      %mul3A_80 = arith.muli %select_n3A_78, %mul3A_79 : i32
      %swap3A = arith.constant 0 : i32
      %swap3A_81 = arith.index_cast %swap3A : i32 to index
      %swap3A_82 = arith.index_cast %select_n3A : i32 to index
      %swap3A_83 = arith.index_cast %mul3A_80 : i32 to index
      %swap3A_84 = tpu.vector_load %arg10[%swap3A_81, %swap3A_82, %swap3A_83] {strides = array<i32>} : memref<2x64x128xf32, #tpu.memory_space<vmem>>, vector<16xf32>,
      tpu.vector_store %arg10[%swap3A_81, %swap3A_82, %swap3A_83], %broadcast_in_dim3A_1 {strides = array<i32>} : memref<2x64x128xf32, #tpu.memory_space<vmem>>, vector<16xf32>,
      %scan3A_85 = arith.constant 0 : i32
      scf.yield %scan3A_85 : i32
    }
    %scan3A_7 = arith.constant 512 : i32
    %mul3A_8 = arith.constant 640 : i32
    %mul3A_9 = arith.muli %arg1, %mul3A_8 : i32
    %add3A_10 = arith.constant 0 : i32
    %add3A_11 = arith.addi %mul3A_9, %add3A_10 : i32
    %run_scoped3A = arith.constant 0 : i32
    "tpu.region"() ({
      %run_scoped3A_47 = tpu.sem_alloc : memref<!tpu.dma_semaphore, #tpu.memory_space<semaphore_mem>>
      %dma_start3A = arith.constant 0 : i32
      %dma_start3A_48 = arith.constant 0 : i32
      %dma_start3A_49 = tpu.memref_slice %arg10[%run_scoped3A, %dma_start3A, %dma_start3A_48] : memref<2x64x128xf32, #tpu.memory_space<vmem>> -> memref<1x64x128xf32, #tpu.memory_space<vmem>>
      %dma_start3A_50 = tpu.memref_squeeze %dma_start3A_49 : memref<1x64x128xf32, #tpu.memory_space<vmem>> -> memref<64x128xf32, #tpu.memory_space<vmem>>
      %dma_start3A_51 = arith.constant 0 : i32
      %dma_start3A_52 = tpu.memref_slice %arg14[%add3A_11, %dma_start3A_51] : memref<10240x128xf32, #tpu.memory_space<vmem_shared>> -> memref<64x128xf32, #tpu.memory_space<vmem_shared>>
      %dma_start3A_53 = arith.constant 0 : i32
      %dma_start3A_54 = tpu.memref_slice %arg14[%add3A_11, %dma_start3A_53] : memref<10240x128xf32, #tpu.memory_space<vmem_shared>> -> memref<64x128xf32, #tpu.memory_space<vmem_shared>>
      %dma_start3A_55 = arith.constant 0 : i32
      %dma_start3A_56 = arith.constant 0 : i32
      %dma_start3A_57 = tpu.memref_slice %arg10[%run_scoped3A, %dma_start3A_55, %dma_start3A_56] : memref<2x64x128xf32, #tpu.memory_space<vmem>> -> memref<1x64x128xf32, #tpu.memory_space<vmem>>
      %dma_start3A_58 = tpu.memref_squeeze %dma_start3A_57 : memref<1x64x128xf32, #tpu.memory_space<vmem>> -> memref<64x128xf32, #tpu.memory_space<vmem>>
      tpu.enqueue_dma source(%dma_start3A_58 : memref<64x128xf32, #tpu.memory_space<vmem>>) target(%dma_start3A_54 : memref<64x128xf32, #tpu.memory_space<vmem_shared>>) target_semaphore(%run_scoped3A_47 : memref<!tpu.dma_semaphore, #tpu.memory_space<semaphore_mem>>)
      %dma_wait3A = arith.constant 0 : i32
      %dma_wait3A_59 = arith.constant 0 : i32
      %dma_wait3A_60 = tpu.memref_slice %arg10[%run_scoped3A, %dma_wait3A, %dma_wait3A_59] : memref<2x64x128xf32, #tpu.memory_space<vmem>> -> memref<1x64x128xf32, #tpu.memory_space<vmem>>
      %dma_wait3A_61 = tpu.memref_squeeze %dma_wait3A_60 : memref<1x64x128xf32, #tpu.memory_space<vmem>> -> memref<64x128xf32, #tpu.memory_space<vmem>>
      %dma_wait3A_62 = arith.constant 0 : i32
      %dma_wait3A_63 = tpu.memref_slice %arg14[%add3A_11, %dma_wait3A_62] : memref<10240x128xf32, #tpu.memory_space<vmem_shared>> -> memref<64x128xf32, #tpu.memory_space<vmem_shared>>
      %dma_wait3A_64 = arith.constant 0 : i32
      %dma_wait3A_65 = tpu.memref_slice %arg14[%add3A_11, %dma_wait3A_64] : memref<10240x128xf32, #tpu.memory_space<vmem_shared>> -> memref<64x128xf32, #tpu.memory_space<vmem_shared>>
      %dma_wait3A_66 = arith.constant 0 : i32
      %dma_wait3A_67 = arith.constant 0 : i32
      %dma_wait3A_68 = tpu.memref_slice %arg10[%run_scoped3A, %dma_wait3A_66, %dma_wait3A_67] : memref<2x64x128xf32, #tpu.memory_space<vmem>> -> memref<1x64x128xf32, #tpu.memory_space<vmem>>
      %dma_wait3A_69 = tpu.memref_squeeze %dma_wait3A_68 : memref<1x64x128xf32, #tpu.memory_space<vmem>> -> memref<64x128xf32, #tpu.memory_space<vmem>>
      tpu.wait_dma2 semaphore(%run_scoped3A_47 : memref<!tpu.dma_semaphore, #tpu.memory_space<semaphore_mem>>) src(%dma_wait3A_69 : memref<64x128xf32, #tpu.memory_space<vmem>>) dst(%dma_wait3A_65 : memref<64x128xf32, #tpu.memory_space<vmem_shared>>)
      tpu.yield
    }) : () -> ()
    %add3A_12 = arith.constant 64 : i32
    %add3A_13 = arith.addi %mul3A_9, %add3A_12 : i32
    %run_scoped3A_14 = arith.constant 0 : i32
    "tpu.region"() ({
      %run_scoped3A_47 = tpu.sem_alloc : memref<!tpu.dma_semaphore, #tpu.memory_space<semaphore_mem>>
      %dma_start3A = arith.constant 0 : i32
      %dma_start3A_48 = arith.constant 0 : i32
      %dma_start3A_49 = tpu.memref_slice %arg10[%run_scoped3A_14, %dma_start3A, %dma_start3A_48] : memref<2x64x128xf32, #tpu.memory_space<vmem>> -> memref<1x64x128xf32, #tpu.memory_space<vmem>>
      %dma_start3A_50 = tpu.memref_squeeze %dma_start3A_49 : memref<1x64x128xf32, #tpu.memory_space<vmem>> -> memref<64x128xf32, #tpu.memory_space<vmem>>
      %dma_start3A_51 = arith.constant 0 : i32
      %dma_start3A_52 = tpu.memref_slice %arg14[%add3A_13, %dma_start3A_51] : memref<10240x128xf32, #tpu.memory_space<vmem_shared>> -> memref<64x128xf32, #tpu.memory_space<vmem_shared>>
      %dma_start3A_53 = arith.constant 0 : i32
      %dma_start3A_54 = tpu.memref_slice %arg14[%add3A_13, %dma_start3A_53] : memref<10240x128xf32, #tpu.memory_space<vmem_shared>> -> memref<64x128xf32, #tpu.memory_space<vmem_shared>>
      %dma_start3A_55 = arith.constant 0 : i32
      %dma_start3A_56 = arith.constant 0 : i32
      %dma_start3A_57 = tpu.memref_slice %arg10[%run_scoped3A_14, %dma_start3A_55, %dma_start3A_56] : memref<2x64x128xf32, #tpu.memory_space<vmem>> -> memref<1x64x128xf32, #tpu.memory_space<vmem>>
      %dma_start3A_58 = tpu.memref_squeeze %dma_start3A_57 : memref<1x64x128xf32, #tpu.memory_space<vmem>> -> memref<64x128xf32, #tpu.memory_space<vmem>>
      tpu.enqueue_dma source(%dma_start3A_58 : memref<64x128xf32, #tpu.memory_space<vmem>>) target(%dma_start3A_54 : memref<64x128xf32, #tpu.memory_space<vmem_shared>>) target_semaphore(%run_scoped3A_47 : memref<!tpu.dma_semaphore, #tpu.memory_space<semaphore_mem>>)
      %dma_wait3A = arith.constant 0 : i32
      %dma_wait3A_59 = arith.constant 0 : i32
      %dma_wait3A_60 = tpu.memref_slice %arg10[%run_scoped3A_14, %dma_wait3A, %dma_wait3A_59] : memref<2x64x128xf32, #tpu.memory_space<vmem>> -> memref<1x64x128xf32, #tpu.memory_space<vmem>>
      %dma_wait3A_61 = tpu.memref_squeeze %dma_wait3A_60 : memref<1x64x128xf32, #tpu.memory_space<vmem>> -> memref<64x128xf32, #tpu.memory_space<vmem>>
      %dma_wait3A_62 = arith.constant 0 : i32
      %dma_wait3A_63 = tpu.memref_slice %arg14[%add3A_13, %dma_wait3A_62] : memref<10240x128xf32, #tpu.memory_space<vmem_shared>> -> memref<64x128xf32, #tpu.memory_space<vmem_shared>>
      %dma_wait3A_64 = arith.constant 0 : i32
      %dma_wait3A_65 = tpu.memref_slice %arg14[%add3A_13, %dma_wait3A_64] : memref<10240x128xf32, #tpu.memory_space<vmem_shared>> -> memref<64x128xf32, #tpu.memory_space<vmem_shared>>
      %dma_wait3A_66 = arith.constant 0 : i32
      %dma_wait3A_67 = arith.constant 0 : i32
      %dma_wait3A_68 = tpu.memref_slice %arg10[%run_scoped3A_14, %dma_wait3A_66, %dma_wait3A_67] : memref<2x64x128xf32, #tpu.memory_space<vmem>> -> memref<1x64x128xf32, #tpu.memory_space<vmem>>
      %dma_wait3A_69 = tpu.memref_squeeze %dma_wait3A_68 : memref<1x64x128xf32, #tpu.memory_space<vmem>> -> memref<64x128xf32, #tpu.memory_space<vmem>>
      tpu.wait_dma2 semaphore(%run_scoped3A_47 : memref<!tpu.dma_semaphore, #tpu.memory_space<semaphore_mem>>) src(%dma_wait3A_69 : memref<64x128xf32, #tpu.memory_space<vmem>>) dst(%dma_wait3A_65 : memref<64x128xf32, #tpu.memory_space<vmem_shared>>)
      tpu.yield
    }) : () -> ()
    %add3A_15 = arith.constant 128 : i32
    %add3A_16 = arith.addi %mul3A_9, %add3A_15 : i32
    %run_scoped3A_17 = arith.constant 0 : i32
    "tpu.region"() ({
      %run_scoped3A_47 = tpu.sem_alloc : memref<!tpu.dma_semaphore, #tpu.memory_space<semaphore_mem>>
      %dma_start3A = arith.constant 0 : i32
      %dma_start3A_48 = arith.constant 0 : i32
      %dma_start3A_49 = tpu.memref_slice %arg10[%run_scoped3A_17, %dma_start3A, %dma_start3A_48] : memref<2x64x128xf32, #tpu.memory_space<vmem>> -> memref<1x64x128xf32, #tpu.memory_space<vmem>>
      %dma_start3A_50 = tpu.memref_squeeze %dma_start3A_49 : memref<1x64x128xf32, #tpu.memory_space<vmem>> -> memref<64x128xf32, #tpu.memory_space<vmem>>
      %dma_start3A_51 = arith.constant 0 : i32
      %dma_start3A_52 = tpu.memref_slice %arg14[%add3A_16, %dma_start3A_51] : memref<10240x128xf32, #tpu.memory_space<vmem_shared>> -> memref<64x128xf32, #tpu.memory_space<vmem_shared>>
      %dma_start3A_53 = arith.constant 0 : i32
      %dma_start3A_54 = tpu.memref_slice %arg14[%add3A_16, %dma_start3A_53] : memref<10240x128xf32, #tpu.memory_space<vmem_shared>> -> memref<64x128xf32, #tpu.memory_space<vmem_shared>>
      %dma_start3A_55 = arith.constant 0 : i32
      %dma_start3A_56 = arith.constant 0 : i32
      %dma_start3A_57 = tpu.memref_slice %arg10[%run_scoped3A_17, %dma_start3A_55, %dma_start3A_56] : memref<2x64x128xf32, #tpu.memory_space<vmem>> -> memref<1x64x128xf32, #tpu.memory_space<vmem>>
      %dma_start3A_58 = tpu.memref_squeeze %dma_start3A_57 : memref<1x64x128xf32, #tpu.memory_space<vmem>> -> memref<64x128xf32, #tpu.memory_space<vmem>>
      tpu.enqueue_dma source(%dma_start3A_58 : memref<64x128xf32, #tpu.memory_space<vmem>>) target(%dma_start3A_54 : memref<64x128xf32, #tpu.memory_space<vmem_shared>>) target_semaphore(%run_scoped3A_47 : memref<!tpu.dma_semaphore, #tpu.memory_space<semaphore_mem>>)
      %dma_wait3A = arith.constant 0 : i32
      %dma_wait3A_59 = arith.constant 0 : i32
      %dma_wait3A_60 = tpu.memref_slice %arg10[%run_scoped3A_17, %dma_wait3A, %dma_wait3A_59] : memref<2x64x128xf32, #tpu.memory_space<vmem>> -> memref<1x64x128xf32, #tpu.memory_space<vmem>>
      %dma_wait3A_61 = tpu.memref_squeeze %dma_wait3A_60 : memref<1x64x128xf32, #tpu.memory_space<vmem>> -> memref<64x128xf32, #tpu.memory_space<vmem>>
      %dma_wait3A_62 = arith.constant 0 : i32
      %dma_wait3A_63 = tpu.memref_slice %arg14[%add3A_16, %dma_wait3A_62] : memref<10240x128xf32, #tpu.memory_space<vmem_shared>> -> memref<64x128xf32, #tpu.memory_space<vmem_shared>>
      %dma_wait3A_64 = arith.constant 0 : i32
      %dma_wait3A_65 = tpu.memref_slice %arg14[%add3A_16, %dma_wait3A_64] : memref<10240x128xf32, #tpu.memory_space<vmem_shared>> -> memref<64x128xf32, #tpu.memory_space<vmem_shared>>
      %dma_wait3A_66 = arith.constant 0 : i32
      %dma_wait3A_67 = arith.constant 0 : i32
      %dma_wait3A_68 = tpu.memref_slice %arg10[%run_scoped3A_17, %dma_wait3A_66, %dma_wait3A_67] : memref<2x64x128xf32, #tpu.memory_space<vmem>> -> memref<1x64x128xf32, #tpu.memory_space<vmem>>
      %dma_wait3A_69 = tpu.memref_squeeze %dma_wait3A_68 : memref<1x64x128xf32, #tpu.memory_space<vmem>> -> memref<64x128xf32, #tpu.memory_space<vmem>>
      tpu.wait_dma2 semaphore(%run_scoped3A_47 : memref<!tpu.dma_semaphore, #tpu.memory_space<semaphore_mem>>) src(%dma_wait3A_69 : memref<64x128xf32, #tpu.memory_space<vmem>>) dst(%dma_wait3A_65 : memref<64x128xf32, #tpu.memory_space<vmem_shared>>)
      tpu.yield
    }) : () -> ()
    %add3A_18 = arith.constant 192 : i32
    %add3A_19 = arith.addi %mul3A_9, %add3A_18 : i32
    %run_scoped3A_20 = arith.constant 0 : i32
    "tpu.region"() ({
      %run_scoped3A_47 = tpu.sem_alloc : memref<!tpu.dma_semaphore, #tpu.memory_space<semaphore_mem>>
      %dma_start3A = arith.constant 0 : i32
      %dma_start3A_48 = arith.constant 0 : i32
      %dma_start3A_49 = tpu.memref_slice %arg10[%run_scoped3A_20, %dma_start3A, %dma_start3A_48] : memref<2x64x128xf32, #tpu.memory_space<vmem>> -> memref<1x64x128xf32, #tpu.memory_space<vmem>>
      %dma_start3A_50 = tpu.memref_squeeze %dma_start3A_49 : memref<1x64x128xf32, #tpu.memory_space<vmem>> -> memref<64x128xf32, #tpu.memory_space<vmem>>
      %dma_start3A_51 = arith.constant 0 : i32
      %dma_start3A_52 = tpu.memref_slice %arg14[%add3A_19, %dma_start3A_51] : memref<10240x128xf32, #tpu.memory_space<vmem_shared>> -> memref<64x128xf32, #tpu.memory_space<vmem_shared>>
      %dma_start3A_53 = arith.constant 0 : i32
      %dma_start3A_54 = tpu.memref_slice %arg14[%add3A_19, %dma_start3A_53] : memref<10240x128xf32, #tpu.memory_space<vmem_shared>> -> memref<64x128xf32, #tpu.memory_space<vmem_shared>>
      %dma_start3A_55 = arith.constant 0 : i32
      %dma_start3A_56 = arith.constant 0 : i32
      %dma_start3A_57 = tpu.memref_slice %arg10[%run_scoped3A_20, %dma_start3A_55, %dma_start3A_56] : memref<2x64x128xf32, #tpu.memory_space<vmem>> -> memref<1x64x128xf32, #tpu.memory_space<vmem>>
      %dma_start3A_58 = tpu.memref_squeeze %dma_start3A_57 : memref<1x64x128xf32, #tpu.memory_space<vmem>> -> memref<64x128xf32, #tpu.memory_space<vmem>>
      tpu.enqueue_dma source(%dma_start3A_58 : memref<64x128xf32, #tpu.memory_space<vmem>>) target(%dma_start3A_54 : memref<64x128xf32, #tpu.memory_space<vmem_shared>>) target_semaphore(%run_scoped3A_47 : memref<!tpu.dma_semaphore, #tpu.memory_space<semaphore_mem>>)
      %dma_wait3A = arith.constant 0 : i32
      %dma_wait3A_59 = arith.constant 0 : i32
      %dma_wait3A_60 = tpu.memref_slice %arg10[%run_scoped3A_20, %dma_wait3A, %dma_wait3A_59] : memref<2x64x128xf32, #tpu.memory_space<vmem>> -> memref<1x64x128xf32, #tpu.memory_space<vmem>>
      %dma_wait3A_61 = tpu.memref_squeeze %dma_wait3A_60 : memref<1x64x128xf32, #tpu.memory_space<vmem>> -> memref<64x128xf32, #tpu.memory_space<vmem>>
      %dma_wait3A_62 = arith.constant 0 : i32
      %dma_wait3A_63 = tpu.memref_slice %arg14[%add3A_19, %dma_wait3A_62] : memref<10240x128xf32, #tpu.memory_space<vmem_shared>> -> memref<64x128xf32, #tpu.memory_space<vmem_shared>>
      %dma_wait3A_64 = arith.constant 0 : i32
      %dma_wait3A_65 = tpu.memref_slice %arg14[%add3A_19, %dma_wait3A_64] : memref<10240x128xf32, #tpu.memory_space<vmem_shared>> -> memref<64x128xf32, #tpu.memory_space<vmem_shared>>
      %dma_wait3A_66 = arith.constant 0 : i32
      %dma_wait3A_67 = arith.constant 0 : i32
      %dma_wait3A_68 = tpu.memref_slice %arg10[%run_scoped3A_20, %dma_wait3A_66, %dma_wait3A_67] : memref<2x64x128xf32, #tpu.memory_space<vmem>> -> memref<1x64x128xf32, #tpu.memory_space<vmem>>
      %dma_wait3A_69 = tpu.memref_squeeze %dma_wait3A_68 : memref<1x64x128xf32, #tpu.memory_space<vmem>> -> memref<64x128xf32, #tpu.memory_space<vmem>>
      tpu.wait_dma2 semaphore(%run_scoped3A_47 : memref<!tpu.dma_semaphore, #tpu.memory_space<semaphore_mem>>) src(%dma_wait3A_69 : memref<64x128xf32, #tpu.memory_space<vmem>>) dst(%dma_wait3A_65 : memref<64x128xf32, #tpu.memory_space<vmem_shared>>)
      tpu.yield
    }) : () -> ()
    %add3A_21 = arith.constant 256 : i32
    %add3A_22 = arith.addi %mul3A_9, %add3A_21 : i32
    %run_scoped3A_23 = arith.constant 0 : i32
    "tpu.region"() ({
      %run_scoped3A_47 = tpu.sem_alloc : memref<!tpu.dma_semaphore, #tpu.memory_space<semaphore_mem>>
      %dma_start3A = arith.constant 0 : i32
      %dma_start3A_48 = arith.constant 0 : i32
      %dma_start3A_49 = tpu.memref_slice %arg10[%run_scoped3A_23, %dma_start3A, %dma_start3A_48] : memref<2x64x128xf32, #tpu.memory_space<vmem>> -> memref<1x64x128xf32, #tpu.memory_space<vmem>>
      %dma_start3A_50 = tpu.memref_squeeze %dma_start3A_49 : memref<1x64x128xf32, #tpu.memory_space<vmem>> -> memref<64x128xf32, #tpu.memory_space<vmem>>
      %dma_start3A_51 = arith.constant 0 : i32
      %dma_start3A_52 = tpu.memref_slice %arg14[%add3A_22, %dma_start3A_51] : memref<10240x128xf32, #tpu.memory_space<vmem_shared>> -> memref<64x128xf32, #tpu.memory_space<vmem_shared>>
      %dma_start3A_53 = arith.constant 0 : i32
      %dma_start3A_54 = tpu.memref_slice %arg14[%add3A_22, %dma_start3A_53] : memref<10240x128xf32, #tpu.memory_space<vmem_shared>> -> memref<64x128xf32, #tpu.memory_space<vmem_shared>>
      %dma_start3A_55 = arith.constant 0 : i32
      %dma_start3A_56 = arith.constant 0 : i32
      %dma_start3A_57 = tpu.memref_slice %arg10[%run_scoped3A_23, %dma_start3A_55, %dma_start3A_56] : memref<2x64x128xf32, #tpu.memory_space<vmem>> -> memref<1x64x128xf32, #tpu.memory_space<vmem>>
      %dma_start3A_58 = tpu.memref_squeeze %dma_start3A_57 : memref<1x64x128xf32, #tpu.memory_space<vmem>> -> memref<64x128xf32, #tpu.memory_space<vmem>>
      tpu.enqueue_dma source(%dma_start3A_58 : memref<64x128xf32, #tpu.memory_space<vmem>>) target(%dma_start3A_54 : memref<64x128xf32, #tpu.memory_space<vmem_shared>>) target_semaphore(%run_scoped3A_47 : memref<!tpu.dma_semaphore, #tpu.memory_space<semaphore_mem>>)
      %dma_wait3A = arith.constant 0 : i32
      %dma_wait3A_59 = arith.constant 0 : i32
      %dma_wait3A_60 = tpu.memref_slice %arg10[%run_scoped3A_23, %dma_wait3A, %dma_wait3A_59] : memref<2x64x128xf32, #tpu.memory_space<vmem>> -> memref<1x64x128xf32, #tpu.memory_space<vmem>>
      %dma_wait3A_61 = tpu.memref_squeeze %dma_wait3A_60 : memref<1x64x128xf32, #tpu.memory_space<vmem>> -> memref<64x128xf32, #tpu.memory_space<vmem>>
      %dma_wait3A_62 = arith.constant 0 : i32
      %dma_wait3A_63 = tpu.memref_slice %arg14[%add3A_22, %dma_wait3A_62] : memref<10240x128xf32, #tpu.memory_space<vmem_shared>> -> memref<64x128xf32, #tpu.memory_space<vmem_shared>>
      %dma_wait3A_64 = arith.constant 0 : i32
      %dma_wait3A_65 = tpu.memref_slice %arg14[%add3A_22, %dma_wait3A_64] : memref<10240x128xf32, #tpu.memory_space<vmem_shared>> -> memref<64x128xf32, #tpu.memory_space<vmem_shared>>
      %dma_wait3A_66 = arith.constant 0 : i32
      %dma_wait3A_67 = arith.constant 0 : i32
      %dma_wait3A_68 = tpu.memref_slice %arg10[%run_scoped3A_23, %dma_wait3A_66, %dma_wait3A_67] : memref<2x64x128xf32, #tpu.memory_space<vmem>> -> memref<1x64x128xf32, #tpu.memory_space<vmem>>
      %dma_wait3A_69 = tpu.memref_squeeze %dma_wait3A_68 : memref<1x64x128xf32, #tpu.memory_space<vmem>> -> memref<64x128xf32, #tpu.memory_space<vmem>>
      tpu.wait_dma2 semaphore(%run_scoped3A_47 : memref<!tpu.dma_semaphore, #tpu.memory_space<semaphore_mem>>) src(%dma_wait3A_69 : memref<64x128xf32, #tpu.memory_space<vmem>>) dst(%dma_wait3A_65 : memref<64x128xf32, #tpu.memory_space<vmem_shared>>)
      tpu.yield
    }) : () -> ()
    %add3A_24 = arith.constant 320 : i32
    %add3A_25 = arith.addi %mul3A_9, %add3A_24 : i32
    %run_scoped3A_26 = arith.constant 0 : i32
    "tpu.region"() ({
      %run_scoped3A_47 = tpu.sem_alloc : memref<!tpu.dma_semaphore, #tpu.memory_space<semaphore_mem>>
      %dma_start3A = arith.constant 0 : i32
      %dma_start3A_48 = arith.constant 0 : i32
      %dma_start3A_49 = tpu.memref_slice %arg10[%run_scoped3A_26, %dma_start3A, %dma_start3A_48] : memref<2x64x128xf32, #tpu.memory_space<vmem>> -> memref<1x64x128xf32, #tpu.memory_space<vmem>>
      %dma_start3A_50 = tpu.memref_squeeze %dma_start3A_49 : memref<1x64x128xf32, #tpu.memory_space<vmem>> -> memref<64x128xf32, #tpu.memory_space<vmem>>
      %dma_start3A_51 = arith.constant 0 : i32
      %dma_start3A_52 = tpu.memref_slice %arg14[%add3A_25, %dma_start3A_51] : memref<10240x128xf32, #tpu.memory_space<vmem_shared>> -> memref<64x128xf32, #tpu.memory_space<vmem_shared>>
      %dma_start3A_53 = arith.constant 0 : i32
      %dma_start3A_54 = tpu.memref_slice %arg14[%add3A_25, %dma_start3A_53] : memref<10240x128xf32, #tpu.memory_space<vmem_shared>> -> memref<64x128xf32, #tpu.memory_space<vmem_shared>>
      %dma_start3A_55 = arith.constant 0 : i32
      %dma_start3A_56 = arith.constant 0 : i32
      %dma_start3A_57 = tpu.memref_slice %arg10[%run_scoped3A_26, %dma_start3A_55, %dma_start3A_56] : memref<2x64x128xf32, #tpu.memory_space<vmem>> -> memref<1x64x128xf32, #tpu.memory_space<vmem>>
      %dma_start3A_58 = tpu.memref_squeeze %dma_start3A_57 : memref<1x64x128xf32, #tpu.memory_space<vmem>> -> memref<64x128xf32, #tpu.memory_space<vmem>>
      tpu.enqueue_dma source(%dma_start3A_58 : memref<64x128xf32, #tpu.memory_space<vmem>>) target(%dma_start3A_54 : memref<64x128xf32, #tpu.memory_space<vmem_shared>>) target_semaphore(%run_scoped3A_47 : memref<!tpu.dma_semaphore, #tpu.memory_space<semaphore_mem>>)
      %dma_wait3A = arith.constant 0 : i32
      %dma_wait3A_59 = arith.constant 0 : i32
      %dma_wait3A_60 = tpu.memref_slice %arg10[%run_scoped3A_26, %dma_wait3A, %dma_wait3A_59] : memref<2x64x128xf32, #tpu.memory_space<vmem>> -> memref<1x64x128xf32, #tpu.memory_space<vmem>>
      %dma_wait3A_61 = tpu.memref_squeeze %dma_wait3A_60 : memref<1x64x128xf32, #tpu.memory_space<vmem>> -> memref<64x128xf32, #tpu.memory_space<vmem>>
      %dma_wait3A_62 = arith.constant 0 : i32
      %dma_wait3A_63 = tpu.memref_slice %arg14[%add3A_25, %dma_wait3A_62] : memref<10240x128xf32, #tpu.memory_space<vmem_shared>> -> memref<64x128xf32, #tpu.memory_space<vmem_shared>>
      %dma_wait3A_64 = arith.constant 0 : i32
      %dma_wait3A_65 = tpu.memref_slice %arg14[%add3A_25, %dma_wait3A_64] : memref<10240x128xf32, #tpu.memory_space<vmem_shared>> -> memref<64x128xf32, #tpu.memory_space<vmem_shared>>
      %dma_wait3A_66 = arith.constant 0 : i32
      %dma_wait3A_67 = arith.constant 0 : i32
      %dma_wait3A_68 = tpu.memref_slice %arg10[%run_scoped3A_26, %dma_wait3A_66, %dma_wait3A_67] : memref<2x64x128xf32, #tpu.memory_space<vmem>> -> memref<1x64x128xf32, #tpu.memory_space<vmem>>
      %dma_wait3A_69 = tpu.memref_squeeze %dma_wait3A_68 : memref<1x64x128xf32, #tpu.memory_space<vmem>> -> memref<64x128xf32, #tpu.memory_space<vmem>>
      tpu.wait_dma2 semaphore(%run_scoped3A_47 : memref<!tpu.dma_semaphore, #tpu.memory_space<semaphore_mem>>) src(%dma_wait3A_69 : memref<64x128xf32, #tpu.memory_space<vmem>>) dst(%dma_wait3A_65 : memref<64x128xf32, #tpu.memory_space<vmem_shared>>)
      tpu.yield
    }) : () -> ()
    %add3A_27 = arith.constant 384 : i32
    %add3A_28 = arith.addi %mul3A_9, %add3A_27 : i32
    %run_scoped3A_29 = arith.constant 0 : i32
    "tpu.region"() ({
      %run_scoped3A_47 = tpu.sem_alloc : memref<!tpu.dma_semaphore, #tpu.memory_space<semaphore_mem>>
      %dma_start3A = arith.constant 0 : i32
      %dma_start3A_48 = arith.constant 0 : i32
      %dma_start3A_49 = tpu.memref_slice %arg10[%run_scoped3A_29, %dma_start3A, %dma_start3A_48] : memref<2x64x128xf32, #tpu.memory_space<vmem>> -> memref<1x64x128xf32, #tpu.memory_space<vmem>>
      %dma_start3A_50 = tpu.memref_squeeze %dma_start3A_49 : memref<1x64x128xf32, #tpu.memory_space<vmem>> -> memref<64x128xf32, #tpu.memory_space<vmem>>
      %dma_start3A_51 = arith.constant 0 : i32
      %dma_start3A_52 = tpu.memref_slice %arg14[%add3A_28, %dma_start3A_51] : memref<10240x128xf32, #tpu.memory_space<vmem_shared>> -> memref<64x128xf32, #tpu.memory_space<vmem_shared>>
      %dma_start3A_53 = arith.constant 0 : i32
      %dma_start3A_54 = tpu.memref_slice %arg14[%add3A_28, %dma_start3A_53] : memref<10240x128xf32, #tpu.memory_space<vmem_shared>> -> memref<64x128xf32, #tpu.memory_space<vmem_shared>>
      %dma_start3A_55 = arith.constant 0 : i32
      %dma_start3A_56 = arith.constant 0 : i32
      %dma_start3A_57 = tpu.memref_slice %arg10[%run_scoped3A_29, %dma_start3A_55, %dma_start3A_56] : memref<2x64x128xf32, #tpu.memory_space<vmem>> -> memref<1x64x128xf32, #tpu.memory_space<vmem>>
      %dma_start3A_58 = tpu.memref_squeeze %dma_start3A_57 : memref<1x64x128xf32, #tpu.memory_space<vmem>> -> memref<64x128xf32, #tpu.memory_space<vmem>>
      tpu.enqueue_dma source(%dma_start3A_58 : memref<64x128xf32, #tpu.memory_space<vmem>>) target(%dma_start3A_54 : memref<64x128xf32, #tpu.memory_space<vmem_shared>>) target_semaphore(%run_scoped3A_47 : memref<!tpu.dma_semaphore, #tpu.memory_space<semaphore_mem>>)
      %dma_wait3A = arith.constant 0 : i32
      %dma_wait3A_59 = arith.constant 0 : i32
      %dma_wait3A_60 = tpu.memref_slice %arg10[%run_scoped3A_29, %dma_wait3A, %dma_wait3A_59] : memref<2x64x128xf32, #tpu.memory_space<vmem>> -> memref<1x64x128xf32, #tpu.memory_space<vmem>>
      %dma_wait3A_61 = tpu.memref_squeeze %dma_wait3A_60 : memref<1x64x128xf32, #tpu.memory_space<vmem>> -> memref<64x128xf32, #tpu.memory_space<vmem>>
      %dma_wait3A_62 = arith.constant 0 : i32
      %dma_wait3A_63 = tpu.memref_slice %arg14[%add3A_28, %dma_wait3A_62] : memref<10240x128xf32, #tpu.memory_space<vmem_shared>> -> memref<64x128xf32, #tpu.memory_space<vmem_shared>>
      %dma_wait3A_64 = arith.constant 0 : i32
      %dma_wait3A_65 = tpu.memref_slice %arg14[%add3A_28, %dma_wait3A_64] : memref<10240x128xf32, #tpu.memory_space<vmem_shared>> -> memref<64x128xf32, #tpu.memory_space<vmem_shared>>
      %dma_wait3A_66 = arith.constant 0 : i32
      %dma_wait3A_67 = arith.constant 0 : i32
      %dma_wait3A_68 = tpu.memref_slice %arg10[%run_scoped3A_29, %dma_wait3A_66, %dma_wait3A_67] : memref<2x64x128xf32, #tpu.memory_space<vmem>> -> memref<1x64x128xf32, #tpu.memory_space<vmem>>
      %dma_wait3A_69 = tpu.memref_squeeze %dma_wait3A_68 : memref<1x64x128xf32, #tpu.memory_space<vmem>> -> memref<64x128xf32, #tpu.memory_space<vmem>>
      tpu.wait_dma2 semaphore(%run_scoped3A_47 : memref<!tpu.dma_semaphore, #tpu.memory_space<semaphore_mem>>) src(%dma_wait3A_69 : memref<64x128xf32, #tpu.memory_space<vmem>>) dst(%dma_wait3A_65 : memref<64x128xf32, #tpu.memory_space<vmem_shared>>)
      tpu.yield
    }) : () -> ()
    %add3A_30 = arith.constant 448 : i32
    %add3A_31 = arith.addi %mul3A_9, %add3A_30 : i32
    %run_scoped3A_32 = arith.constant 0 : i32
    "tpu.region"() ({
      %run_scoped3A_47 = tpu.sem_alloc : memref<!tpu.dma_semaphore, #tpu.memory_space<semaphore_mem>>
      %dma_start3A = arith.constant 0 : i32
      %dma_start3A_48 = arith.constant 0 : i32
      %dma_start3A_49 = tpu.memref_slice %arg10[%run_scoped3A_32, %dma_start3A, %dma_start3A_48] : memref<2x64x128xf32, #tpu.memory_space<vmem>> -> memref<1x64x128xf32, #tpu.memory_space<vmem>>
      %dma_start3A_50 = tpu.memref_squeeze %dma_start3A_49 : memref<1x64x128xf32, #tpu.memory_space<vmem>> -> memref<64x128xf32, #tpu.memory_space<vmem>>
      %dma_start3A_51 = arith.constant 0 : i32
      %dma_start3A_52 = tpu.memref_slice %arg14[%add3A_31, %dma_start3A_51] : memref<10240x128xf32, #tpu.memory_space<vmem_shared>> -> memref<64x128xf32, #tpu.memory_space<vmem_shared>>
      %dma_start3A_53 = arith.constant 0 : i32
      %dma_start3A_54 = tpu.memref_slice %arg14[%add3A_31, %dma_start3A_53] : memref<10240x128xf32, #tpu.memory_space<vmem_shared>> -> memref<64x128xf32, #tpu.memory_space<vmem_shared>>
      %dma_start3A_55 = arith.constant 0 : i32
      %dma_start3A_56 = arith.constant 0 : i32
      %dma_start3A_57 = tpu.memref_slice %arg10[%run_scoped3A_32, %dma_start3A_55, %dma_start3A_56] : memref<2x64x128xf32, #tpu.memory_space<vmem>> -> memref<1x64x128xf32, #tpu.memory_space<vmem>>
      %dma_start3A_58 = tpu.memref_squeeze %dma_start3A_57 : memref<1x64x128xf32, #tpu.memory_space<vmem>> -> memref<64x128xf32, #tpu.memory_space<vmem>>
      tpu.enqueue_dma source(%dma_start3A_58 : memref<64x128xf32, #tpu.memory_space<vmem>>) target(%dma_start3A_54 : memref<64x128xf32, #tpu.memory_space<vmem_shared>>) target_semaphore(%run_scoped3A_47 : memref<!tpu.dma_semaphore, #tpu.memory_space<semaphore_mem>>)
      %dma_wait3A = arith.constant 0 : i32
      %dma_wait3A_59 = arith.constant 0 : i32
      %dma_wait3A_60 = tpu.memref_slice %arg10[%run_scoped3A_32, %dma_wait3A, %dma_wait3A_59] : memref<2x64x128xf32, #tpu.memory_space<vmem>> -> memref<1x64x128xf32, #tpu.memory_space<vmem>>
      %dma_wait3A_61 = tpu.memref_squeeze %dma_wait3A_60 : memref<1x64x128xf32, #tpu.memory_space<vmem>> -> memref<64x128xf32, #tpu.memory_space<vmem>>
      %dma_wait3A_62 = arith.constant 0 : i32
      %dma_wait3A_63 = tpu.memref_slice %arg14[%add3A_31, %dma_wait3A_62] : memref<10240x128xf32, #tpu.memory_space<vmem_shared>> -> memref<64x128xf32, #tpu.memory_space<vmem_shared>>
      %dma_wait3A_64 = arith.constant 0 : i32
      %dma_wait3A_65 = tpu.memref_slice %arg14[%add3A_31, %dma_wait3A_64] : memref<10240x128xf32, #tpu.memory_space<vmem_shared>> -> memref<64x128xf32, #tpu.memory_space<vmem_shared>>
      %dma_wait3A_66 = arith.constant 0 : i32
      %dma_wait3A_67 = arith.constant 0 : i32
      %dma_wait3A_68 = tpu.memref_slice %arg10[%run_scoped3A_32, %dma_wait3A_66, %dma_wait3A_67] : memref<2x64x128xf32, #tpu.memory_space<vmem>> -> memref<1x64x128xf32, #tpu.memory_space<vmem>>
      %dma_wait3A_69 = tpu.memref_squeeze %dma_wait3A_68 : memref<1x64x128xf32, #tpu.memory_space<vmem>> -> memref<64x128xf32, #tpu.memory_space<vmem>>
      tpu.wait_dma2 semaphore(%run_scoped3A_47 : memref<!tpu.dma_semaphore, #tpu.memory_space<semaphore_mem>>) src(%dma_wait3A_69 : memref<64x128xf32, #tpu.memory_space<vmem>>) dst(%dma_wait3A_65 : memref<64x128xf32, #tpu.memory_space<vmem_shared>>)
      tpu.yield
    }) : () -> ()
    %add3A_33 = arith.constant 512 : i32
    %add3A_34 = arith.addi %mul3A_9, %add3A_33 : i32
    %run_scoped3A_35 = arith.constant 0 : i32
    "tpu.region"() ({
      %run_scoped3A_47 = tpu.sem_alloc : memref<!tpu.dma_semaphore, #tpu.memory_space<semaphore_mem>>
      %dma_start3A = arith.constant 0 : i32
      %dma_start3A_48 = arith.constant 0 : i32
      %dma_start3A_49 = tpu.memref_slice %arg10[%run_scoped3A_35, %dma_start3A, %dma_start3A_48] : memref<2x64x128xf32, #tpu.memory_space<vmem>> -> memref<1x64x128xf32, #tpu.memory_space<vmem>>
      %dma_start3A_50 = tpu.memref_squeeze %dma_start3A_49 : memref<1x64x128xf32, #tpu.memory_space<vmem>> -> memref<64x128xf32, #tpu.memory_space<vmem>>
      %dma_start3A_51 = arith.constant 0 : i32
      %dma_start3A_52 = tpu.memref_slice %arg14[%add3A_34, %dma_start3A_51] : memref<10240x128xf32, #tpu.memory_space<vmem_shared>> -> memref<64x128xf32, #tpu.memory_space<vmem_shared>>
      %dma_start3A_53 = arith.constant 0 : i32
      %dma_start3A_54 = tpu.memref_slice %arg14[%add3A_34, %dma_start3A_53] : memref<10240x128xf32, #tpu.memory_space<vmem_shared>> -> memref<64x128xf32, #tpu.memory_space<vmem_shared>>
      %dma_start3A_55 = arith.constant 0 : i32
      %dma_start3A_56 = arith.constant 0 : i32
      %dma_start3A_57 = tpu.memref_slice %arg10[%run_scoped3A_35, %dma_start3A_55, %dma_start3A_56] : memref<2x64x128xf32, #tpu.memory_space<vmem>> -> memref<1x64x128xf32, #tpu.memory_space<vmem>>
      %dma_start3A_58 = tpu.memref_squeeze %dma_start3A_57 : memref<1x64x128xf32, #tpu.memory_space<vmem>> -> memref<64x128xf32, #tpu.memory_space<vmem>>
      tpu.enqueue_dma source(%dma_start3A_58 : memref<64x128xf32, #tpu.memory_space<vmem>>) target(%dma_start3A_54 : memref<64x128xf32, #tpu.memory_space<vmem_shared>>) target_semaphore(%run_scoped3A_47 : memref<!tpu.dma_semaphore, #tpu.memory_space<semaphore_mem>>)
      %dma_wait3A = arith.constant 0 : i32
      %dma_wait3A_59 = arith.constant 0 : i32
      %dma_wait3A_60 = tpu.memref_slice %arg10[%run_scoped3A_35, %dma_wait3A, %dma_wait3A_59] : memref<2x64x128xf32, #tpu.memory_space<vmem>> -> memref<1x64x128xf32, #tpu.memory_space<vmem>>
      %dma_wait3A_61 = tpu.memref_squeeze %dma_wait3A_60 : memref<1x64x128xf32, #tpu.memory_space<vmem>> -> memref<64x128xf32, #tpu.memory_space<vmem>>
      %dma_wait3A_62 = arith.constant 0 : i32
      %dma_wait3A_63 = tpu.memref_slice %arg14[%add3A_34, %dma_wait3A_62] : memref<10240x128xf32, #tpu.memory_space<vmem_shared>> -> memref<64x128xf32, #tpu.memory_space<vmem_shared>>
      %dma_wait3A_64 = arith.constant 0 : i32
      %dma_wait3A_65 = tpu.memref_slice %arg14[%add3A_34, %dma_wait3A_64] : memref<10240x128xf32, #tpu.memory_space<vmem_shared>> -> memref<64x128xf32, #tpu.memory_space<vmem_shared>>
      %dma_wait3A_66 = arith.constant 0 : i32
      %dma_wait3A_67 = arith.constant 0 : i32
      %dma_wait3A_68 = tpu.memref_slice %arg10[%run_scoped3A_35, %dma_wait3A_66, %dma_wait3A_67] : memref<2x64x128xf32, #tpu.memory_space<vmem>> -> memref<1x64x128xf32, #tpu.memory_space<vmem>>
      %dma_wait3A_69 = tpu.memref_squeeze %dma_wait3A_68 : memref<1x64x128xf32, #tpu.memory_space<vmem>> -> memref<64x128xf32, #tpu.memory_space<vmem>>
      tpu.wait_dma2 semaphore(%run_scoped3A_47 : memref<!tpu.dma_semaphore, #tpu.memory_space<semaphore_mem>>) src(%dma_wait3A_69 : memref<64x128xf32, #tpu.memory_space<vmem>>) dst(%dma_wait3A_65 : memref<64x128xf32, #tpu.memory_space<vmem_shared>>)
      tpu.yield
    }) : () -> ()
    %add3A_36 = arith.constant 576 : i32
    %add3A_37 = arith.addi %mul3A_9, %add3A_36 : i32
    %run_scoped3A_38 = arith.constant 0 : i32
    "tpu.region"() ({
      %run_scoped3A_47 = tpu.sem_alloc : memref<!tpu.dma_semaphore, #tpu.memory_space<semaphore_mem>>
      %dma_start3A = arith.constant 0 : i32
      %dma_start3A_48 = arith.constant 0 : i32
      %dma_start3A_49 = tpu.memref_slice %arg10[%run_scoped3A_38, %dma_start3A, %dma_start3A_48] : memref<2x64x128xf32, #tpu.memory_space<vmem>> -> memref<1x64x128xf32, #tpu.memory_space<vmem>>
      %dma_start3A_50 = tpu.memref_squeeze %dma_start3A_49 : memref<1x64x128xf32, #tpu.memory_space<vmem>> -> memref<64x128xf32, #tpu.memory_space<vmem>>
      %dma_start3A_51 = arith.constant 0 : i32
      %dma_start3A_52 = tpu.memref_slice %arg14[%add3A_37, %dma_start3A_51] : memref<10240x128xf32, #tpu.memory_space<vmem_shared>> -> memref<64x128xf32, #tpu.memory_space<vmem_shared>>
      %dma_start3A_53 = arith.constant 0 : i32
      %dma_start3A_54 = tpu.memref_slice %arg14[%add3A_37, %dma_start3A_53] : memref<10240x128xf32, #tpu.memory_space<vmem_shared>> -> memref<64x128xf32, #tpu.memory_space<vmem_shared>>
      %dma_start3A_55 = arith.constant 0 : i32
      %dma_start3A_56 = arith.constant 0 : i32
      %dma_start3A_57 = tpu.memref_slice %arg10[%run_scoped3A_38, %dma_start3A_55, %dma_start3A_56] : memref<2x64x128xf32, #tpu.memory_space<vmem>> -> memref<1x64x128xf32, #tpu.memory_space<vmem>>
      %dma_start3A_58 = tpu.memref_squeeze %dma_start3A_57 : memref<1x64x128xf32, #tpu.memory_space<vmem>> -> memref<64x128xf32, #tpu.memory_space<vmem>>
      tpu.enqueue_dma source(%dma_start3A_58 : memref<64x128xf32, #tpu.memory_space<vmem>>) target(%dma_start3A_54 : memref<64x128xf32, #tpu.memory_space<vmem_shared>>) target_semaphore(%run_scoped3A_47 : memref<!tpu.dma_semaphore, #tpu.memory_space<semaphore_mem>>)
      %dma_wait3A = arith.constant 0 : i32
      %dma_wait3A_59 = arith.constant 0 : i32
      %dma_wait3A_60 = tpu.memref_slice %arg10[%run_scoped3A_38, %dma_wait3A, %dma_wait3A_59] : memref<2x64x128xf32, #tpu.memory_space<vmem>> -> memref<1x64x128xf32, #tpu.memory_space<vmem>>
      %dma_wait3A_61 = tpu.memref_squeeze %dma_wait3A_60 : memref<1x64x128xf32, #tpu.memory_space<vmem>> -> memref<64x128xf32, #tpu.memory_space<vmem>>
      %dma_wait3A_62 = arith.constant 0 : i32
      %dma_wait3A_63 = tpu.memref_slice %arg14[%add3A_37, %dma_wait3A_62] : memref<10240x128xf32, #tpu.memory_space<vmem_shared>> -> memref<64x128xf32, #tpu.memory_space<vmem_shared>>
      %dma_wait3A_64 = arith.constant 0 : i32
      %dma_wait3A_65 = tpu.memref_slice %arg14[%add3A_37, %dma_wait3A_64] : memref<10240x128xf32, #tpu.memory_space<vmem_shared>> -> memref<64x128xf32, #tpu.memory_space<vmem_shared>>
      %dma_wait3A_66 = arith.constant 0 : i32
      %dma_wait3A_67 = arith.constant 0 : i32
      %dma_wait3A_68 = tpu.memref_slice %arg10[%run_scoped3A_38, %dma_wait3A_66, %dma_wait3A_67] : memref<2x64x128xf32, #tpu.memory_space<vmem>> -> memref<1x64x128xf32, #tpu.memory_space<vmem>>
      %dma_wait3A_69 = tpu.memref_squeeze %dma_wait3A_68 : memref<1x64x128xf32, #tpu.memory_space<vmem>> -> memref<64x128xf32, #tpu.memory_space<vmem>>
      tpu.wait_dma2 semaphore(%run_scoped3A_47 : memref<!tpu.dma_semaphore, #tpu.memory_space<semaphore_mem>>) src(%dma_wait3A_69 : memref<64x128xf32, #tpu.memory_space<vmem>>) dst(%dma_wait3A_65 : memref<64x128xf32, #tpu.memory_space<vmem_shared>>)
      tpu.yield
    }) : () -> ()
    %barrier3A = arith.constant 0 : index
    tpu.barrier barrier_id(%barrier3A)
    %scan3A_39 = arith.constant 0 : i32
    %scan3A_40 = arith.constant 0 : i32
    %scan3A_41 = arith.constant 3 : i32
    %scan3A_42 = arith.addi %scan3A_40, %scan3A_41 : i32
    %scan3A_43 = arith.constant 1 : i32
    %scan3A_44 = scf.for %scan3A_47 = %scan3A_40 to %scan3A_42 step %scan3A_43 iter_args(%scan3A_48 = %scan3A_39) -> (i32)  : i32 {
      "tpu.region"() ({
        %run_scoped3A_80 = tpu.sem_alloc : memref<!tpu.dma_semaphore, #tpu.memory_space<semaphore_mem>>
        %dma_start3A_81 = arith.constant 0 : i32
        %dma_start3A_82 = arith.constant 0 : i32
        %dma_start3A_83 = tpu.memref_slice %arg3[%add3A, %scan3A_47, %dma_start3A_81, %dma_start3A_82] : memref<32x3x56x64xi32, #tpu.memory_space<hbm>> -> memref<1x1x56x64xi32, #tpu.memory_space<hbm>>
        %dma_start3A_84 = tpu.memref_squeeze %dma_start3A_83 : memref<1x1x56x64xi32, #tpu.memory_space<hbm>> -> memref<56x64xi32, #tpu.memory_space<hbm>>
        %dma_start3A_85 = arith.constant 0 : i32
        %dma_start3A_86 = arith.constant 0 : i32
        %dma_start3A_87 = tpu.memref_slice %arg3[%add3A, %scan3A_47, %dma_start3A_85, %dma_start3A_86] : memref<32x3x56x64xi32, #tpu.memory_space<hbm>> -> memref<1x1x56x64xi32, #tpu.memory_space<hbm>>
        %dma_start3A_88 = tpu.memref_squeeze %dma_start3A_87 : memref<1x1x56x64xi32, #tpu.memory_space<hbm>> -> memref<56x64xi32, #tpu.memory_space<hbm>>
        tpu.enqueue_dma source(%dma_start3A_88 : memref<56x64xi32, #tpu.memory_space<hbm>>) target(%arg7 : memref<56x64xi32, #tpu.memory_space<vmem>>) target_semaphore(%run_scoped3A_80 : memref<!tpu.dma_semaphore, #tpu.memory_space<semaphore_mem>>)
        %dma_wait3A = arith.constant 0 : i32
        %dma_wait3A_89 = arith.constant 0 : i32
        %dma_wait3A_90 = tpu.memref_slice %arg3[%add3A, %scan3A_47, %dma_wait3A, %dma_wait3A_89] : memref<32x3x56x64xi32, #tpu.memory_space<hbm>> -> memref<1x1x56x64xi32, #tpu.memory_space<hbm>>
        %dma_wait3A_91 = tpu.memref_squeeze %dma_wait3A_90 : memref<1x1x56x64xi32, #tpu.memory_space<hbm>> -> memref<56x64xi32, #tpu.memory_space<hbm>>
        %dma_wait3A_92 = arith.constant 0 : i32
        %dma_wait3A_93 = arith.constant 0 : i32
        %dma_wait3A_94 = tpu.memref_slice %arg3[%add3A, %scan3A_47, %dma_wait3A_92, %dma_wait3A_93] : memref<32x3x56x64xi32, #tpu.memory_space<hbm>> -> memref<1x1x56x64xi32, #tpu.memory_space<hbm>>
        %dma_wait3A_95 = tpu.memref_squeeze %dma_wait3A_94 : memref<1x1x56x64xi32, #tpu.memory_space<hbm>> -> memref<56x64xi32, #tpu.memory_space<hbm>>
        tpu.wait_dma2 semaphore(%run_scoped3A_80 : memref<!tpu.dma_semaphore, #tpu.memory_space<semaphore_mem>>) src(%dma_wait3A_95 : memref<56x64xi32, #tpu.memory_space<hbm>>) dst(%arg7 : memref<56x64xi32, #tpu.memory_space<vmem>>)
        tpu.yield
      }) : () -> ()
      "tpu.region"() ({
        %run_scoped3A_80 = tpu.sem_alloc : memref<!tpu.dma_semaphore, #tpu.memory_space<semaphore_mem>>
        %dma_start3A_81 = arith.constant 0 : i32
        %dma_start3A_82 = arith.constant 0 : i32
        %dma_start3A_83 = tpu.memref_slice %arg4[%add3A, %scan3A_47, %dma_start3A_81, %dma_start3A_82] : memref<32x3x56x64xi32, #tpu.memory_space<hbm>> -> memref<1x1x56x64xi32, #tpu.memory_space<hbm>>
        %dma_start3A_84 = tpu.memref_squeeze %dma_start3A_83 : memref<1x1x56x64xi32, #tpu.memory_space<hbm>> -> memref<56x64xi32, #tpu.memory_space<hbm>>
        %dma_start3A_85 = arith.constant 0 : i32
        %dma_start3A_86 = arith.constant 0 : i32
        %dma_start3A_87 = tpu.memref_slice %arg4[%add3A, %scan3A_47, %dma_start3A_85, %dma_start3A_86] : memref<32x3x56x64xi32, #tpu.memory_space<hbm>> -> memref<1x1x56x64xi32, #tpu.memory_space<hbm>>
        %dma_start3A_88 = tpu.memref_squeeze %dma_start3A_87 : memref<1x1x56x64xi32, #tpu.memory_space<hbm>> -> memref<56x64xi32, #tpu.memory_space<hbm>>
        tpu.enqueue_dma source(%dma_start3A_88 : memref<56x64xi32, #tpu.memory_space<hbm>>) target(%arg8 : memref<56x64xi32, #tpu.memory_space<vmem>>) target_semaphore(%run_scoped3A_80 : memref<!tpu.dma_semaphore, #tpu.memory_space<semaphore_mem>>)
        %dma_wait3A = arith.constant 0 : i32
        %dma_wait3A_89 = arith.constant 0 : i32
        %dma_wait3A_90 = tpu.memref_slice %arg4[%add3A, %scan3A_47, %dma_wait3A, %dma_wait3A_89] : memref<32x3x56x64xi32, #tpu.memory_space<hbm>> -> memref<1x1x56x64xi32, #tpu.memory_space<hbm>>
        %dma_wait3A_91 = tpu.memref_squeeze %dma_wait3A_90 : memref<1x1x56x64xi32, #tpu.memory_space<hbm>> -> memref<56x64xi32, #tpu.memory_space<hbm>>
        %dma_wait3A_92 = arith.constant 0 : i32
        %dma_wait3A_93 = arith.constant 0 : i32
        %dma_wait3A_94 = tpu.memref_slice %arg4[%add3A, %scan3A_47, %dma_wait3A_92, %dma_wait3A_93] : memref<32x3x56x64xi32, #tpu.memory_space<hbm>> -> memref<1x1x56x64xi32, #tpu.memory_space<hbm>>
        %dma_wait3A_95 = tpu.memref_squeeze %dma_wait3A_94 : memref<1x1x56x64xi32, #tpu.memory_space<hbm>> -> memref<56x64xi32, #tpu.memory_space<hbm>>
        tpu.wait_dma2 semaphore(%run_scoped3A_80 : memref<!tpu.dma_semaphore, #tpu.memory_space<semaphore_mem>>) src(%dma_wait3A_95 : memref<56x64xi32, #tpu.memory_space<hbm>>) dst(%arg8 : memref<56x64xi32, #tpu.memory_space<vmem>>)
        tpu.yield
      }) : () -> ()
      "tpu.region"() ({
        %run_scoped3A_80 = tpu.sem_alloc : memref<!tpu.dma_semaphore, #tpu.memory_space<semaphore_mem>>
        %dma_start3A_81 = arith.constant 0 : i32
        %dma_start3A_82 = arith.constant 0 : i32
        %dma_start3A_83 = tpu.memref_slice %arg5[%add3A, %scan3A_47, %dma_start3A_81, %dma_start3A_82] : memref<32x3x56x64xf32, #tpu.memory_space<hbm>> -> memref<1x1x56x64xf32, #tpu.memory_space<hbm>>
        %dma_start3A_84 = tpu.memref_squeeze %dma_start3A_83 : memref<1x1x56x64xf32, #tpu.memory_space<hbm>> -> memref<56x64xf32, #tpu.memory_space<hbm>>
        %dma_start3A_85 = arith.constant 0 : i32
        %dma_start3A_86 = arith.constant 0 : i32
        %dma_start3A_87 = tpu.memref_slice %arg5[%add3A, %scan3A_47, %dma_start3A_85, %dma_start3A_86] : memref<32x3x56x64xf32, #tpu.memory_space<hbm>> -> memref<1x1x56x64xf32, #tpu.memory_space<hbm>>
        %dma_start3A_88 = tpu.memref_squeeze %dma_start3A_87 : memref<1x1x56x64xf32, #tpu.memory_space<hbm>> -> memref<56x64xf32, #tpu.memory_space<hbm>>
        tpu.enqueue_dma source(%dma_start3A_88 : memref<56x64xf32, #tpu.memory_space<hbm>>) target(%arg9 : memref<56x64xf32, #tpu.memory_space<vmem>>) target_semaphore(%run_scoped3A_80 : memref<!tpu.dma_semaphore, #tpu.memory_space<semaphore_mem>>)
        %dma_wait3A = arith.constant 0 : i32
        %dma_wait3A_89 = arith.constant 0 : i32
        %dma_wait3A_90 = tpu.memref_slice %arg5[%add3A, %scan3A_47, %dma_wait3A, %dma_wait3A_89] : memref<32x3x56x64xf32, #tpu.memory_space<hbm>> -> memref<1x1x56x64xf32, #tpu.memory_space<hbm>>
        %dma_wait3A_91 = tpu.memref_squeeze %dma_wait3A_90 : memref<1x1x56x64xf32, #tpu.memory_space<hbm>> -> memref<56x64xf32, #tpu.memory_space<hbm>>
        %dma_wait3A_92 = arith.constant 0 : i32
        %dma_wait3A_93 = arith.constant 0 : i32
        %dma_wait3A_94 = tpu.memref_slice %arg5[%add3A, %scan3A_47, %dma_wait3A_92, %dma_wait3A_93] : memref<32x3x56x64xf32, #tpu.memory_space<hbm>> -> memref<1x1x56x64xf32, #tpu.memory_space<hbm>>
        %dma_wait3A_95 = tpu.memref_squeeze %dma_wait3A_94 : memref<1x1x56x64xf32, #tpu.memory_space<hbm>> -> memref<56x64xf32, #tpu.memory_space<hbm>>
        tpu.wait_dma2 semaphore(%run_scoped3A_80 : memref<!tpu.dma_semaphore, #tpu.memory_space<semaphore_mem>>) src(%dma_wait3A_95 : memref<56x64xf32, #tpu.memory_space<hbm>>) dst(%arg9 : memref<56x64xf32, #tpu.memory_space<vmem>>)
        tpu.yield
      }) : () -> ()
      %dma_start3A = arith.constant 0 : i32
      %dma_start3A_49 = arith.constant 0 : i32
      %dma_start3A_50 = arith.constant 0 : i32
      %dma_start3A_51 = arith.constant 0 : i32
      %dma_start3A_52 = tpu.memref_slice %arg10[%dma_start3A_49, %dma_start3A_50, %dma_start3A_51] : memref<2x64x128xf32, #tpu.memory_space<vmem>> -> memref<1x64x128xf32, #tpu.memory_space<vmem>>
      %dma_start3A_53 = tpu.memref_squeeze %dma_start3A_52 : memref<1x64x128xf32, #tpu.memory_space<vmem>> -> memref<64x128xf32, #tpu.memory_space<vmem>>
      %dma_start3A_54 = arith.constant 0 : i32
      %dma_start3A_55 = tpu.memref_slice %arg7[%dma_start3A, %dma_start3A_54] : memref<56x64xi32, #tpu.memory_space<vmem>> -> memref<1x64xi32, #tpu.memory_space<vmem>>
      %dma_start3A_56 = tpu.memref_squeeze %dma_start3A_55 : memref<1x64xi32, #tpu.memory_space<vmem>> -> memref<64xi32, #tpu.memory_space<vmem>>
      %dma_start3A_57 = arith.constant 0 : i32
      %dma_start3A_58 = arith.constant 0 : i32
      %dma_start3A_59 = tpu.memref_slice %arg2[%dma_start3A_57, %dma_start3A_58] : memref<10240x128xf32, #tpu.memory_space<hbm>> -> memref<10240x128xf32, #tpu.memory_space<hbm>>
      tpu.enqueue_indirect_dma source(%dma_start3A_59 : memref<10240x128xf32, #tpu.memory_space<hbm>>) target(%dma_start3A_53 : memref<64x128xf32, #tpu.memory_space<vmem>>) offsets(%dma_start3A_56 : memref<64xi32, #tpu.memory_space<vmem>>) semaphore(%arg12 : memref<!tpu.dma_semaphore, #tpu.memory_space<semaphore_mem>>)
      %dma_start3A_60 = arith.constant 1 : i32
      %dma_start3A_61 = arith.constant 1 : i32
      %dma_start3A_62 = arith.constant 0 : i32
      %dma_start3A_63 = arith.constant 0 : i32
      %dma_start3A_64 = tpu.memref_slice %arg10[%dma_start3A_61, %dma_start3A_62, %dma_start3A_63] : memref<2x64x128xf32, #tpu.memory_space<vmem>> -> memref<1x64x128xf32, #tpu.memory_space<vmem>>
      %dma_start3A_65 = tpu.memref_squeeze %dma_start3A_64 : memref<1x64x128xf32, #tpu.memory_space<vmem>> -> memref<64x128xf32, #tpu.memory_space<vmem>>
      %dma_start3A_66 = arith.constant 0 : i32
      %dma_start3A_67 = tpu.memref_slice %arg7[%dma_start3A_60, %dma_start3A_66] : memref<56x64xi32, #tpu.memory_space<vmem>> -> memref<1x64xi32, #tpu.memory_space<vmem>>
      %dma_start3A_68 = tpu.memref_squeeze %dma_start3A_67 : memref<1x64xi32, #tpu.memory_space<vmem>> -> memref<64xi32, #tpu.memory_space<vmem>>
      %dma_start3A_69 = arith.constant 0 : i32
      %dma_start3A_70 = arith.constant 0 : i32
      %dma_start3A_71 = tpu.memref_slice %arg2[%dma_start3A_69, %dma_start3A_70] : memref<10240x128xf32, #tpu.memory_space<hbm>> -> memref<10240x128xf32, #tpu.memory_space<hbm>>
      tpu.enqueue_indirect_dma source(%dma_start3A_71 : memref<10240x128xf32, #tpu.memory_space<hbm>>) target(%dma_start3A_65 : memref<64x128xf32, #tpu.memory_space<vmem>>) offsets(%dma_start3A_68 : memref<64xi32, #tpu.memory_space<vmem>>) semaphore(%arg13 : memref<!tpu.dma_semaphore, #tpu.memory_space<semaphore_mem>>)
      %scan3A_72 = arith.constant 0 : i32
      %scan3A_73 = arith.constant 0 : i32
      %scan3A_74 = arith.constant 28 : i32
      %scan3A_75 = arith.addi %scan3A_73, %scan3A_74 : i32
      %scan3A_76 = arith.constant 1 : i32
      %scan3A_77 = scf.for %scan3A_80 = %scan3A_73 to %scan3A_75 step %scan3A_76 iter_args(%scan3A_81 = %scan3A_72) -> (i32)  : i32 {
        %mul3A_82 = arith.constant 2 : i32
        %mul3A_83 = arith.muli %scan3A_80, %mul3A_82 : i32
        %add3A_84 = arith.constant 0 : i32
        %add3A_85 = arith.addi %mul3A_83, %add3A_84 : i32
        %dma_wait3A = arith.constant 0 : i32
        %dma_wait3A_86 = arith.constant 0 : i32
        %dma_wait3A_87 = arith.constant 0 : i32
        %dma_wait3A_88 = tpu.memref_slice %arg10[%dma_wait3A, %dma_wait3A_86, %dma_wait3A_87] : memref<2x64x128xf32, #tpu.memory_space<vmem>> -> memref<1x64x128xf32, #tpu.memory_space<vmem>>
        %dma_wait3A_89 = tpu.memref_squeeze %dma_wait3A_88 : memref<1x64x128xf32, #tpu.memory_space<vmem>> -> memref<64x128xf32, #tpu.memory_space<vmem>>
        %dma_wait3A_90 = arith.constant 0 : i32
        %dma_wait3A_91 = tpu.memref_slice %arg7[%add3A_85, %dma_wait3A_90] : memref<56x64xi32, #tpu.memory_space<vmem>> -> memref<1x64xi32, #tpu.memory_space<vmem>>
        %dma_wait3A_92 = tpu.memref_squeeze %dma_wait3A_91 : memref<1x64xi32, #tpu.memory_space<vmem>> -> memref<64xi32, #tpu.memory_space<vmem>>
        %dma_wait3A_93 = arith.constant 0 : i32
        %dma_wait3A_94 = arith.constant 0 : i32
        %dma_wait3A_95 = tpu.memref_slice %arg2[%dma_wait3A_93, %dma_wait3A_94] : memref<10240x128xf32, #tpu.memory_space<hbm>> -> memref<10240x128xf32, #tpu.memory_space<hbm>>
        tpu.wait_indirect_dma semaphore(%arg12 : memref<!tpu.dma_semaphore, #tpu.memory_space<semaphore_mem>>) src(%dma_wait3A_95 : memref<10240x128xf32, #tpu.memory_space<hbm>>) dst(%dma_wait3A_89 : memref<64x128xf32, #tpu.memory_space<vmem>>)
        %get3A = arith.index_cast %add3A_85 : i32 to index
        %get3A_96 = arith.constant 0 : index
        %get3A_97 = tpu.vector_load %arg9[%get3A, %get3A_96] {strides = array<i32>} : memref<56x64xf32, #tpu.memory_space<vmem>>, vector<16xf32>,
        %get3A_98 = arith.index_cast %add3A_85 : i32 to index
        %get3A_99 = arith.constant 16 : index
        %get3A_100 = tpu.vector_load %arg9[%get3A_98, %get3A_99] {strides = array<i32>} : memref<56x64xf32, #tpu.memory_space<vmem>>, vector<16xf32>,
        %get3A_101 = arith.index_cast %add3A_85 : i32 to index
        %get3A_102 = arith.constant 32 : index
        %get3A_103 = tpu.vector_load %arg9[%get3A_101, %get3A_102] {strides = array<i32>} : memref<56x64xf32, #tpu.memory_space<vmem>>, vector<16xf32>,
        %get3A_104 = arith.index_cast %add3A_85 : i32 to index
        %get3A_105 = arith.constant 48 : index
        %get3A_106 = tpu.vector_load %arg9[%get3A_104, %get3A_105] {strides = array<i32>} : memref<56x64xf32, #tpu.memory_space<vmem>>, vector<16xf32>,
        %add3A_107 = arith.constant 0 : i32
        %add3A_108 = vector.broadcast %add3A_107 : i32 to vector<16xi32>
        %add3A_109 = arith.addi %add3A_108, %iota3A : vector<16xi32>
        %add3A_110 = arith.constant 16 : i32
        %add3A_111 = vector.broadcast %add3A_110 : i32 to vector<16xi32>
        %add3A_112 = arith.addi %add3A_111, %iota3A : vector<16xi32>
        %add3A_113 = arith.constant 32 : i32
        %add3A_114 = vector.broadcast %add3A_113 : i32 to vector<16xi32>
        %add3A_115 = arith.addi %add3A_114, %iota3A : vector<16xi32>
        %add3A_116 = arith.constant 48 : i32
        %add3A_117 = vector.broadcast %add3A_116 : i32 to vector<16xi32>
        %add3A_118 = arith.addi %add3A_117, %iota3A : vector<16xi32>
        %scan3A_119 = arith.constant 0 : i32
        %scan3A_120 = arith.constant 0 : i32
        %scan3A_121 = arith.constant 32 : i32
        %scan3A_122 = arith.addi %scan3A_120, %scan3A_121 : i32
        %scan3A_123 = arith.constant 1 : i32
        %scan3A_124 = scf.for %scan3A_184 = %scan3A_120 to %scan3A_122 step %scan3A_123 iter_args(%scan3A_185 = %scan3A_119) -> (i32)  : i32 {
          %mul3A_186 = arith.constant 4 : i32
          %mul3A_187 = arith.muli %scan3A_184, %mul3A_186 : i32
          %add3A_188 = arith.constant 0 : i32
          %add3A_189 = arith.addi %mul3A_187, %add3A_188 : i32
          %add3A_190 = vector.broadcast %add3A_189 : i32 to vector<16xi32>
          %add3A_191 = arith.addi %iota3A, %add3A_190 : vector<16xi32>
          %and3A = arith.constant 127 : i32
          %and3A_192 = vector.broadcast %and3A : i32 to vector<16xi32>
          %and3A_193 = arith.andi %add3A_191, %and3A_192 : vector<16xi32>
          %gather3A = arith.constant 0 : i32
          %gather3A_194 = arith.constant 0 : i32
          %gather3A_195 = arith.constant 0 : i32
          %gather3A_196 = tpu.memref_slice %arg10[%gather3A, %gather3A_194, %gather3A_195] : memref<2x64x128xf32, #tpu.memory_space<vmem>> -> memref<1x64x128xf32, #tpu.memory_space<vmem>>
          %gather3A_197 = tpu.memref_squeeze %gather3A_196 : memref<1x64x128xf32, #tpu.memory_space<vmem>> -> memref<64x128xf32, #tpu.memory_space<vmem>>
          %gather3A_198 = tpu.vector_load_idx %gather3A_197[%add3A_109, %and3A_193] : memref<64x128xf32, #tpu.memory_space<vmem>>[vector<16xi32>, vector<16xi32>], vector<16xf32>,
          %mul3A_199 = arith.mulf %gather3A_198, %get3A_97 : vector<16xf32>
          tpu.vector_store_idx %arg11[%add3A_109, %and3A_193], %mul3A_199 : memref<64x128xf32, #tpu.memory_space<vmem>>[vector<16xi32>, vector<16xi32>], vector<16xf32>,
          %gather3A_200 = arith.constant 0 : i32
          %gather3A_201 = arith.constant 0 : i32
          %gather3A_202 = arith.constant 0 : i32
          %gather3A_203 = tpu.memref_slice %arg10[%gather3A_200, %gather3A_201, %gather3A_202] : memref<2x64x128xf32, #tpu.memory_space<vmem>> -> memref<1x64x128xf32, #tpu.memory_space<vmem>>
          %gather3A_204 = tpu.memref_squeeze %gather3A_203 : memref<1x64x128xf32, #tpu.memory_space<vmem>> -> memref<64x128xf32, #tpu.memory_space<vmem>>
          %gather3A_205 = tpu.vector_load_idx %gather3A_204[%add3A_112, %and3A_193] : memref<64x128xf32, #tpu.memory_space<vmem>>[vector<16xi32>, vector<16xi32>], vector<16xf32>,
          %mul3A_206 = arith.mulf %gather3A_205, %get3A_100 : vector<16xf32>
          tpu.vector_store_idx %arg11[%add3A_112, %and3A_193], %mul3A_206 : memref<64x128xf32, #tpu.memory_space<vmem>>[vector<16xi32>, vector<16xi32>], vector<16xf32>,
          %gather3A_207 = arith.constant 0 : i32
          %gather3A_208 = arith.constant 0 : i32
          %gather3A_209 = arith.constant 0 : i32
          %gather3A_210 = tpu.memref_slice %arg10[%gather3A_207, %gather3A_208, %gather3A_209] : memref<2x64x128xf32, #tpu.memory_space<vmem>> -> memref<1x64x128xf32, #tpu.memory_space<vmem>>
          %gather3A_211 = tpu.memref_squeeze %gather3A_210 : memref<1x64x128xf32, #tpu.memory_space<vmem>> -> memref<64x128xf32, #tpu.memory_space<vmem>>
          %gather3A_212 = tpu.vector_load_idx %gather3A_211[%add3A_115, %and3A_193] : memref<64x128xf32, #tpu.memory_space<vmem>>[vector<16xi32>, vector<16xi32>], vector<16xf32>,
          %mul3A_213 = arith.mulf %gather3A_212, %get3A_103 : vector<16xf32>
          tpu.vector_store_idx %arg11[%add3A_115, %and3A_193], %mul3A_213 : memref<64x128xf32, #tpu.memory_space<vmem>>[vector<16xi32>, vector<16xi32>], vector<16xf32>,
          %gather3A_214 = arith.constant 0 : i32
          %gather3A_215 = arith.constant 0 : i32
          %gather3A_216 = arith.constant 0 : i32
          %gather3A_217 = tpu.memref_slice %arg10[%gather3A_214, %gather3A_215, %gather3A_216] : memref<2x64x128xf32, #tpu.memory_space<vmem>> -> memref<1x64x128xf32, #tpu.memory_space<vmem>>
          %gather3A_218 = tpu.memref_squeeze %gather3A_217 : memref<1x64x128xf32, #tpu.memory_space<vmem>> -> memref<64x128xf32, #tpu.memory_space<vmem>>
          %gather3A_219 = tpu.vector_load_idx %gather3A_218[%add3A_118, %and3A_193] : memref<64x128xf32, #tpu.memory_space<vmem>>[vector<16xi32>, vector<16xi32>], vector<16xf32>,
          %mul3A_220 = arith.mulf %gather3A_219, %get3A_106 : vector<16xf32>
          tpu.vector_store_idx %arg11[%add3A_118, %and3A_193], %mul3A_220 : memref<64x128xf32, #tpu.memory_space<vmem>>[vector<16xi32>, vector<16xi32>], vector<16xf32>,
          %mul3A_221 = arith.constant 4 : i32
          %mul3A_222 = arith.muli %scan3A_184, %mul3A_221 : i32
          %add3A_223 = arith.constant 1 : i32
          %add3A_224 = arith.addi %mul3A_222, %add3A_223 : i32
          %add3A_225 = vector.broadcast %add3A_224 : i32 to vector<16xi32>
          %add3A_226 = arith.addi %iota3A, %add3A_225 : vector<16xi32>
          %and3A_227 = arith.constant 127 : i32
          %and3A_228 = vector.broadcast %and3A_227 : i32 to vector<16xi32>
          %and3A_229 = arith.andi %add3A_226, %and3A_228 : vector<16xi32>
          %gather3A_230 = arith.constant 0 : i32
          %gather3A_231 = arith.constant 0 : i32
          %gather3A_232 = arith.constant 0 : i32
          %gather3A_233 = tpu.memref_slice %arg10[%gather3A_230, %gather3A_231, %gather3A_232] : memref<2x64x128xf32, #tpu.memory_space<vmem>> -> memref<1x64x128xf32, #tpu.memory_space<vmem>>
          %gather3A_234 = tpu.memref_squeeze %gather3A_233 : memref<1x64x128xf32, #tpu.memory_space<vmem>> -> memref<64x128xf32, #tpu.memory_space<vmem>>
          %gather3A_235 = tpu.vector_load_idx %gather3A_234[%add3A_109, %and3A_229] : memref<64x128xf32, #tpu.memory_space<vmem>>[vector<16xi32>, vector<16xi32>], vector<16xf32>,
          %mul3A_236 = arith.mulf %gather3A_235, %get3A_97 : vector<16xf32>
          tpu.vector_store_idx %arg11[%add3A_109, %and3A_229], %mul3A_236 : memref<64x128xf32, #tpu.memory_space<vmem>>[vector<16xi32>, vector<16xi32>], vector<16xf32>,
          %gather3A_237 = arith.constant 0 : i32
          %gather3A_238 = arith.constant 0 : i32
          %gather3A_239 = arith.constant 0 : i32
          %gather3A_240 = tpu.memref_slice %arg10[%gather3A_237, %gather3A_238, %gather3A_239] : memref<2x64x128xf32, #tpu.memory_space<vmem>> -> memref<1x64x128xf32, #tpu.memory_space<vmem>>
          %gather3A_241 = tpu.memref_squeeze %gather3A_240 : memref<1x64x128xf32, #tpu.memory_space<vmem>> -> memref<64x128xf32, #tpu.memory_space<vmem>>
          %gather3A_242 = tpu.vector_load_idx %gather3A_241[%add3A_112, %and3A_229] : memref<64x128xf32, #tpu.memory_space<vmem>>[vector<16xi32>, vector<16xi32>], vector<16xf32>,
          %mul3A_243 = arith.mulf %gather3A_242, %get3A_100 : vector<16xf32>
          tpu.vector_store_idx %arg11[%add3A_112, %and3A_229], %mul3A_243 : memref<64x128xf32, #tpu.memory_space<vmem>>[vector<16xi32>, vector<16xi32>], vector<16xf32>,
          %gather3A_244 = arith.constant 0 : i32
          %gather3A_245 = arith.constant 0 : i32
          %gather3A_246 = arith.constant 0 : i32
          %gather3A_247 = tpu.memref_slice %arg10[%gather3A_244, %gather3A_245, %gather3A_246] : memref<2x64x128xf32, #tpu.memory_space<vmem>> -> memref<1x64x128xf32, #tpu.memory_space<vmem>>
          %gather3A_248 = tpu.memref_squeeze %gather3A_247 : memref<1x64x128xf32, #tpu.memory_space<vmem>> -> memref<64x128xf32, #tpu.memory_space<vmem>>
          %gather3A_249 = tpu.vector_load_idx %gather3A_248[%add3A_115, %and3A_229] : memref<64x128xf32, #tpu.memory_space<vmem>>[vector<16xi32>, vector<16xi32>], vector<16xf32>,
          %mul3A_250 = arith.mulf %gather3A_249, %get3A_103 : vector<16xf32>
          tpu.vector_store_idx %arg11[%add3A_115, %and3A_229], %mul3A_250 : memref<64x128xf32, #tpu.memory_space<vmem>>[vector<16xi32>, vector<16xi32>], vector<16xf32>,
          %gather3A_251 = arith.constant 0 : i32
          %gather3A_252 = arith.constant 0 : i32
          %gather3A_253 = arith.constant 0 : i32
          %gather3A_254 = tpu.memref_slice %arg10[%gather3A_251, %gather3A_252, %gather3A_253] : memref<2x64x128xf32, #tpu.memory_space<vmem>> -> memref<1x64x128xf32, #tpu.memory_space<vmem>>
          %gather3A_255 = tpu.memref_squeeze %gather3A_254 : memref<1x64x128xf32, #tpu.memory_space<vmem>> -> memref<64x128xf32, #tpu.memory_space<vmem>>
          %gather3A_256 = tpu.vector_load_idx %gather3A_255[%add3A_118, %and3A_229] : memref<64x128xf32, #tpu.memory_space<vmem>>[vector<16xi32>, vector<16xi32>], vector<16xf32>,
          %mul3A_257 = arith.mulf %gather3A_256, %get3A_106 : vector<16xf32>
          tpu.vector_store_idx %arg11[%add3A_118, %and3A_229], %mul3A_257 : memref<64x128xf32, #tpu.memory_space<vmem>>[vector<16xi32>, vector<16xi32>], vector<16xf32>,
          %mul3A_258 = arith.constant 4 : i32
          %mul3A_259 = arith.muli %scan3A_184, %mul3A_258 : i32
          %add3A_260 = arith.constant 2 : i32
          %add3A_261 = arith.addi %mul3A_259, %add3A_260 : i32
          %add3A_262 = vector.broadcast %add3A_261 : i32 to vector<16xi32>
          %add3A_263 = arith.addi %iota3A, %add3A_262 : vector<16xi32>
          %and3A_264 = arith.constant 127 : i32
          %and3A_265 = vector.broadcast %and3A_264 : i32 to vector<16xi32>
          %and3A_266 = arith.andi %add3A_263, %and3A_265 : vector<16xi32>
          %gather3A_267 = arith.constant 0 : i32
          %gather3A_268 = arith.constant 0 : i32
          %gather3A_269 = arith.constant 0 : i32
          %gather3A_270 = tpu.memref_slice %arg10[%gather3A_267, %gather3A_268, %gather3A_269] : memref<2x64x128xf32, #tpu.memory_space<vmem>> -> memref<1x64x128xf32, #tpu.memory_space<vmem>>
          %gather3A_271 = tpu.memref_squeeze %gather3A_270 : memref<1x64x128xf32, #tpu.memory_space<vmem>> -> memref<64x128xf32, #tpu.memory_space<vmem>>
          %gather3A_272 = tpu.vector_load_idx %gather3A_271[%add3A_109, %and3A_266] : memref<64x128xf32, #tpu.memory_space<vmem>>[vector<16xi32>, vector<16xi32>], vector<16xf32>,
          %mul3A_273 = arith.mulf %gather3A_272, %get3A_97 : vector<16xf32>
          tpu.vector_store_idx %arg11[%add3A_109, %and3A_266], %mul3A_273 : memref<64x128xf32, #tpu.memory_space<vmem>>[vector<16xi32>, vector<16xi32>], vector<16xf32>,
          %gather3A_274 = arith.constant 0 : i32
          %gather3A_275 = arith.constant 0 : i32
          %gather3A_276 = arith.constant 0 : i32
          %gather3A_277 = tpu.memref_slice %arg10[%gather3A_274, %gather3A_275, %gather3A_276] : memref<2x64x128xf32, #tpu.memory_space<vmem>> -> memref<1x64x128xf32, #tpu.memory_space<vmem>>
          %gather3A_278 = tpu.memref_squeeze %gather3A_277 : memref<1x64x128xf32, #tpu.memory_space<vmem>> -> memref<64x128xf32, #tpu.memory_space<vmem>>
          %gather3A_279 = tpu.vector_load_idx %gather3A_278[%add3A_112, %and3A_266] : memref<64x128xf32, #tpu.memory_space<vmem>>[vector<16xi32>, vector<16xi32>], vector<16xf32>,
          %mul3A_280 = arith.mulf %gather3A_279, %get3A_100 : vector<16xf32>
          tpu.vector_store_idx %arg11[%add3A_112, %and3A_266], %mul3A_280 : memref<64x128xf32, #tpu.memory_space<vmem>>[vector<16xi32>, vector<16xi32>], vector<16xf32>,
          %gather3A_281 = arith.constant 0 : i32
          %gather3A_282 = arith.constant 0 : i32
          %gather3A_283 = arith.constant 0 : i32
          %gather3A_284 = tpu.memref_slice %arg10[%gather3A_281, %gather3A_282, %gather3A_283] : memref<2x64x128xf32, #tpu.memory_space<vmem>> -> memref<1x64x128xf32, #tpu.memory_space<vmem>>
          %gather3A_285 = tpu.memref_squeeze %gather3A_284 : memref<1x64x128xf32, #tpu.memory_space<vmem>> -> memref<64x128xf32, #tpu.memory_space<vmem>>
          %gather3A_286 = tpu.vector_load_idx %gather3A_285[%add3A_115, %and3A_266] : memref<64x128xf32, #tpu.memory_space<vmem>>[vector<16xi32>, vector<16xi32>], vector<16xf32>,
          %mul3A_287 = arith.mulf %gather3A_286, %get3A_103 : vector<16xf32>
          tpu.vector_store_idx %arg11[%add3A_115, %and3A_266], %mul3A_287 : memref<64x128xf32, #tpu.memory_space<vmem>>[vector<16xi32>, vector<16xi32>], vector<16xf32>,
          %gather3A_288 = arith.constant 0 : i32
          %gather3A_289 = arith.constant 0 : i32
          %gather3A_290 = arith.constant 0 : i32
          %gather3A_291 = tpu.memref_slice %arg10[%gather3A_288, %gather3A_289, %gather3A_290] : memref<2x64x128xf32, #tpu.memory_space<vmem>> -> memref<1x64x128xf32, #tpu.memory_space<vmem>>
          %gather3A_292 = tpu.memref_squeeze %gather3A_291 : memref<1x64x128xf32, #tpu.memory_space<vmem>> -> memref<64x128xf32, #tpu.memory_space<vmem>>
          %gather3A_293 = tpu.vector_load_idx %gather3A_292[%add3A_118, %and3A_266] : memref<64x128xf32, #tpu.memory_space<vmem>>[vector<16xi32>, vector<16xi32>], vector<16xf32>,
          %mul3A_294 = arith.mulf %gather3A_293, %get3A_106 : vector<16xf32>
          tpu.vector_store_idx %arg11[%add3A_118, %and3A_266], %mul3A_294 : memref<64x128xf32, #tpu.memory_space<vmem>>[vector<16xi32>, vector<16xi32>], vector<16xf32>,
          %mul3A_295 = arith.constant 4 : i32
          %mul3A_296 = arith.muli %scan3A_184, %mul3A_295 : i32
          %add3A_297 = arith.constant 3 : i32
          %add3A_298 = arith.addi %mul3A_296, %add3A_297 : i32
          %add3A_299 = vector.broadcast %add3A_298 : i32 to vector<16xi32>
          %add3A_300 = arith.addi %iota3A, %add3A_299 : vector<16xi32>
          %and3A_301 = arith.constant 127 : i32
          %and3A_302 = vector.broadcast %and3A_301 : i32 to vector<16xi32>
          %and3A_303 = arith.andi %add3A_300, %and3A_302 : vector<16xi32>
          %gather3A_304 = arith.constant 0 : i32
          %gather3A_305 = arith.constant 0 : i32
          %gather3A_306 = arith.constant 0 : i32
          %gather3A_307 = tpu.memref_slice %arg10[%gather3A_304, %gather3A_305, %gather3A_306] : memref<2x64x128xf32, #tpu.memory_space<vmem>> -> memref<1x64x128xf32, #tpu.memory_space<vmem>>
          %gather3A_308 = tpu.memref_squeeze %gather3A_307 : memref<1x64x128xf32, #tpu.memory_space<vmem>> -> memref<64x128xf32, #tpu.memory_space<vmem>>
          %gather3A_309 = tpu.vector_load_idx %gather3A_308[%add3A_109, %and3A_303] : memref<64x128xf32, #tpu.memory_space<vmem>>[vector<16xi32>, vector<16xi32>], vector<16xf32>,
          %mul3A_310 = arith.mulf %gather3A_309, %get3A_97 : vector<16xf32>
          tpu.vector_store_idx %arg11[%add3A_109, %and3A_303], %mul3A_310 : memref<64x128xf32, #tpu.memory_space<vmem>>[vector<16xi32>, vector<16xi32>], vector<16xf32>,
          %gather3A_311 = arith.constant 0 : i32
          %gather3A_312 = arith.constant 0 : i32
          %gather3A_313 = arith.constant 0 : i32
          %gather3A_314 = tpu.memref_slice %arg10[%gather3A_311, %gather3A_312, %gather3A_313] : memref<2x64x128xf32, #tpu.memory_space<vmem>> -> memref<1x64x128xf32, #tpu.memory_space<vmem>>
          %gather3A_315 = tpu.memref_squeeze %gather3A_314 : memref<1x64x128xf32, #tpu.memory_space<vmem>> -> memref<64x128xf32, #tpu.memory_space<vmem>>
          %gather3A_316 = tpu.vector_load_idx %gather3A_315[%add3A_112, %and3A_303] : memref<64x128xf32, #tpu.memory_space<vmem>>[vector<16xi32>, vector<16xi32>], vector<16xf32>,
          %mul3A_317 = arith.mulf %gather3A_316, %get3A_100 : vector<16xf32>
          tpu.vector_store_idx %arg11[%add3A_112, %and3A_303], %mul3A_317 : memref<64x128xf32, #tpu.memory_space<vmem>>[vector<16xi32>, vector<16xi32>], vector<16xf32>,
          %gather3A_318 = arith.constant 0 : i32
          %gather3A_319 = arith.constant 0 : i32
          %gather3A_320 = arith.constant 0 : i32
          %gather3A_321 = tpu.memref_slice %arg10[%gather3A_318, %gather3A_319, %gather3A_320] : memref<2x64x128xf32, #tpu.memory_space<vmem>> -> memref<1x64x128xf32, #tpu.memory_space<vmem>>
          %gather3A_322 = tpu.memref_squeeze %gather3A_321 : memref<1x64x128xf32, #tpu.memory_space<vmem>> -> memref<64x128xf32, #tpu.memory_space<vmem>>
          %gather3A_323 = tpu.vector_load_idx %gather3A_322[%add3A_115, %and3A_303] : memref<64x128xf32, #tpu.memory_space<vmem>>[vector<16xi32>, vector<16xi32>], vector<16xf32>,
          %mul3A_324 = arith.mulf %gather3A_323, %get3A_103 : vector<16xf32>
          tpu.vector_store_idx %arg11[%add3A_115, %and3A_303], %mul3A_324 : memref<64x128xf32, #tpu.memory_space<vmem>>[vector<16xi32>, vector<16xi32>], vector<16xf32>,
          %gather3A_325 = arith.constant 0 : i32
          %gather3A_326 = arith.constant 0 : i32
          %gather3A_327 = arith.constant 0 : i32
          %gather3A_328 = tpu.memref_slice %arg10[%gather3A_325, %gather3A_326, %gather3A_327] : memref<2x64x128xf32, #tpu.memory_space<vmem>> -> memref<1x64x128xf32, #tpu.memory_space<vmem>>
          %gather3A_329 = tpu.memref_squeeze %gather3A_328 : memref<1x64x128xf32, #tpu.memory_space<vmem>> -> memref<64x128xf32, #tpu.memory_space<vmem>>
          %gather3A_330 = tpu.vector_load_idx %gather3A_329[%add3A_118, %and3A_303] : memref<64x128xf32, #tpu.memory_space<vmem>>[vector<16xi32>, vector<16xi32>], vector<16xf32>,
          %mul3A_331 = arith.mulf %gather3A_330, %get3A_106 : vector<16xf32>
          tpu.vector_store_idx %arg11[%add3A_118, %and3A_303], %mul3A_331 : memref<64x128xf32, #tpu.memory_space<vmem>>[vector<16xi32>, vector<16xi32>], vector<16xf32>,
          %scan3A_332 = arith.constant 0 : i32
          scf.yield %scan3A_332 : i32
        }
        %scan3A_125 = arith.constant 32 : i32
        "tpu.region"() ({
          %run_scoped3A_184 = tpu.sem_alloc : memref<!tpu.dma_semaphore, #tpu.memory_space<semaphore_mem>>
          %dma_start3A_185 = arith.constant 0 : i32
          %dma_start3A_186 = tpu.memref_slice %arg8[%add3A_85, %dma_start3A_185] : memref<56x64xi32, #tpu.memory_space<vmem>> -> memref<1x64xi32, #tpu.memory_space<vmem>>
          %dma_start3A_187 = tpu.memref_squeeze %dma_start3A_186 : memref<1x64xi32, #tpu.memory_space<vmem>> -> memref<64xi32, #tpu.memory_space<vmem>>
          %dma_start3A_188 = arith.constant 0 : i32
          %dma_start3A_189 = arith.constant 0 : i32
          %dma_start3A_190 = tpu.memref_slice %arg14[%dma_start3A_188, %dma_start3A_189] : memref<10240x128xf32, #tpu.memory_space<vmem_shared>> -> memref<10240x128xf32, #tpu.memory_space<vmem_shared>>
          tpu.enqueue_indirect_dma source(%arg11 : memref<64x128xf32, #tpu.memory_space<vmem>>) target(%dma_start3A_190 : memref<10240x128xf32, #tpu.memory_space<vmem_shared>>) offsets(%dma_start3A_187 : memref<64xi32, #tpu.memory_space<vmem>>) semaphore(%run_scoped3A_184 : memref<!tpu.dma_semaphore, #tpu.memory_space<semaphore_mem>>) {add = true}
          %dma_wait3A_191 = arith.constant 0 : i32
          %dma_wait3A_192 = tpu.memref_slice %arg8[%add3A_85, %dma_wait3A_191] : memref<56x64xi32, #tpu.memory_space<vmem>> -> memref<1x64xi32, #tpu.memory_space<vmem>>
          %dma_wait3A_193 = tpu.memref_squeeze %dma_wait3A_192 : memref<1x64xi32, #tpu.memory_space<vmem>> -> memref<64xi32, #tpu.memory_space<vmem>>
          %dma_wait3A_194 = arith.constant 0 : i32
          %dma_wait3A_195 = arith.constant 0 : i32
          %dma_wait3A_196 = tpu.memref_slice %arg14[%dma_wait3A_194, %dma_wait3A_195] : memref<10240x128xf32, #tpu.memory_space<vmem_shared>> -> memref<10240x128xf32, #tpu.memory_space<vmem_shared>>
          tpu.wait_indirect_dma semaphore(%run_scoped3A_184 : memref<!tpu.dma_semaphore, #tpu.memory_space<semaphore_mem>>) src(%arg11 : memref<64x128xf32, #tpu.memory_space<vmem>>) dst(%dma_wait3A_196 : memref<10240x128xf32, #tpu.memory_space<vmem_shared>>)
          tpu.yield
        }) : () -> ()
        %add3A_126 = arith.constant 2 : i32
        %add3A_127 = arith.addi %add3A_85, %add3A_126 : i32
        %lt3A = arith.constant 56 : i32
        %lt3A_128 = arith.cmpi slt, %add3A_127, %lt3A : i32
        %convert_element_type3A = arith.extui %lt3A_128 : i1 to i32
        %cond3A = arith.constant 0 : i32
        %cond3A_129 = arith.cmpi ne, %convert_element_type3A, %cond3A : i32
        scf.if %cond3A_129 {
          %add3A_184 = arith.constant 2 : i32
          %add3A_185 = arith.addi %add3A_85, %add3A_184 : i32
          %dma_start3A_186 = arith.constant 0 : i32
          %dma_start3A_187 = arith.constant 0 : i32
          %dma_start3A_188 = arith.constant 0 : i32
          %dma_start3A_189 = tpu.memref_slice %arg10[%dma_start3A_186, %dma_start3A_187, %dma_start3A_188] : memref<2x64x128xf32, #tpu.memory_space<vmem>> -> memref<1x64x128xf32, #tpu.memory_space<vmem>>
          %dma_start3A_190 = tpu.memref_squeeze %dma_start3A_189 : memref<1x64x128xf32, #tpu.memory_space<vmem>> -> memref<64x128xf32, #tpu.memory_space<vmem>>
          %dma_start3A_191 = arith.constant 0 : i32
          %dma_start3A_192 = tpu.memref_slice %arg7[%add3A_185, %dma_start3A_191] : memref<56x64xi32, #tpu.memory_space<vmem>> -> memref<1x64xi32, #tpu.memory_space<vmem>>
          %dma_start3A_193 = tpu.memref_squeeze %dma_start3A_192 : memref<1x64xi32, #tpu.memory_space<vmem>> -> memref<64xi32, #tpu.memory_space<vmem>>
          %dma_start3A_194 = arith.constant 0 : i32
          %dma_start3A_195 = arith.constant 0 : i32
          %dma_start3A_196 = tpu.memref_slice %arg2[%dma_start3A_194, %dma_start3A_195] : memref<10240x128xf32, #tpu.memory_space<hbm>> -> memref<10240x128xf32, #tpu.memory_space<hbm>>
          tpu.enqueue_indirect_dma source(%dma_start3A_196 : memref<10240x128xf32, #tpu.memory_space<hbm>>) target(%dma_start3A_190 : memref<64x128xf32, #tpu.memory_space<vmem>>) offsets(%dma_start3A_193 : memref<64xi32, #tpu.memory_space<vmem>>) semaphore(%arg12 : memref<!tpu.dma_semaphore, #tpu.memory_space<semaphore_mem>>)
        } else {
        }
        %mul3A_130 = arith.constant 2 : i32
        %mul3A_131 = arith.muli %scan3A_80, %mul3A_130 : i32
        %add3A_132 = arith.constant 1 : i32
        %add3A_133 = arith.addi %mul3A_131, %add3A_132 : i32
        %dma_wait3A_134 = arith.constant 1 : i32
        %dma_wait3A_135 = arith.constant 0 : i32
        %dma_wait3A_136 = arith.constant 0 : i32
        %dma_wait3A_137 = tpu.memref_slice %arg10[%dma_wait3A_134, %dma_wait3A_135, %dma_wait3A_136] : memref<2x64x128xf32, #tpu.memory_space<vmem>> -> memref<1x64x128xf32, #tpu.memory_space<vmem>>
        %dma_wait3A_138 = tpu.memref_squeeze %dma_wait3A_137 : memref<1x64x128xf32, #tpu.memory_space<vmem>> -> memref<64x128xf32, #tpu.memory_space<vmem>>
        %dma_wait3A_139 = arith.constant 0 : i32
        %dma_wait3A_140 = tpu.memref_slice %arg7[%add3A_133, %dma_wait3A_139] : memref<56x64xi32, #tpu.memory_space<vmem>> -> memref<1x64xi32, #tpu.memory_space<vmem>>
        %dma_wait3A_141 = tpu.memref_squeeze %dma_wait3A_140 : memref<1x64xi32, #tpu.memory_space<vmem>> -> memref<64xi32, #tpu.memory_space<vmem>>
        %dma_wait3A_142 = arith.constant 0 : i32
        %dma_wait3A_143 = arith.constant 0 : i32
        %dma_wait3A_144 = tpu.memref_slice %arg2[%dma_wait3A_142, %dma_wait3A_143] : memref<10240x128xf32, #tpu.memory_space<hbm>> -> memref<10240x128xf32, #tpu.memory_space<hbm>>
        tpu.wait_indirect_dma semaphore(%arg13 : memref<!tpu.dma_semaphore, #tpu.memory_space<semaphore_mem>>) src(%dma_wait3A_144 : memref<10240x128xf32, #tpu.memory_space<hbm>>) dst(%dma_wait3A_138 : memref<64x128xf32, #tpu.memory_space<vmem>>)
        %get3A_145 = arith.index_cast %add3A_133 : i32 to index
        %get3A_146 = arith.constant 0 : index
        %get3A_147 = tpu.vector_load %arg9[%get3A_145, %get3A_146] {strides = array<i32>} : memref<56x64xf32, #tpu.memory_space<vmem>>, vector<16xf32>,
        %get3A_148 = arith.index_cast %add3A_133 : i32 to index
        %get3A_149 = arith.constant 16 : index
        %get3A_150 = tpu.vector_load %arg9[%get3A_148, %get3A_149] {strides = array<i32>} : memref<56x64xf32, #tpu.memory_space<vmem>>, vector<16xf32>,
        %get3A_151 = arith.index_cast %add3A_133 : i32 to index
        %get3A_152 = arith.constant 32 : index
        %get3A_153 = tpu.vector_load %arg9[%get3A_151, %get3A_152] {strides = array<i32>} : memref<56x64xf32, #tpu.memory_space<vmem>>, vector<16xf32>,
        %get3A_154 = arith.index_cast %add3A_133 : i32 to index
        %get3A_155 = arith.constant 48 : index
        %get3A_156 = tpu.vector_load %arg9[%get3A_154, %get3A_155] {strides = array<i32>} : memref<56x64xf32, #tpu.memory_space<vmem>>, vector<16xf32>,
        %add3A_157 = arith.constant 0 : i32
        %add3A_158 = vector.broadcast %add3A_157 : i32 to vector<16xi32>
        %add3A_159 = arith.addi %add3A_158, %iota3A : vector<16xi32>
        %add3A_160 = arith.constant 16 : i32
        %add3A_161 = vector.broadcast %add3A_160 : i32 to vector<16xi32>
        %add3A_162 = arith.addi %add3A_161, %iota3A : vector<16xi32>
        %add3A_163 = arith.constant 32 : i32
        %add3A_164 = vector.broadcast %add3A_163 : i32 to vector<16xi32>
        %add3A_165 = arith.addi %add3A_164, %iota3A : vector<16xi32>
        %add3A_166 = arith.constant 48 : i32
        %add3A_167 = vector.broadcast %add3A_166 : i32 to vector<16xi32>
        %add3A_168 = arith.addi %add3A_167, %iota3A : vector<16xi32>
        %scan3A_169 = arith.constant 0 : i32
        %scan3A_170 = arith.constant 0 : i32
        %scan3A_171 = arith.constant 32 : i32
        %scan3A_172 = arith.addi %scan3A_170, %scan3A_171 : i32
        %scan3A_173 = arith.constant 1 : i32
        %scan3A_174 = scf.for %scan3A_184 = %scan3A_170 to %scan3A_172 step %scan3A_173 iter_args(%scan3A_185 = %scan3A_169) -> (i32)  : i32 {
          %mul3A_186 = arith.constant 4 : i32
          %mul3A_187 = arith.muli %scan3A_184, %mul3A_186 : i32
          %add3A_188 = arith.constant 0 : i32
          %add3A_189 = arith.addi %mul3A_187, %add3A_188 : i32
          %add3A_190 = vector.broadcast %add3A_189 : i32 to vector<16xi32>
          %add3A_191 = arith.addi %iota3A, %add3A_190 : vector<16xi32>
          %and3A = arith.constant 127 : i32
          %and3A_192 = vector.broadcast %and3A : i32 to vector<16xi32>
          %and3A_193 = arith.andi %add3A_191, %and3A_192 : vector<16xi32>
          %gather3A = arith.constant 1 : i32
          %gather3A_194 = arith.constant 0 : i32
          %gather3A_195 = arith.constant 0 : i32
          %gather3A_196 = tpu.memref_slice %arg10[%gather3A, %gather3A_194, %gather3A_195] : memref<2x64x128xf32, #tpu.memory_space<vmem>> -> memref<1x64x128xf32, #tpu.memory_space<vmem>>
          %gather3A_197 = tpu.memref_squeeze %gather3A_196 : memref<1x64x128xf32, #tpu.memory_space<vmem>> -> memref<64x128xf32, #tpu.memory_space<vmem>>
          %gather3A_198 = tpu.vector_load_idx %gather3A_197[%add3A_159, %and3A_193] : memref<64x128xf32, #tpu.memory_space<vmem>>[vector<16xi32>, vector<16xi32>], vector<16xf32>,
          %mul3A_199 = arith.mulf %gather3A_198, %get3A_147 : vector<16xf32>
          tpu.vector_store_idx %arg11[%add3A_159, %and3A_193], %mul3A_199 : memref<64x128xf32, #tpu.memory_space<vmem>>[vector<16xi32>, vector<16xi32>], vector<16xf32>,
          %gather3A_200 = arith.constant 1 : i32
          %gather3A_201 = arith.constant 0 : i32
          %gather3A_202 = arith.constant 0 : i32
          %gather3A_203 = tpu.memref_slice %arg10[%gather3A_200, %gather3A_201, %gather3A_202] : memref<2x64x128xf32, #tpu.memory_space<vmem>> -> memref<1x64x128xf32, #tpu.memory_space<vmem>>
          %gather3A_204 = tpu.memref_squeeze %gather3A_203 : memref<1x64x128xf32, #tpu.memory_space<vmem>> -> memref<64x128xf32, #tpu.memory_space<vmem>>
          %gather3A_205 = tpu.vector_load_idx %gather3A_204[%add3A_162, %and3A_193] : memref<64x128xf32, #tpu.memory_space<vmem>>[vector<16xi32>, vector<16xi32>], vector<16xf32>,
          %mul3A_206 = arith.mulf %gather3A_205, %get3A_150 : vector<16xf32>
          tpu.vector_store_idx %arg11[%add3A_162, %and3A_193], %mul3A_206 : memref<64x128xf32, #tpu.memory_space<vmem>>[vector<16xi32>, vector<16xi32>], vector<16xf32>,
          %gather3A_207 = arith.constant 1 : i32
          %gather3A_208 = arith.constant 0 : i32
          %gather3A_209 = arith.constant 0 : i32
          %gather3A_210 = tpu.memref_slice %arg10[%gather3A_207, %gather3A_208, %gather3A_209] : memref<2x64x128xf32, #tpu.memory_space<vmem>> -> memref<1x64x128xf32, #tpu.memory_space<vmem>>
          %gather3A_211 = tpu.memref_squeeze %gather3A_210 : memref<1x64x128xf32, #tpu.memory_space<vmem>> -> memref<64x128xf32, #tpu.memory_space<vmem>>
          %gather3A_212 = tpu.vector_load_idx %gather3A_211[%add3A_165, %and3A_193] : memref<64x128xf32, #tpu.memory_space<vmem>>[vector<16xi32>, vector<16xi32>], vector<16xf32>,
          %mul3A_213 = arith.mulf %gather3A_212, %get3A_153 : vector<16xf32>
          tpu.vector_store_idx %arg11[%add3A_165, %and3A_193], %mul3A_213 : memref<64x128xf32, #tpu.memory_space<vmem>>[vector<16xi32>, vector<16xi32>], vector<16xf32>,
          %gather3A_214 = arith.constant 1 : i32
          %gather3A_215 = arith.constant 0 : i32
          %gather3A_216 = arith.constant 0 : i32
          %gather3A_217 = tpu.memref_slice %arg10[%gather3A_214, %gather3A_215, %gather3A_216] : memref<2x64x128xf32, #tpu.memory_space<vmem>> -> memref<1x64x128xf32, #tpu.memory_space<vmem>>
          %gather3A_218 = tpu.memref_squeeze %gather3A_217 : memref<1x64x128xf32, #tpu.memory_space<vmem>> -> memref<64x128xf32, #tpu.memory_space<vmem>>
          %gather3A_219 = tpu.vector_load_idx %gather3A_218[%add3A_168, %and3A_193] : memref<64x128xf32, #tpu.memory_space<vmem>>[vector<16xi32>, vector<16xi32>], vector<16xf32>,
          %mul3A_220 = arith.mulf %gather3A_219, %get3A_156 : vector<16xf32>
          tpu.vector_store_idx %arg11[%add3A_168, %and3A_193], %mul3A_220 : memref<64x128xf32, #tpu.memory_space<vmem>>[vector<16xi32>, vector<16xi32>], vector<16xf32>,
          %mul3A_221 = arith.constant 4 : i32
          %mul3A_222 = arith.muli %scan3A_184, %mul3A_221 : i32
          %add3A_223 = arith.constant 1 : i32
          %add3A_224 = arith.addi %mul3A_222, %add3A_223 : i32
          %add3A_225 = vector.broadcast %add3A_224 : i32 to vector<16xi32>
          %add3A_226 = arith.addi %iota3A, %add3A_225 : vector<16xi32>
          %and3A_227 = arith.constant 127 : i32
          %and3A_228 = vector.broadcast %and3A_227 : i32 to vector<16xi32>
          %and3A_229 = arith.andi %add3A_226, %and3A_228 : vector<16xi32>
          %gather3A_230 = arith.constant 1 : i32
          %gather3A_231 = arith.constant 0 : i32
          %gather3A_232 = arith.constant 0 : i32
          %gather3A_233 = tpu.memref_slice %arg10[%gather3A_230, %gather3A_231, %gather3A_232] : memref<2x64x128xf32, #tpu.memory_space<vmem>> -> memref<1x64x128xf32, #tpu.memory_space<vmem>>
          %gather3A_234 = tpu.memref_squeeze %gather3A_233 : memref<1x64x128xf32, #tpu.memory_space<vmem>> -> memref<64x128xf32, #tpu.memory_space<vmem>>
          %gather3A_235 = tpu.vector_load_idx %gather3A_234[%add3A_159, %and3A_229] : memref<64x128xf32, #tpu.memory_space<vmem>>[vector<16xi32>, vector<16xi32>], vector<16xf32>,
          %mul3A_236 = arith.mulf %gather3A_235, %get3A_147 : vector<16xf32>
          tpu.vector_store_idx %arg11[%add3A_159, %and3A_229], %mul3A_236 : memref<64x128xf32, #tpu.memory_space<vmem>>[vector<16xi32>, vector<16xi32>], vector<16xf32>,
          %gather3A_237 = arith.constant 1 : i32
          %gather3A_238 = arith.constant 0 : i32
          %gather3A_239 = arith.constant 0 : i32
          %gather3A_240 = tpu.memref_slice %arg10[%gather3A_237, %gather3A_238, %gather3A_239] : memref<2x64x128xf32, #tpu.memory_space<vmem>> -> memref<1x64x128xf32, #tpu.memory_space<vmem>>
          %gather3A_241 = tpu.memref_squeeze %gather3A_240 : memref<1x64x128xf32, #tpu.memory_space<vmem>> -> memref<64x128xf32, #tpu.memory_space<vmem>>
          %gather3A_242 = tpu.vector_load_idx %gather3A_241[%add3A_162, %and3A_229] : memref<64x128xf32, #tpu.memory_space<vmem>>[vector<16xi32>, vector<16xi32>], vector<16xf32>,
          %mul3A_243 = arith.mulf %gather3A_242, %get3A_150 : vector<16xf32>
          tpu.vector_store_idx %arg11[%add3A_162, %and3A_229], %mul3A_243 : memref<64x128xf32, #tpu.memory_space<vmem>>[vector<16xi32>, vector<16xi32>], vector<16xf32>,
          %gather3A_244 = arith.constant 1 : i32
          %gather3A_245 = arith.constant 0 : i32
          %gather3A_246 = arith.constant 0 : i32
          %gather3A_247 = tpu.memref_slice %arg10[%gather3A_244, %gather3A_245, %gather3A_246] : memref<2x64x128xf32, #tpu.memory_space<vmem>> -> memref<1x64x128xf32, #tpu.memory_space<vmem>>
          %gather3A_248 = tpu.memref_squeeze %gather3A_247 : memref<1x64x128xf32, #tpu.memory_space<vmem>> -> memref<64x128xf32, #tpu.memory_space<vmem>>
          %gather3A_249 = tpu.vector_load_idx %gather3A_248[%add3A_165, %and3A_229] : memref<64x128xf32, #tpu.memory_space<vmem>>[vector<16xi32>, vector<16xi32>], vector<16xf32>,
          %mul3A_250 = arith.mulf %gather3A_249, %get3A_153 : vector<16xf32>
          tpu.vector_store_idx %arg11[%add3A_165, %and3A_229], %mul3A_250 : memref<64x128xf32, #tpu.memory_space<vmem>>[vector<16xi32>, vector<16xi32>], vector<16xf32>,
          %gather3A_251 = arith.constant 1 : i32
          %gather3A_252 = arith.constant 0 : i32
          %gather3A_253 = arith.constant 0 : i32
          %gather3A_254 = tpu.memref_slice %arg10[%gather3A_251, %gather3A_252, %gather3A_253] : memref<2x64x128xf32, #tpu.memory_space<vmem>> -> memref<1x64x128xf32, #tpu.memory_space<vmem>>
          %gather3A_255 = tpu.memref_squeeze %gather3A_254 : memref<1x64x128xf32, #tpu.memory_space<vmem>> -> memref<64x128xf32, #tpu.memory_space<vmem>>
          %gather3A_256 = tpu.vector_load_idx %gather3A_255[%add3A_168, %and3A_229] : memref<64x128xf32, #tpu.memory_space<vmem>>[vector<16xi32>, vector<16xi32>], vector<16xf32>,
          %mul3A_257 = arith.mulf %gather3A_256, %get3A_156 : vector<16xf32>
          tpu.vector_store_idx %arg11[%add3A_168, %and3A_229], %mul3A_257 : memref<64x128xf32, #tpu.memory_space<vmem>>[vector<16xi32>, vector<16xi32>], vector<16xf32>,
          %mul3A_258 = arith.constant 4 : i32
          %mul3A_259 = arith.muli %scan3A_184, %mul3A_258 : i32
          %add3A_260 = arith.constant 2 : i32
          %add3A_261 = arith.addi %mul3A_259, %add3A_260 : i32
          %add3A_262 = vector.broadcast %add3A_261 : i32 to vector<16xi32>
          %add3A_263 = arith.addi %iota3A, %add3A_262 : vector<16xi32>
          %and3A_264 = arith.constant 127 : i32
          %and3A_265 = vector.broadcast %and3A_264 : i32 to vector<16xi32>
          %and3A_266 = arith.andi %add3A_263, %and3A_265 : vector<16xi32>
          %gather3A_267 = arith.constant 1 : i32
          %gather3A_268 = arith.constant 0 : i32
          %gather3A_269 = arith.constant 0 : i32
          %gather3A_270 = tpu.memref_slice %arg10[%gather3A_267, %gather3A_268, %gather3A_269] : memref<2x64x128xf32, #tpu.memory_space<vmem>> -> memref<1x64x128xf32, #tpu.memory_space<vmem>>
          %gather3A_271 = tpu.memref_squeeze %gather3A_270 : memref<1x64x128xf32, #tpu.memory_space<vmem>> -> memref<64x128xf32, #tpu.memory_space<vmem>>
          %gather3A_272 = tpu.vector_load_idx %gather3A_271[%add3A_159, %and3A_266] : memref<64x128xf32, #tpu.memory_space<vmem>>[vector<16xi32>, vector<16xi32>], vector<16xf32>,
          %mul3A_273 = arith.mulf %gather3A_272, %get3A_147 : vector<16xf32>
          tpu.vector_store_idx %arg11[%add3A_159, %and3A_266], %mul3A_273 : memref<64x128xf32, #tpu.memory_space<vmem>>[vector<16xi32>, vector<16xi32>], vector<16xf32>,
          %gather3A_274 = arith.constant 1 : i32
          %gather3A_275 = arith.constant 0 : i32
          %gather3A_276 = arith.constant 0 : i32
          %gather3A_277 = tpu.memref_slice %arg10[%gather3A_274, %gather3A_275, %gather3A_276] : memref<2x64x128xf32, #tpu.memory_space<vmem>> -> memref<1x64x128xf32, #tpu.memory_space<vmem>>
          %gather3A_278 = tpu.memref_squeeze %gather3A_277 : memref<1x64x128xf32, #tpu.memory_space<vmem>> -> memref<64x128xf32, #tpu.memory_space<vmem>>
          %gather3A_279 = tpu.vector_load_idx %gather3A_278[%add3A_162, %and3A_266] : memref<64x128xf32, #tpu.memory_space<vmem>>[vector<16xi32>, vector<16xi32>], vector<16xf32>,
          %mul3A_280 = arith.mulf %gather3A_279, %get3A_150 : vector<16xf32>
          tpu.vector_store_idx %arg11[%add3A_162, %and3A_266], %mul3A_280 : memref<64x128xf32, #tpu.memory_space<vmem>>[vector<16xi32>, vector<16xi32>], vector<16xf32>,
          %gather3A_281 = arith.constant 1 : i32
          %gather3A_282 = arith.constant 0 : i32
          %gather3A_283 = arith.constant 0 : i32
          %gather3A_284 = tpu.memref_slice %arg10[%gather3A_281, %gather3A_282, %gather3A_283] : memref<2x64x128xf32, #tpu.memory_space<vmem>> -> memref<1x64x128xf32, #tpu.memory_space<vmem>>
          %gather3A_285 = tpu.memref_squeeze %gather3A_284 : memref<1x64x128xf32, #tpu.memory_space<vmem>> -> memref<64x128xf32, #tpu.memory_space<vmem>>
          %gather3A_286 = tpu.vector_load_idx %gather3A_285[%add3A_165, %and3A_266] : memref<64x128xf32, #tpu.memory_space<vmem>>[vector<16xi32>, vector<16xi32>], vector<16xf32>,
          %mul3A_287 = arith.mulf %gather3A_286, %get3A_153 : vector<16xf32>
          tpu.vector_store_idx %arg11[%add3A_165, %and3A_266], %mul3A_287 : memref<64x128xf32, #tpu.memory_space<vmem>>[vector<16xi32>, vector<16xi32>], vector<16xf32>,
          %gather3A_288 = arith.constant 1 : i32
          %gather3A_289 = arith.constant 0 : i32
          %gather3A_290 = arith.constant 0 : i32
          %gather3A_291 = tpu.memref_slice %arg10[%gather3A_288, %gather3A_289, %gather3A_290] : memref<2x64x128xf32, #tpu.memory_space<vmem>> -> memref<1x64x128xf32, #tpu.memory_space<vmem>>
          %gather3A_292 = tpu.memref_squeeze %gather3A_291 : memref<1x64x128xf32, #tpu.memory_space<vmem>> -> memref<64x128xf32, #tpu.memory_space<vmem>>
          %gather3A_293 = tpu.vector_load_idx %gather3A_292[%add3A_168, %and3A_266] : memref<64x128xf32, #tpu.memory_space<vmem>>[vector<16xi32>, vector<16xi32>], vector<16xf32>,
          %mul3A_294 = arith.mulf %gather3A_293, %get3A_156 : vector<16xf32>
          tpu.vector_store_idx %arg11[%add3A_168, %and3A_266], %mul3A_294 : memref<64x128xf32, #tpu.memory_space<vmem>>[vector<16xi32>, vector<16xi32>], vector<16xf32>,
          %mul3A_295 = arith.constant 4 : i32
          %mul3A_296 = arith.muli %scan3A_184, %mul3A_295 : i32
          %add3A_297 = arith.constant 3 : i32
          %add3A_298 = arith.addi %mul3A_296, %add3A_297 : i32
          %add3A_299 = vector.broadcast %add3A_298 : i32 to vector<16xi32>
          %add3A_300 = arith.addi %iota3A, %add3A_299 : vector<16xi32>
          %and3A_301 = arith.constant 127 : i32
          %and3A_302 = vector.broadcast %and3A_301 : i32 to vector<16xi32>
          %and3A_303 = arith.andi %add3A_300, %and3A_302 : vector<16xi32>
          %gather3A_304 = arith.constant 1 : i32
          %gather3A_305 = arith.constant 0 : i32
          %gather3A_306 = arith.constant 0 : i32
          %gather3A_307 = tpu.memref_slice %arg10[%gather3A_304, %gather3A_305, %gather3A_306] : memref<2x64x128xf32, #tpu.memory_space<vmem>> -> memref<1x64x128xf32, #tpu.memory_space<vmem>>
          %gather3A_308 = tpu.memref_squeeze %gather3A_307 : memref<1x64x128xf32, #tpu.memory_space<vmem>> -> memref<64x128xf32, #tpu.memory_space<vmem>>
          %gather3A_309 = tpu.vector_load_idx %gather3A_308[%add3A_159, %and3A_303] : memref<64x128xf32, #tpu.memory_space<vmem>>[vector<16xi32>, vector<16xi32>], vector<16xf32>,
          %mul3A_310 = arith.mulf %gather3A_309, %get3A_147 : vector<16xf32>
          tpu.vector_store_idx %arg11[%add3A_159, %and3A_303], %mul3A_310 : memref<64x128xf32, #tpu.memory_space<vmem>>[vector<16xi32>, vector<16xi32>], vector<16xf32>,
          %gather3A_311 = arith.constant 1 : i32
          %gather3A_312 = arith.constant 0 : i32
          %gather3A_313 = arith.constant 0 : i32
          %gather3A_314 = tpu.memref_slice %arg10[%gather3A_311, %gather3A_312, %gather3A_313] : memref<2x64x128xf32, #tpu.memory_space<vmem>> -> memref<1x64x128xf32, #tpu.memory_space<vmem>>
          %gather3A_315 = tpu.memref_squeeze %gather3A_314 : memref<1x64x128xf32, #tpu.memory_space<vmem>> -> memref<64x128xf32, #tpu.memory_space<vmem>>
          %gather3A_316 = tpu.vector_load_idx %gather3A_315[%add3A_162, %and3A_303] : memref<64x128xf32, #tpu.memory_space<vmem>>[vector<16xi32>, vector<16xi32>], vector<16xf32>,
          %mul3A_317 = arith.mulf %gather3A_316, %get3A_150 : vector<16xf32>
          tpu.vector_store_idx %arg11[%add3A_162, %and3A_303], %mul3A_317 : memref<64x128xf32, #tpu.memory_space<vmem>>[vector<16xi32>, vector<16xi32>], vector<16xf32>,
          %gather3A_318 = arith.constant 1 : i32
          %gather3A_319 = arith.constant 0 : i32
          %gather3A_320 = arith.constant 0 : i32
          %gather3A_321 = tpu.memref_slice %arg10[%gather3A_318, %gather3A_319, %gather3A_320] : memref<2x64x128xf32, #tpu.memory_space<vmem>> -> memref<1x64x128xf32, #tpu.memory_space<vmem>>
          %gather3A_322 = tpu.memref_squeeze %gather3A_321 : memref<1x64x128xf32, #tpu.memory_space<vmem>> -> memref<64x128xf32, #tpu.memory_space<vmem>>
          %gather3A_323 = tpu.vector_load_idx %gather3A_322[%add3A_165, %and3A_303] : memref<64x128xf32, #tpu.memory_space<vmem>>[vector<16xi32>, vector<16xi32>], vector<16xf32>,
          %mul3A_324 = arith.mulf %gather3A_323, %get3A_153 : vector<16xf32>
          tpu.vector_store_idx %arg11[%add3A_165, %and3A_303], %mul3A_324 : memref<64x128xf32, #tpu.memory_space<vmem>>[vector<16xi32>, vector<16xi32>], vector<16xf32>,
          %gather3A_325 = arith.constant 1 : i32
          %gather3A_326 = arith.constant 0 : i32
          %gather3A_327 = arith.constant 0 : i32
          %gather3A_328 = tpu.memref_slice %arg10[%gather3A_325, %gather3A_326, %gather3A_327] : memref<2x64x128xf32, #tpu.memory_space<vmem>> -> memref<1x64x128xf32, #tpu.memory_space<vmem>>
          %gather3A_329 = tpu.memref_squeeze %gather3A_328 : memref<1x64x128xf32, #tpu.memory_space<vmem>> -> memref<64x128xf32, #tpu.memory_space<vmem>>
          %gather3A_330 = tpu.vector_load_idx %gather3A_329[%add3A_168, %and3A_303] : memref<64x128xf32, #tpu.memory_space<vmem>>[vector<16xi32>, vector<16xi32>], vector<16xf32>,
          %mul3A_331 = arith.mulf %gather3A_330, %get3A_156 : vector<16xf32>
          tpu.vector_store_idx %arg11[%add3A_168, %and3A_303], %mul3A_331 : memref<64x128xf32, #tpu.memory_space<vmem>>[vector<16xi32>, vector<16xi32>], vector<16xf32>,
          %scan3A_332 = arith.constant 0 : i32
          scf.yield %scan3A_332 : i32
        }
        %scan3A_175 = arith.constant 32 : i32
        "tpu.region"() ({
          %run_scoped3A_184 = tpu.sem_alloc : memref<!tpu.dma_semaphore, #tpu.memory_space<semaphore_mem>>
          %dma_start3A_185 = arith.constant 0 : i32
          %dma_start3A_186 = tpu.memref_slice %arg8[%add3A_133, %dma_start3A_185] : memref<56x64xi32, #tpu.memory_space<vmem>> -> memref<1x64xi32, #tpu.memory_space<vmem>>
          %dma_start3A_187 = tpu.memref_squeeze %dma_start3A_186 : memref<1x64xi32, #tpu.memory_space<vmem>> -> memref<64xi32, #tpu.memory_space<vmem>>
          %dma_start3A_188 = arith.constant 0 : i32
          %dma_start3A_189 = arith.constant 0 : i32
          %dma_start3A_190 = tpu.memref_slice %arg14[%dma_start3A_188, %dma_start3A_189] : memref<10240x128xf32, #tpu.memory_space<vmem_shared>> -> memref<10240x128xf32, #tpu.memory_space<vmem_shared>>
          tpu.enqueue_indirect_dma source(%arg11 : memref<64x128xf32, #tpu.memory_space<vmem>>) target(%dma_start3A_190 : memref<10240x128xf32, #tpu.memory_space<vmem_shared>>) offsets(%dma_start3A_187 : memref<64xi32, #tpu.memory_space<vmem>>) semaphore(%run_scoped3A_184 : memref<!tpu.dma_semaphore, #tpu.memory_space<semaphore_mem>>) {add = true}
          %dma_wait3A_191 = arith.constant 0 : i32
          %dma_wait3A_192 = tpu.memref_slice %arg8[%add3A_133, %dma_wait3A_191] : memref<56x64xi32, #tpu.memory_space<vmem>> -> memref<1x64xi32, #tpu.memory_space<vmem>>
          %dma_wait3A_193 = tpu.memref_squeeze %dma_wait3A_192 : memref<1x64xi32, #tpu.memory_space<vmem>> -> memref<64xi32, #tpu.memory_space<vmem>>
          %dma_wait3A_194 = arith.constant 0 : i32
          %dma_wait3A_195 = arith.constant 0 : i32
          %dma_wait3A_196 = tpu.memref_slice %arg14[%dma_wait3A_194, %dma_wait3A_195] : memref<10240x128xf32, #tpu.memory_space<vmem_shared>> -> memref<10240x128xf32, #tpu.memory_space<vmem_shared>>
          tpu.wait_indirect_dma semaphore(%run_scoped3A_184 : memref<!tpu.dma_semaphore, #tpu.memory_space<semaphore_mem>>) src(%arg11 : memref<64x128xf32, #tpu.memory_space<vmem>>) dst(%dma_wait3A_196 : memref<10240x128xf32, #tpu.memory_space<vmem_shared>>)
          tpu.yield
        }) : () -> ()
        %add3A_176 = arith.constant 2 : i32
        %add3A_177 = arith.addi %add3A_133, %add3A_176 : i32
        %lt3A_178 = arith.constant 56 : i32
        %lt3A_179 = arith.cmpi slt, %add3A_177, %lt3A_178 : i32
        %convert_element_type3A_180 = arith.extui %lt3A_179 : i1 to i32
        %cond3A_181 = arith.constant 0 : i32
        %cond3A_182 = arith.cmpi ne, %convert_element_type3A_180, %cond3A_181 : i32
        scf.if %cond3A_182 {
          %add3A_184 = arith.constant 2 : i32
          %add3A_185 = arith.addi %add3A_133, %add3A_184 : i32
          %dma_start3A_186 = arith.constant 1 : i32
          %dma_start3A_187 = arith.constant 0 : i32
          %dma_start3A_188 = arith.constant 0 : i32
          %dma_start3A_189 = tpu.memref_slice %arg10[%dma_start3A_186, %dma_start3A_187, %dma_start3A_188] : memref<2x64x128xf32, #tpu.memory_space<vmem>> -> memref<1x64x128xf32, #tpu.memory_space<vmem>>
          %dma_start3A_190 = tpu.memref_squeeze %dma_start3A_189 : memref<1x64x128xf32, #tpu.memory_space<vmem>> -> memref<64x128xf32, #tpu.memory_space<vmem>>
          %dma_start3A_191 = arith.constant 0 : i32
          %dma_start3A_192 = tpu.memref_slice %arg7[%add3A_185, %dma_start3A_191] : memref<56x64xi32, #tpu.memory_space<vmem>> -> memref<1x64xi32, #tpu.memory_space<vmem>>
          %dma_start3A_193 = tpu.memref_squeeze %dma_start3A_192 : memref<1x64xi32, #tpu.memory_space<vmem>> -> memref<64xi32, #tpu.memory_space<vmem>>
          %dma_start3A_194 = arith.constant 0 : i32
          %dma_start3A_195 = arith.constant 0 : i32
          %dma_start3A_196 = tpu.memref_slice %arg2[%dma_start3A_194, %dma_start3A_195] : memref<10240x128xf32, #tpu.memory_space<hbm>> -> memref<10240x128xf32, #tpu.memory_space<hbm>>
          tpu.enqueue_indirect_dma source(%dma_start3A_196 : memref<10240x128xf32, #tpu.memory_space<hbm>>) target(%dma_start3A_190 : memref<64x128xf32, #tpu.memory_space<vmem>>) offsets(%dma_start3A_193 : memref<64xi32, #tpu.memory_space<vmem>>) semaphore(%arg13 : memref<!tpu.dma_semaphore, #tpu.memory_space<semaphore_mem>>)
        } else {
        }
        %scan3A_183 = arith.constant 0 : i32
        scf.yield %scan3A_183 : i32
      }
      %scan3A_78 = arith.constant 28 : i32
      %scan3A_79 = arith.constant 0 : i32
      scf.yield %scan3A_79 : i32
    }
    %scan3A_45 = arith.constant 3 : i32
    %barrier3A_46 = arith.constant 0 : index
    tpu.barrier barrier_id(%barrier3A_46)
    "tpu.region"() ({
      %run_scoped3A_47 = tpu.sem_alloc : memref<!tpu.dma_semaphore, #tpu.memory_space<semaphore_mem>>
      %dma_start3A = arith.constant 0 : i32
      %dma_start3A_48 = arith.constant 0 : i32
      %dma_start3A_49 = tpu.memref_slice %arg6[%arg0, %dma_start3A, %dma_start3A_48] : memref<2x10240x128xf32, #tpu.memory_space<hbm>> -> memref<1x10240x128xf32, #tpu.memory_space<hbm>>
      %dma_start3A_50 = tpu.memref_squeeze %dma_start3A_49 : memref<1x10240x128xf32, #tpu.memory_space<hbm>> -> memref<10240x128xf32, #tpu.memory_space<hbm>>
      %dma_start3A_51 = arith.constant 0 : i32
      %dma_start3A_52 = tpu.memref_slice %dma_start3A_50[%mul3A_9, %dma_start3A_51] : memref<10240x128xf32, #tpu.memory_space<hbm>> -> memref<640x128xf32, #tpu.memory_space<hbm>>
      %dma_start3A_53 = arith.constant 0 : i32
      %dma_start3A_54 = tpu.memref_slice %arg14[%mul3A_9, %dma_start3A_53] : memref<10240x128xf32, #tpu.memory_space<vmem_shared>> -> memref<640x128xf32, #tpu.memory_space<vmem_shared>>
      tpu.enqueue_dma source(%dma_start3A_54 : memref<640x128xf32, #tpu.memory_space<vmem_shared>>) target(%dma_start3A_52 : memref<640x128xf32, #tpu.memory_space<hbm>>) target_semaphore(%run_scoped3A_47 : memref<!tpu.dma_semaphore, #tpu.memory_space<semaphore_mem>>)
      %dma_wait3A = arith.constant 0 : i32
      %dma_wait3A_55 = arith.constant 0 : i32
      %dma_wait3A_56 = tpu.memref_slice %arg6[%arg0, %dma_wait3A, %dma_wait3A_55] : memref<2x10240x128xf32, #tpu.memory_space<hbm>> -> memref<1x10240x128xf32, #tpu.memory_space<hbm>>
      %dma_wait3A_57 = tpu.memref_squeeze %dma_wait3A_56 : memref<1x10240x128xf32, #tpu.memory_space<hbm>> -> memref<10240x128xf32, #tpu.memory_space<hbm>>
      %dma_wait3A_58 = arith.constant 0 : i32
      %dma_wait3A_59 = tpu.memref_slice %dma_wait3A_57[%mul3A_9, %dma_wait3A_58] : memref<10240x128xf32, #tpu.memory_space<hbm>> -> memref<640x128xf32, #tpu.memory_space<hbm>>
      %dma_wait3A_60 = arith.constant 0 : i32
      %dma_wait3A_61 = tpu.memref_slice %arg14[%mul3A_9, %dma_wait3A_60] : memref<10240x128xf32, #tpu.memory_space<vmem_shared>> -> memref<640x128xf32, #tpu.memory_space<vmem_shared>>
      tpu.wait_dma2 semaphore(%run_scoped3A_47 : memref<!tpu.dma_semaphore, #tpu.memory_space<semaphore_mem>>) src(%dma_wait3A_61 : memref<640x128xf32, #tpu.memory_space<vmem_shared>>) dst(%dma_wait3A_59 : memref<640x128xf32, #tpu.memory_space<hbm>>)
      tpu.yield
    }) : () -> ()
    return
  }
}

#map = affine_map<(d0, d1) -> (0)>
#map1 = affine_map<(d0, d1) -> (0, 0, 0)>
#map2 = affine_map<(d0, d1) -> (0, 0)>
module attributes {stable_mosaic.version = 14 : i64} {
  func.func @_sc_den_body(%arg0: i32, %arg1: i32, %arg2: memref<10240xf32, #tpu.memory_space<hbm>>, %arg3: memref<10240xf32, #tpu.memory_space<hbm>>, %arg4: memref<32x21x512xi32, #tpu.memory_space<hbm>>, %arg5: memref<32x21x512xi32, #tpu.memory_space<hbm>>, %arg6: memref<16xf32, #tpu.memory_space<hbm>>, %arg7: memref<16xf32, #tpu.memory_space<hbm>>, %arg8: memref<2x10240xf32, #tpu.memory_space<hbm>>, %arg9: memref<32x21x512xf32, #tpu.memory_space<hbm>>, %arg10: memref<10240xf32, #tpu.memory_space<vmem>>, %arg11: memref<10240xf32, #tpu.memory_space<vmem>>, %arg12: memref<16xf32, #tpu.memory_space<vmem>>, %arg13: memref<16xf32, #tpu.memory_space<vmem>>, %arg14: memref<21x512xi32, #tpu.memory_space<vmem>>, %arg15: memref<21x512xi32, #tpu.memory_space<vmem>>, %arg16: memref<512xi32, #tpu.memory_space<vmem>>, %arg17: memref<512xf32, #tpu.memory_space<vmem>>, %arg18: memref<10240xf32, #tpu.memory_space<vmem_shared>>) attributes {dimension_semantics = [#tpu.dimension_semantics<core_parallel>, #tpu.dimension_semantics<subcore_parallel>], iteration_bounds = array<i64: 2, 16>, scalar_prefetch = 0 : i64, scratch_operands = 9 : i64, tpu.core_type = #tpu.core_type<sc_vector_subcore>, window_params = [{transform_indices = #map}, {transform_indices = #map}, {transform_indices = #map1}, {transform_indices = #map1}, {transform_indices = #map}, {transform_indices = #map}, {transform_indices = #map2}, {transform_indices = #map1}]} {
    %mul3A = arith.constant 16 : i32
    %mul3A_0 = arith.muli %arg0, %mul3A : i32
    %add3A = arith.addi %mul3A_0, %arg1 : i32
    %broadcast_in_dim3A = arith.constant 0.000000e+00 : f32
    %broadcast_in_dim3A_1 = vector.broadcast %broadcast_in_dim3A : f32 to vector<16xf32>
    %mul3A_2 = arith.constant 640 : i32
    %mul3A_3 = arith.muli %arg1, %mul3A_2 : i32
    %scan3A = arith.constant 0 : i32
    %scan3A_4 = arith.constant 0 : i32
    %scan3A_5 = arith.constant 32 : i32
    %scan3A_6 = arith.addi %scan3A_4, %scan3A_5 : i32
    %scan3A_7 = arith.constant 1 : i32
    %scan3A_8 = scf.for %scan3A_33 = %scan3A_4 to %scan3A_6 step %scan3A_7 iter_args(%scan3A_34 = %scan3A) -> (i32)  : i32 {
      %mul3A_35 = arith.constant 16 : i32
      %mul3A_36 = arith.muli %scan3A_33, %mul3A_35 : i32
      %swap3A = arith.index_cast %mul3A_36 : i32 to index
      %swap3A_37 = tpu.vector_load %arg17[%swap3A] {strides = array<i32>} : memref<512xf32, #tpu.memory_space<vmem>>, vector<16xf32>,
      tpu.vector_store %arg17[%swap3A], %broadcast_in_dim3A_1 {strides = array<i32>} : memref<512xf32, #tpu.memory_space<vmem>>, vector<16xf32>,
      %scan3A_38 = arith.constant 0 : i32
      scf.yield %scan3A_38 : i32
    }
    %scan3A_9 = arith.constant 32 : i32
    %scan3A_10 = arith.constant 0 : i32
    %scan3A_11 = arith.constant 0 : i32
    %mul3A_12 = arith.constant 512 : i32
    %mul3A_13 = arith.muli %scan3A_11, %mul3A_12 : i32
    %add3A_14 = arith.addi %mul3A_3, %mul3A_13 : i32
    "tpu.region"() ({
      %run_scoped3A = tpu.sem_alloc : memref<!tpu.dma_semaphore, #tpu.memory_space<semaphore_mem>>
      %dma_start3A = tpu.memref_slice %arg18[%add3A_14] : memref<10240xf32, #tpu.memory_space<vmem_shared>> -> memref<512xf32, #tpu.memory_space<vmem_shared>>
      %dma_start3A_33 = tpu.memref_slice %arg18[%add3A_14] : memref<10240xf32, #tpu.memory_space<vmem_shared>> -> memref<512xf32, #tpu.memory_space<vmem_shared>>
      tpu.enqueue_dma source(%arg17 : memref<512xf32, #tpu.memory_space<vmem>>) target(%dma_start3A_33 : memref<512xf32, #tpu.memory_space<vmem_shared>>) target_semaphore(%run_scoped3A : memref<!tpu.dma_semaphore, #tpu.memory_space<semaphore_mem>>)
      %dma_wait3A = tpu.memref_slice %arg18[%add3A_14] : memref<10240xf32, #tpu.memory_space<vmem_shared>> -> memref<512xf32, #tpu.memory_space<vmem_shared>>
      %dma_wait3A_34 = tpu.memref_slice %arg18[%add3A_14] : memref<10240xf32, #tpu.memory_space<vmem_shared>> -> memref<512xf32, #tpu.memory_space<vmem_shared>>
      tpu.wait_dma2 semaphore(%run_scoped3A : memref<!tpu.dma_semaphore, #tpu.memory_space<semaphore_mem>>) src(%arg17 : memref<512xf32, #tpu.memory_space<vmem>>) dst(%dma_wait3A_34 : memref<512xf32, #tpu.memory_space<vmem_shared>>)
      tpu.yield
    }) : () -> ()
    %scan3A_15 = arith.constant 0 : i32
    %scan3A_16 = arith.constant 1 : i32
    %add3A_17 = arith.constant 512 : i32
    %add3A_18 = arith.addi %mul3A_3, %add3A_17 : i32
    "tpu.region"() ({
      %run_scoped3A = tpu.sem_alloc : memref<!tpu.dma_semaphore, #tpu.memory_space<semaphore_mem>>
      %dma_start3A = arith.constant 0 : i32
      %dma_start3A_33 = tpu.memref_slice %arg17[%dma_start3A] : memref<512xf32, #tpu.memory_space<vmem>> -> memref<128xf32, #tpu.memory_space<vmem>>
      %dma_start3A_34 = tpu.memref_slice %arg18[%add3A_18] : memref<10240xf32, #tpu.memory_space<vmem_shared>> -> memref<128xf32, #tpu.memory_space<vmem_shared>>
      %dma_start3A_35 = tpu.memref_slice %arg18[%add3A_18] : memref<10240xf32, #tpu.memory_space<vmem_shared>> -> memref<128xf32, #tpu.memory_space<vmem_shared>>
      %dma_start3A_36 = arith.constant 0 : i32
      %dma_start3A_37 = tpu.memref_slice %arg17[%dma_start3A_36] : memref<512xf32, #tpu.memory_space<vmem>> -> memref<128xf32, #tpu.memory_space<vmem>>
      tpu.enqueue_dma source(%dma_start3A_37 : memref<128xf32, #tpu.memory_space<vmem>>) target(%dma_start3A_35 : memref<128xf32, #tpu.memory_space<vmem_shared>>) target_semaphore(%run_scoped3A : memref<!tpu.dma_semaphore, #tpu.memory_space<semaphore_mem>>)
      %dma_wait3A = arith.constant 0 : i32
      %dma_wait3A_38 = tpu.memref_slice %arg17[%dma_wait3A] : memref<512xf32, #tpu.memory_space<vmem>> -> memref<128xf32, #tpu.memory_space<vmem>>
      %dma_wait3A_39 = tpu.memref_slice %arg18[%add3A_18] : memref<10240xf32, #tpu.memory_space<vmem_shared>> -> memref<128xf32, #tpu.memory_space<vmem_shared>>
      %dma_wait3A_40 = tpu.memref_slice %arg18[%add3A_18] : memref<10240xf32, #tpu.memory_space<vmem_shared>> -> memref<128xf32, #tpu.memory_space<vmem_shared>>
      %dma_wait3A_41 = arith.constant 0 : i32
      %dma_wait3A_42 = tpu.memref_slice %arg17[%dma_wait3A_41] : memref<512xf32, #tpu.memory_space<vmem>> -> memref<128xf32, #tpu.memory_space<vmem>>
      tpu.wait_dma2 semaphore(%run_scoped3A : memref<!tpu.dma_semaphore, #tpu.memory_space<semaphore_mem>>) src(%dma_wait3A_42 : memref<128xf32, #tpu.memory_space<vmem>>) dst(%dma_wait3A_40 : memref<128xf32, #tpu.memory_space<vmem_shared>>)
      tpu.yield
    }) : () -> ()
    "tpu.region"() ({
      %run_scoped3A = tpu.sem_alloc : memref<!tpu.dma_semaphore, #tpu.memory_space<semaphore_mem>>
      tpu.enqueue_dma source(%arg2 : memref<10240xf32, #tpu.memory_space<hbm>>) target(%arg10 : memref<10240xf32, #tpu.memory_space<vmem>>) target_semaphore(%run_scoped3A : memref<!tpu.dma_semaphore, #tpu.memory_space<semaphore_mem>>)
      tpu.wait_dma2 semaphore(%run_scoped3A : memref<!tpu.dma_semaphore, #tpu.memory_space<semaphore_mem>>) src(%arg2 : memref<10240xf32, #tpu.memory_space<hbm>>) dst(%arg10 : memref<10240xf32, #tpu.memory_space<vmem>>)
      tpu.yield
    }) : () -> ()
    "tpu.region"() ({
      %run_scoped3A = tpu.sem_alloc : memref<!tpu.dma_semaphore, #tpu.memory_space<semaphore_mem>>
      tpu.enqueue_dma source(%arg3 : memref<10240xf32, #tpu.memory_space<hbm>>) target(%arg11 : memref<10240xf32, #tpu.memory_space<vmem>>) target_semaphore(%run_scoped3A : memref<!tpu.dma_semaphore, #tpu.memory_space<semaphore_mem>>)
      tpu.wait_dma2 semaphore(%run_scoped3A : memref<!tpu.dma_semaphore, #tpu.memory_space<semaphore_mem>>) src(%arg3 : memref<10240xf32, #tpu.memory_space<hbm>>) dst(%arg11 : memref<10240xf32, #tpu.memory_space<vmem>>)
      tpu.yield
    }) : () -> ()
    "tpu.region"() ({
      %run_scoped3A = tpu.sem_alloc : memref<!tpu.dma_semaphore, #tpu.memory_space<semaphore_mem>>
      tpu.enqueue_dma source(%arg6 : memref<16xf32, #tpu.memory_space<hbm>>) target(%arg12 : memref<16xf32, #tpu.memory_space<vmem>>) target_semaphore(%run_scoped3A : memref<!tpu.dma_semaphore, #tpu.memory_space<semaphore_mem>>)
      tpu.wait_dma2 semaphore(%run_scoped3A : memref<!tpu.dma_semaphore, #tpu.memory_space<semaphore_mem>>) src(%arg6 : memref<16xf32, #tpu.memory_space<hbm>>) dst(%arg12 : memref<16xf32, #tpu.memory_space<vmem>>)
      tpu.yield
    }) : () -> ()
    "tpu.region"() ({
      %run_scoped3A = tpu.sem_alloc : memref<!tpu.dma_semaphore, #tpu.memory_space<semaphore_mem>>
      tpu.enqueue_dma source(%arg7 : memref<16xf32, #tpu.memory_space<hbm>>) target(%arg13 : memref<16xf32, #tpu.memory_space<vmem>>) target_semaphore(%run_scoped3A : memref<!tpu.dma_semaphore, #tpu.memory_space<semaphore_mem>>)
      tpu.wait_dma2 semaphore(%run_scoped3A : memref<!tpu.dma_semaphore, #tpu.memory_space<semaphore_mem>>) src(%arg7 : memref<16xf32, #tpu.memory_space<hbm>>) dst(%arg13 : memref<16xf32, #tpu.memory_space<vmem>>)
      tpu.yield
    }) : () -> ()
    "tpu.region"() ({
      %run_scoped3A = tpu.sem_alloc : memref<!tpu.dma_semaphore, #tpu.memory_space<semaphore_mem>>
      %dma_start3A = arith.constant 0 : i32
      %dma_start3A_33 = arith.constant 0 : i32
      %dma_start3A_34 = tpu.memref_slice %arg4[%add3A, %dma_start3A, %dma_start3A_33] : memref<32x21x512xi32, #tpu.memory_space<hbm>> -> memref<1x21x512xi32, #tpu.memory_space<hbm>>
      %dma_start3A_35 = tpu.memref_squeeze %dma_start3A_34 : memref<1x21x512xi32, #tpu.memory_space<hbm>> -> memref<21x512xi32, #tpu.memory_space<hbm>>
      %dma_start3A_36 = arith.constant 0 : i32
      %dma_start3A_37 = arith.constant 0 : i32
      %dma_start3A_38 = tpu.memref_slice %arg4[%add3A, %dma_start3A_36, %dma_start3A_37] : memref<32x21x512xi32, #tpu.memory_space<hbm>> -> memref<1x21x512xi32, #tpu.memory_space<hbm>>
      %dma_start3A_39 = tpu.memref_squeeze %dma_start3A_38 : memref<1x21x512xi32, #tpu.memory_space<hbm>> -> memref<21x512xi32, #tpu.memory_space<hbm>>
      tpu.enqueue_dma source(%dma_start3A_39 : memref<21x512xi32, #tpu.memory_space<hbm>>) target(%arg14 : memref<21x512xi32, #tpu.memory_space<vmem>>) target_semaphore(%run_scoped3A : memref<!tpu.dma_semaphore, #tpu.memory_space<semaphore_mem>>)
      %dma_wait3A = arith.constant 0 : i32
      %dma_wait3A_40 = arith.constant 0 : i32
      %dma_wait3A_41 = tpu.memref_slice %arg4[%add3A, %dma_wait3A, %dma_wait3A_40] : memref<32x21x512xi32, #tpu.memory_space<hbm>> -> memref<1x21x512xi32, #tpu.memory_space<hbm>>
      %dma_wait3A_42 = tpu.memref_squeeze %dma_wait3A_41 : memref<1x21x512xi32, #tpu.memory_space<hbm>> -> memref<21x512xi32, #tpu.memory_space<hbm>>
      %dma_wait3A_43 = arith.constant 0 : i32
      %dma_wait3A_44 = arith.constant 0 : i32
      %dma_wait3A_45 = tpu.memref_slice %arg4[%add3A, %dma_wait3A_43, %dma_wait3A_44] : memref<32x21x512xi32, #tpu.memory_space<hbm>> -> memref<1x21x512xi32, #tpu.memory_space<hbm>>
      %dma_wait3A_46 = tpu.memref_squeeze %dma_wait3A_45 : memref<1x21x512xi32, #tpu.memory_space<hbm>> -> memref<21x512xi32, #tpu.memory_space<hbm>>
      tpu.wait_dma2 semaphore(%run_scoped3A : memref<!tpu.dma_semaphore, #tpu.memory_space<semaphore_mem>>) src(%dma_wait3A_46 : memref<21x512xi32, #tpu.memory_space<hbm>>) dst(%arg14 : memref<21x512xi32, #tpu.memory_space<vmem>>)
      tpu.yield
    }) : () -> ()
    "tpu.region"() ({
      %run_scoped3A = tpu.sem_alloc : memref<!tpu.dma_semaphore, #tpu.memory_space<semaphore_mem>>
      %dma_start3A = arith.constant 0 : i32
      %dma_start3A_33 = arith.constant 0 : i32
      %dma_start3A_34 = tpu.memref_slice %arg5[%add3A, %dma_start3A, %dma_start3A_33] : memref<32x21x512xi32, #tpu.memory_space<hbm>> -> memref<1x21x512xi32, #tpu.memory_space<hbm>>
      %dma_start3A_35 = tpu.memref_squeeze %dma_start3A_34 : memref<1x21x512xi32, #tpu.memory_space<hbm>> -> memref<21x512xi32, #tpu.memory_space<hbm>>
      %dma_start3A_36 = arith.constant 0 : i32
      %dma_start3A_37 = arith.constant 0 : i32
      %dma_start3A_38 = tpu.memref_slice %arg5[%add3A, %dma_start3A_36, %dma_start3A_37] : memref<32x21x512xi32, #tpu.memory_space<hbm>> -> memref<1x21x512xi32, #tpu.memory_space<hbm>>
      %dma_start3A_39 = tpu.memref_squeeze %dma_start3A_38 : memref<1x21x512xi32, #tpu.memory_space<hbm>> -> memref<21x512xi32, #tpu.memory_space<hbm>>
      tpu.enqueue_dma source(%dma_start3A_39 : memref<21x512xi32, #tpu.memory_space<hbm>>) target(%arg15 : memref<21x512xi32, #tpu.memory_space<vmem>>) target_semaphore(%run_scoped3A : memref<!tpu.dma_semaphore, #tpu.memory_space<semaphore_mem>>)
      %dma_wait3A = arith.constant 0 : i32
      %dma_wait3A_40 = arith.constant 0 : i32
      %dma_wait3A_41 = tpu.memref_slice %arg5[%add3A, %dma_wait3A, %dma_wait3A_40] : memref<32x21x512xi32, #tpu.memory_space<hbm>> -> memref<1x21x512xi32, #tpu.memory_space<hbm>>
      %dma_wait3A_42 = tpu.memref_squeeze %dma_wait3A_41 : memref<1x21x512xi32, #tpu.memory_space<hbm>> -> memref<21x512xi32, #tpu.memory_space<hbm>>
      %dma_wait3A_43 = arith.constant 0 : i32
      %dma_wait3A_44 = arith.constant 0 : i32
      %dma_wait3A_45 = tpu.memref_slice %arg5[%add3A, %dma_wait3A_43, %dma_wait3A_44] : memref<32x21x512xi32, #tpu.memory_space<hbm>> -> memref<1x21x512xi32, #tpu.memory_space<hbm>>
      %dma_wait3A_46 = tpu.memref_squeeze %dma_wait3A_45 : memref<1x21x512xi32, #tpu.memory_space<hbm>> -> memref<21x512xi32, #tpu.memory_space<hbm>>
      tpu.wait_dma2 semaphore(%run_scoped3A : memref<!tpu.dma_semaphore, #tpu.memory_space<semaphore_mem>>) src(%dma_wait3A_46 : memref<21x512xi32, #tpu.memory_space<hbm>>) dst(%arg15 : memref<21x512xi32, #tpu.memory_space<vmem>>)
      tpu.yield
    }) : () -> ()
    %get3A = arith.constant 0 : index
    %get3A_19 = tpu.vector_load %arg12[%get3A] {strides = array<i32>} : memref<16xf32, #tpu.memory_space<vmem>>, vector<16xf32>,
    %get3A_20 = arith.constant 0 : index
    %get3A_21 = tpu.vector_load %arg13[%get3A_20] {strides = array<i32>} : memref<16xf32, #tpu.memory_space<vmem>>, vector<16xf32>,
    %add3A_22 = arith.addf %get3A_19, %get3A_21 : vector<16xf32>
    %max3A = arith.constant 0.000000e+00 : f32
    %max3A_23 = vector.broadcast %max3A : f32 to vector<16xf32>
    %max3A_24 = arith.maximumf %add3A_22, %max3A_23 : vector<16xf32>
    %barrier3A = arith.constant 0 : index
    tpu.barrier barrier_id(%barrier3A)
    %scan3A_25 = arith.constant 0 : i32
    %scan3A_26 = arith.constant 0 : i32
    %scan3A_27 = arith.constant 21 : i32
    %scan3A_28 = arith.addi %scan3A_26, %scan3A_27 : i32
    %scan3A_29 = arith.constant 1 : i32
    %scan3A_30 = scf.for %scan3A_33 = %scan3A_26 to %scan3A_28 step %scan3A_29 iter_args(%scan3A_34 = %scan3A_25) -> (i32)  : i32 {
      %scan3A_35 = arith.constant 0 : i32
      %scan3A_36 = arith.constant 0 : i32
      %scan3A_37 = arith.constant 32 : i32
      %scan3A_38 = arith.addi %scan3A_36, %scan3A_37 : i32
      %scan3A_39 = arith.constant 1 : i32
      %scan3A_40 = scf.for %scan3A_43 = %scan3A_36 to %scan3A_38 step %scan3A_39 iter_args(%scan3A_44 = %scan3A_35) -> (i32)  : i32 {
        %mul3A_45 = arith.constant 16 : i32
        %mul3A_46 = arith.muli %scan3A_43, %mul3A_45 : i32
        %get3A_47 = arith.index_cast %scan3A_33 : i32 to index
        %get3A_48 = arith.index_cast %mul3A_46 : i32 to index
        %get3A_49 = tpu.vector_load %arg14[%get3A_47, %get3A_48] {strides = array<i32>} : memref<21x512xi32, #tpu.memory_space<vmem>>, vector<16xi32>,
        %get3A_50 = arith.index_cast %scan3A_33 : i32 to index
        %get3A_51 = arith.index_cast %mul3A_46 : i32 to index
        %get3A_52 = tpu.vector_load %arg15[%get3A_50, %get3A_51] {strides = array<i32>} : memref<21x512xi32, #tpu.memory_space<vmem>>, vector<16xi32>,
        %gather3A = tpu.vector_load_idx %arg10[%get3A_49] : memref<10240xf32, #tpu.memory_space<vmem>>[vector<16xi32>], vector<16xf32>,
        %gather3A_53 = tpu.vector_load_idx %arg11[%get3A_52] : memref<10240xf32, #tpu.memory_space<vmem>>[vector<16xi32>], vector<16xf32>,
        %add3A_54 = arith.addf %gather3A, %gather3A_53 : vector<16xf32>
        %ge3A = arith.constant 0.000000e+00 : f32
        %ge3A_55 = vector.broadcast %ge3A : f32 to vector<16xf32>
        %ge3A_56 = arith.cmpf oge, %add3A_54, %ge3A_55 : vector<16xf32>
        %mul3A_57 = arith.constant 2.000000e-01 : f32
        %mul3A_58 = vector.broadcast %mul3A_57 : f32 to vector<16xf32>
        %mul3A_59 = arith.mulf %mul3A_58, %add3A_54 : vector<16xf32>
        %select_n3A = arith.select %ge3A_56, %add3A_54, %mul3A_59 : vector<16xi1>, vector<16xf32>
        %sub3A = arith.subf %select_n3A, %max3A_24 : vector<16xf32>
        %exp3A = math.exp %sub3A : vector<16xf32>
        %swap3A = arith.index_cast %mul3A_46 : i32 to index
        %swap3A_60 = tpu.vector_load %arg17[%swap3A] {strides = array<i32>} : memref<512xf32, #tpu.memory_space<vmem>>, vector<16xf32>,
        tpu.vector_store %arg17[%swap3A], %exp3A {strides = array<i32>} : memref<512xf32, #tpu.memory_space<vmem>>, vector<16xf32>,
        %swap3A_61 = arith.index_cast %mul3A_46 : i32 to index
        %swap3A_62 = tpu.vector_load %arg16[%swap3A_61] {strides = array<i32>} : memref<512xi32, #tpu.memory_space<vmem>>, vector<16xi32>,
        tpu.vector_store %arg16[%swap3A_61], %get3A_52 {strides = array<i32>} : memref<512xi32, #tpu.memory_space<vmem>>, vector<16xi32>,
        %scan3A_63 = arith.constant 0 : i32
        scf.yield %scan3A_63 : i32
      }
      %scan3A_41 = arith.constant 32 : i32
      "tpu.region"() ({
        %run_scoped3A = tpu.sem_alloc : memref<!tpu.dma_semaphore, #tpu.memory_space<semaphore_mem>>
        %dma_start3A = arith.constant 0 : i32
        %dma_start3A_43 = tpu.memref_slice %arg18[%dma_start3A] : memref<10240xf32, #tpu.memory_space<vmem_shared>> -> memref<10240xf32, #tpu.memory_space<vmem_shared>>
        tpu.enqueue_indirect_dma source(%arg17 : memref<512xf32, #tpu.memory_space<vmem>>) target(%dma_start3A_43 : memref<10240xf32, #tpu.memory_space<vmem_shared>>) offsets(%arg16 : memref<512xi32, #tpu.memory_space<vmem>>) semaphore(%run_scoped3A : memref<!tpu.dma_semaphore, #tpu.memory_space<semaphore_mem>>) {add = true}
        %dma_wait3A = arith.constant 0 : i32
        %dma_wait3A_44 = tpu.memref_slice %arg18[%dma_wait3A] : memref<10240xf32, #tpu.memory_space<vmem_shared>> -> memref<10240xf32, #tpu.memory_space<vmem_shared>>
        tpu.wait_indirect_dma semaphore(%run_scoped3A : memref<!tpu.dma_semaphore, #tpu.memory_space<semaphore_mem>>) src(%arg17 : memref<512xf32, #tpu.memory_space<vmem>>) dst(%dma_wait3A_44 : memref<10240xf32, #tpu.memory_space<vmem_shared>>)
        tpu.yield
      }) : () -> ()
      "tpu.region"() ({
        %run_scoped3A = tpu.sem_alloc : memref<!tpu.dma_semaphore, #tpu.memory_space<semaphore_mem>>
        %dma_start3A = arith.constant 0 : i32
        %dma_start3A_43 = arith.constant 0 : i32
        %dma_start3A_44 = tpu.memref_slice %arg9[%add3A, %dma_start3A, %dma_start3A_43] : memref<32x21x512xf32, #tpu.memory_space<hbm>> -> memref<1x21x512xf32, #tpu.memory_space<hbm>>
        %dma_start3A_45 = tpu.memref_squeeze %dma_start3A_44 : memref<1x21x512xf32, #tpu.memory_space<hbm>> -> memref<21x512xf32, #tpu.memory_space<hbm>>
        %dma_start3A_46 = arith.constant 0 : i32
        %dma_start3A_47 = tpu.memref_slice %dma_start3A_45[%scan3A_33, %dma_start3A_46] : memref<21x512xf32, #tpu.memory_space<hbm>> -> memref<1x512xf32, #tpu.memory_space<hbm>>
        %dma_start3A_48 = tpu.memref_squeeze %dma_start3A_47 : memref<1x512xf32, #tpu.memory_space<hbm>> -> memref<512xf32, #tpu.memory_space<hbm>>
        %dma_start3A_49 = arith.constant 0 : i32
        %dma_start3A_50 = arith.constant 0 : i32
        %dma_start3A_51 = tpu.memref_slice %arg9[%add3A, %dma_start3A_49, %dma_start3A_50] : memref<32x21x512xf32, #tpu.memory_space<hbm>> -> memref<1x21x512xf32, #tpu.memory_space<hbm>>
        %dma_start3A_52 = tpu.memref_squeeze %dma_start3A_51 : memref<1x21x512xf32, #tpu.memory_space<hbm>> -> memref<21x512xf32, #tpu.memory_space<hbm>>
        %dma_start3A_53 = arith.constant 0 : i32
        %dma_start3A_54 = tpu.memref_slice %dma_start3A_52[%scan3A_33, %dma_start3A_53] : memref<21x512xf32, #tpu.memory_space<hbm>> -> memref<1x512xf32, #tpu.memory_space<hbm>>
        %dma_start3A_55 = tpu.memref_squeeze %dma_start3A_54 : memref<1x512xf32, #tpu.memory_space<hbm>> -> memref<512xf32, #tpu.memory_space<hbm>>
        tpu.enqueue_dma source(%arg17 : memref<512xf32, #tpu.memory_space<vmem>>) target(%dma_start3A_55 : memref<512xf32, #tpu.memory_space<hbm>>) target_semaphore(%run_scoped3A : memref<!tpu.dma_semaphore, #tpu.memory_space<semaphore_mem>>)
        %dma_wait3A = arith.constant 0 : i32
        %dma_wait3A_56 = arith.constant 0 : i32
        %dma_wait3A_57 = tpu.memref_slice %arg9[%add3A, %dma_wait3A, %dma_wait3A_56] : memref<32x21x512xf32, #tpu.memory_space<hbm>> -> memref<1x21x512xf32, #tpu.memory_space<hbm>>
        %dma_wait3A_58 = tpu.memref_squeeze %dma_wait3A_57 : memref<1x21x512xf32, #tpu.memory_space<hbm>> -> memref<21x512xf32, #tpu.memory_space<hbm>>
        %dma_wait3A_59 = arith.constant 0 : i32
        %dma_wait3A_60 = tpu.memref_slice %dma_wait3A_58[%scan3A_33, %dma_wait3A_59] : memref<21x512xf32, #tpu.memory_space<hbm>> -> memref<1x512xf32, #tpu.memory_space<hbm>>
        %dma_wait3A_61 = tpu.memref_squeeze %dma_wait3A_60 : memref<1x512xf32, #tpu.memory_space<hbm>> -> memref<512xf32, #tpu.memory_space<hbm>>
        %dma_wait3A_62 = arith.constant 0 : i32
        %dma_wait3A_63 = arith.constant 0 : i32
        %dma_wait3A_64 = tpu.memref_slice %arg9[%add3A, %dma_wait3A_62, %dma_wait3A_63] : memref<32x21x512xf32, #tpu.memory_space<hbm>> -> memref<1x21x512xf32, #tpu.memory_space<hbm>>
        %dma_wait3A_65 = tpu.memref_squeeze %dma_wait3A_64 : memref<1x21x512xf32, #tpu.memory_space<hbm>> -> memref<21x512xf32, #tpu.memory_space<hbm>>
        %dma_wait3A_66 = arith.constant 0 : i32
        %dma_wait3A_67 = tpu.memref_slice %dma_wait3A_65[%scan3A_33, %dma_wait3A_66] : memref<21x512xf32, #tpu.memory_space<hbm>> -> memref<1x512xf32, #tpu.memory_space<hbm>>
        %dma_wait3A_68 = tpu.memref_squeeze %dma_wait3A_67 : memref<1x512xf32, #tpu.memory_space<hbm>> -> memref<512xf32, #tpu.memory_space<hbm>>
        tpu.wait_dma2 semaphore(%run_scoped3A : memref<!tpu.dma_semaphore, #tpu.memory_space<semaphore_mem>>) src(%arg17 : memref<512xf32, #tpu.memory_space<vmem>>) dst(%dma_wait3A_68 : memref<512xf32, #tpu.memory_space<hbm>>)
        tpu.yield
      }) : () -> ()
      %scan3A_42 = arith.constant 0 : i32
      scf.yield %scan3A_42 : i32
    }
    %scan3A_31 = arith.constant 21 : i32
    %barrier3A_32 = arith.constant 0 : index
    tpu.barrier barrier_id(%barrier3A_32)
    "tpu.region"() ({
      %run_scoped3A = tpu.sem_alloc : memref<!tpu.dma_semaphore, #tpu.memory_space<semaphore_mem>>
      %dma_start3A = arith.constant 0 : i32
      %dma_start3A_33 = tpu.memref_slice %arg8[%arg0, %dma_start3A] : memref<2x10240xf32, #tpu.memory_space<hbm>> -> memref<1x10240xf32, #tpu.memory_space<hbm>>
      %dma_start3A_34 = tpu.memref_squeeze %dma_start3A_33 : memref<1x10240xf32, #tpu.memory_space<hbm>> -> memref<10240xf32, #tpu.memory_space<hbm>>
      %dma_start3A_35 = tpu.memref_slice %dma_start3A_34[%mul3A_3] : memref<10240xf32, #tpu.memory_space<hbm>> -> memref<640xf32, #tpu.memory_space<hbm>>
      %dma_start3A_36 = tpu.memref_slice %arg18[%mul3A_3] : memref<10240xf32, #tpu.memory_space<vmem_shared>> -> memref<640xf32, #tpu.memory_space<vmem_shared>>
      tpu.enqueue_dma source(%dma_start3A_36 : memref<640xf32, #tpu.memory_space<vmem_shared>>) target(%dma_start3A_35 : memref<640xf32, #tpu.memory_space<hbm>>) target_semaphore(%run_scoped3A : memref<!tpu.dma_semaphore, #tpu.memory_space<semaphore_mem>>)
      %dma_wait3A = arith.constant 0 : i32
      %dma_wait3A_37 = tpu.memref_slice %arg8[%arg0, %dma_wait3A] : memref<2x10240xf32, #tpu.memory_space<hbm>> -> memref<1x10240xf32, #tpu.memory_space<hbm>>
      %dma_wait3A_38 = tpu.memref_squeeze %dma_wait3A_37 : memref<1x10240xf32, #tpu.memory_space<hbm>> -> memref<10240xf32, #tpu.memory_space<hbm>>
      %dma_wait3A_39 = tpu.memref_slice %dma_wait3A_38[%mul3A_3] : memref<10240xf32, #tpu.memory_space<hbm>> -> memref<640xf32, #tpu.memory_space<hbm>>
      %dma_wait3A_40 = tpu.memref_slice %arg18[%mul3A_3] : memref<10240xf32, #tpu.memory_space<vmem_shared>> -> memref<640xf32, #tpu.memory_space<vmem_shared>>
      tpu.wait_dma2 semaphore(%run_scoped3A : memref<!tpu.dma_semaphore, #tpu.memory_space<semaphore_mem>>) src(%dma_wait3A_40 : memref<640xf32, #tpu.memory_space<vmem_shared>>) dst(%dma_wait3A_39 : memref<640xf32, #tpu.memory_space<hbm>>)
      tpu.yield
    }) : () -> ()
    return
  }
}

module attributes {stable_mosaic.version = 14 : i64} {
  func.func @_proj_body(%arg0: i32, %arg1: memref<512x128xf32, #tpu.memory_space<vmem>>, %arg2: memref<128x128xf32, #tpu.memory_space<vmem>>, %arg3: memref<2x128xf32, #tpu.memory_space<vmem>>, %arg4: memref<512x128xf32, #tpu.memory_space<vmem>>, %arg5: memref<512x2xf32, #tpu.memory_space<vmem>>, %arg6: memref<8x128xf32, #tpu.memory_space<vmem>>, %arg7: memref<8x128xf32, #tpu.memory_space<vmem>>) attributes {dimension_semantics = [#tpu.dimension_semantics<arbitrary>], iteration_bounds = array<i64: 20>, scalar_prefetch = 0 : i64, scratch_operands = 0 : i64, tpu.core_type = #tpu.core_type<tc>, window_params = [{transform_indices = @transform_0, window_bounds = array<i64: 512, 128>}, {pipeline_mode = #tpu.pipeline_mode<synchronous>, transform_indices = @transform_1, window_bounds = array<i64: 128, 128>}, {pipeline_mode = #tpu.pipeline_mode<synchronous>, transform_indices = @transform_2, window_bounds = array<i64: 2, 128>}, {transform_indices = @transform_3, window_bounds = array<i64: 512, 128>}, {transform_indices = @transform_4, window_bounds = array<i64: 512, 2>}, {pipeline_mode = #tpu.pipeline_mode<synchronous>, transform_indices = @transform_5, window_bounds = array<i64: 8, 128>}, {pipeline_mode = #tpu.pipeline_mode<synchronous>, transform_indices = @transform_6, window_bounds = array<i64: 8, 128>}]} {
    %get3A = arith.constant 0 : index
    %get3A_0 = arith.constant 0 : index
    %get3A_1 = vector.load %arg1[%get3A, %get3A_0] : memref<512x128xf32, #tpu.memory_space<vmem>>, vector<512x128xf32>
    %get3A_2 = arith.constant 0 : index
    %get3A_3 = arith.constant 0 : index
    %get3A_4 = vector.load %arg2[%get3A_2, %get3A_3] : memref<128x128xf32, #tpu.memory_space<vmem>>, vector<128x128xf32>
    %dot_general3A = arith.constant dense<0.000000e+00> : vector<512x128xf32>
    %dot_general3A_5 = tpu.matmul %get3A_1, %get3A_4, %dot_general3A {dimension_numbers = #tpu.dot_dimension_numbers<[1], [0], [0], [1], [0, 0, 1, 1], [], []>, transpose_lhs_hint = false} : vector<512x128xf32>, vector<128x128xf32>, vector<512x128xf32> -> vector<512x128xf32>
    %swap3A = arith.constant 0 : index
    %swap3A_6 = arith.constant 0 : index
    %swap3A_7 = vector.load %arg4[%swap3A, %swap3A_6] : memref<512x128xf32, #tpu.memory_space<vmem>>, vector<512x128xf32>
    tpu.vector_store %arg4[%swap3A, %swap3A_6], %dot_general3A_5 {strides = array<i32>} : memref<512x128xf32, #tpu.memory_space<vmem>>, vector<512x128xf32>,
    %get3A_8 = arith.constant 0 : index
    %get3A_9 = arith.constant 0 : index
    %get3A_10 = vector.load %arg3[%get3A_8, %get3A_9] : memref<2x128xf32, #tpu.memory_space<vmem>>, vector<1x128xf32>
    %get3A_11 = vector.shape_cast %get3A_10 : vector<1x128xf32> to vector<128xf32>
    %broadcast_in_dim3A = vector.shape_cast %get3A_11 : vector<128xf32> to vector<1x128xf32>
    %mul3A = vector.broadcast %broadcast_in_dim3A : vector<1x128xf32> to vector<512x128xf32>
    %mul3A_12 = arith.mulf %dot_general3A_5, %mul3A : vector<512x128xf32>
    %reduce_sum3A = arith.constant dense<0.000000e+00> : vector<512xf32>
    %reduce_sum3A_13 = vector.multi_reduction <add>, %mul3A_12, %reduce_sum3A [1] : vector<512x128xf32> to vector<512xf32>
    %broadcast_in_dim3A_14 = vector.shape_cast %reduce_sum3A_13 : vector<512xf32> to vector<512x1xf32>
    %get3A_15 = arith.constant 1 : index
    %get3A_16 = arith.constant 0 : index
    %get3A_17 = vector.load %arg3[%get3A_15, %get3A_16] : memref<2x128xf32, #tpu.memory_space<vmem>>, vector<1x128xf32>
    %get3A_18 = vector.shape_cast %get3A_17 : vector<1x128xf32> to vector<128xf32>
    %broadcast_in_dim3A_19 = vector.shape_cast %get3A_18 : vector<128xf32> to vector<1x128xf32>
    %mul3A_20 = vector.broadcast %broadcast_in_dim3A_19 : vector<1x128xf32> to vector<512x128xf32>
    %mul3A_21 = arith.mulf %dot_general3A_5, %mul3A_20 : vector<512x128xf32>
    %reduce_sum3A_22 = arith.constant dense<0.000000e+00> : vector<512xf32>
    %reduce_sum3A_23 = vector.multi_reduction <add>, %mul3A_21, %reduce_sum3A_22 [1] : vector<512x128xf32> to vector<512xf32>
    %broadcast_in_dim3A_24 = vector.shape_cast %reduce_sum3A_23 : vector<512xf32> to vector<512x1xf32>
    %concatenate3A = tpu.concatenate %broadcast_in_dim3A_14, %broadcast_in_dim3A_24 in 1 : vector<512x1xf32>, vector<512x1xf32> -> vector<512x2xf32>
    %swap3A_25 = arith.constant 0 : index
    %swap3A_26 = arith.constant 0 : index
    %swap3A_27 = vector.load %arg5[%swap3A_25, %swap3A_26] : memref<512x2xf32, #tpu.memory_space<vmem>>, vector<512x2xf32>
    tpu.vector_store %arg5[%swap3A_25, %swap3A_26], %concatenate3A {strides = array<i32>} : memref<512x2xf32, #tpu.memory_space<vmem>>, vector<512x2xf32>,
    %eq3A = arith.constant 0 : i32
    %eq3A_28 = arith.cmpi eq, %arg0, %eq3A : i32
    %convert_element_type3A = arith.extui %eq3A_28 : i1 to i32
    %cond3A = arith.constant 0 : i32
    %cond3A_29 = arith.cmpi ne, %convert_element_type3A, %cond3A : i32
    scf.if %cond3A_29 {
      %broadcast_in_dim3A_54 = arith.constant 0xFF800000 : f32
      %broadcast_in_dim3A_55 = vector.broadcast %broadcast_in_dim3A_54 : f32 to vector<8x128xf32>
      %swap3A_56 = arith.constant 0 : index
      %swap3A_57 = arith.constant 0 : index
      %swap3A_58 = vector.load %arg6[%swap3A_56, %swap3A_57] : memref<8x128xf32, #tpu.memory_space<vmem>>, vector<8x128xf32>
      tpu.vector_store %arg6[%swap3A_56, %swap3A_57], %broadcast_in_dim3A_55 {strides = array<i32>} : memref<8x128xf32, #tpu.memory_space<vmem>>, vector<8x128xf32>,
      %broadcast_in_dim3A_59 = arith.constant 0xFF800000 : f32
      %broadcast_in_dim3A_60 = vector.broadcast %broadcast_in_dim3A_59 : f32 to vector<8x128xf32>
      %swap3A_61 = arith.constant 0 : index
      %swap3A_62 = arith.constant 0 : index
      %swap3A_63 = vector.load %arg7[%swap3A_61, %swap3A_62] : memref<8x128xf32, #tpu.memory_space<vmem>>, vector<8x128xf32>
      tpu.vector_store %arg7[%swap3A_61, %swap3A_62], %broadcast_in_dim3A_60 {strides = array<i32>} : memref<8x128xf32, #tpu.memory_space<vmem>>, vector<8x128xf32>,
    } else {
    }
    %get3A_30 = arith.constant 0 : index
    %get3A_31 = arith.constant 0 : index
    %get3A_32 = vector.load %arg6[%get3A_30, %get3A_31] : memref<8x128xf32, #tpu.memory_space<vmem>>, vector<8x128xf32>
    %reduce_max3A = vector.shape_cast %broadcast_in_dim3A_14 : vector<512x1xf32> to vector<1x512x1xf32>
    %reduce_max3A_33 = arith.constant dense<0xFF800000> : vector<1xf32>
    %reduce_max3A_34 = vector.multi_reduction <maximumf>, %reduce_max3A, %reduce_max3A_33 [1, 2] : vector<1x512x1xf32> to vector<1xf32>
    %reduce_max3A_35 = vector.shape_cast %reduce_max3A_34 : vector<1xf32> to vector<1x1x1xf32>
    %reduce_max3A_36 = vector.extract %reduce_max3A_35[0, 0, 0] : f32 from vector<1x1x1xf32>
    %max3A = vector.broadcast %reduce_max3A_36 : f32 to vector<8x128xf32>
    %max3A_37 = arith.maximumf %get3A_32, %max3A : vector<8x128xf32>
    %swap3A_38 = arith.constant 0 : index
    %swap3A_39 = arith.constant 0 : index
    %swap3A_40 = vector.load %arg6[%swap3A_38, %swap3A_39] : memref<8x128xf32, #tpu.memory_space<vmem>>, vector<8x128xf32>
    tpu.vector_store %arg6[%swap3A_38, %swap3A_39], %max3A_37 {strides = array<i32>} : memref<8x128xf32, #tpu.memory_space<vmem>>, vector<8x128xf32>,
    %get3A_41 = arith.constant 0 : index
    %get3A_42 = arith.constant 0 : index
    %get3A_43 = vector.load %arg7[%get3A_41, %get3A_42] : memref<8x128xf32, #tpu.memory_space<vmem>>, vector<8x128xf32>
    %reduce_max3A_44 = vector.shape_cast %broadcast_in_dim3A_24 : vector<512x1xf32> to vector<1x512x1xf32>
    %reduce_max3A_45 = arith.constant dense<0xFF800000> : vector<1xf32>
    %reduce_max3A_46 = vector.multi_reduction <maximumf>, %reduce_max3A_44, %reduce_max3A_45 [1, 2] : vector<1x512x1xf32> to vector<1xf32>
    %reduce_max3A_47 = vector.shape_cast %reduce_max3A_46 : vector<1xf32> to vector<1x1x1xf32>
    %reduce_max3A_48 = vector.extract %reduce_max3A_47[0, 0, 0] : f32 from vector<1x1x1xf32>
    %max3A_49 = vector.broadcast %reduce_max3A_48 : f32 to vector<8x128xf32>
    %max3A_50 = arith.maximumf %get3A_43, %max3A_49 : vector<8x128xf32>
    %swap3A_51 = arith.constant 0 : index
    %swap3A_52 = arith.constant 0 : index
    %swap3A_53 = vector.load %arg7[%swap3A_51, %swap3A_52] : memref<8x128xf32, #tpu.memory_space<vmem>>, vector<8x128xf32>
    tpu.vector_store %arg7[%swap3A_51, %swap3A_52], %max3A_50 {strides = array<i32>} : memref<8x128xf32, #tpu.memory_space<vmem>>, vector<8x128xf32>,
    return
  }
  func.func @transform_0(%arg0: i32) -> (i32, i32) {
    %c0_i32 = arith.constant 0 : i32
    %c0_i32_0 = arith.constant 0 : i32
    return %arg0, %c0_i32 : i32, i32
  }
  func.func @transform_1(%arg0: i32) -> (i32, i32) {
    %c0_i32 = arith.constant 0 : i32
    %c0_i32_0 = arith.constant 0 : i32
    %c0_i32_1 = arith.constant 0 : i32
    return %c0_i32, %c0_i32_0 : i32, i32
  }
  func.func @transform_2(%arg0: i32) -> (i32, i32) {
    %c0_i32 = arith.constant 0 : i32
    %c0_i32_0 = arith.constant 0 : i32
    %c0_i32_1 = arith.constant 0 : i32
    return %c0_i32, %c0_i32_0 : i32, i32
  }
  func.func @transform_3(%arg0: i32) -> (i32, i32) {
    %c0_i32 = arith.constant 0 : i32
    %c0_i32_0 = arith.constant 0 : i32
    return %arg0, %c0_i32 : i32, i32
  }
  func.func @transform_4(%arg0: i32) -> (i32, i32) {
    %c0_i32 = arith.constant 0 : i32
    %c0_i32_0 = arith.constant 0 : i32
    return %arg0, %c0_i32 : i32, i32
  }
  func.func @transform_5(%arg0: i32) -> (i32, i32) {
    %c0_i32 = arith.constant 0 : i32
    %c0_i32_0 = arith.constant 0 : i32
    %c0_i32_1 = arith.constant 0 : i32
    return %c0_i32, %c0_i32_0 : i32, i32
  }
  func.func @transform_6(%arg0: i32) -> (i32, i32) {
    %c0_i32 = arith.constant 0 : i32
    %c0_i32_0 = arith.constant 0 : i32
    %c0_i32_1 = arith.constant 0 : i32
    return %c0_i32, %c0_i32_0 : i32, i32
  }
}

module attributes {stable_mosaic.version = 14 : i64} {
  func.func @_proj2_body(%arg0: i32, %arg1: memref<2x512x128xf32, #tpu.memory_space<vmem>>, %arg2: memref<2x512xf32, #tpu.memory_space<vmem>>, %arg3: memref<1x128xf32, #tpu.memory_space<vmem>>, %arg4: memref<128x128xf32, #tpu.memory_space<vmem>>, %arg5: memref<2x128xf32, #tpu.memory_space<vmem>>, %arg6: memref<512x128xf32, #tpu.memory_space<vmem>>, %arg7: memref<512x2xf32, #tpu.memory_space<vmem>>, %arg8: memref<8x128xf32, #tpu.memory_space<vmem>>, %arg9: memref<8x128xf32, #tpu.memory_space<vmem>>) attributes {dimension_semantics = [#tpu.dimension_semantics<arbitrary>], iteration_bounds = array<i64: 20>, scalar_prefetch = 0 : i64, scratch_operands = 0 : i64, tpu.core_type = #tpu.core_type<tc>, window_params = [{transform_indices = @transform_0, window_bounds = array<i64: 2, 512, 128>}, {transform_indices = @transform_1, window_bounds = array<i64: 2, 512>}, {pipeline_mode = #tpu.pipeline_mode<synchronous>, transform_indices = @transform_2, window_bounds = array<i64: 1, 128>}, {pipeline_mode = #tpu.pipeline_mode<synchronous>, transform_indices = @transform_3, window_bounds = array<i64: 128, 128>}, {pipeline_mode = #tpu.pipeline_mode<synchronous>, transform_indices = @transform_4, window_bounds = array<i64: 2, 128>}, {transform_indices = @transform_5, window_bounds = array<i64: 512, 128>}, {transform_indices = @transform_6, window_bounds = array<i64: 512, 2>}, {pipeline_mode = #tpu.pipeline_mode<synchronous>, transform_indices = @transform_7, window_bounds = array<i64: 8, 128>}, {pipeline_mode = #tpu.pipeline_mode<synchronous>, transform_indices = @transform_8, window_bounds = array<i64: 8, 128>}]} {
    %get3A = arith.constant 0 : index
    %get3A_0 = arith.constant 0 : index
    %get3A_1 = vector.load %arg2[%get3A, %get3A_0] : memref<2x512xf32, #tpu.memory_space<vmem>>, vector<1x512xf32>
    %get3A_2 = vector.shape_cast %get3A_1 : vector<1x512xf32> to vector<512xf32>
    %get3A_3 = arith.constant 1 : index
    %get3A_4 = arith.constant 0 : index
    %get3A_5 = vector.load %arg2[%get3A_3, %get3A_4] : memref<2x512xf32, #tpu.memory_space<vmem>>, vector<1x512xf32>
    %get3A_6 = vector.shape_cast %get3A_5 : vector<1x512xf32> to vector<512xf32>
    %add3A = arith.addf %get3A_2, %get3A_6 : vector<512xf32>
    %add3A_7 = arith.constant 1.000000e-16 : f32
    %add3A_8 = vector.broadcast %add3A_7 : f32 to vector<512xf32>
    %add3A_9 = arith.addf %add3A, %add3A_8 : vector<512xf32>
    %get3A_10 = arith.constant 0 : index
    %get3A_11 = arith.constant 0 : index
    %get3A_12 = arith.constant 0 : index
    %get3A_13 = vector.load %arg1[%get3A_10, %get3A_11, %get3A_12] : memref<2x512x128xf32, #tpu.memory_space<vmem>>, vector<1x512x128xf32>
    %get3A_14 = vector.shape_cast %get3A_13 : vector<1x512x128xf32> to vector<512x128xf32>
    %get3A_15 = arith.constant 1 : index
    %get3A_16 = arith.constant 0 : index
    %get3A_17 = arith.constant 0 : index
    %get3A_18 = vector.load %arg1[%get3A_15, %get3A_16, %get3A_17] : memref<2x512x128xf32, #tpu.memory_space<vmem>>, vector<1x512x128xf32>
    %get3A_19 = vector.shape_cast %get3A_18 : vector<1x512x128xf32> to vector<512x128xf32>
    %add3A_20 = arith.addf %get3A_14, %get3A_19 : vector<512x128xf32>
    %broadcast_in_dim3A = vector.shape_cast %add3A_9 : vector<512xf32> to vector<512x1xf32>
    %div3A = vector.broadcast %broadcast_in_dim3A : vector<512x1xf32> to vector<512x128xf32>
    %div3A_21 = arith.divf %add3A_20, %div3A : vector<512x128xf32>
    %get3A_22 = arith.constant 0 : index
    %get3A_23 = arith.constant 0 : index
    %get3A_24 = vector.load %arg3[%get3A_22, %get3A_23] : memref<1x128xf32, #tpu.memory_space<vmem>>, vector<1x128xf32>
    %add3A_25 = vector.broadcast %get3A_24 : vector<1x128xf32> to vector<512x128xf32>
    %add3A_26 = arith.addf %div3A_21, %add3A_25 : vector<512x128xf32>
    %get3A_27 = arith.constant 0 : index
    %get3A_28 = arith.constant 0 : index
    %get3A_29 = vector.load %arg4[%get3A_27, %get3A_28] : memref<128x128xf32, #tpu.memory_space<vmem>>, vector<128x128xf32>
    %dot_general3A = arith.constant dense<0.000000e+00> : vector<512x128xf32>
    %dot_general3A_30 = tpu.matmul %add3A_26, %get3A_29, %dot_general3A {dimension_numbers = #tpu.dot_dimension_numbers<[1], [0], [0], [1], [0, 0, 1, 1], [], []>, transpose_lhs_hint = false} : vector<512x128xf32>, vector<128x128xf32>, vector<512x128xf32> -> vector<512x128xf32>
    %swap3A = arith.constant 0 : index
    %swap3A_31 = arith.constant 0 : index
    %swap3A_32 = vector.load %arg6[%swap3A, %swap3A_31] : memref<512x128xf32, #tpu.memory_space<vmem>>, vector<512x128xf32>
    tpu.vector_store %arg6[%swap3A, %swap3A_31], %dot_general3A_30 {strides = array<i32>} : memref<512x128xf32, #tpu.memory_space<vmem>>, vector<512x128xf32>,
    %get3A_33 = arith.constant 0 : index
    %get3A_34 = arith.constant 0 : index
    %get3A_35 = vector.load %arg5[%get3A_33, %get3A_34] : memref<2x128xf32, #tpu.memory_space<vmem>>, vector<1x128xf32>
    %get3A_36 = vector.shape_cast %get3A_35 : vector<1x128xf32> to vector<128xf32>
    %broadcast_in_dim3A_37 = vector.shape_cast %get3A_36 : vector<128xf32> to vector<1x128xf32>
    %mul3A = vector.broadcast %broadcast_in_dim3A_37 : vector<1x128xf32> to vector<512x128xf32>
    %mul3A_38 = arith.mulf %dot_general3A_30, %mul3A : vector<512x128xf32>
    %reduce_sum3A = arith.constant dense<0.000000e+00> : vector<512xf32>
    %reduce_sum3A_39 = vector.multi_reduction <add>, %mul3A_38, %reduce_sum3A [1] : vector<512x128xf32> to vector<512xf32>
    %broadcast_in_dim3A_40 = vector.shape_cast %reduce_sum3A_39 : vector<512xf32> to vector<512x1xf32>
    %get3A_41 = arith.constant 1 : index
    %get3A_42 = arith.constant 0 : index
    %get3A_43 = vector.load %arg5[%get3A_41, %get3A_42] : memref<2x128xf32, #tpu.memory_space<vmem>>, vector<1x128xf32>
    %get3A_44 = vector.shape_cast %get3A_43 : vector<1x128xf32> to vector<128xf32>
    %broadcast_in_dim3A_45 = vector.shape_cast %get3A_44 : vector<128xf32> to vector<1x128xf32>
    %mul3A_46 = vector.broadcast %broadcast_in_dim3A_45 : vector<1x128xf32> to vector<512x128xf32>
    %mul3A_47 = arith.mulf %dot_general3A_30, %mul3A_46 : vector<512x128xf32>
    %reduce_sum3A_48 = arith.constant dense<0.000000e+00> : vector<512xf32>
    %reduce_sum3A_49 = vector.multi_reduction <add>, %mul3A_47, %reduce_sum3A_48 [1] : vector<512x128xf32> to vector<512xf32>
    %broadcast_in_dim3A_50 = vector.shape_cast %reduce_sum3A_49 : vector<512xf32> to vector<512x1xf32>
    %concatenate3A = tpu.concatenate %broadcast_in_dim3A_40, %broadcast_in_dim3A_50 in 1 : vector<512x1xf32>, vector<512x1xf32> -> vector<512x2xf32>
    %swap3A_51 = arith.constant 0 : index
    %swap3A_52 = arith.constant 0 : index
    %swap3A_53 = vector.load %arg7[%swap3A_51, %swap3A_52] : memref<512x2xf32, #tpu.memory_space<vmem>>, vector<512x2xf32>
    tpu.vector_store %arg7[%swap3A_51, %swap3A_52], %concatenate3A {strides = array<i32>} : memref<512x2xf32, #tpu.memory_space<vmem>>, vector<512x2xf32>,
    %eq3A = arith.constant 0 : i32
    %eq3A_54 = arith.cmpi eq, %arg0, %eq3A : i32
    %convert_element_type3A = arith.extui %eq3A_54 : i1 to i32
    %cond3A = arith.constant 0 : i32
    %cond3A_55 = arith.cmpi ne, %convert_element_type3A, %cond3A : i32
    scf.if %cond3A_55 {
      %broadcast_in_dim3A_80 = arith.constant 0xFF800000 : f32
      %broadcast_in_dim3A_81 = vector.broadcast %broadcast_in_dim3A_80 : f32 to vector<8x128xf32>
      %swap3A_82 = arith.constant 0 : index
      %swap3A_83 = arith.constant 0 : index
      %swap3A_84 = vector.load %arg8[%swap3A_82, %swap3A_83] : memref<8x128xf32, #tpu.memory_space<vmem>>, vector<8x128xf32>
      tpu.vector_store %arg8[%swap3A_82, %swap3A_83], %broadcast_in_dim3A_81 {strides = array<i32>} : memref<8x128xf32, #tpu.memory_space<vmem>>, vector<8x128xf32>,
      %broadcast_in_dim3A_85 = arith.constant 0xFF800000 : f32
      %broadcast_in_dim3A_86 = vector.broadcast %broadcast_in_dim3A_85 : f32 to vector<8x128xf32>
      %swap3A_87 = arith.constant 0 : index
      %swap3A_88 = arith.constant 0 : index
      %swap3A_89 = vector.load %arg9[%swap3A_87, %swap3A_88] : memref<8x128xf32, #tpu.memory_space<vmem>>, vector<8x128xf32>
      tpu.vector_store %arg9[%swap3A_87, %swap3A_88], %broadcast_in_dim3A_86 {strides = array<i32>} : memref<8x128xf32, #tpu.memory_space<vmem>>, vector<8x128xf32>,
    } else {
    }
    %get3A_56 = arith.constant 0 : index
    %get3A_57 = arith.constant 0 : index
    %get3A_58 = vector.load %arg8[%get3A_56, %get3A_57] : memref<8x128xf32, #tpu.memory_space<vmem>>, vector<8x128xf32>
    %reduce_max3A = vector.shape_cast %broadcast_in_dim3A_40 : vector<512x1xf32> to vector<1x512x1xf32>
    %reduce_max3A_59 = arith.constant dense<0xFF800000> : vector<1xf32>
    %reduce_max3A_60 = vector.multi_reduction <maximumf>, %reduce_max3A, %reduce_max3A_59 [1, 2] : vector<1x512x1xf32> to vector<1xf32>
    %reduce_max3A_61 = vector.shape_cast %reduce_max3A_60 : vector<1xf32> to vector<1x1x1xf32>
    %reduce_max3A_62 = vector.extract %reduce_max3A_61[0, 0, 0] : f32 from vector<1x1x1xf32>
    %max3A = vector.broadcast %reduce_max3A_62 : f32 to vector<8x128xf32>
    %max3A_63 = arith.maximumf %get3A_58, %max3A : vector<8x128xf32>
    %swap3A_64 = arith.constant 0 : index
    %swap3A_65 = arith.constant 0 : index
    %swap3A_66 = vector.load %arg8[%swap3A_64, %swap3A_65] : memref<8x128xf32, #tpu.memory_space<vmem>>, vector<8x128xf32>
    tpu.vector_store %arg8[%swap3A_64, %swap3A_65], %max3A_63 {strides = array<i32>} : memref<8x128xf32, #tpu.memory_space<vmem>>, vector<8x128xf32>,
    %get3A_67 = arith.constant 0 : index
    %get3A_68 = arith.constant 0 : index
    %get3A_69 = vector.load %arg9[%get3A_67, %get3A_68] : memref<8x128xf32, #tpu.memory_space<vmem>>, vector<8x128xf32>
    %reduce_max3A_70 = vector.shape_cast %broadcast_in_dim3A_50 : vector<512x1xf32> to vector<1x512x1xf32>
    %reduce_max3A_71 = arith.constant dense<0xFF800000> : vector<1xf32>
    %reduce_max3A_72 = vector.multi_reduction <maximumf>, %reduce_max3A_70, %reduce_max3A_71 [1, 2] : vector<1x512x1xf32> to vector<1xf32>
    %reduce_max3A_73 = vector.shape_cast %reduce_max3A_72 : vector<1xf32> to vector<1x1x1xf32>
    %reduce_max3A_74 = vector.extract %reduce_max3A_73[0, 0, 0] : f32 from vector<1x1x1xf32>
    %max3A_75 = vector.broadcast %reduce_max3A_74 : f32 to vector<8x128xf32>
    %max3A_76 = arith.maximumf %get3A_69, %max3A_75 : vector<8x128xf32>
    %swap3A_77 = arith.constant 0 : index
    %swap3A_78 = arith.constant 0 : index
    %swap3A_79 = vector.load %arg9[%swap3A_77, %swap3A_78] : memref<8x128xf32, #tpu.memory_space<vmem>>, vector<8x128xf32>
    tpu.vector_store %arg9[%swap3A_77, %swap3A_78], %max3A_76 {strides = array<i32>} : memref<8x128xf32, #tpu.memory_space<vmem>>, vector<8x128xf32>,
    return
  }
  func.func @transform_0(%arg0: i32) -> (i32, i32, i32) {
    %c0_i32 = arith.constant 0 : i32
    %c0_i32_0 = arith.constant 0 : i32
    %c0_i32_1 = arith.constant 0 : i32
    return %c0_i32, %arg0, %c0_i32_0 : i32, i32, i32
  }
  func.func @transform_1(%arg0: i32) -> (i32, i32) {
    %c0_i32 = arith.constant 0 : i32
    %c0_i32_0 = arith.constant 0 : i32
    return %c0_i32, %arg0 : i32, i32
  }
  func.func @transform_2(%arg0: i32) -> (i32, i32) {
    %c0_i32 = arith.constant 0 : i32
    %c0_i32_0 = arith.constant 0 : i32
    %c0_i32_1 = arith.constant 0 : i32
    return %c0_i32, %c0_i32_0 : i32, i32
  }
  func.func @transform_3(%arg0: i32) -> (i32, i32) {
    %c0_i32 = arith.constant 0 : i32
    %c0_i32_0 = arith.constant 0 : i32
    %c0_i32_1 = arith.constant 0 : i32
    return %c0_i32, %c0_i32_0 : i32, i32
  }
  func.func @transform_4(%arg0: i32) -> (i32, i32) {
    %c0_i32 = arith.constant 0 : i32
    %c0_i32_0 = arith.constant 0 : i32
    %c0_i32_1 = arith.constant 0 : i32
    return %c0_i32, %c0_i32_0 : i32, i32
  }
  func.func @transform_5(%arg0: i32) -> (i32, i32) {
    %c0_i32 = arith.constant 0 : i32
    %c0_i32_0 = arith.constant 0 : i32
    return %arg0, %c0_i32 : i32, i32
  }
  func.func @transform_6(%arg0: i32) -> (i32, i32) {
    %c0_i32 = arith.constant 0 : i32
    %c0_i32_0 = arith.constant 0 : i32
    return %arg0, %c0_i32 : i32, i32
  }
  func.func @transform_7(%arg0: i32) -> (i32, i32) {
    %c0_i32 = arith.constant 0 : i32
    %c0_i32_0 = arith.constant 0 : i32
    %c0_i32_1 = arith.constant 0 : i32
    return %c0_i32, %c0_i32_0 : i32, i32
  }
  func.func @transform_8(%arg0: i32) -> (i32, i32) {
    %c0_i32 = arith.constant 0 : i32
    %c0_i32_0 = arith.constant 0 : i32
    %c0_i32_1 = arith.constant 0 : i32
    return %c0_i32, %c0_i32_0 : i32, i32
  }
}

module attributes {stable_mosaic.version = 14 : i64} {
  func.func @_final_body(%arg0: i32, %arg1: memref<2x512x128xf32, #tpu.memory_space<vmem>>, %arg2: memref<2x512xf32, #tpu.memory_space<vmem>>, %arg3: memref<1x128xf32, #tpu.memory_space<vmem>>, %arg4: memref<512x128xf32, #tpu.memory_space<vmem>>) attributes {dimension_semantics = [#tpu.dimension_semantics<arbitrary>], iteration_bounds = array<i64: 20>, scalar_prefetch = 0 : i64, scratch_operands = 0 : i64, tpu.core_type = #tpu.core_type<tc>, window_params = [{transform_indices = @transform_0, window_bounds = array<i64: 2, 512, 128>}, {transform_indices = @transform_1, window_bounds = array<i64: 2, 512>}, {pipeline_mode = #tpu.pipeline_mode<synchronous>, transform_indices = @transform_2, window_bounds = array<i64: 1, 128>}, {transform_indices = @transform_3, window_bounds = array<i64: 512, 128>}]} {
    %get3A = arith.constant 0 : index
    %get3A_0 = arith.constant 0 : index
    %get3A_1 = vector.load %arg2[%get3A, %get3A_0] : memref<2x512xf32, #tpu.memory_space<vmem>>, vector<1x512xf32>
    %get3A_2 = vector.shape_cast %get3A_1 : vector<1x512xf32> to vector<512xf32>
    %get3A_3 = arith.constant 1 : index
    %get3A_4 = arith.constant 0 : index
    %get3A_5 = vector.load %arg2[%get3A_3, %get3A_4] : memref<2x512xf32, #tpu.memory_space<vmem>>, vector<1x512xf32>
    %get3A_6 = vector.shape_cast %get3A_5 : vector<1x512xf32> to vector<512xf32>
    %add3A = arith.addf %get3A_2, %get3A_6 : vector<512xf32>
    %add3A_7 = arith.constant 1.000000e-16 : f32
    %add3A_8 = vector.broadcast %add3A_7 : f32 to vector<512xf32>
    %add3A_9 = arith.addf %add3A, %add3A_8 : vector<512xf32>
    %get3A_10 = arith.constant 0 : index
    %get3A_11 = arith.constant 0 : index
    %get3A_12 = arith.constant 0 : index
    %get3A_13 = vector.load %arg1[%get3A_10, %get3A_11, %get3A_12] : memref<2x512x128xf32, #tpu.memory_space<vmem>>, vector<1x512x128xf32>
    %get3A_14 = vector.shape_cast %get3A_13 : vector<1x512x128xf32> to vector<512x128xf32>
    %get3A_15 = arith.constant 1 : index
    %get3A_16 = arith.constant 0 : index
    %get3A_17 = arith.constant 0 : index
    %get3A_18 = vector.load %arg1[%get3A_15, %get3A_16, %get3A_17] : memref<2x512x128xf32, #tpu.memory_space<vmem>>, vector<1x512x128xf32>
    %get3A_19 = vector.shape_cast %get3A_18 : vector<1x512x128xf32> to vector<512x128xf32>
    %add3A_20 = arith.addf %get3A_14, %get3A_19 : vector<512x128xf32>
    %broadcast_in_dim3A = vector.shape_cast %add3A_9 : vector<512xf32> to vector<512x1xf32>
    %div3A = vector.broadcast %broadcast_in_dim3A : vector<512x1xf32> to vector<512x128xf32>
    %div3A_21 = arith.divf %add3A_20, %div3A : vector<512x128xf32>
    %get3A_22 = arith.constant 0 : index
    %get3A_23 = arith.constant 0 : index
    %get3A_24 = vector.load %arg3[%get3A_22, %get3A_23] : memref<1x128xf32, #tpu.memory_space<vmem>>, vector<1x128xf32>
    %add3A_25 = vector.broadcast %get3A_24 : vector<1x128xf32> to vector<512x128xf32>
    %add3A_26 = arith.addf %div3A_21, %add3A_25 : vector<512x128xf32>
    %swap3A = arith.constant 0 : index
    %swap3A_27 = arith.constant 0 : index
    %swap3A_28 = vector.load %arg4[%swap3A, %swap3A_27] : memref<512x128xf32, #tpu.memory_space<vmem>>, vector<512x128xf32>
    tpu.vector_store %arg4[%swap3A, %swap3A_27], %add3A_26 {strides = array<i32>} : memref<512x128xf32, #tpu.memory_space<vmem>>, vector<512x128xf32>,
    return
  }
  func.func @transform_0(%arg0: i32) -> (i32, i32, i32) {
    %c0_i32 = arith.constant 0 : i32
    %c0_i32_0 = arith.constant 0 : i32
    %c0_i32_1 = arith.constant 0 : i32
    return %c0_i32, %arg0, %c0_i32_0 : i32, i32, i32
  }
  func.func @transform_1(%arg0: i32) -> (i32, i32) {
    %c0_i32 = arith.constant 0 : i32
    %c0_i32_0 = arith.constant 0 : i32
    return %c0_i32, %arg0 : i32, i32
  }
  func.func @transform_2(%arg0: i32) -> (i32, i32) {
    %c0_i32 = arith.constant 0 : i32
    %c0_i32_0 = arith.constant 0 : i32
    %c0_i32_1 = arith.constant 0 : i32
    return %c0_i32, %c0_i32_0 : i32, i32
  }
  func.func @transform_3(%arg0: i32) -> (i32, i32) {
    %c0_i32 = arith.constant 0 : i32
    %c0_i32_0 = arith.constant 0 : i32
    return %arg0, %c0_i32 : i32, i32
  }
}

</mosaic_0001>

<sc_bundles>
// kernel: kernel.12.cloned.1.call-start
scs
__scs_entry_jumppad:
0x0: {  	(pc) =	sbr.rel $0x88, $3  }
0x1: {  	(tag) =	ssettag $0x0;
	lr =	simm.s32 $0x1  }
0x2: {  	[smem:$0x3F96] =	sst lr;
	_ =	strace $0xD0000000  }
0x3: {  	_ = 	snop  }
0x4: {  	_ = 	snop  }
0x5: {  	_ = 	snop  }
0x6: {  	_ = 	snop  }
0x7: {  	_ = 	snop  }
__scs_overlays_trampoline_lowered:
0x8: {  	[smem:$0x3FA5] =	sst s0  }
0x9: {  	[smem:$0x3FA6] =	sst s1  }
0xa: {  	[smem:$0x3FA7] =	sst s2  }
0xb: {  	[smem:$0x3FA8] =	sst s3  }
0xc: {  	[smem:$0x3FA9] =	sst s4  }
0xd: {  	[smem:$0x3FAA] =	sst s5  }
0xe: {  	[smem:$0x3FAB] =	sst s6  }
0xf: {  	[smem:$0x3FAC] =	sst s7  }
0x10: {  	[smem:$0x3FAD] =	sst s8  }
0x11: {  	[smem:$0x3FAE] =	sst s9;
	s0 =	simm.s32 @!p0 $0x0  }
0x12: {  	s1 =	sld [smem:$0x3F94];
	s0 =	simm.s32 @p0 $0x1  }
0x13: {  	[smem:$0x3FAF] =	sst s0;
	s0 =	simm.s32 @!p1 $0x0  }
0x14: {  	s2 =	sld [smem:$0x3F93];
	s0 =	simm.s32 @p1 $0x1  }
0x15: {  	[smem:$0x3FB0] =	sst s0;
	s0 =	simm.s32 @!p2 $0x0  }
0x16: {  	s3 =	sld [smem:$0x3FDB];
	s0 =	simm.s32 @p2 $0x1  }
0x17: {  	s4 =	simm.s32 $0x1BF5;
	[smem:$0x3FB2] =	sst s0  }
0x18: {  	s0 =	sld [smem:$0x3F95];
	_ =	swait.ge [sflag:s4], $0x0  }
0x19: {  	s7 =	sld [smem:$0x3F96]  }
0x1a: {  	s8 =	sadd.s32 $0xFFFFE003, lr  }
0x1b: {  	s9 =	sadd.s32 $0xFFFFFEF7, lr;
	s5 =	simm.s32 $0xFFFFFFFF;
	p2 =	slt.u32 s8, $0xFFFFF086  }
0x1c: {  	p1 =	slt.u32 s9, $0xF7A;
	s5 =	simm.s32 @!p2 $0x0  }
0x1d: {  	s5 =	simm.s32 @p1 $0x1;
	p0 =	seq.s32 s7, s2  }
0x1e: {  	s7 =	smul.u32 @!p0 $0xF7A, s2;
	p2 =	seq.s32 @!p0 s5, $0x0  }
0x1f: {  	s9 =	smul.u32 $0xF7A, s1;
	s8 =	simm.s32 @!p0 $0x1BF5;
	p2 =	por !p2, p0  }
0x20: {  	[sflag:s8] =	ssyncset.s32 @!p0 $0xFFFFF086;
	s6 =	sadd.s32 @!p0 s3, s7;
	s7 =	simm.s32 @!p0 $0x108  }
0x21: {  	s3 =	sadd.s32 s3, s9;
	s6 =	sadd.s32 @!p0 $0x88, s6;
	s7 =	simm.s32 @p2 $0x1082  }
0x22: {  	[simem:s7], [sflag:s8] =	dma.local @!p0 [hbm:s6], $0xF7A  }
0x23: {  	s9 =	sor.u32 $0xD0000000, s2;
	s6 =	simm.s32 $0x108;
	_ =	swait.ge @!p0 [sflag:s8], $0x0  }
0x24: {  	s3 =	sadd.s32 $0x88, s3;
	s6 =	simm.s32 @!p1 $0x1082;
	[sflag:s4] =	ssyncset.s32 $0xFFFFF086  }
0x25: {  	[simem:s6], [sflag:s4] =	dma.local [hbm:s3], $0xF7A  }
0x26: {  	[smem:$0x3F96] =	sst s1;
	(tag) =	ssettag s2;
	_ =	strace s9  }
0x27: {  	s1 =	sld [smem:$0x3FA6]  }
0x28: {  	s2 =	sld [smem:$0x3FA7]  }
0x29: {  	s4 =	sld [smem:$0x3FA9]  }
0x2a: {  	p0 =	seq.s32 s5, $0x0;
	s5 =	sld [smem:$0x3FAA]  }
0x2b: {  	s6 =	sld [smem:$0x3FAB]  }
0x2c: {  	s7 =	sld [smem:$0x3FAC]  }
0x2d: {  	s3 =	simm.s32 $0x108;
	s8 =	sld [smem:$0x3FAD]  }
0x2e: {  	s3 =	simm.s32 @!p0 $0x1082;
	s9 =	sld [smem:$0x3FAE]  }
0x2f: {  	lr =	sadd.s32 s0, s3;
	s0 =	sld [smem:$0x3FA5]  }
0x30: {  	s3 =	sld [smem:$0x3FA8]  }
0x31: {  	[smem:$0x3FB1] =	sst s10  }
0x32: {  	s10 =	sld [smem:$0x3FAF];
	_ =	sdelay $0x3  }
0x33: {  	p0 =	seq.s32 s10, $0x1;
	s10 =	sld [smem:$0x3FB1];
	_ =	sdelay $0x3  }
0x34: {  	[smem:$0x3FB1] =	sst s10  }
0x35: {  	s10 =	sld [smem:$0x3FB0];
	_ =	sdelay $0x3  }
0x36: {  	p1 =	seq.s32 s10, $0x1;
	s10 =	sld [smem:$0x3FB1];
	_ =	sdelay $0x3  }
0x37: {  	[smem:$0x3FB1] =	sst s10  }
0x38: {  	s10 =	sld [smem:$0x3FB2]  }
0x39: {  	_ = 	snop;
	(pc) =	sbr.ind lr, $3  }
0x3a: {  	_ = 	snop  }
0x3b: {  	_ = 	snop  }
0x3c: {  	p2 =	seq.s32 s10, $0x1;
	s10 =	sld [smem:$0x3FB1]  }
0x3d: {  	_ =	shalt  }
0x3e: {  	_ =	shalt  }
0x3f: {  	_ =	shalt  }
0x40: {  	_ =	shalt  }
0x41: {  	_ =	shalt  }
0x42: {  	_ =	shalt  }
0x43: {  	_ =	shalt  }
0x44: {  	_ =	shalt  }
0x45: {  	_ =	shalt  }
0x46: {  	_ =	shalt  }
0x47: {  	_ =	shalt  }
0x48: {  	_ =	shalt  }
0x49: {  	_ =	shalt  }
0x4a: {  	_ =	shalt  }
0x4b: {  	_ =	shalt  }
0x4c: {  	_ =	shalt  }
0x4d: {  	_ =	shalt  }
0x4e: {  	_ =	shalt  }
0x4f: {  	_ =	shalt  }
0x50: {  	_ =	shalt  }
0x51: {  	_ =	shalt  }
0x52: {  	_ =	shalt  }
0x53: {  	_ =	shalt  }
0x54: {  	_ =	shalt  }
0x55: {  	_ =	shalt  }
0x56: {  	_ =	shalt  }
0x57: {  	_ =	shalt  }
0x58: {  	_ =	shalt  }
0x59: {  	_ =	shalt  }
0x5a: {  	_ =	shalt  }
0x5b: {  	_ =	shalt  }
0x5c: {  	_ =	shalt  }
0x5d: {  	_ =	shalt  }
0x5e: {  	_ =	shalt  }
0x5f: {  	_ =	shalt  }
0x60: {  	_ =	shalt  }
0x61: {  	_ =	shalt  }
0x62: {  	_ =	shalt  }
0x63: {  	_ =	shalt  }
0x64: {  	_ =	shalt  }
0x65: {  	_ =	shalt  }
0x66: {  	_ =	shalt  }
0x67: {  	_ =	shalt  }
0x68: {  	_ =	shalt  }
0x69: {  	_ =	shalt  }
0x6a: {  	_ =	shalt  }
0x6b: {  	_ =	shalt  }
0x6c: {  	_ =	shalt  }
0x6d: {  	_ =	shalt  }
0x6e: {  	_ =	shalt  }
0x6f: {  	_ =	shalt  }
0x70: {  	_ =	shalt  }
0x71: {  	_ =	shalt  }
0x72: {  	_ =	shalt  }
0x73: {  	_ =	shalt  }
0x74: {  	_ =	shalt  }
0x75: {  	_ =	shalt  }
0x76: {  	_ =	shalt  }
0x77: {  	_ =	shalt  }
0x78: {  	_ =	shalt  }
0x79: {  	_ =	shalt  }
0x7a: {  	_ =	shalt  }
0x7b: {  	_ =	shalt  }
0x7c: {  	_ =	shalt  }
0x7d: {  	_ =	shalt  }
0x7e: {  	_ =	shalt  }
0x7f: {  	_ =	shalt  }
0x80: {  	_ =	shalt  }
0x81: {  	_ =	shalt  }
0x82: {  	_ =	shalt  }
0x83: {  	_ =	shalt  }
0x84: {  	_ =	shalt  }
0x85: {  	_ =	shalt  }
0x86: {  	_ =	shalt  }
0x87: {  	_ =	shalt  }
.Lfunc_end0:
.L_simem_size_0:
called_computation.1_lowered:
.L_overlay_start_0:
0x88: {  	s2 =	sld [smem:$0x3FD9]  }
0x89: {  	s3 =	sld [smem:$0x3FFE];
	_ =	sdelay $0x1  }
0x8a: {  	s1 =	srdreg.scid  }
0x8b: {  	s0 =	sand.u32 $0x1, s1  }
0x8c: {  	s17 =	sshll.u32 s0, $0xA;
	s2 =	sadd.s32 s3, s2  }
0x8d: {  	s2 =	sadd.s32 s2, s17  }
0x8e: {  	[smem:$0x3FBD] =	sst s2  }
0x8f: {  	_ = 	snop  }
0x90: {  	s2 =	sld [smem:$0x3FD0];
	(tm) =	ssettm $0x1  }
0x91: {  	s18 =	sld [smem:$0x3FFB];
	_ =	sdelay $0x3  }
0x92: {  	_ =	strace s18  }
0x93: {  	s3 =	sld [smem:$0x3FFC];
	_ =	sdelay $0x3  }
0x94: {  	_ =	strace s3  }
0x95: {  	s3 =	sld [smem:$0x3FFD];
	_ =	sdelay $0x3  }
0x96: {  	_ =	strace s3  }
0x97: {  	_ =	strace $0x8FFFFFFF  }
0x98: {  	s19 =	sld [smem:$0x3FDB];
	_ =	sdelay $0x1  }
0x99: {  	s4 =	simm.s32 $_scs_section_size  }
0x9a: {  	s5 =	simm.s32 $_size__tile_overlayer_lowered;
	s6 =	simm.s32 $_tile_overlayer_lowered  }
0x9b: {  	s22 =	simm.s32 $0x1BFF;
	s21 =	sshll.u32 s6, $0x1;
	s3 =	sadd.s32 s4, s19  }
0x9c: {  	s7 =	simm.s32 $0x0;
	s20 =	sshll.u32 s5, $0x1;
	s5 =	sadd.s32 s21, s3  }
0x9d: {  	[timem:s7], [sflag:s22] =	dma.local [hbm:s5], s20  }
0x9e: {  	_ =	swait.ge [sflag:s22], s20  }
0x9f: {  	s4 =	ssub.s32 $0x0, s20;
	[sflag:s22] =	ssyncset.done $0x0  }
0xa0: {  	[sflag:s22] =	ssyncadd.s32 s4;
	_ =	sdelay $0x1  }
0xa1: {  	s23 =	simm.s32 $0x1B8B  }
0xa2: {  	_ =	swait.ge [sflag:s23], $0x1  }
0xa3: {  	[sflag:s23] =	ssyncset.done $0x0  }
0xa4: {  	s25 =	simm.s32 $0x1B8E;
	s24 =	sld [smem:$0x3FFE];
	[sflag:s23] =	ssyncadd.s32 $0xFFFFFFFF  }
0xa5: {  	s26 =	simm.s32 $execute0_lowered;
	[smem:$0x3FD2] =	sst s25  }
0xa6: {  	s5 =	sshll.u32 s26, $0x1;
	_ =	strace $0x80000049;
	[dreg:$0x1] =	wrdreg $0xFFFFFFFF  }
0xa7: {  	s28 =	simm.s32 $_size_execute0_lowered;
	s3 =	sadd.s32 s3, s5;
	[dreg:$0x0] =	wrdreg $0x0  }
0xa8: {  	s5 =	sshll.u32 s28, $0x1;
	[dreg:$0x2] =	wrdreg s3  }
0xa9: {  	[dreg:$0x3] =	wrdreg s5  }
0xaa: {  	[dreg:$0x4] =	wrdreg $0xC0  }
0xab: {  	_ =	task [dreg:s7], $0x5FFFF  }
0xac: {  	[dreg:$0x1] =	wrdreg $0xFFFFFFFF  }
0xad: {  	[dreg:$0x0] =	wrdreg $0x60  }
0xae: {  	[dreg:$0x2] =	wrdreg s24  }
0xaf: {  	[dreg:$0x3] =	wrdreg s2  }
0xb0: {  	[dreg:$0x4] =	wrdreg $0xB4000  }
0xb1: {  	[dreg:$0x5] =	wrdreg $0x9  }
0xb2: {  	_ =	task.clear_ibuf [dreg:s7], $0x6FFFF;
	_ =	strace $0x90000049  }
0xb3: {  	s29 =	simm.s32 $0x9;
	_ =	strace $0x8000004B  }
0xb4: {  	_ =	swait.ge [sflag:s29], $0x1  }
0xb5: {  	[sflag:s29] =	ssyncadd.s32 $0xFFFFFFFF  }
0xb6: {  	_ =	strace $0x9000004B  }
0xb7: {  	_ =	sfence  }
0xb8: {  	s30 =	sld [smem:$0x0];
	_ =	sdelay $0x2  }
0xb9: {  	s31 =	sshll.u32 s1, $0xD;
	s1 =	sshrl.u32 s1, $0x2  }
0xba: {  	s3 =	sand.u32 $0x4000, s31;
	s1 =	sadd.s32 s1, s30  }
0xbb: {  	s0 =	sor.u32 s3, s0;
	s1 =	sshll.u32 s1, $0x11  }
0xbc: {  	s0 =	sor.u32 s1, s0  }
0xbd: {  	s0 =	sadd.s32 $0x8F2B, s0  }
0xbe: {  	[sflag:s0] =	ssyncadd.remote.s32 $0x1  }
0xbf: {  	_ =	sfence.sel $0xFFFF  }
0xc0: {  	[dreg:$0x0] =	wrdreg $0xFFFFFFFF;
	(pc) =	sbr.abs _section_cstart, $3  }
0xc1: {  	[dreg:$0x1] =	wrdreg $0xFFFFFFFF  }
0xc2: {  	_ =	task.clear_ibuf [dreg:s7], $0x2FFFF;
	_ =	strace $0x9FFFFFFF  }
0xc3: {  	(tm) =	ssettm $0x7FFFFFFF  }
tec
execute0_lowered:
.L_overlay_start_1:
0x0: {  	(tag) =	ssettag $0x1  }
0x1: {  	s0 =	rddreg [dreg:$0x0]  }
0x2: {  	s1 =	rddreg [dreg:$0x1]  }
0x3: {  	s2 =	rddreg [dreg:$0x2];
	s4 =	simm.s32 $0x0  }
0x4: {  	s3 =	srdreg.scid;
	s10 =	stileid.u32;
	s28 =	simm.s32 $0x7400  }
0x5: {  	s29 =	simm.s32 $0x1;
	s30 =	simm.s32 $0x9400;
	s31 =	simm.s32 $0x2  }
0x6: {  	[smem:$0x7FF] =	sst s4;
	s3 =	sand.u32 $0x1, s3;
	s8 =	smul.u32 $0x50000, s10  }
0x7: {  	s5 =	sadd.s32 $0x19A00, s0;
	s6 =	sadd.s32 $0x4F400, s0;
	s26 =	smul.u32 $0x2800, s10  }
0x8: {  	s7 =	sadd.s32 $0x64400, s0;
	s17 =	smul.u32 $0x28000, s3;
	s8 =	sshrl.u32 s8, $0x2  }
0x9: {  	_ =	strace $0x8000004A;
	s18 =	ssub.s32 $0x2, s3;
	s8 =	sadd.s32 s8, s2  }
0xa: {  	s3 =	sshll.u32 s3, $0x4;
	s9 =	sshrl.u32 s18, $0x1;
	s19 =	sadd.s32 $0x2000, s8  }
0xb: {  	s3 =	sor.u32 s10, s3;
	s20 =	sadd.s32 $0x4000, s8;
	[dreg:$0x4] =	wrdreg s19  }
0xc: {  	s0 =	sadd.s32 s17, s0;
	s21 =	sadd.s32 $0x6000, s8;
	[dreg:$0x5] =	wrdreg s20  }
0xd: {  	s4 =	ssub.s32 s18, s9;
	s22 =	sadd.s32 $0x8000, s8;
	[dreg:$0x6] =	wrdreg s21  }
0xe: {  	s18 =	smul.u32 $0x5400, s3;
	s23 =	sadd.s32 $0xA000, s8;
	[dreg:$0x7] =	wrdreg s22  }
0xf: {  	s24 =	sadd.s32 $0xC000, s8;
	s25 =	sadd.s32 $0xE000, s8;
	[dreg:$0x8] =	wrdreg s23  }
.Ltmp0:
0x10: {  	s16 =	sadd.s32 $0x10000, s8;
	[dreg:$0x9] =	wrdreg s24;
	(pc) =	sbr.rel .LBB2_1-.Ltmp0, $4  }
0x11: {  	v0 =	vlaneseq.u32;
	s17 =	sadd.s32 $0x12000, s8;
	s0 =	sadd.s32 $0x79400, s0;
	[dreg:$0xa] =	wrdreg s25  }
0x12: {  	v1 =	vmul.u32 $0x80, v0;
	s19 =	smax.u32 s4, $0x1;
	s20 =	simm.s32 $0x5400;
	s21 =	simm.s32 $0x3  }
0x13: {  	v2 =	vimm.f32 $0.0e+00;
	s22 =	simm.s32 $0x1C00;
	s23 =	simm.s32 $0x3800;
	s24 =	sadd.s32 s26, s0  }
0x14: {  	v3 =	vor.u32 $0x800, v1;
	v4 =	vor.u32 $0x1000, v1;
	v5 =	vor.u32 $0x1800, v1;
	s25 =	simm.s32 $0x40;
	s26 =	simm.s32 $0x80;
	s0 =	simm.s32 $0x0  }
.LBB2_12:
0x15: {  	s3 =	stileid.u32;
	s0 =	sadd.s32 $0x1, s0  }
0x16: {  	[bflag:$0x0] =	sbarrier.arrive $0xFFFF;
	s3 =	sshll.u32 s3, $0x6;
	p0 =	sne.s32 s0, s19  }
.Ltmp1:
0x17: {  	s4 =	sshrl.u32 s8, $0x3;
	s3 =	sor.u32 $0x1C03, s3;
	(pc) =	sbr.rel @!p0 .LBB2_13-.Ltmp1, $4  }
0x18: {  	[hbm:s24], [sflag:s3] =	dma.local [spmem:s4], $0x2800  }
0x19: {  	_ =	swait.ge [sflag:s21], $0x2800  }
0x1a: {  	[sflag:s21] =	ssyncset.done $0x0  }
0x1b: {  	[sflag:s21] =	ssyncadd.s32 $0xFFFFD800  }
.LBB2_1:
0x1c: {  	s4 =	simm.s32 $0x0  }
0x1d: {  	s3 =	sand.u32 $0x7E00, s4  }
0x1e: {  	s4 =	sand.u32 $0x70, s4;
	s9 =	sshrl.u32 s3, $0x2  }
0x1f: {  	s3 =	simm.s32 $0x40;
	s9 =	sor.u32 s4, s9;
	s4 =	simm.s32 $0x0  }
.LBB2_2:
0x20: {  	p0 =	sne.s32 s3, $0x7FC0  }
0x21: {  	[tilespmem:s9+$0x5400] =	vst v2;
	s4 =	sadd.s32 $0x10, s4;
	s9 =	smov.u32 s3;
	s3 =	sadd.s32 $0x40, s3  }
.Ltmp2:
0x22: {  	(pc) =	sbr.rel @p0 .LBB2_2-.Ltmp2, $4  }
0x23: {  	_ = 	snop  }
0x24: {  	s9 =	sand.u32 $0x7E00, s9  }
0x25: {  	s10 =	sand.u32 $0x70, s4;
	s9 =	sshrl.u32 s9, $0x2  }
0x26: {  	s9 =	sor.u32 s10, s9  }
0x27: {  	[tilespmem:s9+$0x5400] =	vst v2  }
0x28: {  	[spmem:s8] =	stream.linear.scatter [tilespmem:s20], [sflag:$0x3], $0x2000, $0x38;
	[tilespmem:$0x1F400] =	vst v63  }
0x29: {  	_ =	swait.ge [sflag:s21], $0x2000  }
0x2a: {  	[sflag:s21] =	ssyncset.done $0x0  }
0x2b: {  	s3 =	rddreg [dreg:$0x4];
	[sflag:s21] =	ssyncadd.s32 $0xFFFFE000  }
0x2c: {  	[spmem:s3] =	stream.linear.scatter [tilespmem:s20], [sflag:$0x3], $0x2000, $0x38;
	[tilespmem:$0x1F400] =	vst v63  }
0x2d: {  	_ =	swait.ge [sflag:s21], $0x2000  }
0x2e: {  	[sflag:s21] =	ssyncset.done $0x0  }
0x2f: {  	s10 =	rddreg [dreg:$0x5];
	[sflag:s21] =	ssyncadd.s32 $0xFFFFE000  }
0x30: {  	[spmem:s10] =	stream.linear.scatter [tilespmem:s20], [sflag:$0x3], $0x2000, $0x38;
	[tilespmem:$0x1F400] =	vst v63  }
0x31: {  	_ =	swait.ge [sflag:s21], $0x2000  }
0x32: {  	[sflag:s21] =	ssyncset.done $0x0  }
0x33: {  	s11 =	rddreg [dreg:$0x6];
	[sflag:s21] =	ssyncadd.s32 $0xFFFFE000  }
0x34: {  	[spmem:s11] =	stream.linear.scatter [tilespmem:s20], [sflag:$0x3], $0x2000, $0x38;
	[tilespmem:$0x1F400] =	vst v63  }
0x35: {  	_ =	swait.ge [sflag:s21], $0x2000  }
0x36: {  	[sflag:s21] =	ssyncset.done $0x0  }
0x37: {  	s12 =	rddreg [dreg:$0x7];
	[sflag:s21] =	ssyncadd.s32 $0xFFFFE000  }
0x38: {  	[spmem:s12] =	stream.linear.scatter [tilespmem:s20], [sflag:$0x3], $0x2000, $0x38;
	[tilespmem:$0x1F400] =	vst v63  }
0x39: {  	_ =	swait.ge [sflag:s21], $0x2000  }
0x3a: {  	[sflag:s21] =	ssyncset.done $0x0  }
0x3b: {  	s13 =	rddreg [dreg:$0x8];
	[sflag:s21] =	ssyncadd.s32 $0xFFFFE000  }
0x3c: {  	[spmem:s13] =	stream.linear.scatter [tilespmem:s20], [sflag:$0x3], $0x2000, $0x38;
	[tilespmem:$0x1F400] =	vst v63  }
0x3d: {  	_ =	swait.ge [sflag:s21], $0x2000  }
0x3e: {  	[sflag:s21] =	ssyncset.done $0x0  }
0x3f: {  	s14 =	rddreg [dreg:$0x9];
	[sflag:s21] =	ssyncadd.s32 $0xFFFFE000  }
0x40: {  	[spmem:s14] =	stream.linear.scatter [tilespmem:s20], [sflag:$0x3], $0x2000, $0x38;
	[tilespmem:$0x1F400] =	vst v63  }
0x41: {  	_ =	swait.ge [sflag:s21], $0x2000  }
0x42: {  	[sflag:s21] =	ssyncset.done $0x0  }
0x43: {  	s15 =	rddreg [dreg:$0xa];
	[sflag:s21] =	ssyncadd.s32 $0xFFFFE000  }
0x44: {  	[spmem:s15] =	stream.linear.scatter [tilespmem:s20], [sflag:$0x3], $0x2000, $0x38;
	[tilespmem:$0x1F400] =	vst v63  }
0x45: {  	_ =	swait.ge [sflag:s21], $0x2000  }
0x46: {  	[sflag:s21] =	ssyncset.done $0x0  }
0x47: {  	[sflag:s21] =	ssyncadd.s32 $0xFFFFE000  }
0x48: {  	[spmem:s16] =	stream.linear.scatter [tilespmem:s20], [sflag:$0x3], $0x2000, $0x38;
	[tilespmem:$0x1F400] =	vst v63  }
0x49: {  	_ =	swait.ge [sflag:s21], $0x2000  }
0x4a: {  	[sflag:s21] =	ssyncset.done $0x0  }
0x4b: {  	[sflag:s21] =	ssyncadd.s32 $0xFFFFE000  }
0x4c: {  	[spmem:s17] =	stream.linear.scatter [tilespmem:s20], [sflag:$0x3], $0x2000, $0x38;
	[tilespmem:$0x1F400] =	vst v63  }
.Ltmp3:
0x4d: {  	_ =	swait.ge [sflag:s21], $0x2000;
	(pc) =	sbr.rel .LBB2_4-.Ltmp3, $4  }
0x4e: {  	[sflag:s21] =	ssyncset.done $0x0  }
0x4f: {  	[sflag:s21] =	ssyncadd.s32 $0xFFFFE000  }
0x50: {  	[bflag:$0x0] =	sbarrier.arrive $0xFFFF  }
0x51: {  	s4 =	simm.s32 $0x0;
	s3 =	simm.s32 $0x0  }
.LBB2_11:
0x52: {  	s3 =	sadd.s32 $0x1, s3  }
0x53: {  	p0 =	sne.s32 s3, $0x3  }
.Ltmp4:
0x54: {  	_ = 	snop;
	(pc) =	sbr.rel @!p0 .LBB2_12-.Ltmp4, $1  }
0x55: {  	_ =	sdelay $0x3  }
.LBB2_4:
0x56: {  	s9 =	smul.u32 $0x1C00, s3;
	_ =	sdelay $0x1  }
0x57: {  	s9 =	sadd.s32 s18, s9  }
0x58: {  	s9 =	sshrl.u32 s9, $0x3  }
0x59: {  	s10 =	sadd.s32 s1, s9  }
0x5a: {  	[tilespmem:s4], [sflag:$0x3] =	stream.linear.gather [hbm4b:s10+s4], $0x1C00, $0x38;
	[tilespmem:$0x1F400] =	vst v63  }
0x5b: {  	_ =	swait.ge [sflag:s21], $0x1C00  }
0x5c: {  	[sflag:s21] =	ssyncset.done $0x0  }
0x5d: {  	s15 =	sadd.s32 s6, s9;
	[sflag:s21] =	ssyncadd.s32 $0xFFFFE400  }
0x5e: {  	[tilespmem:s22], [sflag:$0x3] =	stream.linear.gather [hbm4b:s15+s4], $0x1C00, $0x38;
	[tilespmem:$0x1F400] =	vst v63  }
0x5f: {  	_ =	swait.ge [sflag:s21], $0x1C00  }
0x60: {  	[sflag:s21] =	ssyncset.done $0x0  }
0x61: {  	s9 =	sadd.s32 s7, s9;
	[sflag:s21] =	ssyncadd.s32 $0xFFFFE400  }
0x62: {  	[tilespmem:s23], [sflag:$0x3] =	stream.linear.gather [hbm4b:s9+s4], $0x1C00, $0x38;
	[tilespmem:$0x1F400] =	vst v63  }
0x63: {  	_ =	swait.ge [sflag:s21], $0x1C00  }
0x64: {  	[sflag:s21] =	ssyncset.done $0x0  }
0x65: {  	[sflag:s21] =	ssyncadd.s32 $0xFFFFE400  }
0x66: {  	[tilespmem:s20], [sflag:$0x1] =	stream.indirect.gather [hbm4b:s5+s25], $0x80, s4, s25, $0xb8;
	[tilespmem:$0x1F400] =	vst v63  }
0x67: {  	s9 =	simm.s32 $0x0  }
0x68: {  	[tilespmem:s28], [sflag:$0x2] =	stream.indirect.gather [hbm4b:s5+s25], $0x80, s26, s25, $0xb8;
	[tilespmem:$0x1F400] =	vst v63  }
.LBB2_5:
0x69: {  	s10 =	simm.s32 $0x0  }
0x6a: {  	v6 =	vadd.s32 s10, v0  }
0x6b: {  	v10 =	vand.u32 $0x7F, v6  }
0x6c: {  	v11 =	vor.u32 v1, v10  }
0x6d: {  	_ =	swait.ge [sflag:s29], $0x2000  }
0x6e: {  	[sflag:s29] =	ssyncset.done $0x0  }
0x6f: {  	s10 =	sshll.u32 s9, $0x8;
	[sflag:s29] =	ssyncadd.s32 $0xFFFFE000  }
0x70: {  	v9 =	vld [tilespmem:s10+$0x3800]  }
0x71: {  	v6 =	vld.idx.msk [tilespmem:v11+s20+$0x0], $0xffff;
	_ =	sdelay $0x2  }
0x72: {  	v12 =	vor.u32 v3, v10;
	_ =	sdelay $0x1  }
0x73: {  	v8 =	vld [tilespmem:s10+$0x3810];
	v13 =	vmul.f32 v6, v9  }
0x74: {  	v7 =	vld [tilespmem:s10+$0x3820]  }
0x75: {  	v6 =	vld [tilespmem:s10+$0x3830];
	[tilespmem:v11+s30+$0x0] =	vst.idx.msk $0xffff, v13  }
0x76: {  	v11 =	vld.idx.msk [tilespmem:v12+s20+$0x0], $0xffff;
	_ =	sdelay $0x2  }
0x77: {  	v13 =	vor.u32 v4, v10;
	_ =	sdelay $0x1  }
0x78: {  	v11 =	vmul.f32 v11, v8;
	_ =	sdelay $0x1  }
0x79: {  	[tilespmem:v12+s30+$0x0] =	vst.idx.msk $0xffff, v11  }
0x7a: {  	v11 =	vld.idx.msk [tilespmem:v13+s20+$0x0], $0xffff;
	_ =	sdelay $0x2  }
0x7b: {  	v10 =	vor.u32 v5, v10;
	_ =	sdelay $0x1  }
0x7c: {  	v11 =	vmul.f32 v11, v7;
	_ =	sdelay $0x1  }
0x7d: {  	[tilespmem:v13+s30+$0x0] =	vst.idx.msk $0xffff, v11  }
0x7e: {  	s11 =	simm.s32 $0x1;
	v11 =	vld.idx.msk [tilespmem:v10+s20+$0x0], $0xffff  }
0x7f: {  	v12 =	vadd.s32 s11, v0  }
0x80: {  	v12 =	vand.u32 $0x7F, v12  }
0x81: {  	v13 =	vor.u32 v1, v12;
	_ =	sdelay $0x1  }
0x82: {  	v11 =	vmul.f32 v11, v6;
	_ =	sdelay $0x1  }
0x83: {  	[tilespmem:v10+s30+$0x0] =	vst.idx.msk $0xffff, v11  }
0x84: {  	v10 =	vld.idx.msk [tilespmem:v13+s20+$0x0], $0xffff;
	_ =	sdelay $0x2  }
0x85: {  	v11 =	vor.u32 v3, v12;
	_ =	sdelay $0x1  }
0x86: {  	v10 =	vmul.f32 v10, v9;
	_ =	sdelay $0x1  }
0x87: {  	[tilespmem:v13+s30+$0x0] =	vst.idx.msk $0xffff, v10  }
0x88: {  	v10 =	vld.idx.msk [tilespmem:v11+s20+$0x0], $0xffff;
	_ =	sdelay $0x2  }
0x89: {  	v13 =	vor.u32 v4, v12;
	_ =	sdelay $0x1  }
0x8a: {  	v10 =	vmul.f32 v10, v8;
	_ =	sdelay $0x1  }
0x8b: {  	[tilespmem:v11+s30+$0x0] =	vst.idx.msk $0xffff, v10  }
0x8c: {  	v10 =	vld.idx.msk [tilespmem:v13+s20+$0x0], $0xffff;
	_ =	sdelay $0x2  }
0x8d: {  	v11 =	vor.u32 v5, v12;
	_ =	sdelay $0x1  }
0x8e: {  	v10 =	vmul.f32 v10, v7;
	_ =	sdelay $0x1  }
0x8f: {  	[tilespmem:v13+s30+$0x0] =	vst.idx.msk $0xffff, v10  }
0x90: {  	s14 =	simm.s32 $0x2;
	v10 =	vld.idx.msk [tilespmem:v11+s20+$0x0], $0xffff  }
0x91: {  	v12 =	vadd.s32 s14, v0  }
0x92: {  	v12 =	vand.u32 $0x7F, v12  }
0x93: {  	v13 =	vor.u32 v1, v12;
	_ =	sdelay $0x1  }
0x94: {  	v10 =	vmul.f32 v10, v6;
	_ =	sdelay $0x1  }
0x95: {  	[tilespmem:v11+s30+$0x0] =	vst.idx.msk $0xffff, v10  }
0x96: {  	v10 =	vld.idx.msk [tilespmem:v13+s20+$0x0], $0xffff;
	_ =	sdelay $0x2  }
0x97: {  	v11 =	vor.u32 v3, v12;
	_ =	sdelay $0x1  }
0x98: {  	v10 =	vmul.f32 v10, v9;
	_ =	sdelay $0x1  }
0x99: {  	[tilespmem:v13+s30+$0x0] =	vst.idx.msk $0xffff, v10  }
0x9a: {  	v10 =	vld.idx.msk [tilespmem:v11+s20+$0x0], $0xffff;
	_ =	sdelay $0x2  }
0x9b: {  	v13 =	vor.u32 v4, v12;
	_ =	sdelay $0x1  }
0x9c: {  	v10 =	vmul.f32 v10, v8;
	_ =	sdelay $0x1  }
0x9d: {  	[tilespmem:v11+s30+$0x0] =	vst.idx.msk $0xffff, v10  }
0x9e: {  	v10 =	vld.idx.msk [tilespmem:v13+s20+$0x0], $0xffff;
	_ =	sdelay $0x2  }
0x9f: {  	v11 =	vor.u32 v5, v12;
	_ =	sdelay $0x1  }
0xa0: {  	v10 =	vmul.f32 v10, v7;
	_ =	sdelay $0x1  }
0xa1: {  	[tilespmem:v13+s30+$0x0] =	vst.idx.msk $0xffff, v10  }
0xa2: {  	s15 =	simm.s32 $0x3;
	v10 =	vld.idx.msk [tilespmem:v11+s20+$0x0], $0xffff  }
0xa3: {  	v12 =	vadd.s32 s15, v0  }
0xa4: {  	v12 =	vand.u32 $0x7F, v12  }
0xa5: {  	v13 =	vor.u32 v1, v12;
	_ =	sdelay $0x1  }
0xa6: {  	v10 =	vmul.f32 v10, v6;
	_ =	sdelay $0x1  }
0xa7: {  	[tilespmem:v11+s30+$0x0] =	vst.idx.msk $0xffff, v10  }
0xa8: {  	v10 =	vld.idx.msk [tilespmem:v13+s20+$0x0], $0xffff;
	_ =	sdelay $0x2  }
0xa9: {  	v11 =	vor.u32 v3, v12;
	_ =	sdelay $0x1  }
0xaa: {  	v10 =	vmul.f32 v10, v9;
	_ =	sdelay $0x1  }
0xab: {  	[tilespmem:v13+s30+$0x0] =	vst.idx.msk $0xffff, v10  }
0xac: {  	v10 =	vld.idx.msk [tilespmem:v11+s20+$0x0], $0xffff;
	_ =	sdelay $0x2  }
0xad: {  	v13 =	vor.u32 v4, v12;
	_ =	sdelay $0x1  }
0xae: {  	v10 =	vmul.f32 v10, v8;
	_ =	sdelay $0x1  }
0xaf: {  	[tilespmem:v11+s30+$0x0] =	vst.idx.msk $0xffff, v10  }
0xb0: {  	v10 =	vld.idx.msk [tilespmem:v13+s20+$0x0], $0xffff;
	_ =	sdelay $0x2  }
0xb1: {  	v11 =	vor.u32 v5, v12;
	_ =	sdelay $0x1  }
0xb2: {  	v10 =	vmul.f32 v10, v7;
	_ =	sdelay $0x1  }
0xb3: {  	[tilespmem:v13+s30+$0x0] =	vst.idx.msk $0xffff, v10  }
0xb4: {  	s11 =	simm.s32 $0x4;
	v13 =	vld.idx.msk [tilespmem:v11+s20+$0x0], $0xffff  }
0xb5: {  	v10 =	vadd.s32 s11, v0  }
0xb6: {  	v10 =	vand.u32 $0x7F, v10  }
0xb7: {  	v12 =	vor.u32 v1, v10;
	_ =	sdelay $0x1  }
0xb8: {  	s12 =	simm.s32 $0x8;
	v13 =	vmul.f32 v13, v6  }
.LBB2_6:
0xb9: {  	_ = 	snop  }
0xba: {  	p0 =	sne.s32 s12, $0x7C;
	s13 =	smov.u32 s12;
	s12 =	sadd.s32 $0x4, s12;
	[tilespmem:v11+s30+$0x0] =	vst.idx.msk $0xffff, v13  }
0xbb: {  	v11 =	vld.idx.msk [tilespmem:v12+s20+$0x0], $0xffff;
	_ =	sdelay $0x3  }
0xbc: {  	v13 =	vor.u32 v3, v10;
	_ =	sdelay $0x1  }
0xbd: {  	v11 =	vmul.f32 v11, v9;
	_ =	sdelay $0x1  }
0xbe: {  	[tilespmem:v12+s30+$0x0] =	vst.idx.msk $0xffff, v11  }
0xbf: {  	v11 =	vld.idx.msk [tilespmem:v13+s20+$0x0], $0xffff;
	_ =	sdelay $0x3  }
0xc0: {  	v12 =	vor.u32 v4, v10;
	_ =	sdelay $0x1  }
0xc1: {  	v11 =	vmul.f32 v11, v8;
	_ =	sdelay $0x1  }
0xc2: {  	[tilespmem:v13+s30+$0x0] =	vst.idx.msk $0xffff, v11  }
0xc3: {  	v11 =	vld.idx.msk [tilespmem:v12+s20+$0x0], $0xffff;
	_ =	sdelay $0x3  }
0xc4: {  	v10 =	vor.u32 v5, v10;
	_ =	sdelay $0x1  }
0xc5: {  	v11 =	vmul.f32 v11, v7;
	_ =	sdelay $0x1  }
0xc6: {  	[tilespmem:v12+s30+$0x0] =	vst.idx.msk $0xffff, v11  }
0xc7: {  	v11 =	vld.idx.msk [tilespmem:v10+s20+$0x0], $0xffff  }
0xc8: {  	s14 =	sadd.s32 $0x1, s11  }
0xc9: {  	v12 =	vadd.s32 s14, v0  }
0xca: {  	v12 =	vand.u32 $0x7F, v12  }
0xcb: {  	v13 =	vor.u32 v1, v12;
	_ =	sdelay $0x1  }
0xcc: {  	v11 =	vmul.f32 v11, v6;
	_ =	sdelay $0x1  }
0xcd: {  	[tilespmem:v10+s30+$0x0] =	vst.idx.msk $0xffff, v11  }
0xce: {  	v10 =	vld.idx.msk [tilespmem:v13+s20+$0x0], $0xffff;
	_ =	sdelay $0x3  }
0xcf: {  	v11 =	vor.u32 v3, v12;
	_ =	sdelay $0x1  }
0xd0: {  	v10 =	vmul.f32 v10, v9;
	_ =	sdelay $0x1  }
0xd1: {  	[tilespmem:v13+s30+$0x0] =	vst.idx.msk $0xffff, v10  }
0xd2: {  	v10 =	vld.idx.msk [tilespmem:v11+s20+$0x0], $0xffff;
	_ =	sdelay $0x3  }
0xd3: {  	v13 =	vor.u32 v4, v12;
	_ =	sdelay $0x1  }
0xd4: {  	v10 =	vmul.f32 v10, v8;
	_ =	sdelay $0x1  }
0xd5: {  	[tilespmem:v11+s30+$0x0] =	vst.idx.msk $0xffff, v10  }
0xd6: {  	v10 =	vld.idx.msk [tilespmem:v13+s20+$0x0], $0xffff;
	_ =	sdelay $0x3  }
0xd7: {  	v11 =	vor.u32 v5, v12;
	_ =	sdelay $0x1  }
0xd8: {  	v10 =	vmul.f32 v10, v7;
	_ =	sdelay $0x1  }
0xd9: {  	[tilespmem:v13+s30+$0x0] =	vst.idx.msk $0xffff, v10  }
0xda: {  	v10 =	vld.idx.msk [tilespmem:v11+s20+$0x0], $0xffff  }
0xdb: {  	s14 =	sadd.s32 $0x2, s11  }
0xdc: {  	v12 =	vadd.s32 s14, v0  }
0xdd: {  	v12 =	vand.u32 $0x7F, v12  }
0xde: {  	v13 =	vor.u32 v1, v12;
	_ =	sdelay $0x1  }
0xdf: {  	v10 =	vmul.f32 v10, v6;
	_ =	sdelay $0x1  }
0xe0: {  	[tilespmem:v11+s30+$0x0] =	vst.idx.msk $0xffff, v10  }
0xe1: {  	v10 =	vld.idx.msk [tilespmem:v13+s20+$0x0], $0xffff;
	_ =	sdelay $0x3  }
0xe2: {  	v11 =	vor.u32 v3, v12;
	_ =	sdelay $0x1  }
0xe3: {  	v10 =	vmul.f32 v10, v9;
	_ =	sdelay $0x1  }
0xe4: {  	[tilespmem:v13+s30+$0x0] =	vst.idx.msk $0xffff, v10  }
0xe5: {  	v10 =	vld.idx.msk [tilespmem:v11+s20+$0x0], $0xffff;
	_ =	sdelay $0x3  }
0xe6: {  	v13 =	vor.u32 v4, v12;
	_ =	sdelay $0x1  }
0xe7: {  	v10 =	vmul.f32 v10, v8;
	_ =	sdelay $0x1  }
0xe8: {  	[tilespmem:v11+s30+$0x0] =	vst.idx.msk $0xffff, v10  }
0xe9: {  	v10 =	vld.idx.msk [tilespmem:v13+s20+$0x0], $0xffff;
	_ =	sdelay $0x3  }
0xea: {  	v11 =	vor.u32 v5, v12;
	_ =	sdelay $0x1  }
0xeb: {  	v10 =	vmul.f32 v10, v7;
	_ =	sdelay $0x1  }
0xec: {  	[tilespmem:v13+s30+$0x0] =	vst.idx.msk $0xffff, v10  }
0xed: {  	v10 =	vld.idx.msk [tilespmem:v11+s20+$0x0], $0xffff  }
0xee: {  	s14 =	sadd.s32 $0x3, s11;
	s11 =	smov.u32 s13  }
0xef: {  	v12 =	vadd.s32 s14, v0  }
0xf0: {  	v12 =	vand.u32 $0x7F, v12  }
0xf1: {  	v13 =	vor.u32 v1, v12;
	_ =	sdelay $0x1  }
0xf2: {  	v10 =	vmul.f32 v10, v6;
	_ =	sdelay $0x1  }
0xf3: {  	[tilespmem:v11+s30+$0x0] =	vst.idx.msk $0xffff, v10  }
0xf4: {  	v10 =	vld.idx.msk [tilespmem:v13+s20+$0x0], $0xffff;
	_ =	sdelay $0x3  }
0xf5: {  	v11 =	vor.u32 v3, v12;
	_ =	sdelay $0x1  }
0xf6: {  	v10 =	vmul.f32 v10, v9;
	_ =	sdelay $0x1  }
0xf7: {  	[tilespmem:v13+s30+$0x0] =	vst.idx.msk $0xffff, v10  }
0xf8: {  	v10 =	vld.idx.msk [tilespmem:v11+s20+$0x0], $0xffff;
	_ =	sdelay $0x3  }
0xf9: {  	v13 =	vor.u32 v4, v12;
	_ =	sdelay $0x1  }
0xfa: {  	v10 =	vmul.f32 v10, v8;
	_ =	sdelay $0x1  }
0xfb: {  	[tilespmem:v11+s30+$0x0] =	vst.idx.msk $0xffff, v10  }
0xfc: {  	v10 =	vld.idx.msk [tilespmem:v13+s20+$0x0], $0xffff;
	_ =	sdelay $0x3  }
0xfd: {  	v11 =	vor.u32 v5, v12;
	_ =	sdelay $0x1  }
0xfe: {  	v10 =	vmul.f32 v10, v7;
	_ =	sdelay $0x1  }
0xff: {  	[tilespmem:v13+s30+$0x0] =	vst.idx.msk $0xffff, v10  }
0x100: {  	v13 =	vld.idx.msk [tilespmem:v11+s20+$0x0], $0xffff;
	_ =	sdelay $0x1  }
.Ltmp5:
0x101: {  	v10 =	vadd.s32 s11, v0;
	(pc) =	sbr.rel @p0 .LBB2_6-.Ltmp5, $3  }
0x102: {  	v10 =	vand.u32 $0x7F, v10  }
0x103: {  	v12 =	vor.u32 v1, v10;
	_ =	sdelay $0x1  }
0x104: {  	v13 =	vmul.f32 v13, v6  }
0x105: {  	_ =	sdelay $0x3  }
0x106: {  	[tilespmem:v11+s30+$0x0] =	vst.idx.msk $0xffff, v13  }
0x107: {  	v11 =	vld.idx.msk [tilespmem:v12+s20+$0x0], $0xffff;
	_ =	sdelay $0x2  }
0x108: {  	v13 =	vor.u32 v3, v10;
	_ =	sdelay $0x1  }
0x109: {  	v11 =	vmul.f32 v11, v9;
	_ =	sdelay $0x1  }
0x10a: {  	[tilespmem:v12+s30+$0x0] =	vst.idx.msk $0xffff, v11  }
0x10b: {  	v11 =	vld.idx.msk [tilespmem:v13+s20+$0x0], $0xffff;
	_ =	sdelay $0x2  }
0x10c: {  	v12 =	vor.u32 v4, v10;
	_ =	sdelay $0x1  }
0x10d: {  	v11 =	vmul.f32 v11, v8;
	_ =	sdelay $0x1  }
0x10e: {  	[tilespmem:v13+s30+$0x0] =	vst.idx.msk $0xffff, v11  }
0x10f: {  	v11 =	vld.idx.msk [tilespmem:v12+s20+$0x0], $0xffff;
	_ =	sdelay $0x2  }
0x110: {  	v10 =	vor.u32 v5, v10;
	_ =	sdelay $0x1  }
0x111: {  	v11 =	vmul.f32 v11, v7;
	_ =	sdelay $0x1  }
0x112: {  	[tilespmem:v12+s30+$0x0] =	vst.idx.msk $0xffff, v11  }
0x113: {  	s12 =	sadd.s32 $0x1, s11;
	v11 =	vld.idx.msk [tilespmem:v10+s20+$0x0], $0xffff  }
0x114: {  	v12 =	vadd.s32 s12, v0  }
0x115: {  	v12 =	vand.u32 $0x7F, v12  }
0x116: {  	v13 =	vor.u32 v1, v12;
	_ =	sdelay $0x1  }
0x117: {  	v11 =	vmul.f32 v11, v6;
	_ =	sdelay $0x1  }
0x118: {  	[tilespmem:v10+s30+$0x0] =	vst.idx.msk $0xffff, v11  }
0x119: {  	v10 =	vld.idx.msk [tilespmem:v13+s20+$0x0], $0xffff;
	_ =	sdelay $0x2  }
0x11a: {  	v11 =	vor.u32 v3, v12;
	_ =	sdelay $0x1  }
0x11b: {  	v10 =	vmul.f32 v10, v9;
	_ =	sdelay $0x1  }
0x11c: {  	[tilespmem:v13+s30+$0x0] =	vst.idx.msk $0xffff, v10  }
0x11d: {  	v10 =	vld.idx.msk [tilespmem:v11+s20+$0x0], $0xffff;
	_ =	sdelay $0x2  }
0x11e: {  	v13 =	vor.u32 v4, v12;
	_ =	sdelay $0x1  }
0x11f: {  	v10 =	vmul.f32 v10, v8;
	_ =	sdelay $0x1  }
0x120: {  	[tilespmem:v11+s30+$0x0] =	vst.idx.msk $0xffff, v10  }
0x121: {  	v10 =	vld.idx.msk [tilespmem:v13+s20+$0x0], $0xffff;
	_ =	sdelay $0x2  }
0x122: {  	v11 =	vor.u32 v5, v12;
	_ =	sdelay $0x1  }
0x123: {  	v10 =	vmul.f32 v10, v7;
	_ =	sdelay $0x1  }
0x124: {  	[tilespmem:v13+s30+$0x0] =	vst.idx.msk $0xffff, v10  }
0x125: {  	s15 =	sadd.s32 $0x2, s11;
	v10 =	vld.idx.msk [tilespmem:v11+s20+$0x0], $0xffff  }
0x126: {  	v12 =	vadd.s32 s15, v0  }
0x127: {  	v12 =	vand.u32 $0x7F, v12  }
0x128: {  	v13 =	vor.u32 v1, v12;
	_ =	sdelay $0x1  }
0x129: {  	v10 =	vmul.f32 v10, v6;
	_ =	sdelay $0x1  }
0x12a: {  	[tilespmem:v11+s30+$0x0] =	vst.idx.msk $0xffff, v10  }
0x12b: {  	v10 =	vld.idx.msk [tilespmem:v13+s20+$0x0], $0xffff;
	_ =	sdelay $0x2  }
0x12c: {  	v11 =	vor.u32 v3, v12;
	_ =	sdelay $0x1  }
0x12d: {  	v10 =	vmul.f32 v10, v9;
	_ =	sdelay $0x1  }
0x12e: {  	[tilespmem:v13+s30+$0x0] =	vst.idx.msk $0xffff, v10  }
0x12f: {  	v10 =	vld.idx.msk [tilespmem:v11+s20+$0x0], $0xffff;
	_ =	sdelay $0x2  }
0x130: {  	v13 =	vor.u32 v4, v12;
	_ =	sdelay $0x1  }
0x131: {  	v10 =	vmul.f32 v10, v8;
	_ =	sdelay $0x1  }
0x132: {  	[tilespmem:v11+s30+$0x0] =	vst.idx.msk $0xffff, v10  }
0x133: {  	v10 =	vld.idx.msk [tilespmem:v13+s20+$0x0], $0xffff;
	_ =	sdelay $0x2  }
0x134: {  	v11 =	vor.u32 v5, v12;
	_ =	sdelay $0x1  }
0x135: {  	v10 =	vmul.f32 v10, v7;
	_ =	sdelay $0x1  }
0x136: {  	[tilespmem:v13+s30+$0x0] =	vst.idx.msk $0xffff, v10  }
0x137: {  	s13 =	sadd.s32 $0x3, s11;
	v10 =	vld.idx.msk [tilespmem:v11+s20+$0x0], $0xffff  }
0x138: {  	v12 =	vadd.s32 s13, v0  }
0x139: {  	v12 =	vand.u32 $0x7F, v12  }
0x13a: {  	v13 =	vor.u32 v1, v12;
	_ =	sdelay $0x1  }
0x13b: {  	v10 =	vmul.f32 v10, v6;
	_ =	sdelay $0x1  }
0x13c: {  	[tilespmem:v11+s30+$0x0] =	vst.idx.msk $0xffff, v10  }
0x13d: {  	v10 =	vld.idx.msk [tilespmem:v13+s20+$0x0], $0xffff;
	_ =	sdelay $0x2  }
0x13e: {  	v11 =	vor.u32 v3, v12;
	_ =	sdelay $0x1  }
0x13f: {  	v9 =	vmul.f32 v10, v9;
	_ =	sdelay $0x1  }
0x140: {  	[tilespmem:v13+s30+$0x0] =	vst.idx.msk $0xffff, v9  }
0x141: {  	v9 =	vld.idx.msk [tilespmem:v11+s20+$0x0], $0xffff;
	_ =	sdelay $0x2  }
0x142: {  	v10 =	vor.u32 v4, v12;
	_ =	sdelay $0x1  }
0x143: {  	v8 =	vmul.f32 v9, v8;
	_ =	sdelay $0x1  }
0x144: {  	[tilespmem:v11+s30+$0x0] =	vst.idx.msk $0xffff, v8  }
0x145: {  	v8 =	vld.idx.msk [tilespmem:v10+s20+$0x0], $0xffff;
	_ =	sdelay $0x2  }
0x146: {  	v9 =	vor.u32 v5, v12;
	_ =	sdelay $0x1  }
0x147: {  	v7 =	vmul.f32 v8, v7;
	_ =	sdelay $0x1  }
0x148: {  	[tilespmem:v10+s30+$0x0] =	vst.idx.msk $0xffff, v7  }
0x149: {  	v7 =	vld.idx.msk [tilespmem:v9+s20+$0x0], $0xffff;
	_ =	sdelay $0x4  }
0x14a: {  	v6 =	vmul.f32 v7, v6;
	_ =	sdelay $0x1  }
0x14b: {  	s14 =	sadd.s32 $0x1C00, s10;
	s11 =	sshll.u32 s9, $0xA;
	p0 =	seq.s32 s9, $0x1B;
	[tilespmem:v9+s30+$0x0] =	vst.idx.msk $0xffff, v6  }
0x14c: {  	[spmem:s2] =	stream.indirect.scatter.add.f32 [tilespmem:s30], [sflag:$0x3], $0x80, s14, s25, $0xb8;
	[tilespmem:$0x1F400] =	vst v63  }
0x14d: {  	s15 =	simm.s32 $0x0;
	s13 =	sshrl.u32 @!p0 s11, $0x2;
	_ =	swait.ge [sflag:s21], $0x2000  }
0x14e: {  	s12 =	sadd.s32 @!p0 $0x100, s13;
	v6 =	vadd.s32 s15, v0;
	[sflag:s21] =	ssyncset.done $0x0  }
0x14f: {  	s13 =	simm.s32 @!p0 $0x40;
	s14 =	simm.s32 @!p0 $0x5400;
	v10 =	vand.u32 $0x7F, v6;
	[sflag:s21] =	ssyncadd.s32 $0xFFFFE000  }
0x150: {  	v11 =	vor.u32 v1, v10;
	[tilespmem:s14], [sflag:$0x1] =	stream.indirect.gather @!p0 [hbm4b:s5+s13], $0x80, s12, s13, $0xb8;
	[tilespmem:$0x1F400] =	vst v63  }
0x151: {  	_ =	swait.ge [sflag:s31], $0x2000  }
0x152: {  	[sflag:s31] =	ssyncset.done $0x0  }
0x153: {  	[sflag:s31] =	ssyncadd.s32 $0xFFFFE000  }
0x154: {  	v9 =	vld [tilespmem:s10+$0x3880]  }
0x155: {  	v6 =	vld.idx.msk [tilespmem:v11+s28+$0x0], $0xffff;
	_ =	sdelay $0x2  }
0x156: {  	v12 =	vor.u32 v3, v10;
	_ =	sdelay $0x1  }
0x157: {  	v8 =	vld [tilespmem:s10+$0x3890];
	v13 =	vmul.f32 v6, v9  }
0x158: {  	v7 =	vld [tilespmem:s10+$0x38A0]  }
0x159: {  	v6 =	vld [tilespmem:s10+$0x38B0];
	[tilespmem:v11+s30+$0x0] =	vst.idx.msk $0xffff, v13  }
0x15a: {  	v11 =	vld.idx.msk [tilespmem:v12+s28+$0x0], $0xffff;
	_ =	sdelay $0x2  }
0x15b: {  	v13 =	vor.u32 v4, v10;
	_ =	sdelay $0x1  }
0x15c: {  	v11 =	vmul.f32 v11, v8;
	_ =	sdelay $0x1  }
0x15d: {  	[tilespmem:v12+s30+$0x0] =	vst.idx.msk $0xffff, v11  }
0x15e: {  	v11 =	vld.idx.msk [tilespmem:v13+s28+$0x0], $0xffff;
	_ =	sdelay $0x2  }
0x15f: {  	v10 =	vor.u32 v5, v10;
	_ =	sdelay $0x1  }
0x160: {  	v11 =	vmul.f32 v11, v7;
	_ =	sdelay $0x1  }
0x161: {  	[tilespmem:v13+s30+$0x0] =	vst.idx.msk $0xffff, v11  }
0x162: {  	s13 =	simm.s32 $0x1;
	v11 =	vld.idx.msk [tilespmem:v10+s28+$0x0], $0xffff  }
0x163: {  	v12 =	vadd.s32 s13, v0  }
0x164: {  	v12 =	vand.u32 $0x7F, v12  }
0x165: {  	v13 =	vor.u32 v1, v12;
	_ =	sdelay $0x1  }
0x166: {  	v11 =	vmul.f32 v11, v6;
	_ =	sdelay $0x1  }
0x167: {  	[tilespmem:v10+s30+$0x0] =	vst.idx.msk $0xffff, v11  }
0x168: {  	v10 =	vld.idx.msk [tilespmem:v13+s28+$0x0], $0xffff;
	_ =	sdelay $0x2  }
0x169: {  	v11 =	vor.u32 v3, v12;
	_ =	sdelay $0x1  }
0x16a: {  	v10 =	vmul.f32 v10, v9;
	_ =	sdelay $0x1  }
0x16b: {  	[tilespmem:v13+s30+$0x0] =	vst.idx.msk $0xffff, v10  }
0x16c: {  	v10 =	vld.idx.msk [tilespmem:v11+s28+$0x0], $0xffff;
	_ =	sdelay $0x2  }
0x16d: {  	v13 =	vor.u32 v4, v12;
	_ =	sdelay $0x1  }
0x16e: {  	v10 =	vmul.f32 v10, v8;
	_ =	sdelay $0x1  }
0x16f: {  	[tilespmem:v11+s30+$0x0] =	vst.idx.msk $0xffff, v10  }
0x170: {  	v10 =	vld.idx.msk [tilespmem:v13+s28+$0x0], $0xffff;
	_ =	sdelay $0x2  }
0x171: {  	v11 =	vor.u32 v5, v12;
	_ =	sdelay $0x1  }
0x172: {  	v10 =	vmul.f32 v10, v7;
	_ =	sdelay $0x1  }
0x173: {  	[tilespmem:v13+s30+$0x0] =	vst.idx.msk $0xffff, v10  }
0x174: {  	s14 =	simm.s32 $0x2;
	v10 =	vld.idx.msk [tilespmem:v11+s28+$0x0], $0xffff  }
0x175: {  	v12 =	vadd.s32 s14, v0  }
0x176: {  	v12 =	vand.u32 $0x7F, v12  }
0x177: {  	v13 =	vor.u32 v1, v12;
	_ =	sdelay $0x1  }
0x178: {  	v10 =	vmul.f32 v10, v6;
	_ =	sdelay $0x1  }
0x179: {  	[tilespmem:v11+s30+$0x0] =	vst.idx.msk $0xffff, v10  }
0x17a: {  	v10 =	vld.idx.msk [tilespmem:v13+s28+$0x0], $0xffff;
	_ =	sdelay $0x2  }
0x17b: {  	v11 =	vor.u32 v3, v12;
	_ =	sdelay $0x1  }
0x17c: {  	v10 =	vmul.f32 v10, v9;
	_ =	sdelay $0x1  }
0x17d: {  	[tilespmem:v13+s30+$0x0] =	vst.idx.msk $0xffff, v10  }
0x17e: {  	v10 =	vld.idx.msk [tilespmem:v11+s28+$0x0], $0xffff;
	_ =	sdelay $0x2  }
0x17f: {  	v13 =	vor.u32 v4, v12;
	_ =	sdelay $0x1  }
0x180: {  	v10 =	vmul.f32 v10, v8;
	_ =	sdelay $0x1  }
0x181: {  	[tilespmem:v11+s30+$0x0] =	vst.idx.msk $0xffff, v10  }
0x182: {  	v10 =	vld.idx.msk [tilespmem:v13+s28+$0x0], $0xffff;
	_ =	sdelay $0x2  }
0x183: {  	v11 =	vor.u32 v5, v12;
	_ =	sdelay $0x1  }
0x184: {  	v10 =	vmul.f32 v10, v7;
	_ =	sdelay $0x1  }
0x185: {  	[tilespmem:v13+s30+$0x0] =	vst.idx.msk $0xffff, v10  }
0x186: {  	s15 =	simm.s32 $0x3;
	v10 =	vld.idx.msk [tilespmem:v11+s28+$0x0], $0xffff  }
0x187: {  	v12 =	vadd.s32 s15, v0  }
0x188: {  	v12 =	vand.u32 $0x7F, v12  }
0x189: {  	v13 =	vor.u32 v1, v12;
	_ =	sdelay $0x1  }
0x18a: {  	v10 =	vmul.f32 v10, v6;
	_ =	sdelay $0x1  }
0x18b: {  	[tilespmem:v11+s30+$0x0] =	vst.idx.msk $0xffff, v10  }
0x18c: {  	v10 =	vld.idx.msk [tilespmem:v13+s28+$0x0], $0xffff;
	_ =	sdelay $0x2  }
0x18d: {  	v11 =	vor.u32 v3, v12;
	_ =	sdelay $0x1  }
0x18e: {  	v10 =	vmul.f32 v10, v9;
	_ =	sdelay $0x1  }
0x18f: {  	[tilespmem:v13+s30+$0x0] =	vst.idx.msk $0xffff, v10  }
0x190: {  	v10 =	vld.idx.msk [tilespmem:v11+s28+$0x0], $0xffff;
	_ =	sdelay $0x2  }
0x191: {  	v13 =	vor.u32 v4, v12;
	_ =	sdelay $0x1  }
0x192: {  	v10 =	vmul.f32 v10, v8;
	_ =	sdelay $0x1  }
0x193: {  	[tilespmem:v11+s30+$0x0] =	vst.idx.msk $0xffff, v10  }
0x194: {  	v10 =	vld.idx.msk [tilespmem:v13+s28+$0x0], $0xffff;
	_ =	sdelay $0x2  }
0x195: {  	v11 =	vor.u32 v5, v12;
	_ =	sdelay $0x1  }
0x196: {  	v10 =	vmul.f32 v10, v7;
	_ =	sdelay $0x1  }
0x197: {  	[tilespmem:v13+s30+$0x0] =	vst.idx.msk $0xffff, v10  }
0x198: {  	s12 =	simm.s32 $0x4;
	v13 =	vld.idx.msk [tilespmem:v11+s28+$0x0], $0xffff  }
0x199: {  	v10 =	vadd.s32 s12, v0  }
0x19a: {  	v10 =	vand.u32 $0x7F, v10  }
0x19b: {  	v12 =	vor.u32 v1, v10;
	_ =	sdelay $0x1  }
0x19c: {  	s10 =	sor.u32 $0x80, s10;
	s13 =	simm.s32 $0x8;
	v13 =	vmul.f32 v13, v6  }
.LBB2_8:
0x19d: {  	_ = 	snop  }
0x19e: {  	p1 =	sne.s32 s13, $0x7C;
	s14 =	smov.u32 s13;
	s13 =	sadd.s32 $0x4, s13;
	[tilespmem:v11+s30+$0x0] =	vst.idx.msk $0xffff, v13  }
0x19f: {  	v11 =	vld.idx.msk [tilespmem:v12+s28+$0x0], $0xffff;
	_ =	sdelay $0x3  }
0x1a0: {  	v13 =	vor.u32 v3, v10;
	_ =	sdelay $0x1  }
0x1a1: {  	v11 =	vmul.f32 v11, v9;
	_ =	sdelay $0x1  }
0x1a2: {  	[tilespmem:v12+s30+$0x0] =	vst.idx.msk $0xffff, v11  }
0x1a3: {  	v11 =	vld.idx.msk [tilespmem:v13+s28+$0x0], $0xffff;
	_ =	sdelay $0x3  }
0x1a4: {  	v12 =	vor.u32 v4, v10;
	_ =	sdelay $0x1  }
0x1a5: {  	v11 =	vmul.f32 v11, v8;
	_ =	sdelay $0x1  }
0x1a6: {  	[tilespmem:v13+s30+$0x0] =	vst.idx.msk $0xffff, v11  }
0x1a7: {  	v11 =	vld.idx.msk [tilespmem:v12+s28+$0x0], $0xffff;
	_ =	sdelay $0x3  }
0x1a8: {  	v10 =	vor.u32 v5, v10;
	_ =	sdelay $0x1  }
0x1a9: {  	v11 =	vmul.f32 v11, v7;
	_ =	sdelay $0x1  }
0x1aa: {  	[tilespmem:v12+s30+$0x0] =	vst.idx.msk $0xffff, v11  }
0x1ab: {  	v11 =	vld.idx.msk [tilespmem:v10+s28+$0x0], $0xffff  }
0x1ac: {  	s15 =	sadd.s32 $0x1, s12  }
0x1ad: {  	v12 =	vadd.s32 s15, v0  }
0x1ae: {  	v12 =	vand.u32 $0x7F, v12  }
0x1af: {  	v13 =	vor.u32 v1, v12;
	_ =	sdelay $0x1  }
0x1b0: {  	v11 =	vmul.f32 v11, v6;
	_ =	sdelay $0x1  }
0x1b1: {  	[tilespmem:v10+s30+$0x0] =	vst.idx.msk $0xffff, v11  }
0x1b2: {  	v10 =	vld.idx.msk [tilespmem:v13+s28+$0x0], $0xffff;
	_ =	sdelay $0x3  }
0x1b3: {  	v11 =	vor.u32 v3, v12;
	_ =	sdelay $0x1  }
0x1b4: {  	v10 =	vmul.f32 v10, v9;
	_ =	sdelay $0x1  }
0x1b5: {  	[tilespmem:v13+s30+$0x0] =	vst.idx.msk $0xffff, v10  }
0x1b6: {  	v10 =	vld.idx.msk [tilespmem:v11+s28+$0x0], $0xffff;
	_ =	sdelay $0x3  }
0x1b7: {  	v13 =	vor.u32 v4, v12;
	_ =	sdelay $0x1  }
0x1b8: {  	v10 =	vmul.f32 v10, v8;
	_ =	sdelay $0x1  }
0x1b9: {  	[tilespmem:v11+s30+$0x0] =	vst.idx.msk $0xffff, v10  }
0x1ba: {  	v10 =	vld.idx.msk [tilespmem:v13+s28+$0x0], $0xffff;
	_ =	sdelay $0x3  }
0x1bb: {  	v11 =	vor.u32 v5, v12;
	_ =	sdelay $0x1  }
0x1bc: {  	v10 =	vmul.f32 v10, v7;
	_ =	sdelay $0x1  }
0x1bd: {  	[tilespmem:v13+s30+$0x0] =	vst.idx.msk $0xffff, v10  }
0x1be: {  	v10 =	vld.idx.msk [tilespmem:v11+s28+$0x0], $0xffff  }
0x1bf: {  	s15 =	sadd.s32 $0x2, s12  }
0x1c0: {  	v12 =	vadd.s32 s15, v0  }
0x1c1: {  	v12 =	vand.u32 $0x7F, v12  }
0x1c2: {  	v13 =	vor.u32 v1, v12;
	_ =	sdelay $0x1  }
0x1c3: {  	v10 =	vmul.f32 v10, v6;
	_ =	sdelay $0x1  }
0x1c4: {  	[tilespmem:v11+s30+$0x0] =	vst.idx.msk $0xffff, v10  }
0x1c5: {  	v10 =	vld.idx.msk [tilespmem:v13+s28+$0x0], $0xffff;
	_ =	sdelay $0x3  }
0x1c6: {  	v11 =	vor.u32 v3, v12;
	_ =	sdelay $0x1  }
0x1c7: {  	v10 =	vmul.f32 v10, v9;
	_ =	sdelay $0x1  }
0x1c8: {  	[tilespmem:v13+s30+$0x0] =	vst.idx.msk $0xffff, v10  }
0x1c9: {  	v10 =	vld.idx.msk [tilespmem:v11+s28+$0x0], $0xffff;
	_ =	sdelay $0x3  }
0x1ca: {  	v13 =	vor.u32 v4, v12;
	_ =	sdelay $0x1  }
0x1cb: {  	v10 =	vmul.f32 v10, v8;
	_ =	sdelay $0x1  }
0x1cc: {  	[tilespmem:v11+s30+$0x0] =	vst.idx.msk $0xffff, v10  }
0x1cd: {  	v10 =	vld.idx.msk [tilespmem:v13+s28+$0x0], $0xffff;
	_ =	sdelay $0x3  }
0x1ce: {  	v11 =	vor.u32 v5, v12;
	_ =	sdelay $0x1  }
0x1cf: {  	v10 =	vmul.f32 v10, v7;
	_ =	sdelay $0x1  }
0x1d0: {  	[tilespmem:v13+s30+$0x0] =	vst.idx.msk $0xffff, v10  }
0x1d1: {  	v10 =	vld.idx.msk [tilespmem:v11+s28+$0x0], $0xffff  }
0x1d2: {  	s15 =	sadd.s32 $0x3, s12;
	s12 =	smov.u32 s14  }
0x1d3: {  	v12 =	vadd.s32 s15, v0  }
0x1d4: {  	v12 =	vand.u32 $0x7F, v12  }
0x1d5: {  	v13 =	vor.u32 v1, v12;
	_ =	sdelay $0x1  }
0x1d6: {  	v10 =	vmul.f32 v10, v6;
	_ =	sdelay $0x1  }
0x1d7: {  	[tilespmem:v11+s30+$0x0] =	vst.idx.msk $0xffff, v10  }
0x1d8: {  	v10 =	vld.idx.msk [tilespmem:v13+s28+$0x0], $0xffff;
	_ =	sdelay $0x3  }
0x1d9: {  	v11 =	vor.u32 v3, v12;
	_ =	sdelay $0x1  }
0x1da: {  	v10 =	vmul.f32 v10, v9;
	_ =	sdelay $0x1  }
0x1db: {  	[tilespmem:v13+s30+$0x0] =	vst.idx.msk $0xffff, v10  }
0x1dc: {  	v10 =	vld.idx.msk [tilespmem:v11+s28+$0x0], $0xffff;
	_ =	sdelay $0x3  }
0x1dd: {  	v13 =	vor.u32 v4, v12;
	_ =	sdelay $0x1  }
0x1de: {  	v10 =	vmul.f32 v10, v8;
	_ =	sdelay $0x1  }
0x1df: {  	[tilespmem:v11+s30+$0x0] =	vst.idx.msk $0xffff, v10  }
0x1e0: {  	v10 =	vld.idx.msk [tilespmem:v13+s28+$0x0], $0xffff;
	_ =	sdelay $0x3  }
0x1e1: {  	v11 =	vor.u32 v5, v12;
	_ =	sdelay $0x1  }
0x1e2: {  	v10 =	vmul.f32 v10, v7;
	_ =	sdelay $0x1  }
0x1e3: {  	[tilespmem:v13+s30+$0x0] =	vst.idx.msk $0xffff, v10  }
0x1e4: {  	v13 =	vld.idx.msk [tilespmem:v11+s28+$0x0], $0xffff;
	_ =	sdelay $0x1  }
.Ltmp6:
0x1e5: {  	v10 =	vadd.s32 s12, v0;
	(pc) =	sbr.rel @p1 .LBB2_8-.Ltmp6, $3  }
0x1e6: {  	v10 =	vand.u32 $0x7F, v10  }
0x1e7: {  	v12 =	vor.u32 v1, v10;
	_ =	sdelay $0x1  }
0x1e8: {  	v13 =	vmul.f32 v13, v6  }
0x1e9: {  	_ =	sdelay $0x3  }
0x1ea: {  	[tilespmem:v11+s30+$0x0] =	vst.idx.msk $0xffff, v13  }
0x1eb: {  	v11 =	vld.idx.msk [tilespmem:v12+s28+$0x0], $0xffff;
	_ =	sdelay $0x2  }
0x1ec: {  	v44 =	vor.u32 v3, v10;
	_ =	sdelay $0x1  }
0x1ed: {  	v11 =	vmul.f32 v11, v9;
	_ =	sdelay $0x1  }
0x1ee: {  	[tilespmem:v12+s30+$0x0] =	vst.idx.msk $0xffff, v11  }
0x1ef: {  	v11 =	vld.idx.msk [tilespmem:v44+s28+$0x0], $0xffff;
	_ =	sdelay $0x2  }
0x1f0: {  	v45 =	vor.u32 v4, v10;
	_ =	sdelay $0x1  }
0x1f1: {  	v11 =	vmul.f32 v11, v8;
	_ =	sdelay $0x1  }
0x1f2: {  	[tilespmem:v44+s30+$0x0] =	vst.idx.msk $0xffff, v11  }
0x1f3: {  	v11 =	vld.idx.msk [tilespmem:v45+s28+$0x0], $0xffff;
	_ =	sdelay $0x2  }
0x1f4: {  	v46 =	vor.u32 v5, v10;
	_ =	sdelay $0x1  }
0x1f5: {  	v11 =	vmul.f32 v11, v7;
	_ =	sdelay $0x1  }
0x1f6: {  	[tilespmem:v45+s30+$0x0] =	vst.idx.msk $0xffff, v11  }
0x1f7: {  	s13 =	sadd.s32 $0x1, s12;
	v11 =	vld.idx.msk [tilespmem:v46+s28+$0x0], $0xffff  }
0x1f8: {  	v47 =	vadd.s32 s13, v0  }
0x1f9: {  	v12 =	vand.u32 $0x7F, v47  }
0x1fa: {  	v48 =	vor.u32 v1, v12;
	_ =	sdelay $0x1  }
0x1fb: {  	v11 =	vmul.f32 v11, v6;
	_ =	sdelay $0x1  }
0x1fc: {  	[tilespmem:v46+s30+$0x0] =	vst.idx.msk $0xffff, v11  }
0x1fd: {  	v10 =	vld.idx.msk [tilespmem:v48+s28+$0x0], $0xffff;
	_ =	sdelay $0x2  }
0x1fe: {  	v49 =	vor.u32 v3, v12;
	_ =	sdelay $0x1  }
0x1ff: {  	v10 =	vmul.f32 v10, v9;
	_ =	sdelay $0x1  }
0x200: {  	[tilespmem:v48+s30+$0x0] =	vst.idx.msk $0xffff, v10  }
0x201: {  	v10 =	vld.idx.msk [tilespmem:v49+s28+$0x0], $0xffff;
	_ =	sdelay $0x2  }
0x202: {  	v50 =	vor.u32 v4, v12;
	_ =	sdelay $0x1  }
0x203: {  	v10 =	vmul.f32 v10, v8;
	_ =	sdelay $0x1  }
0x204: {  	[tilespmem:v49+s30+$0x0] =	vst.idx.msk $0xffff, v10  }
0x205: {  	v10 =	vld.idx.msk [tilespmem:v50+s28+$0x0], $0xffff;
	_ =	sdelay $0x2  }
0x206: {  	v51 =	vor.u32 v5, v12;
	_ =	sdelay $0x1  }
0x207: {  	v10 =	vmul.f32 v10, v7;
	_ =	sdelay $0x1  }
0x208: {  	[tilespmem:v50+s30+$0x0] =	vst.idx.msk $0xffff, v10  }
0x209: {  	s14 =	sadd.s32 $0x2, s12;
	v10 =	vld.idx.msk [tilespmem:v51+s28+$0x0], $0xffff  }
0x20a: {  	v52 =	vadd.s32 s14, v0  }
0x20b: {  	v12 =	vand.u32 $0x7F, v52  }
0x20c: {  	v53 =	vor.u32 v1, v12;
	_ =	sdelay $0x1  }
0x20d: {  	v10 =	vmul.f32 v10, v6;
	_ =	sdelay $0x1  }
0x20e: {  	[tilespmem:v51+s30+$0x0] =	vst.idx.msk $0xffff, v10  }
0x20f: {  	v10 =	vld.idx.msk [tilespmem:v53+s28+$0x0], $0xffff;
	_ =	sdelay $0x2  }
0x210: {  	v54 =	vor.u32 v3, v12;
	_ =	sdelay $0x1  }
0x211: {  	v10 =	vmul.f32 v10, v9;
	_ =	sdelay $0x1  }
0x212: {  	[tilespmem:v53+s30+$0x0] =	vst.idx.msk $0xffff, v10  }
0x213: {  	v10 =	vld.idx.msk [tilespmem:v54+s28+$0x0], $0xffff;
	_ =	sdelay $0x2  }
0x214: {  	v55 =	vor.u32 v4, v12;
	_ =	sdelay $0x1  }
0x215: {  	v10 =	vmul.f32 v10, v8;
	_ =	sdelay $0x1  }
0x216: {  	[tilespmem:v54+s30+$0x0] =	vst.idx.msk $0xffff, v10  }
0x217: {  	v10 =	vld.idx.msk [tilespmem:v55+s28+$0x0], $0xffff;
	_ =	sdelay $0x2  }
0x218: {  	v56 =	vor.u32 v5, v12;
	_ =	sdelay $0x1  }
0x219: {  	v10 =	vmul.f32 v10, v7;
	_ =	sdelay $0x1  }
0x21a: {  	[tilespmem:v55+s30+$0x0] =	vst.idx.msk $0xffff, v10  }
0x21b: {  	s15 =	sadd.s32 $0x3, s12;
	v10 =	vld.idx.msk [tilespmem:v56+s28+$0x0], $0xffff  }
0x21c: {  	v57 =	vadd.s32 s15, v0  }
0x21d: {  	v12 =	vand.u32 $0x7F, v57  }
0x21e: {  	v58 =	vor.u32 v1, v12;
	_ =	sdelay $0x1  }
0x21f: {  	v10 =	vmul.f32 v10, v6;
	_ =	sdelay $0x1  }
0x220: {  	[tilespmem:v56+s30+$0x0] =	vst.idx.msk $0xffff, v10  }
0x221: {  	v10 =	vld.idx.msk [tilespmem:v58+s28+$0x0], $0xffff;
	_ =	sdelay $0x2  }
0x222: {  	v59 =	vor.u32 v3, v12;
	_ =	sdelay $0x1  }
0x223: {  	v60 =	vmul.f32 v10, v9;
	_ =	sdelay $0x1  }
0x224: {  	[tilespmem:v58+s30+$0x0] =	vst.idx.msk $0xffff, v60  }
0x225: {  	v9 =	vld.idx.msk [tilespmem:v59+s28+$0x0], $0xffff;
	_ =	sdelay $0x2  }
0x226: {  	v61 =	vor.u32 v4, v12;
	_ =	sdelay $0x1  }
0x227: {  	v62 =	vmul.f32 v9, v8;
	_ =	sdelay $0x1  }
0x228: {  	[tilespmem:v59+s30+$0x0] =	vst.idx.msk $0xffff, v62  }
0x229: {  	v8 =	vld.idx.msk [tilespmem:v61+s28+$0x0], $0xffff;
	_ =	sdelay $0x2  }
0x22a: {  	v63 =	vor.u32 v5, v12;
	_ =	sdelay $0x1  }
0x22b: {  	v7 =	vmul.f32 v8, v7;
	_ =	sdelay $0x1  }
0x22c: {  	[tilespmem:v61+s30+$0x0] =	vst.idx.msk $0xffff, v7  }
0x22d: {  	v7 =	vld.idx.msk [tilespmem:v63+s28+$0x0], $0xffff;
	_ =	sdelay $0x4  }
0x22e: {  	v6 =	vmul.f32 v7, v6;
	_ =	sdelay $0x1  }
.Ltmp7:
0x22f: {  	s10 =	sadd.s32 $0x1C00, s10;
	[tilespmem:v63+s30+$0x0] =	vst.idx.msk $0xffff, v6;
	(pc) =	sbr.rel @p0 .LBB2_11-.Ltmp7, $4  }
0x230: {  	[spmem:s2] =	stream.indirect.scatter.add.f32 [tilespmem:s30], [sflag:$0x3], $0x80, s10, s25, $0xb8;
	[tilespmem:$0x1F400] =	vst v63  }
0x231: {  	_ =	swait.ge [sflag:s21], $0x2000  }
0x232: {  	[sflag:s21] =	ssyncset.done $0x0  }
0x233: {  	[sflag:s21] =	ssyncadd.s32 $0xFFFFE000  }
.Ltmp8:
0x234: {  	(pc) =	sbr.rel .LBB2_5-.Ltmp8, $4  }
0x235: {  	_ = 	snop  }
0x236: {  	s10 =	sshrl.u32 s11, $0x2  }
0x237: {  	s9 =	sadd.s32 $0x1, s9;
	s10 =	sadd.s32 $0x180, s10  }
0x238: {  	[tilespmem:s28], [sflag:$0x2] =	stream.indirect.gather [hbm4b:s5+s25], $0x80, s10, s25, $0xb8;
	[tilespmem:$0x1F400] =	vst v63  }
.LBB2_13:
0x239: {  	_ =	sfence.sel $0x180000  }
0x23a: {  	[bflag:$0x0] =	sbarrier.arrive $0xFFFF  }
0x23b: {  	_ =	strace $0x9000004A  }
0x23c: {  	s0 =	stileid.u32;
	[bflag:$0x2] =	sbarrier.arrive $0xFFFF  }
0x23d: {  	p0 =	sne.s32 s0, $0x0;
	s0 =	rddreg [dreg:$0x3]  }
0x23e: {  	s0 =	sadd.s32 @!p0 $0x100000, s0  }
0x23f: {  	[sflag:s0] =	ssyncadd.tile.s32 @!p0 $0x1;
	_ =	shalt  }
.Lfunc_end2:
_tile_overlayer_lowered:
.L_overlay_start_2:
0x240: {  	(tag) =	ssettag $0x2  }
0x241: {  	s0 =	rddreg [dreg:$0x0];
	s2 =	stileid.u32  }
0x242: {  	s1 =	rddreg [dreg:$0x1];
	p0 =	sne.s32 s2, $0x0  }
0x243: {  	s3 =	rddreg [dreg:$0x2];
	[bflag:$0x3] =	sbarrier.arrive $0xFFFF;
	s2 =	simm.s32 @!p0 $0x1C03  }
0x244: {  	[timem:s3], [sflag:s2] =	dma.local @!p0 [hbm:s0], s1  }
0x245: {  	s0 =	simm.s32 @!p0 $0x3  }
0x246: {  	_ =	swait.ge @!p0 [sflag:s0], s1  }
0x247: {  	s1 =	ssub.s32 @!p0 $0x0, s1;
	[sflag:s0] =	ssyncset.done @!p0 $0x0  }
0x248: {  	[sflag:s0] =	ssyncadd.s32 @!p0 s1  }
0x249: {  	[bflag:$0x3] =	sbarrier.arrive $0xFFFF  }
0x24a: {  	_ =	shalt  }

// kernel: kernel.15.cloned.1.call-start
scs
__scs_entry_jumppad:
0x0: {  	(pc) =	sbr.rel $0x88, $3  }
0x1: {  	(tag) =	ssettag $0x0;
	lr =	simm.s32 $0x1  }
0x2: {  	[smem:$0x3F96] =	sst lr;
	_ =	strace $0xD0000000  }
0x3: {  	_ = 	snop  }
0x4: {  	_ = 	snop  }
0x5: {  	_ = 	snop  }
0x6: {  	_ = 	snop  }
0x7: {  	_ = 	snop  }
__scs_overlays_trampoline_lowered:
0x8: {  	[smem:$0x3FA5] =	sst s0  }
0x9: {  	[smem:$0x3FA6] =	sst s1  }
0xa: {  	[smem:$0x3FA7] =	sst s2  }
0xb: {  	[smem:$0x3FA8] =	sst s3  }
0xc: {  	[smem:$0x3FA9] =	sst s4  }
0xd: {  	[smem:$0x3FAA] =	sst s5  }
0xe: {  	[smem:$0x3FAB] =	sst s6  }
0xf: {  	[smem:$0x3FAC] =	sst s7  }
0x10: {  	[smem:$0x3FAD] =	sst s8  }
0x11: {  	[smem:$0x3FAE] =	sst s9;
	s0 =	simm.s32 @!p0 $0x0  }
0x12: {  	s1 =	sld [smem:$0x3F94];
	s0 =	simm.s32 @p0 $0x1  }
0x13: {  	[smem:$0x3FAF] =	sst s0;
	s0 =	simm.s32 @!p1 $0x0  }
0x14: {  	s2 =	sld [smem:$0x3F93];
	s0 =	simm.s32 @p1 $0x1  }
0x15: {  	[smem:$0x3FB0] =	sst s0;
	s0 =	simm.s32 @!p2 $0x0  }
0x16: {  	s3 =	sld [smem:$0x3FDB];
	s0 =	simm.s32 @p2 $0x1  }
0x17: {  	s4 =	simm.s32 $0x1BF5;
	[smem:$0x3FB2] =	sst s0  }
0x18: {  	s0 =	sld [smem:$0x3F95];
	_ =	swait.ge [sflag:s4], $0x0  }
0x19: {  	s7 =	sld [smem:$0x3F96]  }
0x1a: {  	s8 =	sadd.s32 $0xFFFFE003, lr  }
0x1b: {  	s9 =	sadd.s32 $0xFFFFFEF7, lr;
	s5 =	simm.s32 $0xFFFFFFFF;
	p2 =	slt.u32 s8, $0xFFFFF086  }
0x1c: {  	p1 =	slt.u32 s9, $0xF7A;
	s5 =	simm.s32 @!p2 $0x0  }
0x1d: {  	s5 =	simm.s32 @p1 $0x1;
	p0 =	seq.s32 s7, s2  }
0x1e: {  	s7 =	smul.u32 @!p0 $0xF7A, s2;
	p2 =	seq.s32 @!p0 s5, $0x0  }
0x1f: {  	s9 =	smul.u32 $0xF7A, s1;
	s8 =	simm.s32 @!p0 $0x1BF5;
	p2 =	por !p2, p0  }
0x20: {  	[sflag:s8] =	ssyncset.s32 @!p0 $0xFFFFF086;
	s6 =	sadd.s32 @!p0 s3, s7;
	s7 =	simm.s32 @!p0 $0x108  }
0x21: {  	s3 =	sadd.s32 s3, s9;
	s6 =	sadd.s32 @!p0 $0x88, s6;
	s7 =	simm.s32 @p2 $0x1082  }
0x22: {  	[simem:s7], [sflag:s8] =	dma.local @!p0 [hbm:s6], $0xF7A  }
0x23: {  	s9 =	sor.u32 $0xD0000000, s2;
	s6 =	simm.s32 $0x108;
	_ =	swait.ge @!p0 [sflag:s8], $0x0  }
0x24: {  	s3 =	sadd.s32 $0x88, s3;
	s6 =	simm.s32 @!p1 $0x1082;
	[sflag:s4] =	ssyncset.s32 $0xFFFFF086  }
0x25: {  	[simem:s6], [sflag:s4] =	dma.local [hbm:s3], $0xF7A  }
0x26: {  	[smem:$0x3F96] =	sst s1;
	(tag) =	ssettag s2;
	_ =	strace s9  }
0x27: {  	s1 =	sld [smem:$0x3FA6]  }
0x28: {  	s2 =	sld [smem:$0x3FA7]  }
0x29: {  	s4 =	sld [smem:$0x3FA9]  }
0x2a: {  	p0 =	seq.s32 s5, $0x0;
	s5 =	sld [smem:$0x3FAA]  }
0x2b: {  	s6 =	sld [smem:$0x3FAB]  }
0x2c: {  	s7 =	sld [smem:$0x3FAC]  }
0x2d: {  	s3 =	simm.s32 $0x108;
	s8 =	sld [smem:$0x3FAD]  }
0x2e: {  	s3 =	simm.s32 @!p0 $0x1082;
	s9 =	sld [smem:$0x3FAE]  }
0x2f: {  	lr =	sadd.s32 s0, s3;
	s0 =	sld [smem:$0x3FA5]  }
0x30: {  	s3 =	sld [smem:$0x3FA8]  }
0x31: {  	[smem:$0x3FB1] =	sst s10  }
0x32: {  	s10 =	sld [smem:$0x3FAF];
	_ =	sdelay $0x3  }
0x33: {  	p0 =	seq.s32 s10, $0x1;
	s10 =	sld [smem:$0x3FB1];
	_ =	sdelay $0x3  }
0x34: {  	[smem:$0x3FB1] =	sst s10  }
0x35: {  	s10 =	sld [smem:$0x3FB0];
	_ =	sdelay $0x3  }
0x36: {  	p1 =	seq.s32 s10, $0x1;
	s10 =	sld [smem:$0x3FB1];
	_ =	sdelay $0x3  }
0x37: {  	[smem:$0x3FB1] =	sst s10  }
0x38: {  	s10 =	sld [smem:$0x3FB2]  }
0x39: {  	_ = 	snop;
	(pc) =	sbr.ind lr, $3  }
0x3a: {  	_ = 	snop  }
0x3b: {  	_ = 	snop  }
0x3c: {  	p2 =	seq.s32 s10, $0x1;
	s10 =	sld [smem:$0x3FB1]  }
0x3d: {  	_ =	shalt  }
0x3e: {  	_ =	shalt  }
0x3f: {  	_ =	shalt  }
0x40: {  	_ =	shalt  }
0x41: {  	_ =	shalt  }
0x42: {  	_ =	shalt  }
0x43: {  	_ =	shalt  }
0x44: {  	_ =	shalt  }
0x45: {  	_ =	shalt  }
0x46: {  	_ =	shalt  }
0x47: {  	_ =	shalt  }
0x48: {  	_ =	shalt  }
0x49: {  	_ =	shalt  }
0x4a: {  	_ =	shalt  }
0x4b: {  	_ =	shalt  }
0x4c: {  	_ =	shalt  }
0x4d: {  	_ =	shalt  }
0x4e: {  	_ =	shalt  }
0x4f: {  	_ =	shalt  }
0x50: {  	_ =	shalt  }
0x51: {  	_ =	shalt  }
0x52: {  	_ =	shalt  }
0x53: {  	_ =	shalt  }
0x54: {  	_ =	shalt  }
0x55: {  	_ =	shalt  }
0x56: {  	_ =	shalt  }
0x57: {  	_ =	shalt  }
0x58: {  	_ =	shalt  }
0x59: {  	_ =	shalt  }
0x5a: {  	_ =	shalt  }
0x5b: {  	_ =	shalt  }
0x5c: {  	_ =	shalt  }
0x5d: {  	_ =	shalt  }
0x5e: {  	_ =	shalt  }
0x5f: {  	_ =	shalt  }
0x60: {  	_ =	shalt  }
0x61: {  	_ =	shalt  }
0x62: {  	_ =	shalt  }
0x63: {  	_ =	shalt  }
0x64: {  	_ =	shalt  }
0x65: {  	_ =	shalt  }
0x66: {  	_ =	shalt  }
0x67: {  	_ =	shalt  }
0x68: {  	_ =	shalt  }
0x69: {  	_ =	shalt  }
0x6a: {  	_ =	shalt  }
0x6b: {  	_ =	shalt  }
0x6c: {  	_ =	shalt  }
0x6d: {  	_ =	shalt  }
0x6e: {  	_ =	shalt  }
0x6f: {  	_ =	shalt  }
0x70: {  	_ =	shalt  }
0x71: {  	_ =	shalt  }
0x72: {  	_ =	shalt  }
0x73: {  	_ =	shalt  }
0x74: {  	_ =	shalt  }
0x75: {  	_ =	shalt  }
0x76: {  	_ =	shalt  }
0x77: {  	_ =	shalt  }
0x78: {  	_ =	shalt  }
0x79: {  	_ =	shalt  }
0x7a: {  	_ =	shalt  }
0x7b: {  	_ =	shalt  }
0x7c: {  	_ =	shalt  }
0x7d: {  	_ =	shalt  }
0x7e: {  	_ =	shalt  }
0x7f: {  	_ =	shalt  }
0x80: {  	_ =	shalt  }
0x81: {  	_ =	shalt  }
0x82: {  	_ =	shalt  }
0x83: {  	_ =	shalt  }
0x84: {  	_ =	shalt  }
0x85: {  	_ =	shalt  }
0x86: {  	_ =	shalt  }
0x87: {  	_ =	shalt  }
.Lfunc_end0:
.L_simem_size_0:
called_computation.2_lowered:
.L_overlay_start_0:
0x88: {  	s2 =	sld [smem:$0x3FD9]  }
0x89: {  	s3 =	sld [smem:$0x3FFE];
	_ =	sdelay $0x1  }
0x8a: {  	s1 =	srdreg.scid  }
0x8b: {  	s0 =	sand.u32 $0x1, s1  }
0x8c: {  	s16 =	sshll.u32 s0, $0xA;
	s2 =	sadd.s32 s3, s2  }
0x8d: {  	s2 =	sadd.s32 s2, s16  }
0x8e: {  	[smem:$0x3FBD] =	sst s2  }
0x8f: {  	_ = 	snop  }
0x90: {  	(tm) =	ssettm $0x1  }
0x91: {  	s17 =	sld [smem:$0x3FFB];
	_ =	sdelay $0x3  }
0x92: {  	_ =	strace s17  }
0x93: {  	s2 =	sld [smem:$0x3FFC];
	_ =	sdelay $0x3  }
0x94: {  	_ =	strace s2  }
0x95: {  	s2 =	sld [smem:$0x3FFD];
	_ =	sdelay $0x3  }
0x96: {  	_ =	strace s2  }
0x97: {  	_ =	strace $0x8FFFFFFF  }
0x98: {  	s18 =	sld [smem:$0x3FDB];
	_ =	sdelay $0x1  }
0x99: {  	s19 =	simm.s32 $_scs_section_size  }
0x9a: {  	s4 =	simm.s32 $_size__tile_overlayer_lowered;
	s5 =	simm.s32 $_tile_overlayer_lowered  }
0x9b: {  	s22 =	simm.s32 $0x1BFF;
	s21 =	sshll.u32 s5, $0x1;
	s2 =	sadd.s32 s19, s18  }
0x9c: {  	s6 =	simm.s32 $0x0;
	s20 =	sshll.u32 s4, $0x1;
	s4 =	sadd.s32 s21, s2  }
0x9d: {  	[timem:s6], [sflag:s22] =	dma.local [hbm:s4], s20  }
0x9e: {  	_ =	swait.ge [sflag:s22], s20  }
0x9f: {  	s3 =	ssub.s32 $0x0, s20;
	[sflag:s22] =	ssyncset.done $0x0  }
0xa0: {  	[sflag:s22] =	ssyncadd.s32 s3;
	_ =	sdelay $0x1  }
0xa1: {  	s23 =	simm.s32 $0x1B8B  }
0xa2: {  	_ =	swait.ge [sflag:s23], $0x1  }
0xa3: {  	[sflag:s23] =	ssyncset.done $0x0  }
0xa4: {  	s25 =	simm.s32 $0x1B8E;
	s24 =	sld [smem:$0x3FFE];
	[sflag:s23] =	ssyncadd.s32 $0xFFFFFFFF  }
0xa5: {  	s26 =	simm.s32 $execute0_lowered;
	[smem:$0x3FD2] =	sst s25  }
0xa6: {  	s4 =	sshll.u32 s26, $0x1;
	_ =	strace $0x8000004C;
	[dreg:$0x1] =	wrdreg $0xFFFFFFFF  }
0xa7: {  	s28 =	simm.s32 $_size_execute0_lowered;
	s2 =	sadd.s32 s2, s4;
	[dreg:$0x0] =	wrdreg $0x0  }
0xa8: {  	s4 =	sshll.u32 s28, $0x1;
	[dreg:$0x2] =	wrdreg s2  }
0xa9: {  	[dreg:$0x3] =	wrdreg s4  }
0xaa: {  	[dreg:$0x4] =	wrdreg $0xC0  }
0xab: {  	_ =	task [dreg:s6], $0x5FFFF  }
0xac: {  	[dreg:$0x1] =	wrdreg $0xFFFFFFFF  }
0xad: {  	[dreg:$0x0] =	wrdreg $0x60  }
0xae: {  	[dreg:$0x2] =	wrdreg s24  }
0xaf: {  	[dreg:$0x3] =	wrdreg $0xB5000  }
0xb0: {  	[dreg:$0x4] =	wrdreg $0x9  }
0xb1: {  	_ =	task.clear_ibuf [dreg:s6], $0x5FFFF;
	_ =	strace $0x9000004C  }
0xb2: {  	s29 =	simm.s32 $0x9;
	_ =	strace $0x8000004E  }
0xb3: {  	_ =	swait.ge [sflag:s29], $0x1  }
0xb4: {  	[sflag:s29] =	ssyncadd.s32 $0xFFFFFFFF  }
0xb5: {  	_ =	strace $0x9000004E  }
0xb6: {  	_ =	sfence  }
0xb7: {  	s30 =	sld [smem:$0x0];
	_ =	sdelay $0x2  }
0xb8: {  	s31 =	sshll.u32 s1, $0xD;
	s1 =	sshrl.u32 s1, $0x2  }
0xb9: {  	s3 =	sand.u32 $0x4000, s31;
	s1 =	sadd.s32 s1, s30  }
0xba: {  	s0 =	sor.u32 s3, s0;
	s1 =	sshll.u32 s1, $0x11  }
0xbb: {  	s0 =	sor.u32 s1, s0  }
0xbc: {  	s0 =	sadd.s32 $0x8F2B, s0  }
0xbd: {  	[sflag:s0] =	ssyncadd.remote.s32 $0x1  }
0xbe: {  	_ =	sfence.sel $0xFFFF  }
0xbf: {  	[dreg:$0x0] =	wrdreg $0xFFFFFFFF;
	(pc) =	sbr.abs _section_cstart, $3  }
0xc0: {  	[dreg:$0x1] =	wrdreg $0xFFFFFFFF  }
0xc1: {  	_ =	task.clear_ibuf [dreg:s6], $0x2FFFF;
	_ =	strace $0x9FFFFFFF  }
0xc2: {  	(tm) =	ssettm $0x7FFFFFFF  }
0xc3: {  	_ =	shalt  }
tec
execute0_lowered:
.L_overlay_start_1:
0x0: {  	(tag) =	ssettag $0x1  }
0x1: {  	s0 =	rddreg [dreg:$0x0]  }
0x2: {  	s1 =	rddreg [dreg:$0x1]  }
0x3: {  	s2 =	simm.s32 $0x0;
	s3 =	srdreg.scid;
	s14 =	stileid.u32  }
0x4: {  	s15 =	simm.s32 $0x1;
	s16 =	simm.s32 $0x2800;
	s21 =	simm.s32 $0x200  }
0x5: {  	s22 =	simm.s32 $0xB100;
	s23 =	simm.s32 $0x80;
	s25 =	simm.s32 $0x400  }
0x6: {  	s26 =	simm.s32 $0x20;
	s28 =	simm.s32 $0x10;
	s29 =	simm.s32 $0x0  }
0x7: {  	[smem:$0x7FF] =	sst s2;
	s4 =	sadd.s32 $0x42400, s0;
	s3 =	sand.u32 $0x1, s3  }
0x8: {  	s5 =	sadd.s32 $0x41E00, s0;
	s9 =	smul.u32 $0xA00, s14;
	s6 =	sadd.s32 $0x41A00, s0  }
0x9: {  	s7 =	sadd.s32 $0x41C00, s0;
	s17 =	smul.u32 $0xA0, s14;
	s8 =	sshll.u32 s3, $0x4  }
0xa: {  	_ =	strace $0x8000004D;
	s3 =	ssub.s32 $0x2, s3;
	s10 =	sor.u32 s14, s8  }
0xb: {  	s9 =	sshrl.u32 s9, $0x2;
	s13 =	sadd.s32 s8, s0;
	s11 =	sshrl.u32 s3, $0x1  }
0xc: {  	s14 =	simm.s32 $0xB300;
	s10 =	smul.u32 $0x600, s10;
	s8 =	sadd.s32 s9, s1  }
0xd: {  	s3 =	ssub.s32 s3, s11;
	s31 =	sadd.s32 $0x4EA00, s13;
	s9 =	sadd.s32 $0x200, s8  }
0xe: {  	s13 =	smax.u32 s3, $0x1;
	s24 =	sadd.s32 s17, s31;
	s0 =	sadd.s32 s10, s0  }
0xf: {  	v0 =	vimm.f32 $0.0e+00;
	s10 =	sadd.s32 $0x1A00, s0;
	s11 =	sadd.s32 $0xDA00, s0;
	s12 =	sadd.s32 $0x42A00, s0  }
.LBB2_1:
0x10: {  	[tilespmem:$0xB300] =	vst v0  }
0x11: {  	[tilespmem:$0xB310] =	vst v0  }
0x12: {  	[tilespmem:$0xB320] =	vst v0  }
0x13: {  	[tilespmem:$0xB330] =	vst v0  }
0x14: {  	[tilespmem:$0xB340] =	vst v0  }
0x15: {  	[tilespmem:$0xB350] =	vst v0  }
0x16: {  	[tilespmem:$0xB360] =	vst v0  }
0x17: {  	[tilespmem:$0xB370] =	vst v0  }
0x18: {  	[tilespmem:$0xB380] =	vst v0  }
0x19: {  	[tilespmem:$0xB390] =	vst v0  }
0x1a: {  	[tilespmem:$0xB3A0] =	vst v0  }
0x1b: {  	[tilespmem:$0xB3B0] =	vst v0  }
0x1c: {  	[tilespmem:$0xB3C0] =	vst v0  }
0x1d: {  	[tilespmem:$0xB3D0] =	vst v0  }
0x1e: {  	[tilespmem:$0xB3E0] =	vst v0  }
0x1f: {  	[tilespmem:$0xB3F0] =	vst v0  }
0x20: {  	[tilespmem:$0xB400] =	vst v0  }
0x21: {  	[tilespmem:$0xB410] =	vst v0  }
0x22: {  	[tilespmem:$0xB420] =	vst v0  }
0x23: {  	[tilespmem:$0xB430] =	vst v0  }
0x24: {  	[tilespmem:$0xB440] =	vst v0  }
0x25: {  	[tilespmem:$0xB450] =	vst v0  }
0x26: {  	[tilespmem:$0xB460] =	vst v0  }
0x27: {  	[tilespmem:$0xB470] =	vst v0  }
0x28: {  	[tilespmem:$0xB480] =	vst v0  }
0x29: {  	[tilespmem:$0xB490] =	vst v0  }
0x2a: {  	[tilespmem:$0xB4A0] =	vst v0  }
0x2b: {  	[tilespmem:$0xB4B0] =	vst v0  }
0x2c: {  	[tilespmem:$0xB4C0] =	vst v0  }
0x2d: {  	[tilespmem:$0xB4D0] =	vst v0  }
0x2e: {  	[tilespmem:$0xB4E0] =	vst v0  }
0x2f: {  	[tilespmem:$0xB4F0] =	vst v0  }
0x30: {  	[spmem:s8] =	stream.linear.scatter [tilespmem:s14], [sflag:$0x1], $0x200, $0x38;
	[tilespmem:$0xB780] =	vst v63  }
0x31: {  	_ =	swait.ge [sflag:s15], $0x200  }
0x32: {  	[sflag:s15] =	ssyncset.done $0x0  }
0x33: {  	[sflag:s15] =	ssyncadd.s32 $0xFFFFFE00  }
0x34: {  	[spmem:s9] =	stream.linear.scatter [tilespmem:s14], [sflag:$0x1], $0x80, $0x38;
	[tilespmem:$0xB780] =	vst v63  }
0x35: {  	_ =	swait.ge [sflag:s15], $0x80  }
0x36: {  	[sflag:s15] =	ssyncset.done $0x0  }
0x37: {  	[sflag:s15] =	ssyncadd.s32 $0xFFFFFF80  }
0x38: {  	[tilespmem:s2], [sflag:$0x1] =	stream.linear.gather [hbm4b:s4+s2], $0x2800, $0x38;
	[tilespmem:$0xB780] =	vst v63  }
0x39: {  	_ =	swait.ge [sflag:s15], $0x2800  }
0x3a: {  	[sflag:s15] =	ssyncset.done $0x0  }
0x3b: {  	[sflag:s15] =	ssyncadd.s32 $0xFFFFD800  }
0x3c: {  	[tilespmem:s16], [sflag:$0x1] =	stream.linear.gather [hbm4b:s5+s2], $0x2800, $0x38;
	[tilespmem:$0xB780] =	vst v63  }
0x3d: {  	_ =	swait.ge [sflag:s15], $0x2800  }
0x3e: {  	[sflag:s15] =	ssyncset.done $0x0  }
0x3f: {  	s0 =	simm.s32 $0x5000;
	[sflag:s15] =	ssyncadd.s32 $0xFFFFD800  }
0x40: {  	[tilespmem:s0], [sflag:$0x1] =	stream.linear.gather [hbm4b:s6+s2], $0x80, $0x38;
	[tilespmem:$0xB780] =	vst v63  }
0x41: {  	_ =	swait.ge [sflag:s15], $0x80  }
0x42: {  	[sflag:s15] =	ssyncset.done $0x0  }
0x43: {  	s19 =	simm.s32 $0x5080;
	[sflag:s15] =	ssyncadd.s32 $0xFFFFFF80  }
0x44: {  	[tilespmem:s19], [sflag:$0x1] =	stream.linear.gather [hbm4b:s7+s2], $0x80, $0x38;
	[tilespmem:$0xB780] =	vst v63  }
0x45: {  	_ =	swait.ge [sflag:s15], $0x80  }
0x46: {  	[sflag:s15] =	ssyncset.done $0x0  }
0x47: {  	s20 =	simm.s32 $0x5100;
	[sflag:s15] =	ssyncadd.s32 $0xFFFFFF80  }
0x48: {  	[tilespmem:s20], [sflag:$0x1] =	stream.linear.gather [hbm4b:s10+s2], $0x3000, $0x38;
	[tilespmem:$0xB780] =	vst v63  }
0x49: {  	_ =	swait.ge [sflag:s15], $0x3000  }
0x4a: {  	[sflag:s15] =	ssyncset.done $0x0  }
0x4b: {  	s31 =	simm.s32 $0x8100;
	[sflag:s15] =	ssyncadd.s32 $0xFFFFD000  }
0x4c: {  	[tilespmem:s31], [sflag:$0x1] =	stream.linear.gather [hbm4b:s11+s2], $0x3000, $0x38;
	[tilespmem:$0xB780] =	vst v63  }
0x4d: {  	_ =	swait.ge [sflag:s15], $0x3000  }
0x4e: {  	[sflag:s15] =	ssyncset.done $0x0  }
0x4f: {  	[sflag:s15] =	ssyncadd.s32 $0xFFFFD000  }
0x50: {  	v1 =	vld [tilespmem:$0x5000]  }
0x51: {  	v2 =	vld [tilespmem:$0x5080];
	_ =	sdelay $0x4  }
0x52: {  	v1 =	vadd.f32 v2, v1;
	_ =	sdelay $0x1  }
0x53: {  	s30 =	simm.s32 $0x0;
	[bflag:$0x0] =	sbarrier.arrive $0xFFFF;
	v1 =	vmax.f32 v1, $0.0e+00  }
.LBB2_2:
0x54: {  	s0 =	sshll.u32 s30, $0x9;
	s3 =	sshll.u32 s30, $0x7  }
0x55: {  	s17 =	simm.s32 $0x0;
	s0 =	sand.u32 $0x3000, s0;
	s3 =	sand.u32 $0x380, s3  }
0x56: {  	s18 =	sand.u32 $0xC00, s17;
	s31 =	sor.u32 s0, s3  }
0x57: {  	s19 =	sand.u32 $0x70, s17;
	s0 =	sor.u32 s18, s31  }
0x58: {  	s0 =	sor.u32 s19, s0  }
0x59: {  	v2 =	vld [tilespmem:s0+$0x8100]  }
0x5a: {  	v3 =	vld [tilespmem:s0+$0x5100];
	_ =	sdelay $0x6  }
0x5b: {  	v4 =	vld.idx.msk [tilespmem:v2+s16+$0x0], $0xffff  }
0x5c: {  	v3 =	vld.idx.msk [tilespmem:v3+s2+$0x0], $0xffff;
	_ =	sdelay $0x4  }
0x5d: {  	v3 =	vadd.f32 v4, v3;
	_ =	sdelay $0x1  }
0x5e: {  	v4 =	vmul.f32 $2.000000030e-01, v3  }
0x5f: {  	vm0 =	vge.f32 v3, $0.0e+00  }
0x60: {  	v3 =	vsel vm0, v3, v4  }
0x61: {  	v3 =	vsub.f32 v3, v1;
	_ =	sdelay $0x1  }
0x62: {  	v3 =	vmul.f32 $1.442695020e+00, v3;
	_ =	sdelay $0x1  }
0x63: {  	(erf) = vpow2.f32 v3;
	_ =	sdelay $0x7  }
0x64: {  	s18 =	simm.s32 $0x80  }
0x65: {  	s20 =	simm.s32 $0x10;
	s19 =	sand.u32 $0xC00, s18;
	s0 =	simm.s32 $0xB300;
	v3 =	vpop (erf)  }
0x66: {  	s17 =	simm.s32 $0xB100;
	s3 =	sand.u32 $0x70, s20;
	s19 =	sor.u32 s19, s31;
	[tilespmem:s0+$0x0] =	vst v3  }
0x67: {  	s19 =	sor.u32 s3, s19;
	s3 =	simm.s32 $0x20;
	[tilespmem:s17+$0x0] =	vst v2  }
.LBB2_3:
0x68: {  	p0 =	sne.s32 s3, $0x1F0;
	v2 =	vld [tilespmem:s19+$0x8100]  }
0x69: {  	v3 =	vld [tilespmem:s19+$0x5100];
	_ =	sdelay $0x6  }
0x6a: {  	v4 =	vld.idx.msk [tilespmem:v2+s16+$0x0], $0xffff  }
0x6b: {  	v3 =	vld.idx.msk [tilespmem:v3+s2+$0x0], $0xffff;
	_ =	sdelay $0x5  }
0x6c: {  	v3 =	vadd.f32 v4, v3;
	_ =	sdelay $0x1  }
0x6d: {  	v4 =	vmul.f32 $2.000000030e-01, v3  }
0x6e: {  	vm0 =	vge.f32 v3, $0.0e+00  }
0x6f: {  	v3 =	vsel vm0, v3, v4  }
0x70: {  	v3 =	vsub.f32 v3, v1;
	_ =	sdelay $0x1  }
0x71: {  	v3 =	vmul.f32 $1.442695020e+00, v3;
	_ =	sdelay $0x1  }
0x72: {  	(erf) = vpow2.f32 v3;
	_ =	sdelay $0x6  }
.Ltmp0:
0x73: {  	(pc) =	sbr.rel @p0 .LBB2_3-.Ltmp0, $4  }
0x74: {  	s18 =	sadd.s32 $0x80, s18  }
0x75: {  	s0 =	sadd.s32 $0x10, s0;
	s19 =	sand.u32 $0xC00, s18;
	v3 =	vpop (erf)  }
0x76: {  	s20 =	sand.u32 $0x70, s3;
	s17 =	sadd.s32 $0x10, s17;
	s19 =	sor.u32 s19, s31;
	[tilespmem:s0+$0x0] =	vst v3  }
0x77: {  	s3 =	sadd.s32 $0x10, s3;
	s19 =	sor.u32 s20, s19;
	[tilespmem:s17+$0x0] =	vst v2  }
0x78: {  	v2 =	vld [tilespmem:s19+$0x8100]  }
0x79: {  	v3 =	vld [tilespmem:s19+$0x5100];
	_ =	sdelay $0x6  }
0x7a: {  	v4 =	vld.idx.msk [tilespmem:v2+s16+$0x0], $0xffff  }
0x7b: {  	v3 =	vld.idx.msk [tilespmem:v3+s2+$0x0], $0xffff;
	_ =	sdelay $0x4  }
0x7c: {  	v3 =	vadd.f32 v4, v3;
	_ =	sdelay $0x1  }
0x7d: {  	v4 =	vmul.f32 $2.000000030e-01, v3  }
0x7e: {  	vm0 =	vge.f32 v3, $0.0e+00  }
0x7f: {  	v3 =	vsel vm0, v3, v4  }
0x80: {  	v3 =	vsub.f32 v3, v1;
	_ =	sdelay $0x1  }
0x81: {  	v3 =	vmul.f32 $1.442695020e+00, v3;
	_ =	sdelay $0x1  }
0x82: {  	(erf) = vpow2.f32 v3;
	_ =	sdelay $0x8  }
0x83: {  	s0 =	sadd.s32 $0x10, s0;
	v3 =	vpop (erf)  }
0x84: {  	s20 =	sadd.s32 $0x10, s17;
	[tilespmem:s0+$0x0] =	vst v3  }
0x85: {  	s31 =	sshll.u32 s30, $0x6;
	s3 =	sshll.u32 s30, $0x4;
	s30 =	sadd.s32 $0x1, s30;
	[tilespmem:s20+$0x0] =	vst v2  }
0x86: {  	[spmem:s1] =	stream.indirect.scatter.add.f32 [tilespmem:s14], [sflag:$0x1], $0x1, s22, s21, $0xb8;
	[tilespmem:$0xB780] =	vst v63  }
0x87: {  	s3 =	sand.u32 $0x70, s3;
	s0 =	sand.u32 $0x600, s31;
	_ =	swait.ge [sflag:s15], $0x200  }
0x88: {  	p0 =	sne.s32 s30, $0x15;
	s0 =	sor.u32 s3, s0;
	[sflag:s15] =	ssyncset.done $0x0  }
.Ltmp1:
0x89: {  	s0 =	sadd.s32 s12, s0;
	[sflag:s15] =	ssyncadd.s32 $0xFFFFFE00;
	(pc) =	sbr.rel @p0 .LBB2_2-.Ltmp1, $4  }
0x8a: {  	[hbm4b:s0+s23] =	stream.strided.scatter [tilespmem:s14], [sflag:$0x1], $0x200, s25, s23, $0x38;
	[tilespmem:$0xB780] =	vst v63  }
0x8b: {  	_ =	swait.ge [sflag:s15], $0x200  }
0x8c: {  	[sflag:s15] =	ssyncset.done $0x0  }
0x8d: {  	[sflag:s15] =	ssyncadd.s32 $0xFFFFFE00  }
0x8e: {  	s0 =	stileid.u32;
	s29 =	sadd.s32 $0x1, s29  }
0x8f: {  	[bflag:$0x0] =	sbarrier.arrive $0xFFFF;
	s0 =	sshll.u32 s0, $0x6;
	p0 =	sne.s32 s29, s13  }
.Ltmp2:
0x90: {  	s3 =	sshrl.u32 s8, $0x3;
	s0 =	sor.u32 $0x1C01, s0;
	(pc) =	sbr.rel @p0 .LBB2_1-.Ltmp2, $4  }
0x91: {  	[hbm:s24@s26], [sflag:s0] =	dma.strided [spmem:s3@s28], $0x50, s15, $0x10   }
0x92: {  	_ =	swait.ge [sflag:s15], $0x50  }
0x93: {  	[sflag:s15] =	ssyncset.done $0x0  }
0x94: {  	[sflag:s15] =	ssyncadd.s32 $0xFFFFFFB0  }
0x95: {  	_ =	sfence.sel $0x180000  }
0x96: {  	[bflag:$0x0] =	sbarrier.arrive $0xFFFF  }
0x97: {  	_ =	strace $0x9000004D  }
0x98: {  	s0 =	stileid.u32;
	[bflag:$0x2] =	sbarrier.arrive $0xFFFF  }
0x99: {  	p0 =	sne.s32 s0, $0x0;
	s0 =	rddreg [dreg:$0x2]  }
0x9a: {  	s0 =	sadd.s32 @!p0 $0x100000, s0  }
0x9b: {  	[sflag:s0] =	ssyncadd.tile.s32 @!p0 $0x1;
	_ =	shalt  }
.Lfunc_end2:
_tile_overlayer_lowered:
.L_overlay_start_2:
0x9c: {  	(tag) =	ssettag $0x2  }
0x9d: {  	s0 =	rddreg [dreg:$0x0];
	s2 =	stileid.u32  }
0x9e: {  	s1 =	rddreg [dreg:$0x1];
	p0 =	sne.s32 s2, $0x0  }
0x9f: {  	s3 =	rddreg [dreg:$0x2];
	[bflag:$0x3] =	sbarrier.arrive $0xFFFF;
	s2 =	simm.s32 @!p0 $0x1C01  }
0xa0: {  	[timem:s3], [sflag:s2] =	dma.local @!p0 [hbm:s0], s1  }
0xa1: {  	s0 =	simm.s32 @!p0 $0x1  }
0xa2: {  	_ =	swait.ge @!p0 [sflag:s0], s1  }
0xa3: {  	s1 =	ssub.s32 @!p0 $0x0, s1;
	[sflag:s0] =	ssyncset.done @!p0 $0x0  }
0xa4: {  	[sflag:s0] =	ssyncadd.s32 @!p0 s1  }
0xa5: {  	[bflag:$0x3] =	sbarrier.arrive $0xFFFF  }
0xa6: {  	_ =	shalt  }

// kernel: kernel.18.cloned.1.call-start
scs
__scs_entry_jumppad:
0x0: {  	(pc) =	sbr.rel $0x88, $3  }
0x1: {  	(tag) =	ssettag $0x0;
	lr =	simm.s32 $0x1  }
0x2: {  	[smem:$0x3F96] =	sst lr;
	_ =	strace $0xD0000000  }
0x3: {  	_ = 	snop  }
0x4: {  	_ = 	snop  }
0x5: {  	_ = 	snop  }
0x6: {  	_ = 	snop  }
0x7: {  	_ = 	snop  }
__scs_overlays_trampoline_lowered:
0x8: {  	[smem:$0x3FA5] =	sst s0  }
0x9: {  	[smem:$0x3FA6] =	sst s1  }
0xa: {  	[smem:$0x3FA7] =	sst s2  }
0xb: {  	[smem:$0x3FA8] =	sst s3  }
0xc: {  	[smem:$0x3FA9] =	sst s4  }
0xd: {  	[smem:$0x3FAA] =	sst s5  }
0xe: {  	[smem:$0x3FAB] =	sst s6  }
0xf: {  	[smem:$0x3FAC] =	sst s7  }
0x10: {  	[smem:$0x3FAD] =	sst s8  }
0x11: {  	[smem:$0x3FAE] =	sst s9;
	s0 =	simm.s32 @!p0 $0x0  }
0x12: {  	s1 =	sld [smem:$0x3F94];
	s0 =	simm.s32 @p0 $0x1  }
0x13: {  	[smem:$0x3FAF] =	sst s0;
	s0 =	simm.s32 @!p1 $0x0  }
0x14: {  	s2 =	sld [smem:$0x3F93];
	s0 =	simm.s32 @p1 $0x1  }
0x15: {  	[smem:$0x3FB0] =	sst s0;
	s0 =	simm.s32 @!p2 $0x0  }
0x16: {  	s3 =	sld [smem:$0x3FDB];
	s0 =	simm.s32 @p2 $0x1  }
0x17: {  	s4 =	simm.s32 $0x1BF5;
	[smem:$0x3FB2] =	sst s0  }
0x18: {  	s0 =	sld [smem:$0x3F95];
	_ =	swait.ge [sflag:s4], $0x0  }
0x19: {  	s7 =	sld [smem:$0x3F96]  }
0x1a: {  	s8 =	sadd.s32 $0xFFFFE003, lr  }
0x1b: {  	s9 =	sadd.s32 $0xFFFFFEF7, lr;
	s5 =	simm.s32 $0xFFFFFFFF;
	p2 =	slt.u32 s8, $0xFFFFF086  }
0x1c: {  	p1 =	slt.u32 s9, $0xF7A;
	s5 =	simm.s32 @!p2 $0x0  }
0x1d: {  	s5 =	simm.s32 @p1 $0x1;
	p0 =	seq.s32 s7, s2  }
0x1e: {  	s7 =	smul.u32 @!p0 $0xF7A, s2;
	p2 =	seq.s32 @!p0 s5, $0x0  }
0x1f: {  	s9 =	smul.u32 $0xF7A, s1;
	s8 =	simm.s32 @!p0 $0x1BF5;
	p2 =	por !p2, p0  }
0x20: {  	[sflag:s8] =	ssyncset.s32 @!p0 $0xFFFFF086;
	s6 =	sadd.s32 @!p0 s3, s7;
	s7 =	simm.s32 @!p0 $0x108  }
0x21: {  	s3 =	sadd.s32 s3, s9;
	s6 =	sadd.s32 @!p0 $0x88, s6;
	s7 =	simm.s32 @p2 $0x1082  }
0x22: {  	[simem:s7], [sflag:s8] =	dma.local @!p0 [hbm:s6], $0xF7A  }
0x23: {  	s9 =	sor.u32 $0xD0000000, s2;
	s6 =	simm.s32 $0x108;
	_ =	swait.ge @!p0 [sflag:s8], $0x0  }
0x24: {  	s3 =	sadd.s32 $0x88, s3;
	s6 =	simm.s32 @!p1 $0x1082;
	[sflag:s4] =	ssyncset.s32 $0xFFFFF086  }
0x25: {  	[simem:s6], [sflag:s4] =	dma.local [hbm:s3], $0xF7A  }
0x26: {  	[smem:$0x3F96] =	sst s1;
	(tag) =	ssettag s2;
	_ =	strace s9  }
0x27: {  	s1 =	sld [smem:$0x3FA6]  }
0x28: {  	s2 =	sld [smem:$0x3FA7]  }
0x29: {  	s4 =	sld [smem:$0x3FA9]  }
0x2a: {  	p0 =	seq.s32 s5, $0x0;
	s5 =	sld [smem:$0x3FAA]  }
0x2b: {  	s6 =	sld [smem:$0x3FAB]  }
0x2c: {  	s7 =	sld [smem:$0x3FAC]  }
0x2d: {  	s3 =	simm.s32 $0x108;
	s8 =	sld [smem:$0x3FAD]  }
0x2e: {  	s3 =	simm.s32 @!p0 $0x1082;
	s9 =	sld [smem:$0x3FAE]  }
0x2f: {  	lr =	sadd.s32 s0, s3;
	s0 =	sld [smem:$0x3FA5]  }
0x30: {  	s3 =	sld [smem:$0x3FA8]  }
0x31: {  	[smem:$0x3FB1] =	sst s10  }
0x32: {  	s10 =	sld [smem:$0x3FAF];
	_ =	sdelay $0x3  }
0x33: {  	p0 =	seq.s32 s10, $0x1;
	s10 =	sld [smem:$0x3FB1];
	_ =	sdelay $0x3  }
0x34: {  	[smem:$0x3FB1] =	sst s10  }
0x35: {  	s10 =	sld [smem:$0x3FB0];
	_ =	sdelay $0x3  }
0x36: {  	p1 =	seq.s32 s10, $0x1;
	s10 =	sld [smem:$0x3FB1];
	_ =	sdelay $0x3  }
0x37: {  	[smem:$0x3FB1] =	sst s10  }
0x38: {  	s10 =	sld [smem:$0x3FB2]  }
0x39: {  	_ = 	snop;
	(pc) =	sbr.ind lr, $3  }
0x3a: {  	_ = 	snop  }
0x3b: {  	_ = 	snop  }
0x3c: {  	p2 =	seq.s32 s10, $0x1;
	s10 =	sld [smem:$0x3FB1]  }
0x3d: {  	_ =	shalt  }
0x3e: {  	_ =	shalt  }
0x3f: {  	_ =	shalt  }
0x40: {  	_ =	shalt  }
0x41: {  	_ =	shalt  }
0x42: {  	_ =	shalt  }
0x43: {  	_ =	shalt  }
0x44: {  	_ =	shalt  }
0x45: {  	_ =	shalt  }
0x46: {  	_ =	shalt  }
0x47: {  	_ =	shalt  }
0x48: {  	_ =	shalt  }
0x49: {  	_ =	shalt  }
0x4a: {  	_ =	shalt  }
0x4b: {  	_ =	shalt  }
0x4c: {  	_ =	shalt  }
0x4d: {  	_ =	shalt  }
0x4e: {  	_ =	shalt  }
0x4f: {  	_ =	shalt  }
0x50: {  	_ =	shalt  }
0x51: {  	_ =	shalt  }
0x52: {  	_ =	shalt  }
0x53: {  	_ =	shalt  }
0x54: {  	_ =	shalt  }
0x55: {  	_ =	shalt  }
0x56: {  	_ =	shalt  }
0x57: {  	_ =	shalt  }
0x58: {  	_ =	shalt  }
0x59: {  	_ =	shalt  }
0x5a: {  	_ =	shalt  }
0x5b: {  	_ =	shalt  }
0x5c: {  	_ =	shalt  }
0x5d: {  	_ =	shalt  }
0x5e: {  	_ =	shalt  }
0x5f: {  	_ =	shalt  }
0x60: {  	_ =	shalt  }
0x61: {  	_ =	shalt  }
0x62: {  	_ =	shalt  }
0x63: {  	_ =	shalt  }
0x64: {  	_ =	shalt  }
0x65: {  	_ =	shalt  }
0x66: {  	_ =	shalt  }
0x67: {  	_ =	shalt  }
0x68: {  	_ =	shalt  }
0x69: {  	_ =	shalt  }
0x6a: {  	_ =	shalt  }
0x6b: {  	_ =	shalt  }
0x6c: {  	_ =	shalt  }
0x6d: {  	_ =	shalt  }
0x6e: {  	_ =	shalt  }
0x6f: {  	_ =	shalt  }
0x70: {  	_ =	shalt  }
0x71: {  	_ =	shalt  }
0x72: {  	_ =	shalt  }
0x73: {  	_ =	shalt  }
0x74: {  	_ =	shalt  }
0x75: {  	_ =	shalt  }
0x76: {  	_ =	shalt  }
0x77: {  	_ =	shalt  }
0x78: {  	_ =	shalt  }
0x79: {  	_ =	shalt  }
0x7a: {  	_ =	shalt  }
0x7b: {  	_ =	shalt  }
0x7c: {  	_ =	shalt  }
0x7d: {  	_ =	shalt  }
0x7e: {  	_ =	shalt  }
0x7f: {  	_ =	shalt  }
0x80: {  	_ =	shalt  }
0x81: {  	_ =	shalt  }
0x82: {  	_ =	shalt  }
0x83: {  	_ =	shalt  }
0x84: {  	_ =	shalt  }
0x85: {  	_ =	shalt  }
0x86: {  	_ =	shalt  }
0x87: {  	_ =	shalt  }
.Lfunc_end0:
.L_simem_size_0:
called_computation.3_lowered:
.L_overlay_start_0:
0x88: {  	s2 =	sld [smem:$0x3FD9]  }
0x89: {  	s3 =	sld [smem:$0x3FFE];
	_ =	sdelay $0x1  }
0x8a: {  	s1 =	srdreg.scid  }
0x8b: {  	s0 =	sand.u32 $0x1, s1  }
0x8c: {  	s17 =	sshll.u32 s0, $0xA;
	s2 =	sadd.s32 s3, s2  }
0x8d: {  	s2 =	sadd.s32 s2, s17  }
0x8e: {  	[smem:$0x3FBD] =	sst s2  }
0x8f: {  	_ = 	snop  }
0x90: {  	s2 =	sld [smem:$0x3FD0];
	(tm) =	ssettm $0x1  }
0x91: {  	s18 =	sld [smem:$0x3FFB];
	_ =	sdelay $0x3  }
0x92: {  	_ =	strace s18  }
0x93: {  	s3 =	sld [smem:$0x3FFC];
	_ =	sdelay $0x3  }
0x94: {  	_ =	strace s3  }
0x95: {  	s3 =	sld [smem:$0x3FFD];
	_ =	sdelay $0x3  }
0x96: {  	_ =	strace s3  }
0x97: {  	_ =	strace $0x8FFFFFFF  }
0x98: {  	s19 =	sld [smem:$0x3FDB];
	_ =	sdelay $0x1  }
0x99: {  	s4 =	simm.s32 $_scs_section_size  }
0x9a: {  	s5 =	simm.s32 $_size__tile_overlayer_lowered;
	s6 =	simm.s32 $_tile_overlayer_lowered  }
0x9b: {  	s22 =	simm.s32 $0x1BFF;
	s21 =	sshll.u32 s6, $0x1;
	s3 =	sadd.s32 s4, s19  }
0x9c: {  	s7 =	simm.s32 $0x0;
	s20 =	sshll.u32 s5, $0x1;
	s5 =	sadd.s32 s21, s3  }
0x9d: {  	[timem:s7], [sflag:s22] =	dma.local [hbm:s5], s20  }
0x9e: {  	_ =	swait.ge [sflag:s22], s20  }
0x9f: {  	s4 =	ssub.s32 $0x0, s20;
	[sflag:s22] =	ssyncset.done $0x0  }
0xa0: {  	[sflag:s22] =	ssyncadd.s32 s4;
	_ =	sdelay $0x1  }
0xa1: {  	s23 =	simm.s32 $0x1B8B  }
0xa2: {  	_ =	swait.ge [sflag:s23], $0x1  }
0xa3: {  	[sflag:s23] =	ssyncset.done $0x0  }
0xa4: {  	s25 =	simm.s32 $0x1B8E;
	s24 =	sld [smem:$0x3FFE];
	[sflag:s23] =	ssyncadd.s32 $0xFFFFFFFF  }
0xa5: {  	s26 =	simm.s32 $execute0_lowered;
	[smem:$0x3FD2] =	sst s25  }
0xa6: {  	s5 =	sshll.u32 s26, $0x1;
	_ =	strace $0x8000004F;
	[dreg:$0x1] =	wrdreg $0xFFFFFFFF  }
0xa7: {  	s28 =	simm.s32 $_size_execute0_lowered;
	s3 =	sadd.s32 s3, s5;
	[dreg:$0x0] =	wrdreg $0x0  }
0xa8: {  	s5 =	sshll.u32 s28, $0x1;
	[dreg:$0x2] =	wrdreg s3  }
0xa9: {  	[dreg:$0x3] =	wrdreg s5  }
0xaa: {  	[dreg:$0x4] =	wrdreg $0xC0  }
0xab: {  	_ =	task [dreg:s7], $0x5FFFF  }
0xac: {  	[dreg:$0x1] =	wrdreg $0xFFFFFFFF  }
0xad: {  	[dreg:$0x0] =	wrdreg $0x60  }
0xae: {  	[dreg:$0x2] =	wrdreg s24  }
0xaf: {  	[dreg:$0x3] =	wrdreg s2  }
0xb0: {  	[dreg:$0x4] =	wrdreg $0xB4000  }
0xb1: {  	[dreg:$0x5] =	wrdreg $0x9  }
0xb2: {  	_ =	task.clear_ibuf [dreg:s7], $0x6FFFF;
	_ =	strace $0x9000004F  }
0xb3: {  	s29 =	simm.s32 $0x9;
	_ =	strace $0x80000051  }
0xb4: {  	_ =	swait.ge [sflag:s29], $0x1  }
0xb5: {  	[sflag:s29] =	ssyncadd.s32 $0xFFFFFFFF  }
0xb6: {  	_ =	strace $0x90000051  }
0xb7: {  	_ =	sfence  }
0xb8: {  	s30 =	sld [smem:$0x0];
	_ =	sdelay $0x2  }
0xb9: {  	s31 =	sshll.u32 s1, $0xD;
	s1 =	sshrl.u32 s1, $0x2  }
0xba: {  	s3 =	sand.u32 $0x4000, s31;
	s1 =	sadd.s32 s1, s30  }
0xbb: {  	s0 =	sor.u32 s3, s0;
	s1 =	sshll.u32 s1, $0x11  }
0xbc: {  	s0 =	sor.u32 s1, s0  }
0xbd: {  	s0 =	sadd.s32 $0x8F2B, s0  }
0xbe: {  	[sflag:s0] =	ssyncadd.remote.s32 $0x1  }
0xbf: {  	_ =	sfence.sel $0xFFFF  }
0xc0: {  	[dreg:$0x0] =	wrdreg $0xFFFFFFFF;
	(pc) =	sbr.abs _section_cstart, $3  }
0xc1: {  	[dreg:$0x1] =	wrdreg $0xFFFFFFFF  }
0xc2: {  	_ =	task.clear_ibuf [dreg:s7], $0x2FFFF;
	_ =	strace $0x9FFFFFFF  }
0xc3: {  	(tm) =	ssettm $0x7FFFFFFF  }
tec
execute0_lowered:
.L_overlay_start_1:
0x0: {  	(tag) =	ssettag $0x1  }
0x1: {  	s0 =	rddreg [dreg:$0x0]  }
0x2: {  	s1 =	rddreg [dreg:$0x1]  }
0x3: {  	s2 =	rddreg [dreg:$0x2];
	s4 =	simm.s32 $0x0  }
0x4: {  	s3 =	srdreg.scid;
	s10 =	stileid.u32;
	s28 =	simm.s32 $0x7400  }
0x5: {  	s29 =	simm.s32 $0x1;
	s30 =	simm.s32 $0x9400;
	s31 =	simm.s32 $0x2  }
0x6: {  	[smem:$0x7FF] =	sst s4;
	s3 =	sand.u32 $0x1, s3;
	s8 =	smul.u32 $0x50000, s10  }
0x7: {  	s5 =	sadd.s32 $0x19A00, s0;
	s6 =	sadd.s32 $0x4F400, s0;
	s26 =	smul.u32 $0x2800, s10  }
0x8: {  	s7 =	sadd.s32 $0x1A00, s0;
	s17 =	smul.u32 $0x28000, s3;
	s8 =	sshrl.u32 s8, $0x2  }
0x9: {  	_ =	strace $0x80000050;
	s18 =	ssub.s32 $0x2, s3;
	s8 =	sadd.s32 s8, s2  }
0xa: {  	s3 =	sshll.u32 s3, $0x4;
	s9 =	sshrl.u32 s18, $0x1;
	s19 =	sadd.s32 $0x2000, s8  }
0xb: {  	s3 =	sor.u32 s10, s3;
	s20 =	sadd.s32 $0x4000, s8;
	[dreg:$0x4] =	wrdreg s19  }
0xc: {  	s0 =	sadd.s32 s17, s0;
	s21 =	sadd.s32 $0x6000, s8;
	[dreg:$0x5] =	wrdreg s20  }
0xd: {  	s4 =	ssub.s32 s18, s9;
	s22 =	sadd.s32 $0x8000, s8;
	[dreg:$0x6] =	wrdreg s21  }
0xe: {  	s18 =	smul.u32 $0x5400, s3;
	s23 =	sadd.s32 $0xA000, s8;
	[dreg:$0x7] =	wrdreg s22  }
0xf: {  	s24 =	sadd.s32 $0xC000, s8;
	s25 =	sadd.s32 $0xE000, s8;
	[dreg:$0x8] =	wrdreg s23  }
.Ltmp0:
0x10: {  	s16 =	sadd.s32 $0x10000, s8;
	[dreg:$0x9] =	wrdreg s24;
	(pc) =	sbr.rel .LBB2_1-.Ltmp0, $4  }
0x11: {  	v0 =	vlaneseq.u32;
	s17 =	sadd.s32 $0x12000, s8;
	s0 =	sadd.s32 $0x64400, s0;
	[dreg:$0xa] =	wrdreg s25  }
0x12: {  	v1 =	vmul.u32 $0x80, v0;
	s19 =	smax.u32 s4, $0x1;
	s20 =	simm.s32 $0x5400;
	s21 =	simm.s32 $0x3  }
0x13: {  	v2 =	vimm.f32 $0.0e+00;
	s22 =	simm.s32 $0x1C00;
	s23 =	simm.s32 $0x3800;
	s24 =	sadd.s32 s26, s0  }
0x14: {  	v3 =	vor.u32 $0x800, v1;
	v4 =	vor.u32 $0x1000, v1;
	v5 =	vor.u32 $0x1800, v1;
	s25 =	simm.s32 $0x40;
	s26 =	simm.s32 $0x80;
	s0 =	simm.s32 $0x0  }
.LBB2_12:
0x15: {  	s3 =	stileid.u32;
	s0 =	sadd.s32 $0x1, s0  }
0x16: {  	[bflag:$0x0] =	sbarrier.arrive $0xFFFF;
	s3 =	sshll.u32 s3, $0x6;
	p0 =	sne.s32 s0, s19  }
.Ltmp1:
0x17: {  	s4 =	sshrl.u32 s8, $0x3;
	s3 =	sor.u32 $0x1C03, s3;
	(pc) =	sbr.rel @!p0 .LBB2_13-.Ltmp1, $4  }
0x18: {  	[hbm:s24], [sflag:s3] =	dma.local [spmem:s4], $0x2800  }
0x19: {  	_ =	swait.ge [sflag:s21], $0x2800  }
0x1a: {  	[sflag:s21] =	ssyncset.done $0x0  }
0x1b: {  	[sflag:s21] =	ssyncadd.s32 $0xFFFFD800  }
.LBB2_1:
0x1c: {  	s4 =	simm.s32 $0x0  }
0x1d: {  	s3 =	sand.u32 $0x7E00, s4  }
0x1e: {  	s4 =	sand.u32 $0x70, s4;
	s9 =	sshrl.u32 s3, $0x2  }
0x1f: {  	s3 =	simm.s32 $0x40;
	s9 =	sor.u32 s4, s9;
	s4 =	simm.s32 $0x0  }
.LBB2_2:
0x20: {  	p0 =	sne.s32 s3, $0x7FC0  }
0x21: {  	[tilespmem:s9+$0x5400] =	vst v2;
	s4 =	sadd.s32 $0x10, s4;
	s9 =	smov.u32 s3;
	s3 =	sadd.s32 $0x40, s3  }
.Ltmp2:
0x22: {  	(pc) =	sbr.rel @p0 .LBB2_2-.Ltmp2, $4  }
0x23: {  	_ = 	snop  }
0x24: {  	s9 =	sand.u32 $0x7E00, s9  }
0x25: {  	s10 =	sand.u32 $0x70, s4;
	s9 =	sshrl.u32 s9, $0x2  }
0x26: {  	s9 =	sor.u32 s10, s9  }
0x27: {  	[tilespmem:s9+$0x5400] =	vst v2  }
0x28: {  	[spmem:s8] =	stream.linear.scatter [tilespmem:s20], [sflag:$0x3], $0x2000, $0x38;
	[tilespmem:$0x1F400] =	vst v63  }
0x29: {  	_ =	swait.ge [sflag:s21], $0x2000  }
0x2a: {  	[sflag:s21] =	ssyncset.done $0x0  }
0x2b: {  	s3 =	rddreg [dreg:$0x4];
	[sflag:s21] =	ssyncadd.s32 $0xFFFFE000  }
0x2c: {  	[spmem:s3] =	stream.linear.scatter [tilespmem:s20], [sflag:$0x3], $0x2000, $0x38;
	[tilespmem:$0x1F400] =	vst v63  }
0x2d: {  	_ =	swait.ge [sflag:s21], $0x2000  }
0x2e: {  	[sflag:s21] =	ssyncset.done $0x0  }
0x2f: {  	s10 =	rddreg [dreg:$0x5];
	[sflag:s21] =	ssyncadd.s32 $0xFFFFE000  }
0x30: {  	[spmem:s10] =	stream.linear.scatter [tilespmem:s20], [sflag:$0x3], $0x2000, $0x38;
	[tilespmem:$0x1F400] =	vst v63  }
0x31: {  	_ =	swait.ge [sflag:s21], $0x2000  }
0x32: {  	[sflag:s21] =	ssyncset.done $0x0  }
0x33: {  	s11 =	rddreg [dreg:$0x6];
	[sflag:s21] =	ssyncadd.s32 $0xFFFFE000  }
0x34: {  	[spmem:s11] =	stream.linear.scatter [tilespmem:s20], [sflag:$0x3], $0x2000, $0x38;
	[tilespmem:$0x1F400] =	vst v63  }
0x35: {  	_ =	swait.ge [sflag:s21], $0x2000  }
0x36: {  	[sflag:s21] =	ssyncset.done $0x0  }
0x37: {  	s12 =	rddreg [dreg:$0x7];
	[sflag:s21] =	ssyncadd.s32 $0xFFFFE000  }
0x38: {  	[spmem:s12] =	stream.linear.scatter [tilespmem:s20], [sflag:$0x3], $0x2000, $0x38;
	[tilespmem:$0x1F400] =	vst v63  }
0x39: {  	_ =	swait.ge [sflag:s21], $0x2000  }
0x3a: {  	[sflag:s21] =	ssyncset.done $0x0  }
0x3b: {  	s13 =	rddreg [dreg:$0x8];
	[sflag:s21] =	ssyncadd.s32 $0xFFFFE000  }
0x3c: {  	[spmem:s13] =	stream.linear.scatter [tilespmem:s20], [sflag:$0x3], $0x2000, $0x38;
	[tilespmem:$0x1F400] =	vst v63  }
0x3d: {  	_ =	swait.ge [sflag:s21], $0x2000  }
0x3e: {  	[sflag:s21] =	ssyncset.done $0x0  }
0x3f: {  	s14 =	rddreg [dreg:$0x9];
	[sflag:s21] =	ssyncadd.s32 $0xFFFFE000  }
0x40: {  	[spmem:s14] =	stream.linear.scatter [tilespmem:s20], [sflag:$0x3], $0x2000, $0x38;
	[tilespmem:$0x1F400] =	vst v63  }
0x41: {  	_ =	swait.ge [sflag:s21], $0x2000  }
0x42: {  	[sflag:s21] =	ssyncset.done $0x0  }
0x43: {  	s15 =	rddreg [dreg:$0xa];
	[sflag:s21] =	ssyncadd.s32 $0xFFFFE000  }
0x44: {  	[spmem:s15] =	stream.linear.scatter [tilespmem:s20], [sflag:$0x3], $0x2000, $0x38;
	[tilespmem:$0x1F400] =	vst v63  }
0x45: {  	_ =	swait.ge [sflag:s21], $0x2000  }
0x46: {  	[sflag:s21] =	ssyncset.done $0x0  }
0x47: {  	[sflag:s21] =	ssyncadd.s32 $0xFFFFE000  }
0x48: {  	[spmem:s16] =	stream.linear.scatter [tilespmem:s20], [sflag:$0x3], $0x2000, $0x38;
	[tilespmem:$0x1F400] =	vst v63  }
0x49: {  	_ =	swait.ge [sflag:s21], $0x2000  }
0x4a: {  	[sflag:s21] =	ssyncset.done $0x0  }
0x4b: {  	[sflag:s21] =	ssyncadd.s32 $0xFFFFE000  }
0x4c: {  	[spmem:s17] =	stream.linear.scatter [tilespmem:s20], [sflag:$0x3], $0x2000, $0x38;
	[tilespmem:$0x1F400] =	vst v63  }
.Ltmp3:
0x4d: {  	_ =	swait.ge [sflag:s21], $0x2000;
	(pc) =	sbr.rel .LBB2_4-.Ltmp3, $4  }
0x4e: {  	[sflag:s21] =	ssyncset.done $0x0  }
0x4f: {  	[sflag:s21] =	ssyncadd.s32 $0xFFFFE000  }
0x50: {  	[bflag:$0x0] =	sbarrier.arrive $0xFFFF  }
0x51: {  	s4 =	simm.s32 $0x0;
	s3 =	simm.s32 $0x0  }
.LBB2_11:
0x52: {  	s3 =	sadd.s32 $0x1, s3  }
0x53: {  	p0 =	sne.s32 s3, $0x3  }
.Ltmp4:
0x54: {  	_ = 	snop;
	(pc) =	sbr.rel @!p0 .LBB2_12-.Ltmp4, $1  }
0x55: {  	_ =	sdelay $0x3  }
.LBB2_4:
0x56: {  	s9 =	smul.u32 $0x1C00, s3;
	_ =	sdelay $0x1  }
0x57: {  	s9 =	sadd.s32 s18, s9  }
0x58: {  	s9 =	sshrl.u32 s9, $0x3  }
0x59: {  	s10 =	sadd.s32 s1, s9  }
0x5a: {  	[tilespmem:s4], [sflag:$0x3] =	stream.linear.gather [hbm4b:s10+s4], $0x1C00, $0x38;
	[tilespmem:$0x1F400] =	vst v63  }
0x5b: {  	_ =	swait.ge [sflag:s21], $0x1C00  }
0x5c: {  	[sflag:s21] =	ssyncset.done $0x0  }
0x5d: {  	s15 =	sadd.s32 s6, s9;
	[sflag:s21] =	ssyncadd.s32 $0xFFFFE400  }
0x5e: {  	[tilespmem:s22], [sflag:$0x3] =	stream.linear.gather [hbm4b:s15+s4], $0x1C00, $0x38;
	[tilespmem:$0x1F400] =	vst v63  }
0x5f: {  	_ =	swait.ge [sflag:s21], $0x1C00  }
0x60: {  	[sflag:s21] =	ssyncset.done $0x0  }
0x61: {  	s9 =	sadd.s32 s7, s9;
	[sflag:s21] =	ssyncadd.s32 $0xFFFFE400  }
0x62: {  	[tilespmem:s23], [sflag:$0x3] =	stream.linear.gather [hbm4b:s9+s4], $0x1C00, $0x38;
	[tilespmem:$0x1F400] =	vst v63  }
0x63: {  	_ =	swait.ge [sflag:s21], $0x1C00  }
0x64: {  	[sflag:s21] =	ssyncset.done $0x0  }
0x65: {  	[sflag:s21] =	ssyncadd.s32 $0xFFFFE400  }
0x66: {  	[tilespmem:s20], [sflag:$0x1] =	stream.indirect.gather [hbm4b:s5+s25], $0x80, s4, s25, $0xb8;
	[tilespmem:$0x1F400] =	vst v63  }
0x67: {  	s9 =	simm.s32 $0x0  }
0x68: {  	[tilespmem:s28], [sflag:$0x2] =	stream.indirect.gather [hbm4b:s5+s25], $0x80, s26, s25, $0xb8;
	[tilespmem:$0x1F400] =	vst v63  }
.LBB2_5:
0x69: {  	s10 =	simm.s32 $0x0  }
0x6a: {  	v6 =	vadd.s32 s10, v0  }
0x6b: {  	v10 =	vand.u32 $0x7F, v6  }
0x6c: {  	v11 =	vor.u32 v1, v10  }
0x6d: {  	_ =	swait.ge [sflag:s29], $0x2000  }
0x6e: {  	[sflag:s29] =	ssyncset.done $0x0  }
0x6f: {  	s10 =	sshll.u32 s9, $0x8;
	[sflag:s29] =	ssyncadd.s32 $0xFFFFE000  }
0x70: {  	v9 =	vld [tilespmem:s10+$0x3800]  }
0x71: {  	v6 =	vld.idx.msk [tilespmem:v11+s20+$0x0], $0xffff;
	_ =	sdelay $0x2  }
0x72: {  	v12 =	vor.u32 v3, v10;
	_ =	sdelay $0x1  }
0x73: {  	v8 =	vld [tilespmem:s10+$0x3810];
	v13 =	vmul.f32 v6, v9  }
0x74: {  	v7 =	vld [tilespmem:s10+$0x3820]  }
0x75: {  	v6 =	vld [tilespmem:s10+$0x3830];
	[tilespmem:v11+s30+$0x0] =	vst.idx.msk $0xffff, v13  }
0x76: {  	v11 =	vld.idx.msk [tilespmem:v12+s20+$0x0], $0xffff;
	_ =	sdelay $0x2  }
0x77: {  	v13 =	vor.u32 v4, v10;
	_ =	sdelay $0x1  }
0x78: {  	v11 =	vmul.f32 v11, v8;
	_ =	sdelay $0x1  }
0x79: {  	[tilespmem:v12+s30+$0x0] =	vst.idx.msk $0xffff, v11  }
0x7a: {  	v11 =	vld.idx.msk [tilespmem:v13+s20+$0x0], $0xffff;
	_ =	sdelay $0x2  }
0x7b: {  	v10 =	vor.u32 v5, v10;
	_ =	sdelay $0x1  }
0x7c: {  	v11 =	vmul.f32 v11, v7;
	_ =	sdelay $0x1  }
0x7d: {  	[tilespmem:v13+s30+$0x0] =	vst.idx.msk $0xffff, v11  }
0x7e: {  	s11 =	simm.s32 $0x1;
	v11 =	vld.idx.msk [tilespmem:v10+s20+$0x0], $0xffff  }
0x7f: {  	v12 =	vadd.s32 s11, v0  }
0x80: {  	v12 =	vand.u32 $0x7F, v12  }
0x81: {  	v13 =	vor.u32 v1, v12;
	_ =	sdelay $0x1  }
0x82: {  	v11 =	vmul.f32 v11, v6;
	_ =	sdelay $0x1  }
0x83: {  	[tilespmem:v10+s30+$0x0] =	vst.idx.msk $0xffff, v11  }
0x84: {  	v10 =	vld.idx.msk [tilespmem:v13+s20+$0x0], $0xffff;
	_ =	sdelay $0x2  }
0x85: {  	v11 =	vor.u32 v3, v12;
	_ =	sdelay $0x1  }
0x86: {  	v10 =	vmul.f32 v10, v9;
	_ =	sdelay $0x1  }
0x87: {  	[tilespmem:v13+s30+$0x0] =	vst.idx.msk $0xffff, v10  }
0x88: {  	v10 =	vld.idx.msk [tilespmem:v11+s20+$0x0], $0xffff;
	_ =	sdelay $0x2  }
0x89: {  	v13 =	vor.u32 v4, v12;
	_ =	sdelay $0x1  }
0x8a: {  	v10 =	vmul.f32 v10, v8;
	_ =	sdelay $0x1  }
0x8b: {  	[tilespmem:v11+s30+$0x0] =	vst.idx.msk $0xffff, v10  }
0x8c: {  	v10 =	vld.idx.msk [tilespmem:v13+s20+$0x0], $0xffff;
	_ =	sdelay $0x2  }
0x8d: {  	v11 =	vor.u32 v5, v12;
	_ =	sdelay $0x1  }
0x8e: {  	v10 =	vmul.f32 v10, v7;
	_ =	sdelay $0x1  }
0x8f: {  	[tilespmem:v13+s30+$0x0] =	vst.idx.msk $0xffff, v10  }
0x90: {  	s14 =	simm.s32 $0x2;
	v10 =	vld.idx.msk [tilespmem:v11+s20+$0x0], $0xffff  }
0x91: {  	v12 =	vadd.s32 s14, v0  }
0x92: {  	v12 =	vand.u32 $0x7F, v12  }
0x93: {  	v13 =	vor.u32 v1, v12;
	_ =	sdelay $0x1  }
0x94: {  	v10 =	vmul.f32 v10, v6;
	_ =	sdelay $0x1  }
0x95: {  	[tilespmem:v11+s30+$0x0] =	vst.idx.msk $0xffff, v10  }
0x96: {  	v10 =	vld.idx.msk [tilespmem:v13+s20+$0x0], $0xffff;
	_ =	sdelay $0x2  }
0x97: {  	v11 =	vor.u32 v3, v12;
	_ =	sdelay $0x1  }
0x98: {  	v10 =	vmul.f32 v10, v9;
	_ =	sdelay $0x1  }
0x99: {  	[tilespmem:v13+s30+$0x0] =	vst.idx.msk $0xffff, v10  }
0x9a: {  	v10 =	vld.idx.msk [tilespmem:v11+s20+$0x0], $0xffff;
	_ =	sdelay $0x2  }
0x9b: {  	v13 =	vor.u32 v4, v12;
	_ =	sdelay $0x1  }
0x9c: {  	v10 =	vmul.f32 v10, v8;
	_ =	sdelay $0x1  }
0x9d: {  	[tilespmem:v11+s30+$0x0] =	vst.idx.msk $0xffff, v10  }
0x9e: {  	v10 =	vld.idx.msk [tilespmem:v13+s20+$0x0], $0xffff;
	_ =	sdelay $0x2  }
0x9f: {  	v11 =	vor.u32 v5, v12;
	_ =	sdelay $0x1  }
0xa0: {  	v10 =	vmul.f32 v10, v7;
	_ =	sdelay $0x1  }
0xa1: {  	[tilespmem:v13+s30+$0x0] =	vst.idx.msk $0xffff, v10  }
0xa2: {  	s15 =	simm.s32 $0x3;
	v10 =	vld.idx.msk [tilespmem:v11+s20+$0x0], $0xffff  }
0xa3: {  	v12 =	vadd.s32 s15, v0  }
0xa4: {  	v12 =	vand.u32 $0x7F, v12  }
0xa5: {  	v13 =	vor.u32 v1, v12;
	_ =	sdelay $0x1  }
0xa6: {  	v10 =	vmul.f32 v10, v6;
	_ =	sdelay $0x1  }
0xa7: {  	[tilespmem:v11+s30+$0x0] =	vst.idx.msk $0xffff, v10  }
0xa8: {  	v10 =	vld.idx.msk [tilespmem:v13+s20+$0x0], $0xffff;
	_ =	sdelay $0x2  }
0xa9: {  	v11 =	vor.u32 v3, v12;
	_ =	sdelay $0x1  }
0xaa: {  	v10 =	vmul.f32 v10, v9;
	_ =	sdelay $0x1  }
0xab: {  	[tilespmem:v13+s30+$0x0] =	vst.idx.msk $0xffff, v10  }
0xac: {  	v10 =	vld.idx.msk [tilespmem:v11+s20+$0x0], $0xffff;
	_ =	sdelay $0x2  }
0xad: {  	v13 =	vor.u32 v4, v12;
	_ =	sdelay $0x1  }
0xae: {  	v10 =	vmul.f32 v10, v8;
	_ =	sdelay $0x1  }
0xaf: {  	[tilespmem:v11+s30+$0x0] =	vst.idx.msk $0xffff, v10  }
0xb0: {  	v10 =	vld.idx.msk [tilespmem:v13+s20+$0x0], $0xffff;
	_ =	sdelay $0x2  }
0xb1: {  	v11 =	vor.u32 v5, v12;
	_ =	sdelay $0x1  }
0xb2: {  	v10 =	vmul.f32 v10, v7;
	_ =	sdelay $0x1  }
0xb3: {  	[tilespmem:v13+s30+$0x0] =	vst.idx.msk $0xffff, v10  }
0xb4: {  	s11 =	simm.s32 $0x4;
	v13 =	vld.idx.msk [tilespmem:v11+s20+$0x0], $0xffff  }
0xb5: {  	v10 =	vadd.s32 s11, v0  }
0xb6: {  	v10 =	vand.u32 $0x7F, v10  }
0xb7: {  	v12 =	vor.u32 v1, v10;
	_ =	sdelay $0x1  }
0xb8: {  	s12 =	simm.s32 $0x8;
	v13 =	vmul.f32 v13, v6  }
.LBB2_6:
0xb9: {  	_ = 	snop  }
0xba: {  	p0 =	sne.s32 s12, $0x7C;
	s13 =	smov.u32 s12;
	s12 =	sadd.s32 $0x4, s12;
	[tilespmem:v11+s30+$0x0] =	vst.idx.msk $0xffff, v13  }
0xbb: {  	v11 =	vld.idx.msk [tilespmem:v12+s20+$0x0], $0xffff;
	_ =	sdelay $0x3  }
0xbc: {  	v13 =	vor.u32 v3, v10;
	_ =	sdelay $0x1  }
0xbd: {  	v11 =	vmul.f32 v11, v9;
	_ =	sdelay $0x1  }
0xbe: {  	[tilespmem:v12+s30+$0x0] =	vst.idx.msk $0xffff, v11  }
0xbf: {  	v11 =	vld.idx.msk [tilespmem:v13+s20+$0x0], $0xffff;
	_ =	sdelay $0x3  }
0xc0: {  	v12 =	vor.u32 v4, v10;
	_ =	sdelay $0x1  }
0xc1: {  	v11 =	vmul.f32 v11, v8;
	_ =	sdelay $0x1  }
0xc2: {  	[tilespmem:v13+s30+$0x0] =	vst.idx.msk $0xffff, v11  }
0xc3: {  	v11 =	vld.idx.msk [tilespmem:v12+s20+$0x0], $0xffff;
	_ =	sdelay $0x3  }
0xc4: {  	v10 =	vor.u32 v5, v10;
	_ =	sdelay $0x1  }
0xc5: {  	v11 =	vmul.f32 v11, v7;
	_ =	sdelay $0x1  }
0xc6: {  	[tilespmem:v12+s30+$0x0] =	vst.idx.msk $0xffff, v11  }
0xc7: {  	v11 =	vld.idx.msk [tilespmem:v10+s20+$0x0], $0xffff  }
0xc8: {  	s14 =	sadd.s32 $0x1, s11  }
0xc9: {  	v12 =	vadd.s32 s14, v0  }
0xca: {  	v12 =	vand.u32 $0x7F, v12  }
0xcb: {  	v13 =	vor.u32 v1, v12;
	_ =	sdelay $0x1  }
0xcc: {  	v11 =	vmul.f32 v11, v6;
	_ =	sdelay $0x1  }
0xcd: {  	[tilespmem:v10+s30+$0x0] =	vst.idx.msk $0xffff, v11  }
0xce: {  	v10 =	vld.idx.msk [tilespmem:v13+s20+$0x0], $0xffff;
	_ =	sdelay $0x3  }
0xcf: {  	v11 =	vor.u32 v3, v12;
	_ =	sdelay $0x1  }
0xd0: {  	v10 =	vmul.f32 v10, v9;
	_ =	sdelay $0x1  }
0xd1: {  	[tilespmem:v13+s30+$0x0] =	vst.idx.msk $0xffff, v10  }
0xd2: {  	v10 =	vld.idx.msk [tilespmem:v11+s20+$0x0], $0xffff;
	_ =	sdelay $0x3  }
0xd3: {  	v13 =	vor.u32 v4, v12;
	_ =	sdelay $0x1  }
0xd4: {  	v10 =	vmul.f32 v10, v8;
	_ =	sdelay $0x1  }
0xd5: {  	[tilespmem:v11+s30+$0x0] =	vst.idx.msk $0xffff, v10  }
0xd6: {  	v10 =	vld.idx.msk [tilespmem:v13+s20+$0x0], $0xffff;
	_ =	sdelay $0x3  }
0xd7: {  	v11 =	vor.u32 v5, v12;
	_ =	sdelay $0x1  }
0xd8: {  	v10 =	vmul.f32 v10, v7;
	_ =	sdelay $0x1  }
0xd9: {  	[tilespmem:v13+s30+$0x0] =	vst.idx.msk $0xffff, v10  }
0xda: {  	v10 =	vld.idx.msk [tilespmem:v11+s20+$0x0], $0xffff  }
0xdb: {  	s14 =	sadd.s32 $0x2, s11  }
0xdc: {  	v12 =	vadd.s32 s14, v0  }
0xdd: {  	v12 =	vand.u32 $0x7F, v12  }
0xde: {  	v13 =	vor.u32 v1, v12;
	_ =	sdelay $0x1  }
0xdf: {  	v10 =	vmul.f32 v10, v6;
	_ =	sdelay $0x1  }
0xe0: {  	[tilespmem:v11+s30+$0x0] =	vst.idx.msk $0xffff, v10  }
0xe1: {  	v10 =	vld.idx.msk [tilespmem:v13+s20+$0x0], $0xffff;
	_ =	sdelay $0x3  }
0xe2: {  	v11 =	vor.u32 v3, v12;
	_ =	sdelay $0x1  }
0xe3: {  	v10 =	vmul.f32 v10, v9;
	_ =	sdelay $0x1  }
0xe4: {  	[tilespmem:v13+s30+$0x0] =	vst.idx.msk $0xffff, v10  }
0xe5: {  	v10 =	vld.idx.msk [tilespmem:v11+s20+$0x0], $0xffff;
	_ =	sdelay $0x3  }
0xe6: {  	v13 =	vor.u32 v4, v12;
	_ =	sdelay $0x1  }
0xe7: {  	v10 =	vmul.f32 v10, v8;
	_ =	sdelay $0x1  }
0xe8: {  	[tilespmem:v11+s30+$0x0] =	vst.idx.msk $0xffff, v10  }
0xe9: {  	v10 =	vld.idx.msk [tilespmem:v13+s20+$0x0], $0xffff;
	_ =	sdelay $0x3  }
0xea: {  	v11 =	vor.u32 v5, v12;
	_ =	sdelay $0x1  }
0xeb: {  	v10 =	vmul.f32 v10, v7;
	_ =	sdelay $0x1  }
0xec: {  	[tilespmem:v13+s30+$0x0] =	vst.idx.msk $0xffff, v10  }
0xed: {  	v10 =	vld.idx.msk [tilespmem:v11+s20+$0x0], $0xffff  }
0xee: {  	s14 =	sadd.s32 $0x3, s11;
	s11 =	smov.u32 s13  }
0xef: {  	v12 =	vadd.s32 s14, v0  }
0xf0: {  	v12 =	vand.u32 $0x7F, v12  }
0xf1: {  	v13 =	vor.u32 v1, v12;
	_ =	sdelay $0x1  }
0xf2: {  	v10 =	vmul.f32 v10, v6;
	_ =	sdelay $0x1  }
0xf3: {  	[tilespmem:v11+s30+$0x0] =	vst.idx.msk $0xffff, v10  }
0xf4: {  	v10 =	vld.idx.msk [tilespmem:v13+s20+$0x0], $0xffff;
	_ =	sdelay $0x3  }
0xf5: {  	v11 =	vor.u32 v3, v12;
	_ =	sdelay $0x1  }
0xf6: {  	v10 =	vmul.f32 v10, v9;
	_ =	sdelay $0x1  }
0xf7: {  	[tilespmem:v13+s30+$0x0] =	vst.idx.msk $0xffff, v10  }
0xf8: {  	v10 =	vld.idx.msk [tilespmem:v11+s20+$0x0], $0xffff;
	_ =	sdelay $0x3  }
0xf9: {  	v13 =	vor.u32 v4, v12;
	_ =	sdelay $0x1  }
0xfa: {  	v10 =	vmul.f32 v10, v8;
	_ =	sdelay $0x1  }
0xfb: {  	[tilespmem:v11+s30+$0x0] =	vst.idx.msk $0xffff, v10  }
0xfc: {  	v10 =	vld.idx.msk [tilespmem:v13+s20+$0x0], $0xffff;
	_ =	sdelay $0x3  }
0xfd: {  	v11 =	vor.u32 v5, v12;
	_ =	sdelay $0x1  }
0xfe: {  	v10 =	vmul.f32 v10, v7;
	_ =	sdelay $0x1  }
0xff: {  	[tilespmem:v13+s30+$0x0] =	vst.idx.msk $0xffff, v10  }
0x100: {  	v13 =	vld.idx.msk [tilespmem:v11+s20+$0x0], $0xffff;
	_ =	sdelay $0x1  }
.Ltmp5:
0x101: {  	v10 =	vadd.s32 s11, v0;
	(pc) =	sbr.rel @p0 .LBB2_6-.Ltmp5, $3  }
0x102: {  	v10 =	vand.u32 $0x7F, v10  }
0x103: {  	v12 =	vor.u32 v1, v10;
	_ =	sdelay $0x1  }
0x104: {  	v13 =	vmul.f32 v13, v6  }
0x105: {  	_ =	sdelay $0x3  }
0x106: {  	[tilespmem:v11+s30+$0x0] =	vst.idx.msk $0xffff, v13  }
0x107: {  	v11 =	vld.idx.msk [tilespmem:v12+s20+$0x0], $0xffff;
	_ =	sdelay $0x2  }
0x108: {  	v13 =	vor.u32 v3, v10;
	_ =	sdelay $0x1  }
0x109: {  	v11 =	vmul.f32 v11, v9;
	_ =	sdelay $0x1  }
0x10a: {  	[tilespmem:v12+s30+$0x0] =	vst.idx.msk $0xffff, v11  }
0x10b: {  	v11 =	vld.idx.msk [tilespmem:v13+s20+$0x0], $0xffff;
	_ =	sdelay $0x2  }
0x10c: {  	v12 =	vor.u32 v4, v10;
	_ =	sdelay $0x1  }
0x10d: {  	v11 =	vmul.f32 v11, v8;
	_ =	sdelay $0x1  }
0x10e: {  	[tilespmem:v13+s30+$0x0] =	vst.idx.msk $0xffff, v11  }
0x10f: {  	v11 =	vld.idx.msk [tilespmem:v12+s20+$0x0], $0xffff;
	_ =	sdelay $0x2  }
0x110: {  	v10 =	vor.u32 v5, v10;
	_ =	sdelay $0x1  }
0x111: {  	v11 =	vmul.f32 v11, v7;
	_ =	sdelay $0x1  }
0x112: {  	[tilespmem:v12+s30+$0x0] =	vst.idx.msk $0xffff, v11  }
0x113: {  	s12 =	sadd.s32 $0x1, s11;
	v11 =	vld.idx.msk [tilespmem:v10+s20+$0x0], $0xffff  }
0x114: {  	v12 =	vadd.s32 s12, v0  }
0x115: {  	v12 =	vand.u32 $0x7F, v12  }
0x116: {  	v13 =	vor.u32 v1, v12;
	_ =	sdelay $0x1  }
0x117: {  	v11 =	vmul.f32 v11, v6;
	_ =	sdelay $0x1  }
0x118: {  	[tilespmem:v10+s30+$0x0] =	vst.idx.msk $0xffff, v11  }
0x119: {  	v10 =	vld.idx.msk [tilespmem:v13+s20+$0x0], $0xffff;
	_ =	sdelay $0x2  }
0x11a: {  	v11 =	vor.u32 v3, v12;
	_ =	sdelay $0x1  }
0x11b: {  	v10 =	vmul.f32 v10, v9;
	_ =	sdelay $0x1  }
0x11c: {  	[tilespmem:v13+s30+$0x0] =	vst.idx.msk $0xffff, v10  }
0x11d: {  	v10 =	vld.idx.msk [tilespmem:v11+s20+$0x0], $0xffff;
	_ =	sdelay $0x2  }
0x11e: {  	v13 =	vor.u32 v4, v12;
	_ =	sdelay $0x1  }
0x11f: {  	v10 =	vmul.f32 v10, v8;
	_ =	sdelay $0x1  }
0x120: {  	[tilespmem:v11+s30+$0x0] =	vst.idx.msk $0xffff, v10  }
0x121: {  	v10 =	vld.idx.msk [tilespmem:v13+s20+$0x0], $0xffff;
	_ =	sdelay $0x2  }
0x122: {  	v11 =	vor.u32 v5, v12;
	_ =	sdelay $0x1  }
0x123: {  	v10 =	vmul.f32 v10, v7;
	_ =	sdelay $0x1  }
0x124: {  	[tilespmem:v13+s30+$0x0] =	vst.idx.msk $0xffff, v10  }
0x125: {  	s15 =	sadd.s32 $0x2, s11;
	v10 =	vld.idx.msk [tilespmem:v11+s20+$0x0], $0xffff  }
0x126: {  	v12 =	vadd.s32 s15, v0  }
0x127: {  	v12 =	vand.u32 $0x7F, v12  }
0x128: {  	v13 =	vor.u32 v1, v12;
	_ =	sdelay $0x1  }
0x129: {  	v10 =	vmul.f32 v10, v6;
	_ =	sdelay $0x1  }
0x12a: {  	[tilespmem:v11+s30+$0x0] =	vst.idx.msk $0xffff, v10  }
0x12b: {  	v10 =	vld.idx.msk [tilespmem:v13+s20+$0x0], $0xffff;
	_ =	sdelay $0x2  }
0x12c: {  	v11 =	vor.u32 v3, v12;
	_ =	sdelay $0x1  }
0x12d: {  	v10 =	vmul.f32 v10, v9;
	_ =	sdelay $0x1  }
0x12e: {  	[tilespmem:v13+s30+$0x0] =	vst.idx.msk $0xffff, v10  }
0x12f: {  	v10 =	vld.idx.msk [tilespmem:v11+s20+$0x0], $0xffff;
	_ =	sdelay $0x2  }
0x130: {  	v13 =	vor.u32 v4, v12;
	_ =	sdelay $0x1  }
0x131: {  	v10 =	vmul.f32 v10, v8;
	_ =	sdelay $0x1  }
0x132: {  	[tilespmem:v11+s30+$0x0] =	vst.idx.msk $0xffff, v10  }
0x133: {  	v10 =	vld.idx.msk [tilespmem:v13+s20+$0x0], $0xffff;
	_ =	sdelay $0x2  }
0x134: {  	v11 =	vor.u32 v5, v12;
	_ =	sdelay $0x1  }
0x135: {  	v10 =	vmul.f32 v10, v7;
	_ =	sdelay $0x1  }
0x136: {  	[tilespmem:v13+s30+$0x0] =	vst.idx.msk $0xffff, v10  }
0x137: {  	s13 =	sadd.s32 $0x3, s11;
	v10 =	vld.idx.msk [tilespmem:v11+s20+$0x0], $0xffff  }
0x138: {  	v12 =	vadd.s32 s13, v0  }
0x139: {  	v12 =	vand.u32 $0x7F, v12  }
0x13a: {  	v13 =	vor.u32 v1, v12;
	_ =	sdelay $0x1  }
0x13b: {  	v10 =	vmul.f32 v10, v6;
	_ =	sdelay $0x1  }
0x13c: {  	[tilespmem:v11+s30+$0x0] =	vst.idx.msk $0xffff, v10  }
0x13d: {  	v10 =	vld.idx.msk [tilespmem:v13+s20+$0x0], $0xffff;
	_ =	sdelay $0x2  }
0x13e: {  	v11 =	vor.u32 v3, v12;
	_ =	sdelay $0x1  }
0x13f: {  	v9 =	vmul.f32 v10, v9;
	_ =	sdelay $0x1  }
0x140: {  	[tilespmem:v13+s30+$0x0] =	vst.idx.msk $0xffff, v9  }
0x141: {  	v9 =	vld.idx.msk [tilespmem:v11+s20+$0x0], $0xffff;
	_ =	sdelay $0x2  }
0x142: {  	v10 =	vor.u32 v4, v12;
	_ =	sdelay $0x1  }
0x143: {  	v8 =	vmul.f32 v9, v8;
	_ =	sdelay $0x1  }
0x144: {  	[tilespmem:v11+s30+$0x0] =	vst.idx.msk $0xffff, v8  }
0x145: {  	v8 =	vld.idx.msk [tilespmem:v10+s20+$0x0], $0xffff;
	_ =	sdelay $0x2  }
0x146: {  	v9 =	vor.u32 v5, v12;
	_ =	sdelay $0x1  }
0x147: {  	v7 =	vmul.f32 v8, v7;
	_ =	sdelay $0x1  }
0x148: {  	[tilespmem:v10+s30+$0x0] =	vst.idx.msk $0xffff, v7  }
0x149: {  	v7 =	vld.idx.msk [tilespmem:v9+s20+$0x0], $0xffff;
	_ =	sdelay $0x4  }
0x14a: {  	v6 =	vmul.f32 v7, v6;
	_ =	sdelay $0x1  }
0x14b: {  	s14 =	sadd.s32 $0x1C00, s10;
	s11 =	sshll.u32 s9, $0xA;
	p0 =	seq.s32 s9, $0x1B;
	[tilespmem:v9+s30+$0x0] =	vst.idx.msk $0xffff, v6  }
0x14c: {  	[spmem:s2] =	stream.indirect.scatter.add.f32 [tilespmem:s30], [sflag:$0x3], $0x80, s14, s25, $0xb8;
	[tilespmem:$0x1F400] =	vst v63  }
0x14d: {  	s15 =	simm.s32 $0x0;
	s13 =	sshrl.u32 @!p0 s11, $0x2;
	_ =	swait.ge [sflag:s21], $0x2000  }
0x14e: {  	s12 =	sadd.s32 @!p0 $0x100, s13;
	v6 =	vadd.s32 s15, v0;
	[sflag:s21] =	ssyncset.done $0x0  }
0x14f: {  	s13 =	simm.s32 @!p0 $0x40;
	s14 =	simm.s32 @!p0 $0x5400;
	v10 =	vand.u32 $0x7F, v6;
	[sflag:s21] =	ssyncadd.s32 $0xFFFFE000  }
0x150: {  	v11 =	vor.u32 v1, v10;
	[tilespmem:s14], [sflag:$0x1] =	stream.indirect.gather @!p0 [hbm4b:s5+s13], $0x80, s12, s13, $0xb8;
	[tilespmem:$0x1F400] =	vst v63  }
0x151: {  	_ =	swait.ge [sflag:s31], $0x2000  }
0x152: {  	[sflag:s31] =	ssyncset.done $0x0  }
0x153: {  	[sflag:s31] =	ssyncadd.s32 $0xFFFFE000  }
0x154: {  	v9 =	vld [tilespmem:s10+$0x3880]  }
0x155: {  	v6 =	vld.idx.msk [tilespmem:v11+s28+$0x0], $0xffff;
	_ =	sdelay $0x2  }
0x156: {  	v12 =	vor.u32 v3, v10;
	_ =	sdelay $0x1  }
0x157: {  	v8 =	vld [tilespmem:s10+$0x3890];
	v13 =	vmul.f32 v6, v9  }
0x158: {  	v7 =	vld [tilespmem:s10+$0x38A0]  }
0x159: {  	v6 =	vld [tilespmem:s10+$0x38B0];
	[tilespmem:v11+s30+$0x0] =	vst.idx.msk $0xffff, v13  }
0x15a: {  	v11 =	vld.idx.msk [tilespmem:v12+s28+$0x0], $0xffff;
	_ =	sdelay $0x2  }
0x15b: {  	v13 =	vor.u32 v4, v10;
	_ =	sdelay $0x1  }
0x15c: {  	v11 =	vmul.f32 v11, v8;
	_ =	sdelay $0x1  }
0x15d: {  	[tilespmem:v12+s30+$0x0] =	vst.idx.msk $0xffff, v11  }
0x15e: {  	v11 =	vld.idx.msk [tilespmem:v13+s28+$0x0], $0xffff;
	_ =	sdelay $0x2  }
0x15f: {  	v10 =	vor.u32 v5, v10;
	_ =	sdelay $0x1  }
0x160: {  	v11 =	vmul.f32 v11, v7;
	_ =	sdelay $0x1  }
0x161: {  	[tilespmem:v13+s30+$0x0] =	vst.idx.msk $0xffff, v11  }
0x162: {  	s13 =	simm.s32 $0x1;
	v11 =	vld.idx.msk [tilespmem:v10+s28+$0x0], $0xffff  }
0x163: {  	v12 =	vadd.s32 s13, v0  }
0x164: {  	v12 =	vand.u32 $0x7F, v12  }
0x165: {  	v13 =	vor.u32 v1, v12;
	_ =	sdelay $0x1  }
0x166: {  	v11 =	vmul.f32 v11, v6;
	_ =	sdelay $0x1  }
0x167: {  	[tilespmem:v10+s30+$0x0] =	vst.idx.msk $0xffff, v11  }
0x168: {  	v10 =	vld.idx.msk [tilespmem:v13+s28+$0x0], $0xffff;
	_ =	sdelay $0x2  }
0x169: {  	v11 =	vor.u32 v3, v12;
	_ =	sdelay $0x1  }
0x16a: {  	v10 =	vmul.f32 v10, v9;
	_ =	sdelay $0x1  }
0x16b: {  	[tilespmem:v13+s30+$0x0] =	vst.idx.msk $0xffff, v10  }
0x16c: {  	v10 =	vld.idx.msk [tilespmem:v11+s28+$0x0], $0xffff;
	_ =	sdelay $0x2  }
0x16d: {  	v13 =	vor.u32 v4, v12;
	_ =	sdelay $0x1  }
0x16e: {  	v10 =	vmul.f32 v10, v8;
	_ =	sdelay $0x1  }
0x16f: {  	[tilespmem:v11+s30+$0x0] =	vst.idx.msk $0xffff, v10  }
0x170: {  	v10 =	vld.idx.msk [tilespmem:v13+s28+$0x0], $0xffff;
	_ =	sdelay $0x2  }
0x171: {  	v11 =	vor.u32 v5, v12;
	_ =	sdelay $0x1  }
0x172: {  	v10 =	vmul.f32 v10, v7;
	_ =	sdelay $0x1  }
0x173: {  	[tilespmem:v13+s30+$0x0] =	vst.idx.msk $0xffff, v10  }
0x174: {  	s14 =	simm.s32 $0x2;
	v10 =	vld.idx.msk [tilespmem:v11+s28+$0x0], $0xffff  }
0x175: {  	v12 =	vadd.s32 s14, v0  }
0x176: {  	v12 =	vand.u32 $0x7F, v12  }
0x177: {  	v13 =	vor.u32 v1, v12;
	_ =	sdelay $0x1  }
0x178: {  	v10 =	vmul.f32 v10, v6;
	_ =	sdelay $0x1  }
0x179: {  	[tilespmem:v11+s30+$0x0] =	vst.idx.msk $0xffff, v10  }
0x17a: {  	v10 =	vld.idx.msk [tilespmem:v13+s28+$0x0], $0xffff;
	_ =	sdelay $0x2  }
0x17b: {  	v11 =	vor.u32 v3, v12;
	_ =	sdelay $0x1  }
0x17c: {  	v10 =	vmul.f32 v10, v9;
	_ =	sdelay $0x1  }
0x17d: {  	[tilespmem:v13+s30+$0x0] =	vst.idx.msk $0xffff, v10  }
0x17e: {  	v10 =	vld.idx.msk [tilespmem:v11+s28+$0x0], $0xffff;
	_ =	sdelay $0x2  }
0x17f: {  	v13 =	vor.u32 v4, v12;
	_ =	sdelay $0x1  }
0x180: {  	v10 =	vmul.f32 v10, v8;
	_ =	sdelay $0x1  }
0x181: {  	[tilespmem:v11+s30+$0x0] =	vst.idx.msk $0xffff, v10  }
0x182: {  	v10 =	vld.idx.msk [tilespmem:v13+s28+$0x0], $0xffff;
	_ =	sdelay $0x2  }
0x183: {  	v11 =	vor.u32 v5, v12;
	_ =	sdelay $0x1  }
0x184: {  	v10 =	vmul.f32 v10, v7;
	_ =	sdelay $0x1  }
0x185: {  	[tilespmem:v13+s30+$0x0] =	vst.idx.msk $0xffff, v10  }
0x186: {  	s15 =	simm.s32 $0x3;
	v10 =	vld.idx.msk [tilespmem:v11+s28+$0x0], $0xffff  }
0x187: {  	v12 =	vadd.s32 s15, v0  }
0x188: {  	v12 =	vand.u32 $0x7F, v12  }
0x189: {  	v13 =	vor.u32 v1, v12;
	_ =	sdelay $0x1  }
0x18a: {  	v10 =	vmul.f32 v10, v6;
	_ =	sdelay $0x1  }
0x18b: {  	[tilespmem:v11+s30+$0x0] =	vst.idx.msk $0xffff, v10  }
0x18c: {  	v10 =	vld.idx.msk [tilespmem:v13+s28+$0x0], $0xffff;
	_ =	sdelay $0x2  }
0x18d: {  	v11 =	vor.u32 v3, v12;
	_ =	sdelay $0x1  }
0x18e: {  	v10 =	vmul.f32 v10, v9;
	_ =	sdelay $0x1  }
0x18f: {  	[tilespmem:v13+s30+$0x0] =	vst.idx.msk $0xffff, v10  }
0x190: {  	v10 =	vld.idx.msk [tilespmem:v11+s28+$0x0], $0xffff;
	_ =	sdelay $0x2  }
0x191: {  	v13 =	vor.u32 v4, v12;
	_ =	sdelay $0x1  }
0x192: {  	v10 =	vmul.f32 v10, v8;
	_ =	sdelay $0x1  }
0x193: {  	[tilespmem:v11+s30+$0x0] =	vst.idx.msk $0xffff, v10  }
0x194: {  	v10 =	vld.idx.msk [tilespmem:v13+s28+$0x0], $0xffff;
	_ =	sdelay $0x2  }
0x195: {  	v11 =	vor.u32 v5, v12;
	_ =	sdelay $0x1  }
0x196: {  	v10 =	vmul.f32 v10, v7;
	_ =	sdelay $0x1  }
0x197: {  	[tilespmem:v13+s30+$0x0] =	vst.idx.msk $0xffff, v10  }
0x198: {  	s12 =	simm.s32 $0x4;
	v13 =	vld.idx.msk [tilespmem:v11+s28+$0x0], $0xffff  }
0x199: {  	v10 =	vadd.s32 s12, v0  }
0x19a: {  	v10 =	vand.u32 $0x7F, v10  }
0x19b: {  	v12 =	vor.u32 v1, v10;
	_ =	sdelay $0x1  }
0x19c: {  	s10 =	sor.u32 $0x80, s10;
	s13 =	simm.s32 $0x8;
	v13 =	vmul.f32 v13, v6  }
.LBB2_8:
0x19d: {  	_ = 	snop  }
0x19e: {  	p1 =	sne.s32 s13, $0x7C;
	s14 =	smov.u32 s13;
	s13 =	sadd.s32 $0x4, s13;
	[tilespmem:v11+s30+$0x0] =	vst.idx.msk $0xffff, v13  }
0x19f: {  	v11 =	vld.idx.msk [tilespmem:v12+s28+$0x0], $0xffff;
	_ =	sdelay $0x3  }
0x1a0: {  	v13 =	vor.u32 v3, v10;
	_ =	sdelay $0x1  }
0x1a1: {  	v11 =	vmul.f32 v11, v9;
	_ =	sdelay $0x1  }
0x1a2: {  	[tilespmem:v12+s30+$0x0] =	vst.idx.msk $0xffff, v11  }
0x1a3: {  	v11 =	vld.idx.msk [tilespmem:v13+s28+$0x0], $0xffff;
	_ =	sdelay $0x3  }
0x1a4: {  	v12 =	vor.u32 v4, v10;
	_ =	sdelay $0x1  }
0x1a5: {  	v11 =	vmul.f32 v11, v8;
	_ =	sdelay $0x1  }
0x1a6: {  	[tilespmem:v13+s30+$0x0] =	vst.idx.msk $0xffff, v11  }
0x1a7: {  	v11 =	vld.idx.msk [tilespmem:v12+s28+$0x0], $0xffff;
	_ =	sdelay $0x3  }
0x1a8: {  	v10 =	vor.u32 v5, v10;
	_ =	sdelay $0x1  }
0x1a9: {  	v11 =	vmul.f32 v11, v7;
	_ =	sdelay $0x1  }
0x1aa: {  	[tilespmem:v12+s30+$0x0] =	vst.idx.msk $0xffff, v11  }
0x1ab: {  	v11 =	vld.idx.msk [tilespmem:v10+s28+$0x0], $0xffff  }
0x1ac: {  	s15 =	sadd.s32 $0x1, s12  }
0x1ad: {  	v12 =	vadd.s32 s15, v0  }
0x1ae: {  	v12 =	vand.u32 $0x7F, v12  }
0x1af: {  	v13 =	vor.u32 v1, v12;
	_ =	sdelay $0x1  }
0x1b0: {  	v11 =	vmul.f32 v11, v6;
	_ =	sdelay $0x1  }
0x1b1: {  	[tilespmem:v10+s30+$0x0] =	vst.idx.msk $0xffff, v11  }
0x1b2: {  	v10 =	vld.idx.msk [tilespmem:v13+s28+$0x0], $0xffff;
	_ =	sdelay $0x3  }
0x1b3: {  	v11 =	vor.u32 v3, v12;
	_ =	sdelay $0x1  }
0x1b4: {  	v10 =	vmul.f32 v10, v9;
	_ =	sdelay $0x1  }
0x1b5: {  	[tilespmem:v13+s30+$0x0] =	vst.idx.msk $0xffff, v10  }
0x1b6: {  	v10 =	vld.idx.msk [tilespmem:v11+s28+$0x0], $0xffff;
	_ =	sdelay $0x3  }
0x1b7: {  	v13 =	vor.u32 v4, v12;
	_ =	sdelay $0x1  }
0x1b8: {  	v10 =	vmul.f32 v10, v8;
	_ =	sdelay $0x1  }
0x1b9: {  	[tilespmem:v11+s30+$0x0] =	vst.idx.msk $0xffff, v10  }
0x1ba: {  	v10 =	vld.idx.msk [tilespmem:v13+s28+$0x0], $0xffff;
	_ =	sdelay $0x3  }
0x1bb: {  	v11 =	vor.u32 v5, v12;
	_ =	sdelay $0x1  }
0x1bc: {  	v10 =	vmul.f32 v10, v7;
	_ =	sdelay $0x1  }
0x1bd: {  	[tilespmem:v13+s30+$0x0] =	vst.idx.msk $0xffff, v10  }
0x1be: {  	v10 =	vld.idx.msk [tilespmem:v11+s28+$0x0], $0xffff  }
0x1bf: {  	s15 =	sadd.s32 $0x2, s12  }
0x1c0: {  	v12 =	vadd.s32 s15, v0  }
0x1c1: {  	v12 =	vand.u32 $0x7F, v12  }
0x1c2: {  	v13 =	vor.u32 v1, v12;
	_ =	sdelay $0x1  }
0x1c3: {  	v10 =	vmul.f32 v10, v6;
	_ =	sdelay $0x1  }
0x1c4: {  	[tilespmem:v11+s30+$0x0] =	vst.idx.msk $0xffff, v10  }
0x1c5: {  	v10 =	vld.idx.msk [tilespmem:v13+s28+$0x0], $0xffff;
	_ =	sdelay $0x3  }
0x1c6: {  	v11 =	vor.u32 v3, v12;
	_ =	sdelay $0x1  }
0x1c7: {  	v10 =	vmul.f32 v10, v9;
	_ =	sdelay $0x1  }
0x1c8: {  	[tilespmem:v13+s30+$0x0] =	vst.idx.msk $0xffff, v10  }
0x1c9: {  	v10 =	vld.idx.msk [tilespmem:v11+s28+$0x0], $0xffff;
	_ =	sdelay $0x3  }
0x1ca: {  	v13 =	vor.u32 v4, v12;
	_ =	sdelay $0x1  }
0x1cb: {  	v10 =	vmul.f32 v10, v8;
	_ =	sdelay $0x1  }
0x1cc: {  	[tilespmem:v11+s30+$0x0] =	vst.idx.msk $0xffff, v10  }
0x1cd: {  	v10 =	vld.idx.msk [tilespmem:v13+s28+$0x0], $0xffff;
	_ =	sdelay $0x3  }
0x1ce: {  	v11 =	vor.u32 v5, v12;
	_ =	sdelay $0x1  }
0x1cf: {  	v10 =	vmul.f32 v10, v7;
	_ =	sdelay $0x1  }
0x1d0: {  	[tilespmem:v13+s30+$0x0] =	vst.idx.msk $0xffff, v10  }
0x1d1: {  	v10 =	vld.idx.msk [tilespmem:v11+s28+$0x0], $0xffff  }
0x1d2: {  	s15 =	sadd.s32 $0x3, s12;
	s12 =	smov.u32 s14  }
0x1d3: {  	v12 =	vadd.s32 s15, v0  }
0x1d4: {  	v12 =	vand.u32 $0x7F, v12  }
0x1d5: {  	v13 =	vor.u32 v1, v12;
	_ =	sdelay $0x1  }
0x1d6: {  	v10 =	vmul.f32 v10, v6;
	_ =	sdelay $0x1  }
0x1d7: {  	[tilespmem:v11+s30+$0x0] =	vst.idx.msk $0xffff, v10  }
0x1d8: {  	v10 =	vld.idx.msk [tilespmem:v13+s28+$0x0], $0xffff;
	_ =	sdelay $0x3  }
0x1d9: {  	v11 =	vor.u32 v3, v12;
	_ =	sdelay $0x1  }
0x1da: {  	v10 =	vmul.f32 v10, v9;
	_ =	sdelay $0x1  }
0x1db: {  	[tilespmem:v13+s30+$0x0] =	vst.idx.msk $0xffff, v10  }
0x1dc: {  	v10 =	vld.idx.msk [tilespmem:v11+s28+$0x0], $0xffff;
	_ =	sdelay $0x3  }
0x1dd: {  	v13 =	vor.u32 v4, v12;
	_ =	sdelay $0x1  }
0x1de: {  	v10 =	vmul.f32 v10, v8;
	_ =	sdelay $0x1  }
0x1df: {  	[tilespmem:v11+s30+$0x0] =	vst.idx.msk $0xffff, v10  }
0x1e0: {  	v10 =	vld.idx.msk [tilespmem:v13+s28+$0x0], $0xffff;
	_ =	sdelay $0x3  }
0x1e1: {  	v11 =	vor.u32 v5, v12;
	_ =	sdelay $0x1  }
0x1e2: {  	v10 =	vmul.f32 v10, v7;
	_ =	sdelay $0x1  }
0x1e3: {  	[tilespmem:v13+s30+$0x0] =	vst.idx.msk $0xffff, v10  }
0x1e4: {  	v13 =	vld.idx.msk [tilespmem:v11+s28+$0x0], $0xffff;
	_ =	sdelay $0x1  }
.Ltmp6:
0x1e5: {  	v10 =	vadd.s32 s12, v0;
	(pc) =	sbr.rel @p1 .LBB2_8-.Ltmp6, $3  }
0x1e6: {  	v10 =	vand.u32 $0x7F, v10  }
0x1e7: {  	v12 =	vor.u32 v1, v10;
	_ =	sdelay $0x1  }
0x1e8: {  	v13 =	vmul.f32 v13, v6  }
0x1e9: {  	_ =	sdelay $0x3  }
0x1ea: {  	[tilespmem:v11+s30+$0x0] =	vst.idx.msk $0xffff, v13  }
0x1eb: {  	v11 =	vld.idx.msk [tilespmem:v12+s28+$0x0], $0xffff;
	_ =	sdelay $0x2  }
0x1ec: {  	v44 =	vor.u32 v3, v10;
	_ =	sdelay $0x1  }
0x1ed: {  	v11 =	vmul.f32 v11, v9;
	_ =	sdelay $0x1  }
0x1ee: {  	[tilespmem:v12+s30+$0x0] =	vst.idx.msk $0xffff, v11  }
0x1ef: {  	v11 =	vld.idx.msk [tilespmem:v44+s28+$0x0], $0xffff;
	_ =	sdelay $0x2  }
0x1f0: {  	v45 =	vor.u32 v4, v10;
	_ =	sdelay $0x1  }
0x1f1: {  	v11 =	vmul.f32 v11, v8;
	_ =	sdelay $0x1  }
0x1f2: {  	[tilespmem:v44+s30+$0x0] =	vst.idx.msk $0xffff, v11  }
0x1f3: {  	v11 =	vld.idx.msk [tilespmem:v45+s28+$0x0], $0xffff;
	_ =	sdelay $0x2  }
0x1f4: {  	v46 =	vor.u32 v5, v10;
	_ =	sdelay $0x1  }
0x1f5: {  	v11 =	vmul.f32 v11, v7;
	_ =	sdelay $0x1  }
0x1f6: {  	[tilespmem:v45+s30+$0x0] =	vst.idx.msk $0xffff, v11  }
0x1f7: {  	s13 =	sadd.s32 $0x1, s12;
	v11 =	vld.idx.msk [tilespmem:v46+s28+$0x0], $0xffff  }
0x1f8: {  	v47 =	vadd.s32 s13, v0  }
0x1f9: {  	v12 =	vand.u32 $0x7F, v47  }
0x1fa: {  	v48 =	vor.u32 v1, v12;
	_ =	sdelay $0x1  }
0x1fb: {  	v11 =	vmul.f32 v11, v6;
	_ =	sdelay $0x1  }
0x1fc: {  	[tilespmem:v46+s30+$0x0] =	vst.idx.msk $0xffff, v11  }
0x1fd: {  	v10 =	vld.idx.msk [tilespmem:v48+s28+$0x0], $0xffff;
	_ =	sdelay $0x2  }
0x1fe: {  	v49 =	vor.u32 v3, v12;
	_ =	sdelay $0x1  }
0x1ff: {  	v10 =	vmul.f32 v10, v9;
	_ =	sdelay $0x1  }
0x200: {  	[tilespmem:v48+s30+$0x0] =	vst.idx.msk $0xffff, v10  }
0x201: {  	v10 =	vld.idx.msk [tilespmem:v49+s28+$0x0], $0xffff;
	_ =	sdelay $0x2  }
0x202: {  	v50 =	vor.u32 v4, v12;
	_ =	sdelay $0x1  }
0x203: {  	v10 =	vmul.f32 v10, v8;
	_ =	sdelay $0x1  }
0x204: {  	[tilespmem:v49+s30+$0x0] =	vst.idx.msk $0xffff, v10  }
0x205: {  	v10 =	vld.idx.msk [tilespmem:v50+s28+$0x0], $0xffff;
	_ =	sdelay $0x2  }
0x206: {  	v51 =	vor.u32 v5, v12;
	_ =	sdelay $0x1  }
0x207: {  	v10 =	vmul.f32 v10, v7;
	_ =	sdelay $0x1  }
0x208: {  	[tilespmem:v50+s30+$0x0] =	vst.idx.msk $0xffff, v10  }
0x209: {  	s14 =	sadd.s32 $0x2, s12;
	v10 =	vld.idx.msk [tilespmem:v51+s28+$0x0], $0xffff  }
0x20a: {  	v52 =	vadd.s32 s14, v0  }
0x20b: {  	v12 =	vand.u32 $0x7F, v52  }
0x20c: {  	v53 =	vor.u32 v1, v12;
	_ =	sdelay $0x1  }
0x20d: {  	v10 =	vmul.f32 v10, v6;
	_ =	sdelay $0x1  }
0x20e: {  	[tilespmem:v51+s30+$0x0] =	vst.idx.msk $0xffff, v10  }
0x20f: {  	v10 =	vld.idx.msk [tilespmem:v53+s28+$0x0], $0xffff;
	_ =	sdelay $0x2  }
0x210: {  	v54 =	vor.u32 v3, v12;
	_ =	sdelay $0x1  }
0x211: {  	v10 =	vmul.f32 v10, v9;
	_ =	sdelay $0x1  }
0x212: {  	[tilespmem:v53+s30+$0x0] =	vst.idx.msk $0xffff, v10  }
0x213: {  	v10 =	vld.idx.msk [tilespmem:v54+s28+$0x0], $0xffff;
	_ =	sdelay $0x2  }
0x214: {  	v55 =	vor.u32 v4, v12;
	_ =	sdelay $0x1  }
0x215: {  	v10 =	vmul.f32 v10, v8;
	_ =	sdelay $0x1  }
0x216: {  	[tilespmem:v54+s30+$0x0] =	vst.idx.msk $0xffff, v10  }
0x217: {  	v10 =	vld.idx.msk [tilespmem:v55+s28+$0x0], $0xffff;
	_ =	sdelay $0x2  }
0x218: {  	v56 =	vor.u32 v5, v12;
	_ =	sdelay $0x1  }
0x219: {  	v10 =	vmul.f32 v10, v7;
	_ =	sdelay $0x1  }
0x21a: {  	[tilespmem:v55+s30+$0x0] =	vst.idx.msk $0xffff, v10  }
0x21b: {  	s15 =	sadd.s32 $0x3, s12;
	v10 =	vld.idx.msk [tilespmem:v56+s28+$0x0], $0xffff  }
0x21c: {  	v57 =	vadd.s32 s15, v0  }
0x21d: {  	v12 =	vand.u32 $0x7F, v57  }
0x21e: {  	v58 =	vor.u32 v1, v12;
	_ =	sdelay $0x1  }
0x21f: {  	v10 =	vmul.f32 v10, v6;
	_ =	sdelay $0x1  }
0x220: {  	[tilespmem:v56+s30+$0x0] =	vst.idx.msk $0xffff, v10  }
0x221: {  	v10 =	vld.idx.msk [tilespmem:v58+s28+$0x0], $0xffff;
	_ =	sdelay $0x2  }
0x222: {  	v59 =	vor.u32 v3, v12;
	_ =	sdelay $0x1  }
0x223: {  	v60 =	vmul.f32 v10, v9;
	_ =	sdelay $0x1  }
0x224: {  	[tilespmem:v58+s30+$0x0] =	vst.idx.msk $0xffff, v60  }
0x225: {  	v9 =	vld.idx.msk [tilespmem:v59+s28+$0x0], $0xffff;
	_ =	sdelay $0x2  }
0x226: {  	v61 =	vor.u32 v4, v12;
	_ =	sdelay $0x1  }
0x227: {  	v62 =	vmul.f32 v9, v8;
	_ =	sdelay $0x1  }
0x228: {  	[tilespmem:v59+s30+$0x0] =	vst.idx.msk $0xffff, v62  }
0x229: {  	v8 =	vld.idx.msk [tilespmem:v61+s28+$0x0], $0xffff;
	_ =	sdelay $0x2  }
0x22a: {  	v63 =	vor.u32 v5, v12;
	_ =	sdelay $0x1  }
0x22b: {  	v7 =	vmul.f32 v8, v7;
	_ =	sdelay $0x1  }
0x22c: {  	[tilespmem:v61+s30+$0x0] =	vst.idx.msk $0xffff, v7  }
0x22d: {  	v7 =	vld.idx.msk [tilespmem:v63+s28+$0x0], $0xffff;
	_ =	sdelay $0x4  }
0x22e: {  	v6 =	vmul.f32 v7, v6;
	_ =	sdelay $0x1  }
.Ltmp7:
0x22f: {  	s10 =	sadd.s32 $0x1C00, s10;
	[tilespmem:v63+s30+$0x0] =	vst.idx.msk $0xffff, v6;
	(pc) =	sbr.rel @p0 .LBB2_11-.Ltmp7, $4  }
0x230: {  	[spmem:s2] =	stream.indirect.scatter.add.f32 [tilespmem:s30], [sflag:$0x3], $0x80, s10, s25, $0xb8;
	[tilespmem:$0x1F400] =	vst v63  }
0x231: {  	_ =	swait.ge [sflag:s21], $0x2000  }
0x232: {  	[sflag:s21] =	ssyncset.done $0x0  }
0x233: {  	[sflag:s21] =	ssyncadd.s32 $0xFFFFE000  }
.Ltmp8:
0x234: {  	(pc) =	sbr.rel .LBB2_5-.Ltmp8, $4  }
0x235: {  	_ = 	snop  }
0x236: {  	s10 =	sshrl.u32 s11, $0x2  }
0x237: {  	s9 =	sadd.s32 $0x1, s9;
	s10 =	sadd.s32 $0x180, s10  }
0x238: {  	[tilespmem:s28], [sflag:$0x2] =	stream.indirect.gather [hbm4b:s5+s25], $0x80, s10, s25, $0xb8;
	[tilespmem:$0x1F400] =	vst v63  }
.LBB2_13:
0x239: {  	_ =	sfence.sel $0x180000  }
0x23a: {  	[bflag:$0x0] =	sbarrier.arrive $0xFFFF  }
0x23b: {  	_ =	strace $0x90000050  }
0x23c: {  	s0 =	stileid.u32;
	[bflag:$0x2] =	sbarrier.arrive $0xFFFF  }
0x23d: {  	p0 =	sne.s32 s0, $0x0;
	s0 =	rddreg [dreg:$0x3]  }
0x23e: {  	s0 =	sadd.s32 @!p0 $0x100000, s0  }
0x23f: {  	[sflag:s0] =	ssyncadd.tile.s32 @!p0 $0x1;
	_ =	shalt  }
.Lfunc_end2:
_tile_overlayer_lowered:
.L_overlay_start_2:
0x240: {  	(tag) =	ssettag $0x2  }
0x241: {  	s0 =	rddreg [dreg:$0x0];
	s2 =	stileid.u32  }
0x242: {  	s1 =	rddreg [dreg:$0x1];
	p0 =	sne.s32 s2, $0x0  }
0x243: {  	s3 =	rddreg [dreg:$0x2];
	[bflag:$0x3] =	sbarrier.arrive $0xFFFF;
	s2 =	simm.s32 @!p0 $0x1C03  }
0x244: {  	[timem:s3], [sflag:s2] =	dma.local @!p0 [hbm:s0], s1  }
0x245: {  	s0 =	simm.s32 @!p0 $0x3  }
0x246: {  	_ =	swait.ge @!p0 [sflag:s0], s1  }
0x247: {  	s1 =	ssub.s32 @!p0 $0x0, s1;
	[sflag:s0] =	ssyncset.done @!p0 $0x0  }
0x248: {  	[sflag:s0] =	ssyncadd.s32 @!p0 s1  }
0x249: {  	[bflag:$0x3] =	sbarrier.arrive $0xFFFF  }
0x24a: {  	_ =	shalt  }

// kernel: kernel.9.cloned.1.call-start
scs
__scs_entry_jumppad:
0x0: {  	(pc) =	sbr.rel $0x88, $3  }
0x1: {  	(tag) =	ssettag $0x0;
	lr =	simm.s32 $0x1  }
0x2: {  	[smem:$0x3F96] =	sst lr;
	_ =	strace $0xD0000000  }
0x3: {  	_ = 	snop  }
0x4: {  	_ = 	snop  }
0x5: {  	_ = 	snop  }
0x6: {  	_ = 	snop  }
0x7: {  	_ = 	snop  }
__scs_overlays_trampoline_lowered:
0x8: {  	[smem:$0x3FA5] =	sst s0  }
0x9: {  	[smem:$0x3FA6] =	sst s1  }
0xa: {  	[smem:$0x3FA7] =	sst s2  }
0xb: {  	[smem:$0x3FA8] =	sst s3  }
0xc: {  	[smem:$0x3FA9] =	sst s4  }
0xd: {  	[smem:$0x3FAA] =	sst s5  }
0xe: {  	[smem:$0x3FAB] =	sst s6  }
0xf: {  	[smem:$0x3FAC] =	sst s7  }
0x10: {  	[smem:$0x3FAD] =	sst s8  }
0x11: {  	[smem:$0x3FAE] =	sst s9;
	s0 =	simm.s32 @!p0 $0x0  }
0x12: {  	s1 =	sld [smem:$0x3F94];
	s0 =	simm.s32 @p0 $0x1  }
0x13: {  	[smem:$0x3FAF] =	sst s0;
	s0 =	simm.s32 @!p1 $0x0  }
0x14: {  	s2 =	sld [smem:$0x3F93];
	s0 =	simm.s32 @p1 $0x1  }
0x15: {  	[smem:$0x3FB0] =	sst s0;
	s0 =	simm.s32 @!p2 $0x0  }
0x16: {  	s3 =	sld [smem:$0x3FDB];
	s0 =	simm.s32 @p2 $0x1  }
0x17: {  	s4 =	simm.s32 $0x1BF5;
	[smem:$0x3FB2] =	sst s0  }
0x18: {  	s0 =	sld [smem:$0x3F95];
	_ =	swait.ge [sflag:s4], $0x0  }
0x19: {  	s7 =	sld [smem:$0x3F96]  }
0x1a: {  	s8 =	sadd.s32 $0xFFFFE003, lr  }
0x1b: {  	s9 =	sadd.s32 $0xFFFFFEF7, lr;
	s5 =	simm.s32 $0xFFFFFFFF;
	p2 =	slt.u32 s8, $0xFFFFF086  }
0x1c: {  	p1 =	slt.u32 s9, $0xF7A;
	s5 =	simm.s32 @!p2 $0x0  }
0x1d: {  	s5 =	simm.s32 @p1 $0x1;
	p0 =	seq.s32 s7, s2  }
0x1e: {  	s7 =	smul.u32 @!p0 $0xF7A, s2;
	p2 =	seq.s32 @!p0 s5, $0x0  }
0x1f: {  	s9 =	smul.u32 $0xF7A, s1;
	s8 =	simm.s32 @!p0 $0x1BF5;
	p2 =	por !p2, p0  }
0x20: {  	[sflag:s8] =	ssyncset.s32 @!p0 $0xFFFFF086;
	s6 =	sadd.s32 @!p0 s3, s7;
	s7 =	simm.s32 @!p0 $0x108  }
0x21: {  	s3 =	sadd.s32 s3, s9;
	s6 =	sadd.s32 @!p0 $0x88, s6;
	s7 =	simm.s32 @p2 $0x1082  }
0x22: {  	[simem:s7], [sflag:s8] =	dma.local @!p0 [hbm:s6], $0xF7A  }
0x23: {  	s9 =	sor.u32 $0xD0000000, s2;
	s6 =	simm.s32 $0x108;
	_ =	swait.ge @!p0 [sflag:s8], $0x0  }
0x24: {  	s3 =	sadd.s32 $0x88, s3;
	s6 =	simm.s32 @!p1 $0x1082;
	[sflag:s4] =	ssyncset.s32 $0xFFFFF086  }
0x25: {  	[simem:s6], [sflag:s4] =	dma.local [hbm:s3], $0xF7A  }
0x26: {  	[smem:$0x3F96] =	sst s1;
	(tag) =	ssettag s2;
	_ =	strace s9  }
0x27: {  	s1 =	sld [smem:$0x3FA6]  }
0x28: {  	s2 =	sld [smem:$0x3FA7]  }
0x29: {  	s4 =	sld [smem:$0x3FA9]  }
0x2a: {  	p0 =	seq.s32 s5, $0x0;
	s5 =	sld [smem:$0x3FAA]  }
0x2b: {  	s6 =	sld [smem:$0x3FAB]  }
0x2c: {  	s7 =	sld [smem:$0x3FAC]  }
0x2d: {  	s3 =	simm.s32 $0x108;
	s8 =	sld [smem:$0x3FAD]  }
0x2e: {  	s3 =	simm.s32 @!p0 $0x1082;
	s9 =	sld [smem:$0x3FAE]  }
0x2f: {  	lr =	sadd.s32 s0, s3;
	s0 =	sld [smem:$0x3FA5]  }
0x30: {  	s3 =	sld [smem:$0x3FA8]  }
0x31: {  	[smem:$0x3FB1] =	sst s10  }
0x32: {  	s10 =	sld [smem:$0x3FAF];
	_ =	sdelay $0x3  }
0x33: {  	p0 =	seq.s32 s10, $0x1;
	s10 =	sld [smem:$0x3FB1];
	_ =	sdelay $0x3  }
0x34: {  	[smem:$0x3FB1] =	sst s10  }
0x35: {  	s10 =	sld [smem:$0x3FB0];
	_ =	sdelay $0x3  }
0x36: {  	p1 =	seq.s32 s10, $0x1;
	s10 =	sld [smem:$0x3FB1];
	_ =	sdelay $0x3  }
0x37: {  	[smem:$0x3FB1] =	sst s10  }
0x38: {  	s10 =	sld [smem:$0x3FB2]  }
0x39: {  	_ = 	snop;
	(pc) =	sbr.ind lr, $3  }
0x3a: {  	_ = 	snop  }
0x3b: {  	_ = 	snop  }
0x3c: {  	p2 =	seq.s32 s10, $0x1;
	s10 =	sld [smem:$0x3FB1]  }
0x3d: {  	_ =	shalt  }
0x3e: {  	_ =	shalt  }
0x3f: {  	_ =	shalt  }
0x40: {  	_ =	shalt  }
0x41: {  	_ =	shalt  }
0x42: {  	_ =	shalt  }
0x43: {  	_ =	shalt  }
0x44: {  	_ =	shalt  }
0x45: {  	_ =	shalt  }
0x46: {  	_ =	shalt  }
0x47: {  	_ =	shalt  }
0x48: {  	_ =	shalt  }
0x49: {  	_ =	shalt  }
0x4a: {  	_ =	shalt  }
0x4b: {  	_ =	shalt  }
0x4c: {  	_ =	shalt  }
0x4d: {  	_ =	shalt  }
0x4e: {  	_ =	shalt  }
0x4f: {  	_ =	shalt  }
0x50: {  	_ =	shalt  }
0x51: {  	_ =	shalt  }
0x52: {  	_ =	shalt  }
0x53: {  	_ =	shalt  }
0x54: {  	_ =	shalt  }
0x55: {  	_ =	shalt  }
0x56: {  	_ =	shalt  }
0x57: {  	_ =	shalt  }
0x58: {  	_ =	shalt  }
0x59: {  	_ =	shalt  }
0x5a: {  	_ =	shalt  }
0x5b: {  	_ =	shalt  }
0x5c: {  	_ =	shalt  }
0x5d: {  	_ =	shalt  }
0x5e: {  	_ =	shalt  }
0x5f: {  	_ =	shalt  }
0x60: {  	_ =	shalt  }
0x61: {  	_ =	shalt  }
0x62: {  	_ =	shalt  }
0x63: {  	_ =	shalt  }
0x64: {  	_ =	shalt  }
0x65: {  	_ =	shalt  }
0x66: {  	_ =	shalt  }
0x67: {  	_ =	shalt  }
0x68: {  	_ =	shalt  }
0x69: {  	_ =	shalt  }
0x6a: {  	_ =	shalt  }
0x6b: {  	_ =	shalt  }
0x6c: {  	_ =	shalt  }
0x6d: {  	_ =	shalt  }
0x6e: {  	_ =	shalt  }
0x6f: {  	_ =	shalt  }
0x70: {  	_ =	shalt  }
0x71: {  	_ =	shalt  }
0x72: {  	_ =	shalt  }
0x73: {  	_ =	shalt  }
0x74: {  	_ =	shalt  }
0x75: {  	_ =	shalt  }
0x76: {  	_ =	shalt  }
0x77: {  	_ =	shalt  }
0x78: {  	_ =	shalt  }
0x79: {  	_ =	shalt  }
0x7a: {  	_ =	shalt  }
0x7b: {  	_ =	shalt  }
0x7c: {  	_ =	shalt  }
0x7d: {  	_ =	shalt  }
0x7e: {  	_ =	shalt  }
0x7f: {  	_ =	shalt  }
0x80: {  	_ =	shalt  }
0x81: {  	_ =	shalt  }
0x82: {  	_ =	shalt  }
0x83: {  	_ =	shalt  }
0x84: {  	_ =	shalt  }
0x85: {  	_ =	shalt  }
0x86: {  	_ =	shalt  }
0x87: {  	_ =	shalt  }
.Lfunc_end0:
.L_simem_size_0:
called_computation_lowered:
.L_overlay_start_0:
0x88: {  	s2 =	sld [smem:$0x3FD9]  }
0x89: {  	s3 =	sld [smem:$0x3FFE];
	_ =	sdelay $0x1  }
0x8a: {  	s1 =	srdreg.scid  }
0x8b: {  	s0 =	sand.u32 $0x1, s1  }
0x8c: {  	s16 =	sshll.u32 s0, $0xA;
	s2 =	sadd.s32 s3, s2  }
0x8d: {  	s2 =	sadd.s32 s2, s16  }
0x8e: {  	[smem:$0x3FBD] =	sst s2  }
0x8f: {  	_ = 	snop  }
0x90: {  	(tm) =	ssettm $0x1  }
0x91: {  	s17 =	sld [smem:$0x3FFB];
	_ =	sdelay $0x3  }
0x92: {  	_ =	strace s17  }
0x93: {  	s2 =	sld [smem:$0x3FFC];
	_ =	sdelay $0x3  }
0x94: {  	_ =	strace s2  }
0x95: {  	s2 =	sld [smem:$0x3FFD];
	_ =	sdelay $0x3  }
0x96: {  	_ =	strace s2  }
0x97: {  	_ =	strace $0x8FFFFFFF  }
0x98: {  	s18 =	sld [smem:$0x3FDB];
	_ =	sdelay $0x1  }
0x99: {  	s19 =	simm.s32 $_scs_section_size  }
0x9a: {  	s4 =	simm.s32 $_size__tile_overlayer_lowered;
	s5 =	simm.s32 $_tile_overlayer_lowered  }
0x9b: {  	s22 =	simm.s32 $0x1BFF;
	s21 =	sshll.u32 s5, $0x1;
	s2 =	sadd.s32 s19, s18  }
0x9c: {  	s6 =	simm.s32 $0x0;
	s20 =	sshll.u32 s4, $0x1;
	s4 =	sadd.s32 s21, s2  }
0x9d: {  	[timem:s6], [sflag:s22] =	dma.local [hbm:s4], s20  }
0x9e: {  	_ =	swait.ge [sflag:s22], s20  }
0x9f: {  	s3 =	ssub.s32 $0x0, s20;
	[sflag:s22] =	ssyncset.done $0x0  }
0xa0: {  	[sflag:s22] =	ssyncadd.s32 s3;
	_ =	sdelay $0x1  }
0xa1: {  	s23 =	simm.s32 $0x1B8B  }
0xa2: {  	_ =	swait.ge [sflag:s23], $0x1  }
0xa3: {  	[sflag:s23] =	ssyncset.done $0x0  }
0xa4: {  	s25 =	simm.s32 $0x1B8E;
	s24 =	sld [smem:$0x3FFE];
	[sflag:s23] =	ssyncadd.s32 $0xFFFFFFFF  }
0xa5: {  	s26 =	simm.s32 $execute0_lowered;
	[smem:$0x3FD2] =	sst s25  }
0xa6: {  	s4 =	sshll.u32 s26, $0x1;
	_ =	strace $0x80000046;
	[dreg:$0x1] =	wrdreg $0xFFFFFFFF  }
0xa7: {  	s28 =	simm.s32 $_size_execute0_lowered;
	s2 =	sadd.s32 s2, s4;
	[dreg:$0x0] =	wrdreg $0x0  }
0xa8: {  	s4 =	sshll.u32 s28, $0x1;
	[dreg:$0x2] =	wrdreg s2  }
0xa9: {  	[dreg:$0x3] =	wrdreg s4  }
0xaa: {  	[dreg:$0x4] =	wrdreg $0xC0  }
0xab: {  	_ =	task [dreg:s6], $0x5FFFF  }
0xac: {  	[dreg:$0x1] =	wrdreg $0xFFFFFFFF  }
0xad: {  	[dreg:$0x0] =	wrdreg $0x60  }
0xae: {  	[dreg:$0x2] =	wrdreg s24  }
0xaf: {  	[dreg:$0x3] =	wrdreg $0xB5000  }
0xb0: {  	[dreg:$0x4] =	wrdreg $0x9  }
0xb1: {  	_ =	task.clear_ibuf [dreg:s6], $0x5FFFF;
	_ =	strace $0x90000046  }
0xb2: {  	s29 =	simm.s32 $0x9;
	_ =	strace $0x80000048  }
0xb3: {  	_ =	swait.ge [sflag:s29], $0x1  }
0xb4: {  	[sflag:s29] =	ssyncadd.s32 $0xFFFFFFFF  }
0xb5: {  	_ =	strace $0x90000048  }
0xb6: {  	_ =	sfence  }
0xb7: {  	s30 =	sld [smem:$0x0];
	_ =	sdelay $0x2  }
0xb8: {  	s31 =	sshll.u32 s1, $0xD;
	s1 =	sshrl.u32 s1, $0x2  }
0xb9: {  	s3 =	sand.u32 $0x4000, s31;
	s1 =	sadd.s32 s1, s30  }
0xba: {  	s0 =	sor.u32 s3, s0;
	s1 =	sshll.u32 s1, $0x11  }
0xbb: {  	s0 =	sor.u32 s1, s0  }
0xbc: {  	s0 =	sadd.s32 $0x8F2B, s0  }
0xbd: {  	[sflag:s0] =	ssyncadd.remote.s32 $0x1  }
0xbe: {  	_ =	sfence.sel $0xFFFF  }
0xbf: {  	[dreg:$0x0] =	wrdreg $0xFFFFFFFF;
	(pc) =	sbr.abs _section_cstart, $3  }
0xc0: {  	[dreg:$0x1] =	wrdreg $0xFFFFFFFF  }
0xc1: {  	_ =	task.clear_ibuf [dreg:s6], $0x2FFFF;
	_ =	strace $0x9FFFFFFF  }
0xc2: {  	(tm) =	ssettm $0x7FFFFFFF  }
0xc3: {  	_ =	shalt  }
tec
execute0_lowered:
.L_overlay_start_1:
0x0: {  	(tag) =	ssettag $0x1  }
0x1: {  	s0 =	rddreg [dreg:$0x0]  }
0x2: {  	s1 =	rddreg [dreg:$0x1]  }
0x3: {  	s2 =	simm.s32 $0x0;
	s3 =	srdreg.scid;
	s14 =	stileid.u32  }
0x4: {  	s15 =	simm.s32 $0x1;
	s16 =	simm.s32 $0x2800;
	s21 =	simm.s32 $0x200  }
0x5: {  	s22 =	simm.s32 $0xB100;
	s23 =	simm.s32 $0x80;
	s25 =	simm.s32 $0x400  }
0x6: {  	s26 =	simm.s32 $0x20;
	s28 =	simm.s32 $0x10;
	s29 =	simm.s32 $0x0  }
0x7: {  	[smem:$0x7FF] =	sst s2;
	s4 =	sadd.s32 $0x42000, s0;
	s3 =	sand.u32 $0x1, s3  }
0x8: {  	s5 =	sadd.s32 $0x41A00, s0;
	s9 =	smul.u32 $0xA00, s14;
	s6 =	sadd.s32 $0x42800, s0  }
0x9: {  	s7 =	sadd.s32 $0x42600, s0;
	s17 =	smul.u32 $0xA0, s14;
	s8 =	sshll.u32 s3, $0x4  }
0xa: {  	_ =	strace $0x80000047;
	s3 =	ssub.s32 $0x2, s3;
	s10 =	sor.u32 s14, s8  }
0xb: {  	s9 =	sshrl.u32 s9, $0x2;
	s13 =	sadd.s32 s8, s0;
	s11 =	sshrl.u32 s3, $0x1  }
0xc: {  	s14 =	simm.s32 $0xB300;
	s10 =	smul.u32 $0x600, s10;
	s8 =	sadd.s32 s9, s1  }
0xd: {  	s3 =	ssub.s32 s3, s11;
	s31 =	sadd.s32 $0x4EA00, s13;
	s9 =	sadd.s32 $0x200, s8  }
0xe: {  	s13 =	smax.u32 s3, $0x1;
	s24 =	sadd.s32 s17, s31;
	s0 =	sadd.s32 s10, s0  }
0xf: {  	v0 =	vimm.f32 $0.0e+00;
	s10 =	sadd.s32 $0x1A00, s0;
	s11 =	sadd.s32 $0xDA00, s0;
	s12 =	sadd.s32 $0x42A00, s0  }
.LBB2_1:
0x10: {  	[tilespmem:$0xB300] =	vst v0  }
0x11: {  	[tilespmem:$0xB310] =	vst v0  }
0x12: {  	[tilespmem:$0xB320] =	vst v0  }
0x13: {  	[tilespmem:$0xB330] =	vst v0  }
0x14: {  	[tilespmem:$0xB340] =	vst v0  }
0x15: {  	[tilespmem:$0xB350] =	vst v0  }
0x16: {  	[tilespmem:$0xB360] =	vst v0  }
0x17: {  	[tilespmem:$0xB370] =	vst v0  }
0x18: {  	[tilespmem:$0xB380] =	vst v0  }
0x19: {  	[tilespmem:$0xB390] =	vst v0  }
0x1a: {  	[tilespmem:$0xB3A0] =	vst v0  }
0x1b: {  	[tilespmem:$0xB3B0] =	vst v0  }
0x1c: {  	[tilespmem:$0xB3C0] =	vst v0  }
0x1d: {  	[tilespmem:$0xB3D0] =	vst v0  }
0x1e: {  	[tilespmem:$0xB3E0] =	vst v0  }
0x1f: {  	[tilespmem:$0xB3F0] =	vst v0  }
0x20: {  	[tilespmem:$0xB400] =	vst v0  }
0x21: {  	[tilespmem:$0xB410] =	vst v0  }
0x22: {  	[tilespmem:$0xB420] =	vst v0  }
0x23: {  	[tilespmem:$0xB430] =	vst v0  }
0x24: {  	[tilespmem:$0xB440] =	vst v0  }
0x25: {  	[tilespmem:$0xB450] =	vst v0  }
0x26: {  	[tilespmem:$0xB460] =	vst v0  }
0x27: {  	[tilespmem:$0xB470] =	vst v0  }
0x28: {  	[tilespmem:$0xB480] =	vst v0  }
0x29: {  	[tilespmem:$0xB490] =	vst v0  }
0x2a: {  	[tilespmem:$0xB4A0] =	vst v0  }
0x2b: {  	[tilespmem:$0xB4B0] =	vst v0  }
0x2c: {  	[tilespmem:$0xB4C0] =	vst v0  }
0x2d: {  	[tilespmem:$0xB4D0] =	vst v0  }
0x2e: {  	[tilespmem:$0xB4E0] =	vst v0  }
0x2f: {  	[tilespmem:$0xB4F0] =	vst v0  }
0x30: {  	[spmem:s8] =	stream.linear.scatter [tilespmem:s14], [sflag:$0x1], $0x200, $0x38;
	[tilespmem:$0xB780] =	vst v63  }
0x31: {  	_ =	swait.ge [sflag:s15], $0x200  }
0x32: {  	[sflag:s15] =	ssyncset.done $0x0  }
0x33: {  	[sflag:s15] =	ssyncadd.s32 $0xFFFFFE00  }
0x34: {  	[spmem:s9] =	stream.linear.scatter [tilespmem:s14], [sflag:$0x1], $0x80, $0x38;
	[tilespmem:$0xB780] =	vst v63  }
0x35: {  	_ =	swait.ge [sflag:s15], $0x80  }
0x36: {  	[sflag:s15] =	ssyncset.done $0x0  }
0x37: {  	[sflag:s15] =	ssyncadd.s32 $0xFFFFFF80  }
0x38: {  	[tilespmem:s2], [sflag:$0x1] =	stream.linear.gather [hbm4b:s4+s2], $0x2800, $0x38;
	[tilespmem:$0xB780] =	vst v63  }
0x39: {  	_ =	swait.ge [sflag:s15], $0x2800  }
0x3a: {  	[sflag:s15] =	ssyncset.done $0x0  }
0x3b: {  	[sflag:s15] =	ssyncadd.s32 $0xFFFFD800  }
0x3c: {  	[tilespmem:s16], [sflag:$0x1] =	stream.linear.gather [hbm4b:s5+s2], $0x2800, $0x38;
	[tilespmem:$0xB780] =	vst v63  }
0x3d: {  	_ =	swait.ge [sflag:s15], $0x2800  }
0x3e: {  	[sflag:s15] =	ssyncset.done $0x0  }
0x3f: {  	s0 =	simm.s32 $0x5000;
	[sflag:s15] =	ssyncadd.s32 $0xFFFFD800  }
0x40: {  	[tilespmem:s0], [sflag:$0x1] =	stream.linear.gather [hbm4b:s6+s2], $0x80, $0x38;
	[tilespmem:$0xB780] =	vst v63  }
0x41: {  	_ =	swait.ge [sflag:s15], $0x80  }
0x42: {  	[sflag:s15] =	ssyncset.done $0x0  }
0x43: {  	s19 =	simm.s32 $0x5080;
	[sflag:s15] =	ssyncadd.s32 $0xFFFFFF80  }
0x44: {  	[tilespmem:s19], [sflag:$0x1] =	stream.linear.gather [hbm4b:s7+s2], $0x80, $0x38;
	[tilespmem:$0xB780] =	vst v63  }
0x45: {  	_ =	swait.ge [sflag:s15], $0x80  }
0x46: {  	[sflag:s15] =	ssyncset.done $0x0  }
0x47: {  	s20 =	simm.s32 $0x5100;
	[sflag:s15] =	ssyncadd.s32 $0xFFFFFF80  }
0x48: {  	[tilespmem:s20], [sflag:$0x1] =	stream.linear.gather [hbm4b:s10+s2], $0x3000, $0x38;
	[tilespmem:$0xB780] =	vst v63  }
0x49: {  	_ =	swait.ge [sflag:s15], $0x3000  }
0x4a: {  	[sflag:s15] =	ssyncset.done $0x0  }
0x4b: {  	s31 =	simm.s32 $0x8100;
	[sflag:s15] =	ssyncadd.s32 $0xFFFFD000  }
0x4c: {  	[tilespmem:s31], [sflag:$0x1] =	stream.linear.gather [hbm4b:s11+s2], $0x3000, $0x38;
	[tilespmem:$0xB780] =	vst v63  }
0x4d: {  	_ =	swait.ge [sflag:s15], $0x3000  }
0x4e: {  	[sflag:s15] =	ssyncset.done $0x0  }
0x4f: {  	[sflag:s15] =	ssyncadd.s32 $0xFFFFD000  }
0x50: {  	v1 =	vld [tilespmem:$0x5000]  }
0x51: {  	v2 =	vld [tilespmem:$0x5080];
	_ =	sdelay $0x4  }
0x52: {  	v1 =	vadd.f32 v2, v1;
	_ =	sdelay $0x1  }
0x53: {  	s30 =	simm.s32 $0x0;
	[bflag:$0x0] =	sbarrier.arrive $0xFFFF;
	v1 =	vmax.f32 v1, $0.0e+00  }
.LBB2_2:
0x54: {  	s0 =	sshll.u32 s30, $0x9;
	s3 =	sshll.u32 s30, $0x7  }
0x55: {  	s17 =	simm.s32 $0x0;
	s0 =	sand.u32 $0x3000, s0;
	s3 =	sand.u32 $0x380, s3  }
0x56: {  	s18 =	sand.u32 $0xC00, s17;
	s31 =	sor.u32 s0, s3  }
0x57: {  	s19 =	sand.u32 $0x70, s17;
	s0 =	sor.u32 s18, s31  }
0x58: {  	s0 =	sor.u32 s19, s0  }
0x59: {  	v2 =	vld [tilespmem:s0+$0x8100]  }
0x5a: {  	v3 =	vld [tilespmem:s0+$0x5100];
	_ =	sdelay $0x6  }
0x5b: {  	v4 =	vld.idx.msk [tilespmem:v2+s16+$0x0], $0xffff  }
0x5c: {  	v3 =	vld.idx.msk [tilespmem:v3+s2+$0x0], $0xffff;
	_ =	sdelay $0x4  }
0x5d: {  	v3 =	vadd.f32 v4, v3;
	_ =	sdelay $0x1  }
0x5e: {  	v4 =	vmul.f32 $2.000000030e-01, v3  }
0x5f: {  	vm0 =	vge.f32 v3, $0.0e+00  }
0x60: {  	v3 =	vsel vm0, v3, v4  }
0x61: {  	v3 =	vsub.f32 v3, v1;
	_ =	sdelay $0x1  }
0x62: {  	v3 =	vmul.f32 $1.442695020e+00, v3;
	_ =	sdelay $0x1  }
0x63: {  	(erf) = vpow2.f32 v3;
	_ =	sdelay $0x7  }
0x64: {  	s18 =	simm.s32 $0x80  }
0x65: {  	s20 =	simm.s32 $0x10;
	s19 =	sand.u32 $0xC00, s18;
	s0 =	simm.s32 $0xB300;
	v3 =	vpop (erf)  }
0x66: {  	s17 =	simm.s32 $0xB100;
	s3 =	sand.u32 $0x70, s20;
	s19 =	sor.u32 s19, s31;
	[tilespmem:s0+$0x0] =	vst v3  }
0x67: {  	s19 =	sor.u32 s3, s19;
	s3 =	simm.s32 $0x20;
	[tilespmem:s17+$0x0] =	vst v2  }
.LBB2_3:
0x68: {  	p0 =	sne.s32 s3, $0x1F0;
	v2 =	vld [tilespmem:s19+$0x8100]  }
0x69: {  	v3 =	vld [tilespmem:s19+$0x5100];
	_ =	sdelay $0x6  }
0x6a: {  	v4 =	vld.idx.msk [tilespmem:v2+s16+$0x0], $0xffff  }
0x6b: {  	v3 =	vld.idx.msk [tilespmem:v3+s2+$0x0], $0xffff;
	_ =	sdelay $0x5  }
0x6c: {  	v3 =	vadd.f32 v4, v3;
	_ =	sdelay $0x1  }
0x6d: {  	v4 =	vmul.f32 $2.000000030e-01, v3  }
0x6e: {  	vm0 =	vge.f32 v3, $0.0e+00  }
0x6f: {  	v3 =	vsel vm0, v3, v4  }
0x70: {  	v3 =	vsub.f32 v3, v1;
	_ =	sdelay $0x1  }
0x71: {  	v3 =	vmul.f32 $1.442695020e+00, v3;
	_ =	sdelay $0x1  }
0x72: {  	(erf) = vpow2.f32 v3;
	_ =	sdelay $0x6  }
.Ltmp0:
0x73: {  	(pc) =	sbr.rel @p0 .LBB2_3-.Ltmp0, $4  }
0x74: {  	s18 =	sadd.s32 $0x80, s18  }
0x75: {  	s0 =	sadd.s32 $0x10, s0;
	s19 =	sand.u32 $0xC00, s18;
	v3 =	vpop (erf)  }
0x76: {  	s20 =	sand.u32 $0x70, s3;
	s17 =	sadd.s32 $0x10, s17;
	s19 =	sor.u32 s19, s31;
	[tilespmem:s0+$0x0] =	vst v3  }
0x77: {  	s3 =	sadd.s32 $0x10, s3;
	s19 =	sor.u32 s20, s19;
	[tilespmem:s17+$0x0] =	vst v2  }
0x78: {  	v2 =	vld [tilespmem:s19+$0x8100]  }
0x79: {  	v3 =	vld [tilespmem:s19+$0x5100];
	_ =	sdelay $0x6  }
0x7a: {  	v4 =	vld.idx.msk [tilespmem:v2+s16+$0x0], $0xffff  }
0x7b: {  	v3 =	vld.idx.msk [tilespmem:v3+s2+$0x0], $0xffff;
	_ =	sdelay $0x4  }
0x7c: {  	v3 =	vadd.f32 v4, v3;
	_ =	sdelay $0x1  }
0x7d: {  	v4 =	vmul.f32 $2.000000030e-01, v3  }
0x7e: {  	vm0 =	vge.f32 v3, $0.0e+00  }
0x7f: {  	v3 =	vsel vm0, v3, v4  }
0x80: {  	v3 =	vsub.f32 v3, v1;
	_ =	sdelay $0x1  }
0x81: {  	v3 =	vmul.f32 $1.442695020e+00, v3;
	_ =	sdelay $0x1  }
0x82: {  	(erf) = vpow2.f32 v3;
	_ =	sdelay $0x8  }
0x83: {  	s0 =	sadd.s32 $0x10, s0;
	v3 =	vpop (erf)  }
0x84: {  	s20 =	sadd.s32 $0x10, s17;
	[tilespmem:s0+$0x0] =	vst v3  }
0x85: {  	s31 =	sshll.u32 s30, $0x6;
	s3 =	sshll.u32 s30, $0x4;
	s30 =	sadd.s32 $0x1, s30;
	[tilespmem:s20+$0x0] =	vst v2  }
0x86: {  	[spmem:s1] =	stream.indirect.scatter.add.f32 [tilespmem:s14], [sflag:$0x1], $0x1, s22, s21, $0xb8;
	[tilespmem:$0xB780] =	vst v63  }
0x87: {  	s3 =	sand.u32 $0x70, s3;
	s0 =	sand.u32 $0x600, s31;
	_ =	swait.ge [sflag:s15], $0x200  }
0x88: {  	p0 =	sne.s32 s30, $0x15;
	s0 =	sor.u32 s3, s0;
	[sflag:s15] =	ssyncset.done $0x0  }
.Ltmp1:
0x89: {  	s0 =	sadd.s32 s12, s0;
	[sflag:s15] =	ssyncadd.s32 $0xFFFFFE00;
	(pc) =	sbr.rel @p0 .LBB2_2-.Ltmp1, $4  }
0x8a: {  	[hbm4b:s0+s23] =	stream.strided.scatter [tilespmem:s14], [sflag:$0x1], $0x200, s25, s23, $0x38;
	[tilespmem:$0xB780] =	vst v63  }
0x8b: {  	_ =	swait.ge [sflag:s15], $0x200  }
0x8c: {  	[sflag:s15] =	ssyncset.done $0x0  }
0x8d: {  	[sflag:s15] =	ssyncadd.s32 $0xFFFFFE00  }
0x8e: {  	s0 =	stileid.u32;
	s29 =	sadd.s32 $0x1, s29  }
0x8f: {  	[bflag:$0x0] =	sbarrier.arrive $0xFFFF;
	s0 =	sshll.u32 s0, $0x6;
	p0 =	sne.s32 s29, s13  }
.Ltmp2:
0x90: {  	s3 =	sshrl.u32 s8, $0x3;
	s0 =	sor.u32 $0x1C01, s0;
	(pc) =	sbr.rel @p0 .LBB2_1-.Ltmp2, $4  }
0x91: {  	[hbm:s24@s26], [sflag:s0] =	dma.strided [spmem:s3@s28], $0x50, s15, $0x10   }
0x92: {  	_ =	swait.ge [sflag:s15], $0x50  }
0x93: {  	[sflag:s15] =	ssyncset.done $0x0  }
0x94: {  	[sflag:s15] =	ssyncadd.s32 $0xFFFFFFB0  }
0x95: {  	_ =	sfence.sel $0x180000  }
0x96: {  	[bflag:$0x0] =	sbarrier.arrive $0xFFFF  }
0x97: {  	_ =	strace $0x90000047  }
0x98: {  	s0 =	stileid.u32;
	[bflag:$0x2] =	sbarrier.arrive $0xFFFF  }
0x99: {  	p0 =	sne.s32 s0, $0x0;
	s0 =	rddreg [dreg:$0x2]  }
0x9a: {  	s0 =	sadd.s32 @!p0 $0x100000, s0  }
0x9b: {  	[sflag:s0] =	ssyncadd.tile.s32 @!p0 $0x1;
	_ =	shalt  }
.Lfunc_end2:
_tile_overlayer_lowered:
.L_overlay_start_2:
0x9c: {  	(tag) =	ssettag $0x2  }
0x9d: {  	s0 =	rddreg [dreg:$0x0];
	s2 =	stileid.u32  }
0x9e: {  	s1 =	rddreg [dreg:$0x1];
	p0 =	sne.s32 s2, $0x0  }
0x9f: {  	s3 =	rddreg [dreg:$0x2];
	[bflag:$0x3] =	sbarrier.arrive $0xFFFF;
	s2 =	simm.s32 @!p0 $0x1C01  }
0xa0: {  	[timem:s3], [sflag:s2] =	dma.local @!p0 [hbm:s0], s1  }
0xa1: {  	s0 =	simm.s32 @!p0 $0x1  }
0xa2: {  	_ =	swait.ge @!p0 [sflag:s0], s1  }
0xa3: {  	s1 =	ssub.s32 @!p0 $0x0, s1;
	[sflag:s0] =	ssyncset.done @!p0 $0x0  }
0xa4: {  	[sflag:s0] =	ssyncadd.s32 @!p0 s1  }
0xa5: {  	[bflag:$0x3] =	sbarrier.arrive $0xFFFF  }
0xa6: {  	_ =	shalt  }

</sc_bundles>
